<compile_context>
chip_gen: v7x
topology: tpu7x:2x2x1
jax: 0.10.2.dev20260603
libtpu: 0.0.44.dev20260713+nightly
codegen_flags: <defaults>
</compile_context>

<pallas_src>
import functools

import jax
import jax.numpy as jnp
from jax import lax
from jax.experimental import pallas as pl
from jax.experimental.pallas import tpu as pltpu
from jax.experimental.pallas import tpu_sc as plsc

N = 10000
E = 320000
NFEAT = 128
NHID = 128
NCLASS = 64

NC, NS = 2, 16
NW = NC * NS
EPW = E // NW
K = 80
C = EPW // K
NACC = 10240
RPT = NACC // NS

_MESH = plsc.VectorSubcoreMesh(
    core_axis_name="c", subcore_axis_name="s", num_cores=NC, num_subcores=NS)


NBUF = 3
REM = (C - NBUF) % NBUF


def _make_segsum(D):

    @functools.partial(
        pl.kernel,
        out_type=jax.ShapeDtypeStruct((NC, NACC, D), jnp.float32),
        mesh=_MESH,
        scratch_types=[
            pltpu.VMEM((C * K,), jnp.int32),
        ] + [pltpu.VMEM((K, D), jnp.float32)] * NBUF
          + [pltpu.VMEM((1, K), jnp.int32)] * NBUF + [
            pltpu.VMEM_SHARED((NACC, D), jnp.float32),
        ] + [pltpu.SemaphoreType.DMA] * (2 * NBUF),
    )
    def segsum(table, srcw, dstw, zrows, out, idxs_v, *rest):
        rows = rest[:NBUF]
        dbuf = rest[NBUF:2 * NBUF]
        acc = rest[2 * NBUF]
        gsems = rest[2 * NBUF + 1:3 * NBUF + 1]
        dsems = rest[3 * NBUF + 1:]
        cid = lax.axis_index("c")
        sid = lax.axis_index("s")
        wid = sid * NC + cid
        pltpu.sync_copy(zrows, acc.at[pl.ds(sid * RPT, RPT)])
        pltpu.sync_copy(srcw.at[wid], idxs_v)
        plsc.subcore_barrier()

        def sidx(ci):
            return idxs_v.at[pl.ds(ci * K, K)]

        def fire_gather(ci, b):
            pltpu.async_copy(table.at[sidx(ci)], rows[b], gsems[b])

        def fire_didx(ci, b):
            pltpu.async_copy(dstw.at[wid * C + ci], dbuf[b], dsems[b])

        for ci in range(REM):
            pltpu.async_copy(dstw.at[wid * C + ci], dbuf[0], dsems[0])
            pltpu.async_copy(table.at[sidx(ci)], rows[0], gsems[0]).wait()
            pltpu.make_async_copy(
                dstw.at[wid * C + ci], dbuf[0], dsems[0]).wait()
            pltpu.sync_copy(rows[0], acc.at[dbuf[0].at[0]], add=True)

        for b in range(NBUF):
            fire_didx(REM + b, b)
            fire_gather(REM + b, b)

        def step(ci, b):
            pltpu.make_async_copy(
                table.at[sidx(ci)], rows[b], gsems[b]).wait()
            pltpu.make_async_copy(
                dstw.at[wid * C + ci], dbuf[b], dsems[b]).wait()
            pltpu.sync_copy(rows[b], acc.at[dbuf[b].at[0]], add=True)

        def outer(g, carry):
            for b in range(NBUF):
                ci = REM + g * NBUF + b
                step(ci, b)
                fire_didx(ci + NBUF, b)
                fire_gather(ci + NBUF, b)
            return carry

        lax.fori_loop(0, (C - REM - NBUF) // NBUF, outer, 0)
        for b in range(NBUF):
            step(C - NBUF + b, b)

        plsc.subcore_barrier()
        pltpu.sync_copy(acc.at[pl.ds(sid * RPT, RPT)],
                        out.at[cid, pl.ds(sid * RPT, RPT)])

    return segsum


_segsum128 = _make_segsum(NHID)


@functools.partial(
    pl.kernel,
    out_type=jax.ShapeDtypeStruct((NC, 2, N), jnp.float32),
    mesh=_MESH,
    scratch_types=[
        pltpu.VMEM((C, K), jnp.int32),
        pltpu.VMEM((C, K), jnp.int32),
        pltpu.VMEM((K,), jnp.float32),
        pltpu.VMEM_SHARED((N,), jnp.float32),
        pltpu.VMEM_SHARED((N,), jnp.float32),
        pltpu.SemaphoreType.DMA,
        pltpu.SemaphoreType.DMA,
    ],
)
def _degrees(srcw, dstw, zn, out, idxs_v, idxd_v, ones_v, dout, din, sem,
             sem2):
    cid = lax.axis_index("c")
    sid = lax.axis_index("s")
    wid = sid * NC + cid

    @pl.when(sid == 0)
    def _():
        pltpu.sync_copy(zn, dout)
        pltpu.sync_copy(zn, din)

    for i in range(K // 16):
        ones_v[pl.ds(i * 16, 16)] = jnp.ones((16,), jnp.float32)
    pltpu.sync_copy(srcw.at[wid], idxs_v)
    pltpu.sync_copy(dstw.at[wid], idxd_v)
    plsc.subcore_barrier()

    def chunk(ci, carry):
        pltpu.async_copy(ones_v, dout.at[idxs_v.at[ci]], sem, add=True)
        pltpu.async_copy(ones_v, din.at[idxd_v.at[ci]], sem2, add=True)
        return carry

    def drain(ci, carry):
        pltpu.make_async_copy(ones_v, dout.at[idxs_v.at[0]], sem).wait()
        pltpu.make_async_copy(ones_v, din.at[idxd_v.at[0]], sem2).wait()
        return carry

    lax.fori_loop(0, C, chunk, 0)
    lax.fori_loop(0, C, drain, 0)
    plsc.subcore_barrier()

    @pl.when(sid == 0)
    def _():
        pltpu.sync_copy(dout, out.at[cid, 0])
        pltpu.sync_copy(din, out.at[cid, 1])


def _inv_scales(deg_parts):
    def body(dr, orf):
        d = dr[0] + dr[1]
        orf[...] = lax.rsqrt(jnp.maximum(d, 1.0))

    return pl.pallas_call(
        body,
        out_shape=jax.ShapeDtypeStruct((2, N), jnp.float32),
    )(deg_parts)


_R = 1000


def _tc_first(x, W, so):
    def body(xr, wr, sr, orf):
        orf[...] = jnp.dot(xr[...], wr[...],
                           preferred_element_type=jnp.float32) * sr[...]

    return pl.pallas_call(
        body,
        grid=(N // _R,),
        in_specs=[
            pl.BlockSpec((_R, x.shape[1]), lambda i: (i, 0)),
            pl.BlockSpec(W.shape, lambda i: (0, 0)),
            pl.BlockSpec((_R, 1), lambda i: (i, 0)),
        ],
        out_specs=pl.BlockSpec((_R, W.shape[1]), lambda i: (i, 0)),
        out_shape=jax.ShapeDtypeStruct((N, W.shape[1]), jnp.float32),
    )(x, W, so)


def _tc_mid(s, si, b, W, so):
    D = b.shape[1]

    def body(p0r, p1r, sir, br, wr, sor, orf):
        h = (p0r[0] + p1r[0]) * sir[...] + br[...]
        orf[...] = jnp.dot(h, wr[...],
                           preferred_element_type=jnp.float32) * sor[...]

    return pl.pallas_call(
        body,
        grid=(N // _R,),
        in_specs=[
            pl.BlockSpec((1, _R, D), lambda i: (0, i, 0)),
            pl.BlockSpec((1, _R, D), lambda i: (1, i, 0)),
            pl.BlockSpec((_R, 1), lambda i: (i, 0)),
            pl.BlockSpec((1, D), lambda i: (0, 0)),
            pl.BlockSpec(W.shape, lambda i: (0, 0)),
            pl.BlockSpec((_R, 1), lambda i: (i, 0)),
        ],
        out_specs=pl.BlockSpec((_R, W.shape[1]), lambda i: (i, 0)),
        out_shape=jax.ShapeDtypeStruct((N, W.shape[1]), jnp.float32),
    )(s, s, si, b, W, so)


def _tc_last(s, si, b):
    D = b.shape[1]

    def body(p0r, p1r, sir, br, orf):
        h = (p0r[0, :, :NCLASS] + p1r[0, :, :NCLASS]) * sir[...] + br[...]
        m = jnp.max(h, axis=1, keepdims=True)
        e = jnp.exp(h - m)
        orf[...] = e / jnp.sum(e, axis=1, keepdims=True)

    return pl.pallas_call(
        body,
        grid=(N // _R,),
        in_specs=[
            pl.BlockSpec((1, _R, NHID), lambda i: (0, i, 0)),
            pl.BlockSpec((1, _R, NHID), lambda i: (1, i, 0)),
            pl.BlockSpec((_R, 1), lambda i: (i, 0)),
            pl.BlockSpec((1, D), lambda i: (0, 0)),
        ],
        out_specs=pl.BlockSpec((_R, D), lambda i: (i, 0)),
        out_shape=jax.ShapeDtypeStruct((N, D), jnp.float32),
    )(s, s, si, b)


def kernel(x, edge_index, W1, b1, W2, b2, W3, b3):
    srcf = edge_index[0].reshape(NW, C * K)
    src = edge_index[0].reshape(NW, C, K)
    dst = edge_index[1].reshape(NW, C, K)
    dstf = edge_index[1].reshape(NW * C, 1, K)

    zn = jnp.zeros((N,), jnp.float32)
    z128 = jnp.zeros((RPT, NHID), jnp.float32)
    W3p = jnp.concatenate(
        [W3, jnp.zeros((NHID, NHID - NCLASS), jnp.float32)], axis=1)

    deg_parts = _degrees(src, dst, zn)
    invs = _inv_scales(deg_parts)
    inv_out = invs[0].reshape(N, 1)
    inv_in = invs[1].reshape(N, 1)

    b1r = b1.reshape(1, NHID)
    b2r = b2.reshape(1, NHID)
    b3r = b3.reshape(1, NCLASS)

    v1 = _tc_first(x, W1, inv_out)
    s1 = _segsum128(v1, srcf, dstf, z128)
    v2 = _tc_mid(s1, inv_in, b1r, W2, inv_out)
    s2 = _segsum128(v2, srcf, dstf, z128)
    v3 = _tc_mid(s2, inv_in, b2r, W3p, inv_out)
    s3 = _segsum128(v3, srcf, dstf, z128)
    return _tc_last(s3, inv_in, b3r)

# --- scband reference (transcript-rebuilt; emitter-appended) ---
"""Pipeline reference for scband-gcn-dgl-20186346291610 (READ-ONLY COPY).

The authoritative reference and input builder live on the scoring server;
editing this copy changes nothing except your own understanding.
"""

import jax, jax.numpy as jnp
import numpy as np

N = 10000
E = 320000
NFEAT = 128
NHID = 128
NCLASS = 64


def setup_inputs(seed: int = 0):
    key = jax.random.key(seed)
    ks = jax.random.split(key, 8)
    x = jax.random.normal(ks[0], (N, NFEAT), dtype=jnp.float32)
    edge_index = jax.random.randint(ks[1], (2, E), 0, N, dtype=jnp.int32)
    # GraphConv weights (glorot-ish init) and biases, 3 layers:
    # nfeat->nhid, nhid->nhid, nhid->nclass
    W1 = jax.random.normal(ks[2], (NFEAT, NHID), dtype=jnp.float32) * (1.0 / np.sqrt(NFEAT))
    b1 = jnp.zeros((NHID,), dtype=jnp.float32)
    W2 = jax.random.normal(ks[3], (NHID, NHID), dtype=jnp.float32) * (1.0 / np.sqrt(NHID))
    b2 = jnp.zeros((NHID,), dtype=jnp.float32)
    W3 = jax.random.normal(ks[4], (NHID, NCLASS), dtype=jnp.float32) * (1.0 / np.sqrt(NHID))
    b3 = jnp.zeros((NCLASS,), dtype=jnp.float32)
    return {"x": x, "edge_index": edge_index, "W1": W1, "b1": b1, "W2": W2, "b2": b2, "W3": W3, "b3": b3}


def reference(x, edge_index, W1, b1, W2, b2, W3, b3):
    # DGL GraphConv with norm='both':
    #   h = h * out_deg^{-1/2}; h = h @ W; agg[dst] += h[src]; agg = agg * in_deg^{-1/2}; + bias
    src = edge_index[0]
    dst = edge_index[1]
    ones = jnp.ones((E,), dtype=jnp.float32)
    deg_out = jax.ops.segment_sum(ones, src, num_segments=N)
    deg_in = jax.ops.segment_sum(ones, dst, num_segments=N)
    inv_out = jax.lax.rsqrt(jnp.maximum(deg_out, 1.0))  # DGL: deg.clamp(min=1)^-0.5
    inv_in = jax.lax.rsqrt(jnp.maximum(deg_in, 1.0))

    def graph_conv(h, W, b):
        h = h * inv_out[:, None]
        h = h @ W
        agg = jax.ops.segment_sum(h[src], dst, num_segments=N)
        agg = agg * inv_in[:, None]
        return agg + b

    h = graph_conv(x, W1, b1)
    # dropout is identity in eval-mode reference
    h = graph_conv(h, W2, b2)
    h = graph_conv(h, W3, b3)
    return jax.nn.softmax(h, axis=1)

if __name__ == "__main__":
    import jax
    _d = setup_inputs()
    print(jax.jit(kernel)(*tuple(_d.values())))

</pallas_src>

<mosaic_0001>
#map = affine_map<(d0, d1) -> (0, 0)>
#map1 = affine_map<(d0, d1) -> (0, 0, 0)>
module attributes {stable_mosaic.version = 14 : i64} {
  func.func @segsum(%arg0: i32, %arg1: i32, %arg2: memref<10000x128xf32, #tpu.memory_space<hbm>>, %arg3: memref<32x10000xi32, #tpu.memory_space<hbm>>, %arg4: memref<4000x1x80xi32, #tpu.memory_space<hbm>>, %arg5: memref<640x128xf32, #tpu.memory_space<hbm>>, %arg6: memref<2x10240x128xf32, #tpu.memory_space<hbm>>, %arg7: memref<10000xi32, #tpu.memory_space<vmem>>, %arg8: memref<80x128xf32, #tpu.memory_space<vmem>>, %arg9: memref<80x128xf32, #tpu.memory_space<vmem>>, %arg10: memref<80x128xf32, #tpu.memory_space<vmem>>, %arg11: memref<1x80xi32, #tpu.memory_space<vmem>>, %arg12: memref<1x80xi32, #tpu.memory_space<vmem>>, %arg13: memref<1x80xi32, #tpu.memory_space<vmem>>, %arg14: memref<10240x128xf32, #tpu.memory_space<vmem_shared>>, %arg15: memref<!tpu.dma_semaphore, #tpu.memory_space<semaphore_mem>>, %arg16: memref<!tpu.dma_semaphore, #tpu.memory_space<semaphore_mem>>, %arg17: memref<!tpu.dma_semaphore, #tpu.memory_space<semaphore_mem>>, %arg18: memref<!tpu.dma_semaphore, #tpu.memory_space<semaphore_mem>>, %arg19: memref<!tpu.dma_semaphore, #tpu.memory_space<semaphore_mem>>, %arg20: memref<!tpu.dma_semaphore, #tpu.memory_space<semaphore_mem>>) attributes {dimension_semantics = [#tpu.dimension_semantics<core_parallel>, #tpu.dimension_semantics<subcore_parallel>], iteration_bounds = array<i64: 2, 16>, scalar_prefetch = 0 : i64, scratch_operands = 14 : i64, tpu.core_type = #tpu.core_type<sc_vector_subcore>, window_params = [{transform_indices = #map}, {transform_indices = #map}, {transform_indices = #map1}, {transform_indices = #map}, {transform_indices = #map1}]} {
    %mul3A = arith.constant 2 : i32
    %mul3A_0 = arith.muli %arg1, %mul3A : i32
    %add3A = arith.addi %mul3A_0, %arg0 : i32
    %mul3A_1 = arith.constant 640 : i32
    %mul3A_2 = arith.muli %arg1, %mul3A_1 : i32
    "tpu.region"() ({
      %run_scoped3A_185 = tpu.sem_alloc : memref<!tpu.dma_semaphore, #tpu.memory_space<semaphore_mem>>
      %dma_start3A_186 = arith.constant 0 : i32
      %dma_start3A_187 = tpu.memref_slice %arg14[%mul3A_2, %dma_start3A_186] : memref<10240x128xf32, #tpu.memory_space<vmem_shared>> -> memref<640x128xf32, #tpu.memory_space<vmem_shared>>
      tpu.enqueue_dma source(%arg5 : memref<640x128xf32, #tpu.memory_space<hbm>>) target(%dma_start3A_187 : memref<640x128xf32, #tpu.memory_space<vmem_shared>>) target_semaphore(%run_scoped3A_185 : memref<!tpu.dma_semaphore, #tpu.memory_space<semaphore_mem>>)
      %dma_wait3A_188 = arith.constant 0 : i32
      %dma_wait3A_189 = tpu.memref_slice %arg14[%mul3A_2, %dma_wait3A_188] : memref<10240x128xf32, #tpu.memory_space<vmem_shared>> -> memref<640x128xf32, #tpu.memory_space<vmem_shared>>
      tpu.wait_dma2 semaphore(%run_scoped3A_185 : memref<!tpu.dma_semaphore, #tpu.memory_space<semaphore_mem>>) src(%arg5 : memref<640x128xf32, #tpu.memory_space<hbm>>) dst(%dma_wait3A_189 : memref<640x128xf32, #tpu.memory_space<vmem_shared>>)
      tpu.yield
    }) : () -> ()
    "tpu.region"() ({
      %run_scoped3A_185 = tpu.sem_alloc : memref<!tpu.dma_semaphore, #tpu.memory_space<semaphore_mem>>
      %dma_start3A_186 = arith.constant 0 : i32
      %dma_start3A_187 = tpu.memref_slice %arg3[%add3A, %dma_start3A_186] : memref<32x10000xi32, #tpu.memory_space<hbm>> -> memref<1x10000xi32, #tpu.memory_space<hbm>>
      %dma_start3A_188 = tpu.memref_squeeze %dma_start3A_187 : memref<1x10000xi32, #tpu.memory_space<hbm>> -> memref<10000xi32, #tpu.memory_space<hbm>>
      %dma_start3A_189 = arith.constant 0 : i32
      %dma_start3A_190 = tpu.memref_slice %arg3[%add3A, %dma_start3A_189] : memref<32x10000xi32, #tpu.memory_space<hbm>> -> memref<1x10000xi32, #tpu.memory_space<hbm>>
      %dma_start3A_191 = tpu.memref_squeeze %dma_start3A_190 : memref<1x10000xi32, #tpu.memory_space<hbm>> -> memref<10000xi32, #tpu.memory_space<hbm>>
      tpu.enqueue_dma source(%dma_start3A_191 : memref<10000xi32, #tpu.memory_space<hbm>>) target(%arg7 : memref<10000xi32, #tpu.memory_space<vmem>>) target_semaphore(%run_scoped3A_185 : memref<!tpu.dma_semaphore, #tpu.memory_space<semaphore_mem>>)
      %dma_wait3A_192 = arith.constant 0 : i32
      %dma_wait3A_193 = tpu.memref_slice %arg3[%add3A, %dma_wait3A_192] : memref<32x10000xi32, #tpu.memory_space<hbm>> -> memref<1x10000xi32, #tpu.memory_space<hbm>>
      %dma_wait3A_194 = tpu.memref_squeeze %dma_wait3A_193 : memref<1x10000xi32, #tpu.memory_space<hbm>> -> memref<10000xi32, #tpu.memory_space<hbm>>
      %dma_wait3A_195 = arith.constant 0 : i32
      %dma_wait3A_196 = tpu.memref_slice %arg3[%add3A, %dma_wait3A_195] : memref<32x10000xi32, #tpu.memory_space<hbm>> -> memref<1x10000xi32, #tpu.memory_space<hbm>>
      %dma_wait3A_197 = tpu.memref_squeeze %dma_wait3A_196 : memref<1x10000xi32, #tpu.memory_space<hbm>> -> memref<10000xi32, #tpu.memory_space<hbm>>
      tpu.wait_dma2 semaphore(%run_scoped3A_185 : memref<!tpu.dma_semaphore, #tpu.memory_space<semaphore_mem>>) src(%dma_wait3A_197 : memref<10000xi32, #tpu.memory_space<hbm>>) dst(%arg7 : memref<10000xi32, #tpu.memory_space<vmem>>)
      tpu.yield
    }) : () -> ()
    %barrier3A = arith.constant 0 : index
    tpu.barrier barrier_id(%barrier3A)
    %mul3A_3 = arith.constant 125 : i32
    %mul3A_4 = arith.muli %add3A, %mul3A_3 : i32
    %add3A_5 = arith.constant 0 : i32
    %add3A_6 = arith.addi %mul3A_4, %add3A_5 : i32
    %dma_start3A = arith.constant 0 : i32
    %dma_start3A_7 = arith.constant 0 : i32
    %dma_start3A_8 = tpu.memref_slice %arg4[%add3A_6, %dma_start3A, %dma_start3A_7] : memref<4000x1x80xi32, #tpu.memory_space<hbm>> -> memref<1x1x80xi32, #tpu.memory_space<hbm>>
    %dma_start3A_9 = tpu.memref_squeeze %dma_start3A_8 : memref<1x1x80xi32, #tpu.memory_space<hbm>> -> memref<1x80xi32, #tpu.memory_space<hbm>>
    %dma_start3A_10 = arith.constant 0 : i32
    %dma_start3A_11 = arith.constant 0 : i32
    %dma_start3A_12 = tpu.memref_slice %arg4[%add3A_6, %dma_start3A_10, %dma_start3A_11] : memref<4000x1x80xi32, #tpu.memory_space<hbm>> -> memref<1x1x80xi32, #tpu.memory_space<hbm>>
    %dma_start3A_13 = tpu.memref_squeeze %dma_start3A_12 : memref<1x1x80xi32, #tpu.memory_space<hbm>> -> memref<1x80xi32, #tpu.memory_space<hbm>>
    tpu.enqueue_dma source(%dma_start3A_13 : memref<1x80xi32, #tpu.memory_space<hbm>>) target(%arg11 : memref<1x80xi32, #tpu.memory_space<vmem>>) target_semaphore(%arg18 : memref<!tpu.dma_semaphore, #tpu.memory_space<semaphore_mem>>)
    %dma_start3A_14 = arith.constant 0 : i32
    %dma_start3A_15 = tpu.memref_slice %arg7[%dma_start3A_14] : memref<10000xi32, #tpu.memory_space<vmem>> -> memref<80xi32, #tpu.memory_space<vmem>>
    %dma_start3A_16 = arith.constant 0 : i32
    %dma_start3A_17 = arith.constant 0 : i32
    %dma_start3A_18 = tpu.memref_slice %arg2[%dma_start3A_16, %dma_start3A_17] : memref<10000x128xf32, #tpu.memory_space<hbm>> -> memref<10000x128xf32, #tpu.memory_space<hbm>>
    tpu.enqueue_indirect_dma source(%dma_start3A_18 : memref<10000x128xf32, #tpu.memory_space<hbm>>) target(%arg8 : memref<80x128xf32, #tpu.memory_space<vmem>>) offsets(%dma_start3A_15 : memref<80xi32, #tpu.memory_space<vmem>>) semaphore(%arg15 : memref<!tpu.dma_semaphore, #tpu.memory_space<semaphore_mem>>)
    %dma_wait3A = arith.constant 0 : i32
    %dma_wait3A_19 = tpu.memref_slice %arg7[%dma_wait3A] : memref<10000xi32, #tpu.memory_space<vmem>> -> memref<80xi32, #tpu.memory_space<vmem>>
    %dma_wait3A_20 = arith.constant 0 : i32
    %dma_wait3A_21 = arith.constant 0 : i32
    %dma_wait3A_22 = tpu.memref_slice %arg2[%dma_wait3A_20, %dma_wait3A_21] : memref<10000x128xf32, #tpu.memory_space<hbm>> -> memref<10000x128xf32, #tpu.memory_space<hbm>>
    tpu.wait_indirect_dma semaphore(%arg15 : memref<!tpu.dma_semaphore, #tpu.memory_space<semaphore_mem>>) src(%dma_wait3A_22 : memref<10000x128xf32, #tpu.memory_space<hbm>>) dst(%arg8 : memref<80x128xf32, #tpu.memory_space<vmem>>)
    %mul3A_23 = arith.constant 125 : i32
    %mul3A_24 = arith.muli %add3A, %mul3A_23 : i32
    %add3A_25 = arith.constant 0 : i32
    %add3A_26 = arith.addi %mul3A_24, %add3A_25 : i32
    %dma_wait3A_27 = arith.constant 0 : i32
    %dma_wait3A_28 = arith.constant 0 : i32
    %dma_wait3A_29 = tpu.memref_slice %arg4[%add3A_26, %dma_wait3A_27, %dma_wait3A_28] : memref<4000x1x80xi32, #tpu.memory_space<hbm>> -> memref<1x1x80xi32, #tpu.memory_space<hbm>>
    %dma_wait3A_30 = tpu.memref_squeeze %dma_wait3A_29 : memref<1x1x80xi32, #tpu.memory_space<hbm>> -> memref<1x80xi32, #tpu.memory_space<hbm>>
    %dma_wait3A_31 = arith.constant 0 : i32
    %dma_wait3A_32 = arith.constant 0 : i32
    %dma_wait3A_33 = tpu.memref_slice %arg4[%add3A_26, %dma_wait3A_31, %dma_wait3A_32] : memref<4000x1x80xi32, #tpu.memory_space<hbm>> -> memref<1x1x80xi32, #tpu.memory_space<hbm>>
    %dma_wait3A_34 = tpu.memref_squeeze %dma_wait3A_33 : memref<1x1x80xi32, #tpu.memory_space<hbm>> -> memref<1x80xi32, #tpu.memory_space<hbm>>
    tpu.wait_dma2 semaphore(%arg18 : memref<!tpu.dma_semaphore, #tpu.memory_space<semaphore_mem>>) src(%dma_wait3A_34 : memref<1x80xi32, #tpu.memory_space<hbm>>) dst(%arg11 : memref<1x80xi32, #tpu.memory_space<vmem>>)
    %run_scoped3A = arith.constant 0 : i32
    "tpu.region"() ({
      %run_scoped3A_185 = tpu.sem_alloc : memref<!tpu.dma_semaphore, #tpu.memory_space<semaphore_mem>>
      %dma_start3A_186 = arith.constant 0 : i32
      %dma_start3A_187 = tpu.memref_slice %arg11[%run_scoped3A, %dma_start3A_186] : memref<1x80xi32, #tpu.memory_space<vmem>> -> memref<1x80xi32, #tpu.memory_space<vmem>>
      %dma_start3A_188 = tpu.memref_squeeze %dma_start3A_187 : memref<1x80xi32, #tpu.memory_space<vmem>> -> memref<80xi32, #tpu.memory_space<vmem>>
      %dma_start3A_189 = arith.constant 0 : i32
      %dma_start3A_190 = arith.constant 0 : i32
      %dma_start3A_191 = tpu.memref_slice %arg14[%dma_start3A_189, %dma_start3A_190] : memref<10240x128xf32, #tpu.memory_space<vmem_shared>> -> memref<10240x128xf32, #tpu.memory_space<vmem_shared>>
      tpu.enqueue_indirect_dma source(%arg8 : memref<80x128xf32, #tpu.memory_space<vmem>>) target(%dma_start3A_191 : memref<10240x128xf32, #tpu.memory_space<vmem_shared>>) offsets(%dma_start3A_188 : memref<80xi32, #tpu.memory_space<vmem>>) semaphore(%run_scoped3A_185 : memref<!tpu.dma_semaphore, #tpu.memory_space<semaphore_mem>>) {add = true}
      %dma_wait3A_192 = arith.constant 0 : i32
      %dma_wait3A_193 = tpu.memref_slice %arg11[%run_scoped3A, %dma_wait3A_192] : memref<1x80xi32, #tpu.memory_space<vmem>> -> memref<1x80xi32, #tpu.memory_space<vmem>>
      %dma_wait3A_194 = tpu.memref_squeeze %dma_wait3A_193 : memref<1x80xi32, #tpu.memory_space<vmem>> -> memref<80xi32, #tpu.memory_space<vmem>>
      %dma_wait3A_195 = arith.constant 0 : i32
      %dma_wait3A_196 = arith.constant 0 : i32
      %dma_wait3A_197 = tpu.memref_slice %arg14[%dma_wait3A_195, %dma_wait3A_196] : memref<10240x128xf32, #tpu.memory_space<vmem_shared>> -> memref<10240x128xf32, #tpu.memory_space<vmem_shared>>
      tpu.wait_indirect_dma semaphore(%run_scoped3A_185 : memref<!tpu.dma_semaphore, #tpu.memory_space<semaphore_mem>>) src(%arg8 : memref<80x128xf32, #tpu.memory_space<vmem>>) dst(%dma_wait3A_197 : memref<10240x128xf32, #tpu.memory_space<vmem_shared>>)
      tpu.yield
    }) : () -> ()
    %mul3A_35 = arith.constant 125 : i32
    %mul3A_36 = arith.muli %add3A, %mul3A_35 : i32
    %add3A_37 = arith.constant 1 : i32
    %add3A_38 = arith.addi %mul3A_36, %add3A_37 : i32
    %dma_start3A_39 = arith.constant 0 : i32
    %dma_start3A_40 = arith.constant 0 : i32
    %dma_start3A_41 = tpu.memref_slice %arg4[%add3A_38, %dma_start3A_39, %dma_start3A_40] : memref<4000x1x80xi32, #tpu.memory_space<hbm>> -> memref<1x1x80xi32, #tpu.memory_space<hbm>>
    %dma_start3A_42 = tpu.memref_squeeze %dma_start3A_41 : memref<1x1x80xi32, #tpu.memory_space<hbm>> -> memref<1x80xi32, #tpu.memory_space<hbm>>
    %dma_start3A_43 = arith.constant 0 : i32
    %dma_start3A_44 = arith.constant 0 : i32
    %dma_start3A_45 = tpu.memref_slice %arg4[%add3A_38, %dma_start3A_43, %dma_start3A_44] : memref<4000x1x80xi32, #tpu.memory_space<hbm>> -> memref<1x1x80xi32, #tpu.memory_space<hbm>>
    %dma_start3A_46 = tpu.memref_squeeze %dma_start3A_45 : memref<1x1x80xi32, #tpu.memory_space<hbm>> -> memref<1x80xi32, #tpu.memory_space<hbm>>
    tpu.enqueue_dma source(%dma_start3A_46 : memref<1x80xi32, #tpu.memory_space<hbm>>) target(%arg11 : memref<1x80xi32, #tpu.memory_space<vmem>>) target_semaphore(%arg18 : memref<!tpu.dma_semaphore, #tpu.memory_space<semaphore_mem>>)
    %dma_start3A_47 = arith.constant 80 : i32
    %dma_start3A_48 = tpu.memref_slice %arg7[%dma_start3A_47] : memref<10000xi32, #tpu.memory_space<vmem>> -> memref<80xi32, #tpu.memory_space<vmem>>
    %dma_start3A_49 = arith.constant 0 : i32
    %dma_start3A_50 = arith.constant 0 : i32
    %dma_start3A_51 = tpu.memref_slice %arg2[%dma_start3A_49, %dma_start3A_50] : memref<10000x128xf32, #tpu.memory_space<hbm>> -> memref<10000x128xf32, #tpu.memory_space<hbm>>
    tpu.enqueue_indirect_dma source(%dma_start3A_51 : memref<10000x128xf32, #tpu.memory_space<hbm>>) target(%arg8 : memref<80x128xf32, #tpu.memory_space<vmem>>) offsets(%dma_start3A_48 : memref<80xi32, #tpu.memory_space<vmem>>) semaphore(%arg15 : memref<!tpu.dma_semaphore, #tpu.memory_space<semaphore_mem>>)
    %dma_wait3A_52 = arith.constant 80 : i32
    %dma_wait3A_53 = tpu.memref_slice %arg7[%dma_wait3A_52] : memref<10000xi32, #tpu.memory_space<vmem>> -> memref<80xi32, #tpu.memory_space<vmem>>
    %dma_wait3A_54 = arith.constant 0 : i32
    %dma_wait3A_55 = arith.constant 0 : i32
    %dma_wait3A_56 = tpu.memref_slice %arg2[%dma_wait3A_54, %dma_wait3A_55] : memref<10000x128xf32, #tpu.memory_space<hbm>> -> memref<10000x128xf32, #tpu.memory_space<hbm>>
    tpu.wait_indirect_dma semaphore(%arg15 : memref<!tpu.dma_semaphore, #tpu.memory_space<semaphore_mem>>) src(%dma_wait3A_56 : memref<10000x128xf32, #tpu.memory_space<hbm>>) dst(%arg8 : memref<80x128xf32, #tpu.memory_space<vmem>>)
    %mul3A_57 = arith.constant 125 : i32
    %mul3A_58 = arith.muli %add3A, %mul3A_57 : i32
    %add3A_59 = arith.constant 1 : i32
    %add3A_60 = arith.addi %mul3A_58, %add3A_59 : i32
    %dma_wait3A_61 = arith.constant 0 : i32
    %dma_wait3A_62 = arith.constant 0 : i32
    %dma_wait3A_63 = tpu.memref_slice %arg4[%add3A_60, %dma_wait3A_61, %dma_wait3A_62] : memref<4000x1x80xi32, #tpu.memory_space<hbm>> -> memref<1x1x80xi32, #tpu.memory_space<hbm>>
    %dma_wait3A_64 = tpu.memref_squeeze %dma_wait3A_63 : memref<1x1x80xi32, #tpu.memory_space<hbm>> -> memref<1x80xi32, #tpu.memory_space<hbm>>
    %dma_wait3A_65 = arith.constant 0 : i32
    %dma_wait3A_66 = arith.constant 0 : i32
    %dma_wait3A_67 = tpu.memref_slice %arg4[%add3A_60, %dma_wait3A_65, %dma_wait3A_66] : memref<4000x1x80xi32, #tpu.memory_space<hbm>> -> memref<1x1x80xi32, #tpu.memory_space<hbm>>
    %dma_wait3A_68 = tpu.memref_squeeze %dma_wait3A_67 : memref<1x1x80xi32, #tpu.memory_space<hbm>> -> memref<1x80xi32, #tpu.memory_space<hbm>>
    tpu.wait_dma2 semaphore(%arg18 : memref<!tpu.dma_semaphore, #tpu.memory_space<semaphore_mem>>) src(%dma_wait3A_68 : memref<1x80xi32, #tpu.memory_space<hbm>>) dst(%arg11 : memref<1x80xi32, #tpu.memory_space<vmem>>)
    %run_scoped3A_69 = arith.constant 0 : i32
    "tpu.region"() ({
      %run_scoped3A_185 = tpu.sem_alloc : memref<!tpu.dma_semaphore, #tpu.memory_space<semaphore_mem>>
      %dma_start3A_186 = arith.constant 0 : i32
      %dma_start3A_187 = tpu.memref_slice %arg11[%run_scoped3A_69, %dma_start3A_186] : memref<1x80xi32, #tpu.memory_space<vmem>> -> memref<1x80xi32, #tpu.memory_space<vmem>>
      %dma_start3A_188 = tpu.memref_squeeze %dma_start3A_187 : memref<1x80xi32, #tpu.memory_space<vmem>> -> memref<80xi32, #tpu.memory_space<vmem>>
      %dma_start3A_189 = arith.constant 0 : i32
      %dma_start3A_190 = arith.constant 0 : i32
      %dma_start3A_191 = tpu.memref_slice %arg14[%dma_start3A_189, %dma_start3A_190] : memref<10240x128xf32, #tpu.memory_space<vmem_shared>> -> memref<10240x128xf32, #tpu.memory_space<vmem_shared>>
      tpu.enqueue_indirect_dma source(%arg8 : memref<80x128xf32, #tpu.memory_space<vmem>>) target(%dma_start3A_191 : memref<10240x128xf32, #tpu.memory_space<vmem_shared>>) offsets(%dma_start3A_188 : memref<80xi32, #tpu.memory_space<vmem>>) semaphore(%run_scoped3A_185 : memref<!tpu.dma_semaphore, #tpu.memory_space<semaphore_mem>>) {add = true}
      %dma_wait3A_192 = arith.constant 0 : i32
      %dma_wait3A_193 = tpu.memref_slice %arg11[%run_scoped3A_69, %dma_wait3A_192] : memref<1x80xi32, #tpu.memory_space<vmem>> -> memref<1x80xi32, #tpu.memory_space<vmem>>
      %dma_wait3A_194 = tpu.memref_squeeze %dma_wait3A_193 : memref<1x80xi32, #tpu.memory_space<vmem>> -> memref<80xi32, #tpu.memory_space<vmem>>
      %dma_wait3A_195 = arith.constant 0 : i32
      %dma_wait3A_196 = arith.constant 0 : i32
      %dma_wait3A_197 = tpu.memref_slice %arg14[%dma_wait3A_195, %dma_wait3A_196] : memref<10240x128xf32, #tpu.memory_space<vmem_shared>> -> memref<10240x128xf32, #tpu.memory_space<vmem_shared>>
      tpu.wait_indirect_dma semaphore(%run_scoped3A_185 : memref<!tpu.dma_semaphore, #tpu.memory_space<semaphore_mem>>) src(%arg8 : memref<80x128xf32, #tpu.memory_space<vmem>>) dst(%dma_wait3A_197 : memref<10240x128xf32, #tpu.memory_space<vmem_shared>>)
      tpu.yield
    }) : () -> ()
    %mul3A_70 = arith.constant 125 : i32
    %mul3A_71 = arith.muli %add3A, %mul3A_70 : i32
    %add3A_72 = arith.constant 2 : i32
    %add3A_73 = arith.addi %mul3A_71, %add3A_72 : i32
    %dma_start3A_74 = arith.constant 0 : i32
    %dma_start3A_75 = arith.constant 0 : i32
    %dma_start3A_76 = tpu.memref_slice %arg4[%add3A_73, %dma_start3A_74, %dma_start3A_75] : memref<4000x1x80xi32, #tpu.memory_space<hbm>> -> memref<1x1x80xi32, #tpu.memory_space<hbm>>
    %dma_start3A_77 = tpu.memref_squeeze %dma_start3A_76 : memref<1x1x80xi32, #tpu.memory_space<hbm>> -> memref<1x80xi32, #tpu.memory_space<hbm>>
    %dma_start3A_78 = arith.constant 0 : i32
    %dma_start3A_79 = arith.constant 0 : i32
    %dma_start3A_80 = tpu.memref_slice %arg4[%add3A_73, %dma_start3A_78, %dma_start3A_79] : memref<4000x1x80xi32, #tpu.memory_space<hbm>> -> memref<1x1x80xi32, #tpu.memory_space<hbm>>
    %dma_start3A_81 = tpu.memref_squeeze %dma_start3A_80 : memref<1x1x80xi32, #tpu.memory_space<hbm>> -> memref<1x80xi32, #tpu.memory_space<hbm>>
    tpu.enqueue_dma source(%dma_start3A_81 : memref<1x80xi32, #tpu.memory_space<hbm>>) target(%arg11 : memref<1x80xi32, #tpu.memory_space<vmem>>) target_semaphore(%arg18 : memref<!tpu.dma_semaphore, #tpu.memory_space<semaphore_mem>>)
    %dma_start3A_82 = arith.constant 160 : i32
    %dma_start3A_83 = tpu.memref_slice %arg7[%dma_start3A_82] : memref<10000xi32, #tpu.memory_space<vmem>> -> memref<80xi32, #tpu.memory_space<vmem>>
    %dma_start3A_84 = arith.constant 0 : i32
    %dma_start3A_85 = arith.constant 0 : i32
    %dma_start3A_86 = tpu.memref_slice %arg2[%dma_start3A_84, %dma_start3A_85] : memref<10000x128xf32, #tpu.memory_space<hbm>> -> memref<10000x128xf32, #tpu.memory_space<hbm>>
    tpu.enqueue_indirect_dma source(%dma_start3A_86 : memref<10000x128xf32, #tpu.memory_space<hbm>>) target(%arg8 : memref<80x128xf32, #tpu.memory_space<vmem>>) offsets(%dma_start3A_83 : memref<80xi32, #tpu.memory_space<vmem>>) semaphore(%arg15 : memref<!tpu.dma_semaphore, #tpu.memory_space<semaphore_mem>>)
    %mul3A_87 = arith.constant 125 : i32
    %mul3A_88 = arith.muli %add3A, %mul3A_87 : i32
    %add3A_89 = arith.constant 3 : i32
    %add3A_90 = arith.addi %mul3A_88, %add3A_89 : i32
    %dma_start3A_91 = arith.constant 0 : i32
    %dma_start3A_92 = arith.constant 0 : i32
    %dma_start3A_93 = tpu.memref_slice %arg4[%add3A_90, %dma_start3A_91, %dma_start3A_92] : memref<4000x1x80xi32, #tpu.memory_space<hbm>> -> memref<1x1x80xi32, #tpu.memory_space<hbm>>
    %dma_start3A_94 = tpu.memref_squeeze %dma_start3A_93 : memref<1x1x80xi32, #tpu.memory_space<hbm>> -> memref<1x80xi32, #tpu.memory_space<hbm>>
    %dma_start3A_95 = arith.constant 0 : i32
    %dma_start3A_96 = arith.constant 0 : i32
    %dma_start3A_97 = tpu.memref_slice %arg4[%add3A_90, %dma_start3A_95, %dma_start3A_96] : memref<4000x1x80xi32, #tpu.memory_space<hbm>> -> memref<1x1x80xi32, #tpu.memory_space<hbm>>
    %dma_start3A_98 = tpu.memref_squeeze %dma_start3A_97 : memref<1x1x80xi32, #tpu.memory_space<hbm>> -> memref<1x80xi32, #tpu.memory_space<hbm>>
    tpu.enqueue_dma source(%dma_start3A_98 : memref<1x80xi32, #tpu.memory_space<hbm>>) target(%arg12 : memref<1x80xi32, #tpu.memory_space<vmem>>) target_semaphore(%arg19 : memref<!tpu.dma_semaphore, #tpu.memory_space<semaphore_mem>>)
    %dma_start3A_99 = arith.constant 240 : i32
    %dma_start3A_100 = tpu.memref_slice %arg7[%dma_start3A_99] : memref<10000xi32, #tpu.memory_space<vmem>> -> memref<80xi32, #tpu.memory_space<vmem>>
    %dma_start3A_101 = arith.constant 0 : i32
    %dma_start3A_102 = arith.constant 0 : i32
    %dma_start3A_103 = tpu.memref_slice %arg2[%dma_start3A_101, %dma_start3A_102] : memref<10000x128xf32, #tpu.memory_space<hbm>> -> memref<10000x128xf32, #tpu.memory_space<hbm>>
    tpu.enqueue_indirect_dma source(%dma_start3A_103 : memref<10000x128xf32, #tpu.memory_space<hbm>>) target(%arg9 : memref<80x128xf32, #tpu.memory_space<vmem>>) offsets(%dma_start3A_100 : memref<80xi32, #tpu.memory_space<vmem>>) semaphore(%arg16 : memref<!tpu.dma_semaphore, #tpu.memory_space<semaphore_mem>>)
    %mul3A_104 = arith.constant 125 : i32
    %mul3A_105 = arith.muli %add3A, %mul3A_104 : i32
    %add3A_106 = arith.constant 4 : i32
    %add3A_107 = arith.addi %mul3A_105, %add3A_106 : i32
    %dma_start3A_108 = arith.constant 0 : i32
    %dma_start3A_109 = arith.constant 0 : i32
    %dma_start3A_110 = tpu.memref_slice %arg4[%add3A_107, %dma_start3A_108, %dma_start3A_109] : memref<4000x1x80xi32, #tpu.memory_space<hbm>> -> memref<1x1x80xi32, #tpu.memory_space<hbm>>
    %dma_start3A_111 = tpu.memref_squeeze %dma_start3A_110 : memref<1x1x80xi32, #tpu.memory_space<hbm>> -> memref<1x80xi32, #tpu.memory_space<hbm>>
    %dma_start3A_112 = arith.constant 0 : i32
    %dma_start3A_113 = arith.constant 0 : i32
    %dma_start3A_114 = tpu.memref_slice %arg4[%add3A_107, %dma_start3A_112, %dma_start3A_113] : memref<4000x1x80xi32, #tpu.memory_space<hbm>> -> memref<1x1x80xi32, #tpu.memory_space<hbm>>
    %dma_start3A_115 = tpu.memref_squeeze %dma_start3A_114 : memref<1x1x80xi32, #tpu.memory_space<hbm>> -> memref<1x80xi32, #tpu.memory_space<hbm>>
    tpu.enqueue_dma source(%dma_start3A_115 : memref<1x80xi32, #tpu.memory_space<hbm>>) target(%arg13 : memref<1x80xi32, #tpu.memory_space<vmem>>) target_semaphore(%arg20 : memref<!tpu.dma_semaphore, #tpu.memory_space<semaphore_mem>>)
    %dma_start3A_116 = arith.constant 320 : i32
    %dma_start3A_117 = tpu.memref_slice %arg7[%dma_start3A_116] : memref<10000xi32, #tpu.memory_space<vmem>> -> memref<80xi32, #tpu.memory_space<vmem>>
    %dma_start3A_118 = arith.constant 0 : i32
    %dma_start3A_119 = arith.constant 0 : i32
    %dma_start3A_120 = tpu.memref_slice %arg2[%dma_start3A_118, %dma_start3A_119] : memref<10000x128xf32, #tpu.memory_space<hbm>> -> memref<10000x128xf32, #tpu.memory_space<hbm>>
    tpu.enqueue_indirect_dma source(%dma_start3A_120 : memref<10000x128xf32, #tpu.memory_space<hbm>>) target(%arg10 : memref<80x128xf32, #tpu.memory_space<vmem>>) offsets(%dma_start3A_117 : memref<80xi32, #tpu.memory_space<vmem>>) semaphore(%arg17 : memref<!tpu.dma_semaphore, #tpu.memory_space<semaphore_mem>>)
    %scan3A = arith.constant 0 : i32
    %scan3A_121 = arith.constant 0 : i32
    %scan3A_122 = arith.constant 40 : i32
    %scan3A_123 = arith.addi %scan3A_121, %scan3A_122 : i32
    %scan3A_124 = arith.constant 1 : i32
    scf.for %scan3A_185 = %scan3A_121 to %scan3A_123 step %scan3A_124  : i32 {
      %mul3A_186 = arith.constant 3 : i32
      %mul3A_187 = arith.muli %scan3A_185, %mul3A_186 : i32
      %add3A_188 = arith.constant 2 : i32
      %add3A_189 = arith.addi %add3A_188, %mul3A_187 : i32
      %add3A_190 = arith.constant 0 : i32
      %add3A_191 = arith.addi %add3A_189, %add3A_190 : i32
      %mul3A_192 = arith.constant 80 : i32
      %mul3A_193 = arith.muli %add3A_191, %mul3A_192 : i32
      %dma_wait3A_194 = tpu.memref_slice %arg7[%mul3A_193] : memref<10000xi32, #tpu.memory_space<vmem>> -> memref<80xi32, #tpu.memory_space<vmem>>
      %dma_wait3A_195 = arith.constant 0 : i32
      %dma_wait3A_196 = arith.constant 0 : i32
      %dma_wait3A_197 = tpu.memref_slice %arg2[%dma_wait3A_195, %dma_wait3A_196] : memref<10000x128xf32, #tpu.memory_space<hbm>> -> memref<10000x128xf32, #tpu.memory_space<hbm>>
      tpu.wait_indirect_dma semaphore(%arg15 : memref<!tpu.dma_semaphore, #tpu.memory_space<semaphore_mem>>) src(%dma_wait3A_197 : memref<10000x128xf32, #tpu.memory_space<hbm>>) dst(%arg8 : memref<80x128xf32, #tpu.memory_space<vmem>>)
      %mul3A_198 = arith.constant 125 : i32
      %mul3A_199 = arith.muli %add3A, %mul3A_198 : i32
      %add3A_200 = arith.addi %mul3A_199, %add3A_191 : i32
      %dma_wait3A_201 = arith.constant 0 : i32
      %dma_wait3A_202 = arith.constant 0 : i32
      %dma_wait3A_203 = tpu.memref_slice %arg4[%add3A_200, %dma_wait3A_201, %dma_wait3A_202] : memref<4000x1x80xi32, #tpu.memory_space<hbm>> -> memref<1x1x80xi32, #tpu.memory_space<hbm>>
      %dma_wait3A_204 = tpu.memref_squeeze %dma_wait3A_203 : memref<1x1x80xi32, #tpu.memory_space<hbm>> -> memref<1x80xi32, #tpu.memory_space<hbm>>
      %dma_wait3A_205 = arith.constant 0 : i32
      %dma_wait3A_206 = arith.constant 0 : i32
      %dma_wait3A_207 = tpu.memref_slice %arg4[%add3A_200, %dma_wait3A_205, %dma_wait3A_206] : memref<4000x1x80xi32, #tpu.memory_space<hbm>> -> memref<1x1x80xi32, #tpu.memory_space<hbm>>
      %dma_wait3A_208 = tpu.memref_squeeze %dma_wait3A_207 : memref<1x1x80xi32, #tpu.memory_space<hbm>> -> memref<1x80xi32, #tpu.memory_space<hbm>>
      tpu.wait_dma2 semaphore(%arg18 : memref<!tpu.dma_semaphore, #tpu.memory_space<semaphore_mem>>) src(%dma_wait3A_208 : memref<1x80xi32, #tpu.memory_space<hbm>>) dst(%arg11 : memref<1x80xi32, #tpu.memory_space<vmem>>)
      %run_scoped3A_209 = arith.constant 0 : i32
      "tpu.region"() ({
        %run_scoped3A_321 = tpu.sem_alloc : memref<!tpu.dma_semaphore, #tpu.memory_space<semaphore_mem>>
        %dma_start3A_322 = arith.constant 0 : i32
        %dma_start3A_323 = tpu.memref_slice %arg11[%run_scoped3A_209, %dma_start3A_322] : memref<1x80xi32, #tpu.memory_space<vmem>> -> memref<1x80xi32, #tpu.memory_space<vmem>>
        %dma_start3A_324 = tpu.memref_squeeze %dma_start3A_323 : memref<1x80xi32, #tpu.memory_space<vmem>> -> memref<80xi32, #tpu.memory_space<vmem>>
        %dma_start3A_325 = arith.constant 0 : i32
        %dma_start3A_326 = arith.constant 0 : i32
        %dma_start3A_327 = tpu.memref_slice %arg14[%dma_start3A_325, %dma_start3A_326] : memref<10240x128xf32, #tpu.memory_space<vmem_shared>> -> memref<10240x128xf32, #tpu.memory_space<vmem_shared>>
        tpu.enqueue_indirect_dma source(%arg8 : memref<80x128xf32, #tpu.memory_space<vmem>>) target(%dma_start3A_327 : memref<10240x128xf32, #tpu.memory_space<vmem_shared>>) offsets(%dma_start3A_324 : memref<80xi32, #tpu.memory_space<vmem>>) semaphore(%run_scoped3A_321 : memref<!tpu.dma_semaphore, #tpu.memory_space<semaphore_mem>>) {add = true}
        %dma_wait3A_328 = arith.constant 0 : i32
        %dma_wait3A_329 = tpu.memref_slice %arg11[%run_scoped3A_209, %dma_wait3A_328] : memref<1x80xi32, #tpu.memory_space<vmem>> -> memref<1x80xi32, #tpu.memory_space<vmem>>
        %dma_wait3A_330 = tpu.memref_squeeze %dma_wait3A_329 : memref<1x80xi32, #tpu.memory_space<vmem>> -> memref<80xi32, #tpu.memory_space<vmem>>
        %dma_wait3A_331 = arith.constant 0 : i32
        %dma_wait3A_332 = arith.constant 0 : i32
        %dma_wait3A_333 = tpu.memref_slice %arg14[%dma_wait3A_331, %dma_wait3A_332] : memref<10240x128xf32, #tpu.memory_space<vmem_shared>> -> memref<10240x128xf32, #tpu.memory_space<vmem_shared>>
        tpu.wait_indirect_dma semaphore(%run_scoped3A_321 : memref<!tpu.dma_semaphore, #tpu.memory_space<semaphore_mem>>) src(%arg8 : memref<80x128xf32, #tpu.memory_space<vmem>>) dst(%dma_wait3A_333 : memref<10240x128xf32, #tpu.memory_space<vmem_shared>>)
        tpu.yield
      }) : () -> ()
      %add3A_210 = arith.constant 3 : i32
      %add3A_211 = arith.addi %add3A_191, %add3A_210 : i32
      %mul3A_212 = arith.constant 125 : i32
      %mul3A_213 = arith.muli %add3A, %mul3A_212 : i32
      %add3A_214 = arith.addi %mul3A_213, %add3A_211 : i32
      %dma_start3A_215 = arith.constant 0 : i32
      %dma_start3A_216 = arith.constant 0 : i32
      %dma_start3A_217 = tpu.memref_slice %arg4[%add3A_214, %dma_start3A_215, %dma_start3A_216] : memref<4000x1x80xi32, #tpu.memory_space<hbm>> -> memref<1x1x80xi32, #tpu.memory_space<hbm>>
      %dma_start3A_218 = tpu.memref_squeeze %dma_start3A_217 : memref<1x1x80xi32, #tpu.memory_space<hbm>> -> memref<1x80xi32, #tpu.memory_space<hbm>>
      %dma_start3A_219 = arith.constant 0 : i32
      %dma_start3A_220 = arith.constant 0 : i32
      %dma_start3A_221 = tpu.memref_slice %arg4[%add3A_214, %dma_start3A_219, %dma_start3A_220] : memref<4000x1x80xi32, #tpu.memory_space<hbm>> -> memref<1x1x80xi32, #tpu.memory_space<hbm>>
      %dma_start3A_222 = tpu.memref_squeeze %dma_start3A_221 : memref<1x1x80xi32, #tpu.memory_space<hbm>> -> memref<1x80xi32, #tpu.memory_space<hbm>>
      tpu.enqueue_dma source(%dma_start3A_222 : memref<1x80xi32, #tpu.memory_space<hbm>>) target(%arg11 : memref<1x80xi32, #tpu.memory_space<vmem>>) target_semaphore(%arg18 : memref<!tpu.dma_semaphore, #tpu.memory_space<semaphore_mem>>)
      %add3A_223 = arith.constant 3 : i32
      %add3A_224 = arith.addi %add3A_191, %add3A_223 : i32
      %mul3A_225 = arith.constant 80 : i32
      %mul3A_226 = arith.muli %add3A_224, %mul3A_225 : i32
      %dma_start3A_227 = tpu.memref_slice %arg7[%mul3A_226] : memref<10000xi32, #tpu.memory_space<vmem>> -> memref<80xi32, #tpu.memory_space<vmem>>
      %dma_start3A_228 = arith.constant 0 : i32
      %dma_start3A_229 = arith.constant 0 : i32
      %dma_start3A_230 = tpu.memref_slice %arg2[%dma_start3A_228, %dma_start3A_229] : memref<10000x128xf32, #tpu.memory_space<hbm>> -> memref<10000x128xf32, #tpu.memory_space<hbm>>
      tpu.enqueue_indirect_dma source(%dma_start3A_230 : memref<10000x128xf32, #tpu.memory_space<hbm>>) target(%arg8 : memref<80x128xf32, #tpu.memory_space<vmem>>) offsets(%dma_start3A_227 : memref<80xi32, #tpu.memory_space<vmem>>) semaphore(%arg15 : memref<!tpu.dma_semaphore, #tpu.memory_space<semaphore_mem>>)
      %mul3A_231 = arith.constant 3 : i32
      %mul3A_232 = arith.muli %scan3A_185, %mul3A_231 : i32
      %add3A_233 = arith.constant 2 : i32
      %add3A_234 = arith.addi %add3A_233, %mul3A_232 : i32
      %add3A_235 = arith.constant 1 : i32
      %add3A_236 = arith.addi %add3A_234, %add3A_235 : i32
      %mul3A_237 = arith.constant 80 : i32
      %mul3A_238 = arith.muli %add3A_236, %mul3A_237 : i32
      %dma_wait3A_239 = tpu.memref_slice %arg7[%mul3A_238] : memref<10000xi32, #tpu.memory_space<vmem>> -> memref<80xi32, #tpu.memory_space<vmem>>
      %dma_wait3A_240 = arith.constant 0 : i32
      %dma_wait3A_241 = arith.constant 0 : i32
      %dma_wait3A_242 = tpu.memref_slice %arg2[%dma_wait3A_240, %dma_wait3A_241] : memref<10000x128xf32, #tpu.memory_space<hbm>> -> memref<10000x128xf32, #tpu.memory_space<hbm>>
      tpu.wait_indirect_dma semaphore(%arg16 : memref<!tpu.dma_semaphore, #tpu.memory_space<semaphore_mem>>) src(%dma_wait3A_242 : memref<10000x128xf32, #tpu.memory_space<hbm>>) dst(%arg9 : memref<80x128xf32, #tpu.memory_space<vmem>>)
      %mul3A_243 = arith.constant 125 : i32
      %mul3A_244 = arith.muli %add3A, %mul3A_243 : i32
      %add3A_245 = arith.addi %mul3A_244, %add3A_236 : i32
      %dma_wait3A_246 = arith.constant 0 : i32
      %dma_wait3A_247 = arith.constant 0 : i32
      %dma_wait3A_248 = tpu.memref_slice %arg4[%add3A_245, %dma_wait3A_246, %dma_wait3A_247] : memref<4000x1x80xi32, #tpu.memory_space<hbm>> -> memref<1x1x80xi32, #tpu.memory_space<hbm>>
      %dma_wait3A_249 = tpu.memref_squeeze %dma_wait3A_248 : memref<1x1x80xi32, #tpu.memory_space<hbm>> -> memref<1x80xi32, #tpu.memory_space<hbm>>
      %dma_wait3A_250 = arith.constant 0 : i32
      %dma_wait3A_251 = arith.constant 0 : i32
      %dma_wait3A_252 = tpu.memref_slice %arg4[%add3A_245, %dma_wait3A_250, %dma_wait3A_251] : memref<4000x1x80xi32, #tpu.memory_space<hbm>> -> memref<1x1x80xi32, #tpu.memory_space<hbm>>
      %dma_wait3A_253 = tpu.memref_squeeze %dma_wait3A_252 : memref<1x1x80xi32, #tpu.memory_space<hbm>> -> memref<1x80xi32, #tpu.memory_space<hbm>>
      tpu.wait_dma2 semaphore(%arg19 : memref<!tpu.dma_semaphore, #tpu.memory_space<semaphore_mem>>) src(%dma_wait3A_253 : memref<1x80xi32, #tpu.memory_space<hbm>>) dst(%arg12 : memref<1x80xi32, #tpu.memory_space<vmem>>)
      %run_scoped3A_254 = arith.constant 0 : i32
      "tpu.region"() ({
        %run_scoped3A_321 = tpu.sem_alloc : memref<!tpu.dma_semaphore, #tpu.memory_space<semaphore_mem>>
        %dma_start3A_322 = arith.constant 0 : i32
        %dma_start3A_323 = tpu.memref_slice %arg12[%run_scoped3A_254, %dma_start3A_322] : memref<1x80xi32, #tpu.memory_space<vmem>> -> memref<1x80xi32, #tpu.memory_space<vmem>>
        %dma_start3A_324 = tpu.memref_squeeze %dma_start3A_323 : memref<1x80xi32, #tpu.memory_space<vmem>> -> memref<80xi32, #tpu.memory_space<vmem>>
        %dma_start3A_325 = arith.constant 0 : i32
        %dma_start3A_326 = arith.constant 0 : i32
        %dma_start3A_327 = tpu.memref_slice %arg14[%dma_start3A_325, %dma_start3A_326] : memref<10240x128xf32, #tpu.memory_space<vmem_shared>> -> memref<10240x128xf32, #tpu.memory_space<vmem_shared>>
        tpu.enqueue_indirect_dma source(%arg9 : memref<80x128xf32, #tpu.memory_space<vmem>>) target(%dma_start3A_327 : memref<10240x128xf32, #tpu.memory_space<vmem_shared>>) offsets(%dma_start3A_324 : memref<80xi32, #tpu.memory_space<vmem>>) semaphore(%run_scoped3A_321 : memref<!tpu.dma_semaphore, #tpu.memory_space<semaphore_mem>>) {add = true}
        %dma_wait3A_328 = arith.constant 0 : i32
        %dma_wait3A_329 = tpu.memref_slice %arg12[%run_scoped3A_254, %dma_wait3A_328] : memref<1x80xi32, #tpu.memory_space<vmem>> -> memref<1x80xi32, #tpu.memory_space<vmem>>
        %dma_wait3A_330 = tpu.memref_squeeze %dma_wait3A_329 : memref<1x80xi32, #tpu.memory_space<vmem>> -> memref<80xi32, #tpu.memory_space<vmem>>
        %dma_wait3A_331 = arith.constant 0 : i32
        %dma_wait3A_332 = arith.constant 0 : i32
        %dma_wait3A_333 = tpu.memref_slice %arg14[%dma_wait3A_331, %dma_wait3A_332] : memref<10240x128xf32, #tpu.memory_space<vmem_shared>> -> memref<10240x128xf32, #tpu.memory_space<vmem_shared>>
        tpu.wait_indirect_dma semaphore(%run_scoped3A_321 : memref<!tpu.dma_semaphore, #tpu.memory_space<semaphore_mem>>) src(%arg9 : memref<80x128xf32, #tpu.memory_space<vmem>>) dst(%dma_wait3A_333 : memref<10240x128xf32, #tpu.memory_space<vmem_shared>>)
        tpu.yield
      }) : () -> ()
      %add3A_255 = arith.constant 3 : i32
      %add3A_256 = arith.addi %add3A_236, %add3A_255 : i32
      %mul3A_257 = arith.constant 125 : i32
      %mul3A_258 = arith.muli %add3A, %mul3A_257 : i32
      %add3A_259 = arith.addi %mul3A_258, %add3A_256 : i32
      %dma_start3A_260 = arith.constant 0 : i32
      %dma_start3A_261 = arith.constant 0 : i32
      %dma_start3A_262 = tpu.memref_slice %arg4[%add3A_259, %dma_start3A_260, %dma_start3A_261] : memref<4000x1x80xi32, #tpu.memory_space<hbm>> -> memref<1x1x80xi32, #tpu.memory_space<hbm>>
      %dma_start3A_263 = tpu.memref_squeeze %dma_start3A_262 : memref<1x1x80xi32, #tpu.memory_space<hbm>> -> memref<1x80xi32, #tpu.memory_space<hbm>>
      %dma_start3A_264 = arith.constant 0 : i32
      %dma_start3A_265 = arith.constant 0 : i32
      %dma_start3A_266 = tpu.memref_slice %arg4[%add3A_259, %dma_start3A_264, %dma_start3A_265] : memref<4000x1x80xi32, #tpu.memory_space<hbm>> -> memref<1x1x80xi32, #tpu.memory_space<hbm>>
      %dma_start3A_267 = tpu.memref_squeeze %dma_start3A_266 : memref<1x1x80xi32, #tpu.memory_space<hbm>> -> memref<1x80xi32, #tpu.memory_space<hbm>>
      tpu.enqueue_dma source(%dma_start3A_267 : memref<1x80xi32, #tpu.memory_space<hbm>>) target(%arg12 : memref<1x80xi32, #tpu.memory_space<vmem>>) target_semaphore(%arg19 : memref<!tpu.dma_semaphore, #tpu.memory_space<semaphore_mem>>)
      %add3A_268 = arith.constant 3 : i32
      %add3A_269 = arith.addi %add3A_236, %add3A_268 : i32
      %mul3A_270 = arith.constant 80 : i32
      %mul3A_271 = arith.muli %add3A_269, %mul3A_270 : i32
      %dma_start3A_272 = tpu.memref_slice %arg7[%mul3A_271] : memref<10000xi32, #tpu.memory_space<vmem>> -> memref<80xi32, #tpu.memory_space<vmem>>
      %dma_start3A_273 = arith.constant 0 : i32
      %dma_start3A_274 = arith.constant 0 : i32
      %dma_start3A_275 = tpu.memref_slice %arg2[%dma_start3A_273, %dma_start3A_274] : memref<10000x128xf32, #tpu.memory_space<hbm>> -> memref<10000x128xf32, #tpu.memory_space<hbm>>
      tpu.enqueue_indirect_dma source(%dma_start3A_275 : memref<10000x128xf32, #tpu.memory_space<hbm>>) target(%arg9 : memref<80x128xf32, #tpu.memory_space<vmem>>) offsets(%dma_start3A_272 : memref<80xi32, #tpu.memory_space<vmem>>) semaphore(%arg16 : memref<!tpu.dma_semaphore, #tpu.memory_space<semaphore_mem>>)
      %mul3A_276 = arith.constant 3 : i32
      %mul3A_277 = arith.muli %scan3A_185, %mul3A_276 : i32
      %add3A_278 = arith.constant 2 : i32
      %add3A_279 = arith.addi %add3A_278, %mul3A_277 : i32
      %add3A_280 = arith.constant 2 : i32
      %add3A_281 = arith.addi %add3A_279, %add3A_280 : i32
      %mul3A_282 = arith.constant 80 : i32
      %mul3A_283 = arith.muli %add3A_281, %mul3A_282 : i32
      %dma_wait3A_284 = tpu.memref_slice %arg7[%mul3A_283] : memref<10000xi32, #tpu.memory_space<vmem>> -> memref<80xi32, #tpu.memory_space<vmem>>
      %dma_wait3A_285 = arith.constant 0 : i32
      %dma_wait3A_286 = arith.constant 0 : i32
      %dma_wait3A_287 = tpu.memref_slice %arg2[%dma_wait3A_285, %dma_wait3A_286] : memref<10000x128xf32, #tpu.memory_space<hbm>> -> memref<10000x128xf32, #tpu.memory_space<hbm>>
      tpu.wait_indirect_dma semaphore(%arg17 : memref<!tpu.dma_semaphore, #tpu.memory_space<semaphore_mem>>) src(%dma_wait3A_287 : memref<10000x128xf32, #tpu.memory_space<hbm>>) dst(%arg10 : memref<80x128xf32, #tpu.memory_space<vmem>>)
      %mul3A_288 = arith.constant 125 : i32
      %mul3A_289 = arith.muli %add3A, %mul3A_288 : i32
      %add3A_290 = arith.addi %mul3A_289, %add3A_281 : i32
      %dma_wait3A_291 = arith.constant 0 : i32
      %dma_wait3A_292 = arith.constant 0 : i32
      %dma_wait3A_293 = tpu.memref_slice %arg4[%add3A_290, %dma_wait3A_291, %dma_wait3A_292] : memref<4000x1x80xi32, #tpu.memory_space<hbm>> -> memref<1x1x80xi32, #tpu.memory_space<hbm>>
      %dma_wait3A_294 = tpu.memref_squeeze %dma_wait3A_293 : memref<1x1x80xi32, #tpu.memory_space<hbm>> -> memref<1x80xi32, #tpu.memory_space<hbm>>
      %dma_wait3A_295 = arith.constant 0 : i32
      %dma_wait3A_296 = arith.constant 0 : i32
      %dma_wait3A_297 = tpu.memref_slice %arg4[%add3A_290, %dma_wait3A_295, %dma_wait3A_296] : memref<4000x1x80xi32, #tpu.memory_space<hbm>> -> memref<1x1x80xi32, #tpu.memory_space<hbm>>
      %dma_wait3A_298 = tpu.memref_squeeze %dma_wait3A_297 : memref<1x1x80xi32, #tpu.memory_space<hbm>> -> memref<1x80xi32, #tpu.memory_space<hbm>>
      tpu.wait_dma2 semaphore(%arg20 : memref<!tpu.dma_semaphore, #tpu.memory_space<semaphore_mem>>) src(%dma_wait3A_298 : memref<1x80xi32, #tpu.memory_space<hbm>>) dst(%arg13 : memref<1x80xi32, #tpu.memory_space<vmem>>)
      %run_scoped3A_299 = arith.constant 0 : i32
      "tpu.region"() ({
        %run_scoped3A_321 = tpu.sem_alloc : memref<!tpu.dma_semaphore, #tpu.memory_space<semaphore_mem>>
        %dma_start3A_322 = arith.constant 0 : i32
        %dma_start3A_323 = tpu.memref_slice %arg13[%run_scoped3A_299, %dma_start3A_322] : memref<1x80xi32, #tpu.memory_space<vmem>> -> memref<1x80xi32, #tpu.memory_space<vmem>>
        %dma_start3A_324 = tpu.memref_squeeze %dma_start3A_323 : memref<1x80xi32, #tpu.memory_space<vmem>> -> memref<80xi32, #tpu.memory_space<vmem>>
        %dma_start3A_325 = arith.constant 0 : i32
        %dma_start3A_326 = arith.constant 0 : i32
        %dma_start3A_327 = tpu.memref_slice %arg14[%dma_start3A_325, %dma_start3A_326] : memref<10240x128xf32, #tpu.memory_space<vmem_shared>> -> memref<10240x128xf32, #tpu.memory_space<vmem_shared>>
        tpu.enqueue_indirect_dma source(%arg10 : memref<80x128xf32, #tpu.memory_space<vmem>>) target(%dma_start3A_327 : memref<10240x128xf32, #tpu.memory_space<vmem_shared>>) offsets(%dma_start3A_324 : memref<80xi32, #tpu.memory_space<vmem>>) semaphore(%run_scoped3A_321 : memref<!tpu.dma_semaphore, #tpu.memory_space<semaphore_mem>>) {add = true}
        %dma_wait3A_328 = arith.constant 0 : i32
        %dma_wait3A_329 = tpu.memref_slice %arg13[%run_scoped3A_299, %dma_wait3A_328] : memref<1x80xi32, #tpu.memory_space<vmem>> -> memref<1x80xi32, #tpu.memory_space<vmem>>
        %dma_wait3A_330 = tpu.memref_squeeze %dma_wait3A_329 : memref<1x80xi32, #tpu.memory_space<vmem>> -> memref<80xi32, #tpu.memory_space<vmem>>
        %dma_wait3A_331 = arith.constant 0 : i32
        %dma_wait3A_332 = arith.constant 0 : i32
        %dma_wait3A_333 = tpu.memref_slice %arg14[%dma_wait3A_331, %dma_wait3A_332] : memref<10240x128xf32, #tpu.memory_space<vmem_shared>> -> memref<10240x128xf32, #tpu.memory_space<vmem_shared>>
        tpu.wait_indirect_dma semaphore(%run_scoped3A_321 : memref<!tpu.dma_semaphore, #tpu.memory_space<semaphore_mem>>) src(%arg10 : memref<80x128xf32, #tpu.memory_space<vmem>>) dst(%dma_wait3A_333 : memref<10240x128xf32, #tpu.memory_space<vmem_shared>>)
        tpu.yield
      }) : () -> ()
      %add3A_300 = arith.constant 3 : i32
      %add3A_301 = arith.addi %add3A_281, %add3A_300 : i32
      %mul3A_302 = arith.constant 125 : i32
      %mul3A_303 = arith.muli %add3A, %mul3A_302 : i32
      %add3A_304 = arith.addi %mul3A_303, %add3A_301 : i32
      %dma_start3A_305 = arith.constant 0 : i32
      %dma_start3A_306 = arith.constant 0 : i32
      %dma_start3A_307 = tpu.memref_slice %arg4[%add3A_304, %dma_start3A_305, %dma_start3A_306] : memref<4000x1x80xi32, #tpu.memory_space<hbm>> -> memref<1x1x80xi32, #tpu.memory_space<hbm>>
      %dma_start3A_308 = tpu.memref_squeeze %dma_start3A_307 : memref<1x1x80xi32, #tpu.memory_space<hbm>> -> memref<1x80xi32, #tpu.memory_space<hbm>>
      %dma_start3A_309 = arith.constant 0 : i32
      %dma_start3A_310 = arith.constant 0 : i32
      %dma_start3A_311 = tpu.memref_slice %arg4[%add3A_304, %dma_start3A_309, %dma_start3A_310] : memref<4000x1x80xi32, #tpu.memory_space<hbm>> -> memref<1x1x80xi32, #tpu.memory_space<hbm>>
      %dma_start3A_312 = tpu.memref_squeeze %dma_start3A_311 : memref<1x1x80xi32, #tpu.memory_space<hbm>> -> memref<1x80xi32, #tpu.memory_space<hbm>>
      tpu.enqueue_dma source(%dma_start3A_312 : memref<1x80xi32, #tpu.memory_space<hbm>>) target(%arg13 : memref<1x80xi32, #tpu.memory_space<vmem>>) target_semaphore(%arg20 : memref<!tpu.dma_semaphore, #tpu.memory_space<semaphore_mem>>)
      %add3A_313 = arith.constant 3 : i32
      %add3A_314 = arith.addi %add3A_281, %add3A_313 : i32
      %mul3A_315 = arith.constant 80 : i32
      %mul3A_316 = arith.muli %add3A_314, %mul3A_315 : i32
      %dma_start3A_317 = tpu.memref_slice %arg7[%mul3A_316] : memref<10000xi32, #tpu.memory_space<vmem>> -> memref<80xi32, #tpu.memory_space<vmem>>
      %dma_start3A_318 = arith.constant 0 : i32
      %dma_start3A_319 = arith.constant 0 : i32
      %dma_start3A_320 = tpu.memref_slice %arg2[%dma_start3A_318, %dma_start3A_319] : memref<10000x128xf32, #tpu.memory_space<hbm>> -> memref<10000x128xf32, #tpu.memory_space<hbm>>
      tpu.enqueue_indirect_dma source(%dma_start3A_320 : memref<10000x128xf32, #tpu.memory_space<hbm>>) target(%arg10 : memref<80x128xf32, #tpu.memory_space<vmem>>) offsets(%dma_start3A_317 : memref<80xi32, #tpu.memory_space<vmem>>) semaphore(%arg17 : memref<!tpu.dma_semaphore, #tpu.memory_space<semaphore_mem>>)
    }
    %scan3A_125 = arith.constant 40 : i32
    %dma_wait3A_126 = arith.constant 9760 : i32
    %dma_wait3A_127 = tpu.memref_slice %arg7[%dma_wait3A_126] : memref<10000xi32, #tpu.memory_space<vmem>> -> memref<80xi32, #tpu.memory_space<vmem>>
    %dma_wait3A_128 = arith.constant 0 : i32
    %dma_wait3A_129 = arith.constant 0 : i32
    %dma_wait3A_130 = tpu.memref_slice %arg2[%dma_wait3A_128, %dma_wait3A_129] : memref<10000x128xf32, #tpu.memory_space<hbm>> -> memref<10000x128xf32, #tpu.memory_space<hbm>>
    tpu.wait_indirect_dma semaphore(%arg15 : memref<!tpu.dma_semaphore, #tpu.memory_space<semaphore_mem>>) src(%dma_wait3A_130 : memref<10000x128xf32, #tpu.memory_space<hbm>>) dst(%arg8 : memref<80x128xf32, #tpu.memory_space<vmem>>)
    %mul3A_131 = arith.constant 125 : i32
    %mul3A_132 = arith.muli %add3A, %mul3A_131 : i32
    %add3A_133 = arith.constant 122 : i32
    %add3A_134 = arith.addi %mul3A_132, %add3A_133 : i32
    %dma_wait3A_135 = arith.constant 0 : i32
    %dma_wait3A_136 = arith.constant 0 : i32
    %dma_wait3A_137 = tpu.memref_slice %arg4[%add3A_134, %dma_wait3A_135, %dma_wait3A_136] : memref<4000x1x80xi32, #tpu.memory_space<hbm>> -> memref<1x1x80xi32, #tpu.memory_space<hbm>>
    %dma_wait3A_138 = tpu.memref_squeeze %dma_wait3A_137 : memref<1x1x80xi32, #tpu.memory_space<hbm>> -> memref<1x80xi32, #tpu.memory_space<hbm>>
    %dma_wait3A_139 = arith.constant 0 : i32
    %dma_wait3A_140 = arith.constant 0 : i32
    %dma_wait3A_141 = tpu.memref_slice %arg4[%add3A_134, %dma_wait3A_139, %dma_wait3A_140] : memref<4000x1x80xi32, #tpu.memory_space<hbm>> -> memref<1x1x80xi32, #tpu.memory_space<hbm>>
    %dma_wait3A_142 = tpu.memref_squeeze %dma_wait3A_141 : memref<1x1x80xi32, #tpu.memory_space<hbm>> -> memref<1x80xi32, #tpu.memory_space<hbm>>
    tpu.wait_dma2 semaphore(%arg18 : memref<!tpu.dma_semaphore, #tpu.memory_space<semaphore_mem>>) src(%dma_wait3A_142 : memref<1x80xi32, #tpu.memory_space<hbm>>) dst(%arg11 : memref<1x80xi32, #tpu.memory_space<vmem>>)
    %run_scoped3A_143 = arith.constant 0 : i32
    "tpu.region"() ({
      %run_scoped3A_185 = tpu.sem_alloc : memref<!tpu.dma_semaphore, #tpu.memory_space<semaphore_mem>>
      %dma_start3A_186 = arith.constant 0 : i32
      %dma_start3A_187 = tpu.memref_slice %arg11[%run_scoped3A_143, %dma_start3A_186] : memref<1x80xi32, #tpu.memory_space<vmem>> -> memref<1x80xi32, #tpu.memory_space<vmem>>
      %dma_start3A_188 = tpu.memref_squeeze %dma_start3A_187 : memref<1x80xi32, #tpu.memory_space<vmem>> -> memref<80xi32, #tpu.memory_space<vmem>>
      %dma_start3A_189 = arith.constant 0 : i32
      %dma_start3A_190 = arith.constant 0 : i32
      %dma_start3A_191 = tpu.memref_slice %arg14[%dma_start3A_189, %dma_start3A_190] : memref<10240x128xf32, #tpu.memory_space<vmem_shared>> -> memref<10240x128xf32, #tpu.memory_space<vmem_shared>>
      tpu.enqueue_indirect_dma source(%arg8 : memref<80x128xf32, #tpu.memory_space<vmem>>) target(%dma_start3A_191 : memref<10240x128xf32, #tpu.memory_space<vmem_shared>>) offsets(%dma_start3A_188 : memref<80xi32, #tpu.memory_space<vmem>>) semaphore(%run_scoped3A_185 : memref<!tpu.dma_semaphore, #tpu.memory_space<semaphore_mem>>) {add = true}
      %dma_wait3A_192 = arith.constant 0 : i32
      %dma_wait3A_193 = tpu.memref_slice %arg11[%run_scoped3A_143, %dma_wait3A_192] : memref<1x80xi32, #tpu.memory_space<vmem>> -> memref<1x80xi32, #tpu.memory_space<vmem>>
      %dma_wait3A_194 = tpu.memref_squeeze %dma_wait3A_193 : memref<1x80xi32, #tpu.memory_space<vmem>> -> memref<80xi32, #tpu.memory_space<vmem>>
      %dma_wait3A_195 = arith.constant 0 : i32
      %dma_wait3A_196 = arith.constant 0 : i32
      %dma_wait3A_197 = tpu.memref_slice %arg14[%dma_wait3A_195, %dma_wait3A_196] : memref<10240x128xf32, #tpu.memory_space<vmem_shared>> -> memref<10240x128xf32, #tpu.memory_space<vmem_shared>>
      tpu.wait_indirect_dma semaphore(%run_scoped3A_185 : memref<!tpu.dma_semaphore, #tpu.memory_space<semaphore_mem>>) src(%arg8 : memref<80x128xf32, #tpu.memory_space<vmem>>) dst(%dma_wait3A_197 : memref<10240x128xf32, #tpu.memory_space<vmem_shared>>)
      tpu.yield
    }) : () -> ()
    %dma_wait3A_144 = arith.constant 9840 : i32
    %dma_wait3A_145 = tpu.memref_slice %arg7[%dma_wait3A_144] : memref<10000xi32, #tpu.memory_space<vmem>> -> memref<80xi32, #tpu.memory_space<vmem>>
    %dma_wait3A_146 = arith.constant 0 : i32
    %dma_wait3A_147 = arith.constant 0 : i32
    %dma_wait3A_148 = tpu.memref_slice %arg2[%dma_wait3A_146, %dma_wait3A_147] : memref<10000x128xf32, #tpu.memory_space<hbm>> -> memref<10000x128xf32, #tpu.memory_space<hbm>>
    tpu.wait_indirect_dma semaphore(%arg16 : memref<!tpu.dma_semaphore, #tpu.memory_space<semaphore_mem>>) src(%dma_wait3A_148 : memref<10000x128xf32, #tpu.memory_space<hbm>>) dst(%arg9 : memref<80x128xf32, #tpu.memory_space<vmem>>)
    %mul3A_149 = arith.constant 125 : i32
    %mul3A_150 = arith.muli %add3A, %mul3A_149 : i32
    %add3A_151 = arith.constant 123 : i32
    %add3A_152 = arith.addi %mul3A_150, %add3A_151 : i32
    %dma_wait3A_153 = arith.constant 0 : i32
    %dma_wait3A_154 = arith.constant 0 : i32
    %dma_wait3A_155 = tpu.memref_slice %arg4[%add3A_152, %dma_wait3A_153, %dma_wait3A_154] : memref<4000x1x80xi32, #tpu.memory_space<hbm>> -> memref<1x1x80xi32, #tpu.memory_space<hbm>>
    %dma_wait3A_156 = tpu.memref_squeeze %dma_wait3A_155 : memref<1x1x80xi32, #tpu.memory_space<hbm>> -> memref<1x80xi32, #tpu.memory_space<hbm>>
    %dma_wait3A_157 = arith.constant 0 : i32
    %dma_wait3A_158 = arith.constant 0 : i32
    %dma_wait3A_159 = tpu.memref_slice %arg4[%add3A_152, %dma_wait3A_157, %dma_wait3A_158] : memref<4000x1x80xi32, #tpu.memory_space<hbm>> -> memref<1x1x80xi32, #tpu.memory_space<hbm>>
    %dma_wait3A_160 = tpu.memref_squeeze %dma_wait3A_159 : memref<1x1x80xi32, #tpu.memory_space<hbm>> -> memref<1x80xi32, #tpu.memory_space<hbm>>
    tpu.wait_dma2 semaphore(%arg19 : memref<!tpu.dma_semaphore, #tpu.memory_space<semaphore_mem>>) src(%dma_wait3A_160 : memref<1x80xi32, #tpu.memory_space<hbm>>) dst(%arg12 : memref<1x80xi32, #tpu.memory_space<vmem>>)
    %run_scoped3A_161 = arith.constant 0 : i32
    "tpu.region"() ({
      %run_scoped3A_185 = tpu.sem_alloc : memref<!tpu.dma_semaphore, #tpu.memory_space<semaphore_mem>>
      %dma_start3A_186 = arith.constant 0 : i32
      %dma_start3A_187 = tpu.memref_slice %arg12[%run_scoped3A_161, %dma_start3A_186] : memref<1x80xi32, #tpu.memory_space<vmem>> -> memref<1x80xi32, #tpu.memory_space<vmem>>
      %dma_start3A_188 = tpu.memref_squeeze %dma_start3A_187 : memref<1x80xi32, #tpu.memory_space<vmem>> -> memref<80xi32, #tpu.memory_space<vmem>>
      %dma_start3A_189 = arith.constant 0 : i32
      %dma_start3A_190 = arith.constant 0 : i32
      %dma_start3A_191 = tpu.memref_slice %arg14[%dma_start3A_189, %dma_start3A_190] : memref<10240x128xf32, #tpu.memory_space<vmem_shared>> -> memref<10240x128xf32, #tpu.memory_space<vmem_shared>>
      tpu.enqueue_indirect_dma source(%arg9 : memref<80x128xf32, #tpu.memory_space<vmem>>) target(%dma_start3A_191 : memref<10240x128xf32, #tpu.memory_space<vmem_shared>>) offsets(%dma_start3A_188 : memref<80xi32, #tpu.memory_space<vmem>>) semaphore(%run_scoped3A_185 : memref<!tpu.dma_semaphore, #tpu.memory_space<semaphore_mem>>) {add = true}
      %dma_wait3A_192 = arith.constant 0 : i32
      %dma_wait3A_193 = tpu.memref_slice %arg12[%run_scoped3A_161, %dma_wait3A_192] : memref<1x80xi32, #tpu.memory_space<vmem>> -> memref<1x80xi32, #tpu.memory_space<vmem>>
      %dma_wait3A_194 = tpu.memref_squeeze %dma_wait3A_193 : memref<1x80xi32, #tpu.memory_space<vmem>> -> memref<80xi32, #tpu.memory_space<vmem>>
      %dma_wait3A_195 = arith.constant 0 : i32
      %dma_wait3A_196 = arith.constant 0 : i32
      %dma_wait3A_197 = tpu.memref_slice %arg14[%dma_wait3A_195, %dma_wait3A_196] : memref<10240x128xf32, #tpu.memory_space<vmem_shared>> -> memref<10240x128xf32, #tpu.memory_space<vmem_shared>>
      tpu.wait_indirect_dma semaphore(%run_scoped3A_185 : memref<!tpu.dma_semaphore, #tpu.memory_space<semaphore_mem>>) src(%arg9 : memref<80x128xf32, #tpu.memory_space<vmem>>) dst(%dma_wait3A_197 : memref<10240x128xf32, #tpu.memory_space<vmem_shared>>)
      tpu.yield
    }) : () -> ()
    %dma_wait3A_162 = arith.constant 9920 : i32
    %dma_wait3A_163 = tpu.memref_slice %arg7[%dma_wait3A_162] : memref<10000xi32, #tpu.memory_space<vmem>> -> memref<80xi32, #tpu.memory_space<vmem>>
    %dma_wait3A_164 = arith.constant 0 : i32
    %dma_wait3A_165 = arith.constant 0 : i32
    %dma_wait3A_166 = tpu.memref_slice %arg2[%dma_wait3A_164, %dma_wait3A_165] : memref<10000x128xf32, #tpu.memory_space<hbm>> -> memref<10000x128xf32, #tpu.memory_space<hbm>>
    tpu.wait_indirect_dma semaphore(%arg17 : memref<!tpu.dma_semaphore, #tpu.memory_space<semaphore_mem>>) src(%dma_wait3A_166 : memref<10000x128xf32, #tpu.memory_space<hbm>>) dst(%arg10 : memref<80x128xf32, #tpu.memory_space<vmem>>)
    %mul3A_167 = arith.constant 125 : i32
    %mul3A_168 = arith.muli %add3A, %mul3A_167 : i32
    %add3A_169 = arith.constant 124 : i32
    %add3A_170 = arith.addi %mul3A_168, %add3A_169 : i32
    %dma_wait3A_171 = arith.constant 0 : i32
    %dma_wait3A_172 = arith.constant 0 : i32
    %dma_wait3A_173 = tpu.memref_slice %arg4[%add3A_170, %dma_wait3A_171, %dma_wait3A_172] : memref<4000x1x80xi32, #tpu.memory_space<hbm>> -> memref<1x1x80xi32, #tpu.memory_space<hbm>>
    %dma_wait3A_174 = tpu.memref_squeeze %dma_wait3A_173 : memref<1x1x80xi32, #tpu.memory_space<hbm>> -> memref<1x80xi32, #tpu.memory_space<hbm>>
    %dma_wait3A_175 = arith.constant 0 : i32
    %dma_wait3A_176 = arith.constant 0 : i32
    %dma_wait3A_177 = tpu.memref_slice %arg4[%add3A_170, %dma_wait3A_175, %dma_wait3A_176] : memref<4000x1x80xi32, #tpu.memory_space<hbm>> -> memref<1x1x80xi32, #tpu.memory_space<hbm>>
    %dma_wait3A_178 = tpu.memref_squeeze %dma_wait3A_177 : memref<1x1x80xi32, #tpu.memory_space<hbm>> -> memref<1x80xi32, #tpu.memory_space<hbm>>
    tpu.wait_dma2 semaphore(%arg20 : memref<!tpu.dma_semaphore, #tpu.memory_space<semaphore_mem>>) src(%dma_wait3A_178 : memref<1x80xi32, #tpu.memory_space<hbm>>) dst(%arg13 : memref<1x80xi32, #tpu.memory_space<vmem>>)
    %run_scoped3A_179 = arith.constant 0 : i32
    "tpu.region"() ({
      %run_scoped3A_185 = tpu.sem_alloc : memref<!tpu.dma_semaphore, #tpu.memory_space<semaphore_mem>>
      %dma_start3A_186 = arith.constant 0 : i32
      %dma_start3A_187 = tpu.memref_slice %arg13[%run_scoped3A_179, %dma_start3A_186] : memref<1x80xi32, #tpu.memory_space<vmem>> -> memref<1x80xi32, #tpu.memory_space<vmem>>
      %dma_start3A_188 = tpu.memref_squeeze %dma_start3A_187 : memref<1x80xi32, #tpu.memory_space<vmem>> -> memref<80xi32, #tpu.memory_space<vmem>>
      %dma_start3A_189 = arith.constant 0 : i32
      %dma_start3A_190 = arith.constant 0 : i32
      %dma_start3A_191 = tpu.memref_slice %arg14[%dma_start3A_189, %dma_start3A_190] : memref<10240x128xf32, #tpu.memory_space<vmem_shared>> -> memref<10240x128xf32, #tpu.memory_space<vmem_shared>>
      tpu.enqueue_indirect_dma source(%arg10 : memref<80x128xf32, #tpu.memory_space<vmem>>) target(%dma_start3A_191 : memref<10240x128xf32, #tpu.memory_space<vmem_shared>>) offsets(%dma_start3A_188 : memref<80xi32, #tpu.memory_space<vmem>>) semaphore(%run_scoped3A_185 : memref<!tpu.dma_semaphore, #tpu.memory_space<semaphore_mem>>) {add = true}
      %dma_wait3A_192 = arith.constant 0 : i32
      %dma_wait3A_193 = tpu.memref_slice %arg13[%run_scoped3A_179, %dma_wait3A_192] : memref<1x80xi32, #tpu.memory_space<vmem>> -> memref<1x80xi32, #tpu.memory_space<vmem>>
      %dma_wait3A_194 = tpu.memref_squeeze %dma_wait3A_193 : memref<1x80xi32, #tpu.memory_space<vmem>> -> memref<80xi32, #tpu.memory_space<vmem>>
      %dma_wait3A_195 = arith.constant 0 : i32
      %dma_wait3A_196 = arith.constant 0 : i32
      %dma_wait3A_197 = tpu.memref_slice %arg14[%dma_wait3A_195, %dma_wait3A_196] : memref<10240x128xf32, #tpu.memory_space<vmem_shared>> -> memref<10240x128xf32, #tpu.memory_space<vmem_shared>>
      tpu.wait_indirect_dma semaphore(%run_scoped3A_185 : memref<!tpu.dma_semaphore, #tpu.memory_space<semaphore_mem>>) src(%arg10 : memref<80x128xf32, #tpu.memory_space<vmem>>) dst(%dma_wait3A_197 : memref<10240x128xf32, #tpu.memory_space<vmem_shared>>)
      tpu.yield
    }) : () -> ()
    %barrier3A_180 = arith.constant 0 : index
    tpu.barrier barrier_id(%barrier3A_180)
    %mul3A_181 = arith.constant 640 : i32
    %mul3A_182 = arith.muli %arg1, %mul3A_181 : i32
    %mul3A_183 = arith.constant 640 : i32
    %mul3A_184 = arith.muli %arg1, %mul3A_183 : i32
    "tpu.region"() ({
      %run_scoped3A_185 = tpu.sem_alloc : memref<!tpu.dma_semaphore, #tpu.memory_space<semaphore_mem>>
      %dma_start3A_186 = arith.constant 0 : i32
      %dma_start3A_187 = tpu.memref_slice %arg6[%arg0, %mul3A_184, %dma_start3A_186] : memref<2x10240x128xf32, #tpu.memory_space<hbm>> -> memref<1x640x128xf32, #tpu.memory_space<hbm>>
      %dma_start3A_188 = tpu.memref_squeeze %dma_start3A_187 : memref<1x640x128xf32, #tpu.memory_space<hbm>> -> memref<640x128xf32, #tpu.memory_space<hbm>>
      %dma_start3A_189 = arith.constant 0 : i32
      %dma_start3A_190 = tpu.memref_slice %arg14[%mul3A_182, %dma_start3A_189] : memref<10240x128xf32, #tpu.memory_space<vmem_shared>> -> memref<640x128xf32, #tpu.memory_space<vmem_shared>>
      tpu.enqueue_dma source(%dma_start3A_190 : memref<640x128xf32, #tpu.memory_space<vmem_shared>>) target(%dma_start3A_188 : memref<640x128xf32, #tpu.memory_space<hbm>>) target_semaphore(%run_scoped3A_185 : memref<!tpu.dma_semaphore, #tpu.memory_space<semaphore_mem>>)
      %dma_wait3A_191 = arith.constant 0 : i32
      %dma_wait3A_192 = tpu.memref_slice %arg6[%arg0, %mul3A_184, %dma_wait3A_191] : memref<2x10240x128xf32, #tpu.memory_space<hbm>> -> memref<1x640x128xf32, #tpu.memory_space<hbm>>
      %dma_wait3A_193 = tpu.memref_squeeze %dma_wait3A_192 : memref<1x640x128xf32, #tpu.memory_space<hbm>> -> memref<640x128xf32, #tpu.memory_space<hbm>>
      %dma_wait3A_194 = arith.constant 0 : i32
      %dma_wait3A_195 = tpu.memref_slice %arg14[%mul3A_182, %dma_wait3A_194] : memref<10240x128xf32, #tpu.memory_space<vmem_shared>> -> memref<640x128xf32, #tpu.memory_space<vmem_shared>>
      tpu.wait_dma2 semaphore(%run_scoped3A_185 : memref<!tpu.dma_semaphore, #tpu.memory_space<semaphore_mem>>) src(%dma_wait3A_195 : memref<640x128xf32, #tpu.memory_space<vmem_shared>>) dst(%dma_wait3A_193 : memref<640x128xf32, #tpu.memory_space<hbm>>)
      tpu.yield
    }) : () -> ()
    return
  }
}

#map = affine_map<(d0, d1) -> (0, 0, 0)>
#map1 = affine_map<(d0, d1) -> (0)>
module attributes {stable_mosaic.version = 14 : i64} {
  func.func @_degrees(%arg0: i32, %arg1: i32, %arg2: memref<32x125x80xi32, #tpu.memory_space<hbm>>, %arg3: memref<32x125x80xi32, #tpu.memory_space<hbm>>, %arg4: memref<10000xf32, #tpu.memory_space<hbm>>, %arg5: memref<2x2x10000xf32, #tpu.memory_space<hbm>>, %arg6: memref<125x80xi32, #tpu.memory_space<vmem>>, %arg7: memref<125x80xi32, #tpu.memory_space<vmem>>, %arg8: memref<80xf32, #tpu.memory_space<vmem>>, %arg9: memref<10000xf32, #tpu.memory_space<vmem_shared>>, %arg10: memref<10000xf32, #tpu.memory_space<vmem_shared>>, %arg11: memref<!tpu.dma_semaphore, #tpu.memory_space<semaphore_mem>>, %arg12: memref<!tpu.dma_semaphore, #tpu.memory_space<semaphore_mem>>) attributes {dimension_semantics = [#tpu.dimension_semantics<core_parallel>, #tpu.dimension_semantics<subcore_parallel>], iteration_bounds = array<i64: 2, 16>, scalar_prefetch = 0 : i64, scratch_operands = 7 : i64, tpu.core_type = #tpu.core_type<sc_vector_subcore>, window_params = [{transform_indices = #map}, {transform_indices = #map}, {transform_indices = #map1}, {transform_indices = #map}]} {
    %mul3A = arith.constant 2 : i32
    %mul3A_0 = arith.muli %arg1, %mul3A : i32
    %add3A = arith.addi %mul3A_0, %arg0 : i32
    %eq3A = arith.constant 0 : i32
    %eq3A_1 = arith.cmpi eq, %arg1, %eq3A : i32
    %convert_element_type3A = arith.extui %eq3A_1 : i1 to i32
    %cond3A = arith.constant 0 : i32
    %cond3A_2 = arith.cmpi ne, %convert_element_type3A, %cond3A : i32
    scf.if %cond3A_2 {
      "tpu.region"() ({
        %run_scoped3A = tpu.sem_alloc : memref<!tpu.dma_semaphore, #tpu.memory_space<semaphore_mem>>
        tpu.enqueue_dma source(%arg4 : memref<10000xf32, #tpu.memory_space<hbm>>) target(%arg9 : memref<10000xf32, #tpu.memory_space<vmem_shared>>) target_semaphore(%run_scoped3A : memref<!tpu.dma_semaphore, #tpu.memory_space<semaphore_mem>>)
        tpu.wait_dma2 semaphore(%run_scoped3A : memref<!tpu.dma_semaphore, #tpu.memory_space<semaphore_mem>>) src(%arg4 : memref<10000xf32, #tpu.memory_space<hbm>>) dst(%arg9 : memref<10000xf32, #tpu.memory_space<vmem_shared>>)
        tpu.yield
      }) : () -> ()
      "tpu.region"() ({
        %run_scoped3A = tpu.sem_alloc : memref<!tpu.dma_semaphore, #tpu.memory_space<semaphore_mem>>
        tpu.enqueue_dma source(%arg4 : memref<10000xf32, #tpu.memory_space<hbm>>) target(%arg10 : memref<10000xf32, #tpu.memory_space<vmem_shared>>) target_semaphore(%run_scoped3A : memref<!tpu.dma_semaphore, #tpu.memory_space<semaphore_mem>>)
        tpu.wait_dma2 semaphore(%run_scoped3A : memref<!tpu.dma_semaphore, #tpu.memory_space<semaphore_mem>>) src(%arg4 : memref<10000xf32, #tpu.memory_space<hbm>>) dst(%arg10 : memref<10000xf32, #tpu.memory_space<vmem_shared>>)
        tpu.yield
      }) : () -> ()
    } else {
    }
    %broadcast_in_dim3A = arith.constant 1.000000e+00 : f32
    %broadcast_in_dim3A_3 = vector.broadcast %broadcast_in_dim3A : f32 to vector<16xf32>
    %swap3A = arith.constant 0 : index
    %swap3A_4 = tpu.vector_load %arg8[%swap3A] {strides = array<i32>} : memref<80xf32, #tpu.memory_space<vmem>>, vector<16xf32>,
    %swap3A_5 = vector.shape_cast %swap3A_4 : vector<16xf32> to vector<16xf32>
    %swap3A_6 = vector.shape_cast %broadcast_in_dim3A_3 : vector<16xf32> to vector<16xf32>
    tpu.vector_store %arg8[%swap3A], %swap3A_6 {strides = array<i32>} : memref<80xf32, #tpu.memory_space<vmem>>, vector<16xf32>,
    %broadcast_in_dim3A_7 = arith.constant 1.000000e+00 : f32
    %broadcast_in_dim3A_8 = vector.broadcast %broadcast_in_dim3A_7 : f32 to vector<16xf32>
    %swap3A_9 = arith.constant 16 : index
    %swap3A_10 = tpu.vector_load %arg8[%swap3A_9] {strides = array<i32>} : memref<80xf32, #tpu.memory_space<vmem>>, vector<16xf32>,
    %swap3A_11 = vector.shape_cast %swap3A_10 : vector<16xf32> to vector<16xf32>
    %swap3A_12 = vector.shape_cast %broadcast_in_dim3A_8 : vector<16xf32> to vector<16xf32>
    tpu.vector_store %arg8[%swap3A_9], %swap3A_12 {strides = array<i32>} : memref<80xf32, #tpu.memory_space<vmem>>, vector<16xf32>,
    %broadcast_in_dim3A_13 = arith.constant 1.000000e+00 : f32
    %broadcast_in_dim3A_14 = vector.broadcast %broadcast_in_dim3A_13 : f32 to vector<16xf32>
    %swap3A_15 = arith.constant 32 : index
    %swap3A_16 = tpu.vector_load %arg8[%swap3A_15] {strides = array<i32>} : memref<80xf32, #tpu.memory_space<vmem>>, vector<16xf32>,
    %swap3A_17 = vector.shape_cast %swap3A_16 : vector<16xf32> to vector<16xf32>
    %swap3A_18 = vector.shape_cast %broadcast_in_dim3A_14 : vector<16xf32> to vector<16xf32>
    tpu.vector_store %arg8[%swap3A_15], %swap3A_18 {strides = array<i32>} : memref<80xf32, #tpu.memory_space<vmem>>, vector<16xf32>,
    %broadcast_in_dim3A_19 = arith.constant 1.000000e+00 : f32
    %broadcast_in_dim3A_20 = vector.broadcast %broadcast_in_dim3A_19 : f32 to vector<16xf32>
    %swap3A_21 = arith.constant 48 : index
    %swap3A_22 = tpu.vector_load %arg8[%swap3A_21] {strides = array<i32>} : memref<80xf32, #tpu.memory_space<vmem>>, vector<16xf32>,
    %swap3A_23 = vector.shape_cast %swap3A_22 : vector<16xf32> to vector<16xf32>
    %swap3A_24 = vector.shape_cast %broadcast_in_dim3A_20 : vector<16xf32> to vector<16xf32>
    tpu.vector_store %arg8[%swap3A_21], %swap3A_24 {strides = array<i32>} : memref<80xf32, #tpu.memory_space<vmem>>, vector<16xf32>,
    %broadcast_in_dim3A_25 = arith.constant 1.000000e+00 : f32
    %broadcast_in_dim3A_26 = vector.broadcast %broadcast_in_dim3A_25 : f32 to vector<16xf32>
    %swap3A_27 = arith.constant 64 : index
    %swap3A_28 = tpu.vector_load %arg8[%swap3A_27] {strides = array<i32>} : memref<80xf32, #tpu.memory_space<vmem>>, vector<16xf32>,
    %swap3A_29 = vector.shape_cast %swap3A_28 : vector<16xf32> to vector<16xf32>
    %swap3A_30 = vector.shape_cast %broadcast_in_dim3A_26 : vector<16xf32> to vector<16xf32>
    tpu.vector_store %arg8[%swap3A_27], %swap3A_30 {strides = array<i32>} : memref<80xf32, #tpu.memory_space<vmem>>, vector<16xf32>,
    "tpu.region"() ({
      %run_scoped3A = tpu.sem_alloc : memref<!tpu.dma_semaphore, #tpu.memory_space<semaphore_mem>>
      %dma_start3A = arith.constant 0 : i32
      %dma_start3A_48 = arith.constant 0 : i32
      %dma_start3A_49 = tpu.memref_slice %arg2[%add3A, %dma_start3A, %dma_start3A_48] : memref<32x125x80xi32, #tpu.memory_space<hbm>> -> memref<1x125x80xi32, #tpu.memory_space<hbm>>
      %dma_start3A_50 = tpu.memref_squeeze %dma_start3A_49 : memref<1x125x80xi32, #tpu.memory_space<hbm>> -> memref<125x80xi32, #tpu.memory_space<hbm>>
      %dma_start3A_51 = arith.constant 0 : i32
      %dma_start3A_52 = arith.constant 0 : i32
      %dma_start3A_53 = tpu.memref_slice %arg2[%add3A, %dma_start3A_51, %dma_start3A_52] : memref<32x125x80xi32, #tpu.memory_space<hbm>> -> memref<1x125x80xi32, #tpu.memory_space<hbm>>
      %dma_start3A_54 = tpu.memref_squeeze %dma_start3A_53 : memref<1x125x80xi32, #tpu.memory_space<hbm>> -> memref<125x80xi32, #tpu.memory_space<hbm>>
      tpu.enqueue_dma source(%dma_start3A_54 : memref<125x80xi32, #tpu.memory_space<hbm>>) target(%arg6 : memref<125x80xi32, #tpu.memory_space<vmem>>) target_semaphore(%run_scoped3A : memref<!tpu.dma_semaphore, #tpu.memory_space<semaphore_mem>>)
      %dma_wait3A = arith.constant 0 : i32
      %dma_wait3A_55 = arith.constant 0 : i32
      %dma_wait3A_56 = tpu.memref_slice %arg2[%add3A, %dma_wait3A, %dma_wait3A_55] : memref<32x125x80xi32, #tpu.memory_space<hbm>> -> memref<1x125x80xi32, #tpu.memory_space<hbm>>
      %dma_wait3A_57 = tpu.memref_squeeze %dma_wait3A_56 : memref<1x125x80xi32, #tpu.memory_space<hbm>> -> memref<125x80xi32, #tpu.memory_space<hbm>>
      %dma_wait3A_58 = arith.constant 0 : i32
      %dma_wait3A_59 = arith.constant 0 : i32
      %dma_wait3A_60 = tpu.memref_slice %arg2[%add3A, %dma_wait3A_58, %dma_wait3A_59] : memref<32x125x80xi32, #tpu.memory_space<hbm>> -> memref<1x125x80xi32, #tpu.memory_space<hbm>>
      %dma_wait3A_61 = tpu.memref_squeeze %dma_wait3A_60 : memref<1x125x80xi32, #tpu.memory_space<hbm>> -> memref<125x80xi32, #tpu.memory_space<hbm>>
      tpu.wait_dma2 semaphore(%run_scoped3A : memref<!tpu.dma_semaphore, #tpu.memory_space<semaphore_mem>>) src(%dma_wait3A_61 : memref<125x80xi32, #tpu.memory_space<hbm>>) dst(%arg6 : memref<125x80xi32, #tpu.memory_space<vmem>>)
      tpu.yield
    }) : () -> ()
    "tpu.region"() ({
      %run_scoped3A = tpu.sem_alloc : memref<!tpu.dma_semaphore, #tpu.memory_space<semaphore_mem>>
      %dma_start3A = arith.constant 0 : i32
      %dma_start3A_48 = arith.constant 0 : i32
      %dma_start3A_49 = tpu.memref_slice %arg3[%add3A, %dma_start3A, %dma_start3A_48] : memref<32x125x80xi32, #tpu.memory_space<hbm>> -> memref<1x125x80xi32, #tpu.memory_space<hbm>>
      %dma_start3A_50 = tpu.memref_squeeze %dma_start3A_49 : memref<1x125x80xi32, #tpu.memory_space<hbm>> -> memref<125x80xi32, #tpu.memory_space<hbm>>
      %dma_start3A_51 = arith.constant 0 : i32
      %dma_start3A_52 = arith.constant 0 : i32
      %dma_start3A_53 = tpu.memref_slice %arg3[%add3A, %dma_start3A_51, %dma_start3A_52] : memref<32x125x80xi32, #tpu.memory_space<hbm>> -> memref<1x125x80xi32, #tpu.memory_space<hbm>>
      %dma_start3A_54 = tpu.memref_squeeze %dma_start3A_53 : memref<1x125x80xi32, #tpu.memory_space<hbm>> -> memref<125x80xi32, #tpu.memory_space<hbm>>
      tpu.enqueue_dma source(%dma_start3A_54 : memref<125x80xi32, #tpu.memory_space<hbm>>) target(%arg7 : memref<125x80xi32, #tpu.memory_space<vmem>>) target_semaphore(%run_scoped3A : memref<!tpu.dma_semaphore, #tpu.memory_space<semaphore_mem>>)
      %dma_wait3A = arith.constant 0 : i32
      %dma_wait3A_55 = arith.constant 0 : i32
      %dma_wait3A_56 = tpu.memref_slice %arg3[%add3A, %dma_wait3A, %dma_wait3A_55] : memref<32x125x80xi32, #tpu.memory_space<hbm>> -> memref<1x125x80xi32, #tpu.memory_space<hbm>>
      %dma_wait3A_57 = tpu.memref_squeeze %dma_wait3A_56 : memref<1x125x80xi32, #tpu.memory_space<hbm>> -> memref<125x80xi32, #tpu.memory_space<hbm>>
      %dma_wait3A_58 = arith.constant 0 : i32
      %dma_wait3A_59 = arith.constant 0 : i32
      %dma_wait3A_60 = tpu.memref_slice %arg3[%add3A, %dma_wait3A_58, %dma_wait3A_59] : memref<32x125x80xi32, #tpu.memory_space<hbm>> -> memref<1x125x80xi32, #tpu.memory_space<hbm>>
      %dma_wait3A_61 = tpu.memref_squeeze %dma_wait3A_60 : memref<1x125x80xi32, #tpu.memory_space<hbm>> -> memref<125x80xi32, #tpu.memory_space<hbm>>
      tpu.wait_dma2 semaphore(%run_scoped3A : memref<!tpu.dma_semaphore, #tpu.memory_space<semaphore_mem>>) src(%dma_wait3A_61 : memref<125x80xi32, #tpu.memory_space<hbm>>) dst(%arg7 : memref<125x80xi32, #tpu.memory_space<vmem>>)
      tpu.yield
    }) : () -> ()
    %barrier3A = arith.constant 0 : index
    tpu.barrier barrier_id(%barrier3A)
    %scan3A = arith.constant 0 : i32
    %scan3A_31 = arith.constant 0 : i32
    %scan3A_32 = arith.constant 125 : i32
    %scan3A_33 = arith.addi %scan3A_31, %scan3A_32 : i32
    %scan3A_34 = arith.constant 1 : i32
    scf.for %scan3A_48 = %scan3A_31 to %scan3A_33 step %scan3A_34  : i32 {
      %dma_start3A = arith.constant 0 : i32
      %dma_start3A_49 = tpu.memref_slice %arg6[%scan3A_48, %dma_start3A] : memref<125x80xi32, #tpu.memory_space<vmem>> -> memref<1x80xi32, #tpu.memory_space<vmem>>
      %dma_start3A_50 = tpu.memref_squeeze %dma_start3A_49 : memref<1x80xi32, #tpu.memory_space<vmem>> -> memref<80xi32, #tpu.memory_space<vmem>>
      %dma_start3A_51 = arith.constant 0 : i32
      %dma_start3A_52 = tpu.memref_slice %arg9[%dma_start3A_51] : memref<10000xf32, #tpu.memory_space<vmem_shared>> -> memref<10000xf32, #tpu.memory_space<vmem_shared>>
      tpu.enqueue_indirect_dma source(%arg8 : memref<80xf32, #tpu.memory_space<vmem>>) target(%dma_start3A_52 : memref<10000xf32, #tpu.memory_space<vmem_shared>>) offsets(%dma_start3A_50 : memref<80xi32, #tpu.memory_space<vmem>>) semaphore(%arg11 : memref<!tpu.dma_semaphore, #tpu.memory_space<semaphore_mem>>) {add = true}
      %dma_start3A_53 = arith.constant 0 : i32
      %dma_start3A_54 = tpu.memref_slice %arg7[%scan3A_48, %dma_start3A_53] : memref<125x80xi32, #tpu.memory_space<vmem>> -> memref<1x80xi32, #tpu.memory_space<vmem>>
      %dma_start3A_55 = tpu.memref_squeeze %dma_start3A_54 : memref<1x80xi32, #tpu.memory_space<vmem>> -> memref<80xi32, #tpu.memory_space<vmem>>
      %dma_start3A_56 = arith.constant 0 : i32
      %dma_start3A_57 = tpu.memref_slice %arg10[%dma_start3A_56] : memref<10000xf32, #tpu.memory_space<vmem_shared>> -> memref<10000xf32, #tpu.memory_space<vmem_shared>>
      tpu.enqueue_indirect_dma source(%arg8 : memref<80xf32, #tpu.memory_space<vmem>>) target(%dma_start3A_57 : memref<10000xf32, #tpu.memory_space<vmem_shared>>) offsets(%dma_start3A_55 : memref<80xi32, #tpu.memory_space<vmem>>) semaphore(%arg12 : memref<!tpu.dma_semaphore, #tpu.memory_space<semaphore_mem>>) {add = true}
    }
    %scan3A_35 = arith.constant 125 : i32
    %scan3A_36 = arith.constant 0 : i32
    %scan3A_37 = arith.constant 0 : i32
    %scan3A_38 = arith.constant 125 : i32
    %scan3A_39 = arith.addi %scan3A_37, %scan3A_38 : i32
    %scan3A_40 = arith.constant 1 : i32
    scf.for %scan3A_48 = %scan3A_37 to %scan3A_39 step %scan3A_40  : i32 {
      %dma_wait3A = arith.constant 0 : i32
      %dma_wait3A_49 = arith.constant 0 : i32
      %dma_wait3A_50 = tpu.memref_slice %arg6[%dma_wait3A, %dma_wait3A_49] : memref<125x80xi32, #tpu.memory_space<vmem>> -> memref<1x80xi32, #tpu.memory_space<vmem>>
      %dma_wait3A_51 = tpu.memref_squeeze %dma_wait3A_50 : memref<1x80xi32, #tpu.memory_space<vmem>> -> memref<80xi32, #tpu.memory_space<vmem>>
      %dma_wait3A_52 = arith.constant 0 : i32
      %dma_wait3A_53 = tpu.memref_slice %arg9[%dma_wait3A_52] : memref<10000xf32, #tpu.memory_space<vmem_shared>> -> memref<10000xf32, #tpu.memory_space<vmem_shared>>
      tpu.wait_indirect_dma semaphore(%arg11 : memref<!tpu.dma_semaphore, #tpu.memory_space<semaphore_mem>>) src(%arg8 : memref<80xf32, #tpu.memory_space<vmem>>) dst(%dma_wait3A_53 : memref<10000xf32, #tpu.memory_space<vmem_shared>>)
      %dma_wait3A_54 = arith.constant 0 : i32
      %dma_wait3A_55 = arith.constant 0 : i32
      %dma_wait3A_56 = tpu.memref_slice %arg7[%dma_wait3A_54, %dma_wait3A_55] : memref<125x80xi32, #tpu.memory_space<vmem>> -> memref<1x80xi32, #tpu.memory_space<vmem>>
      %dma_wait3A_57 = tpu.memref_squeeze %dma_wait3A_56 : memref<1x80xi32, #tpu.memory_space<vmem>> -> memref<80xi32, #tpu.memory_space<vmem>>
      %dma_wait3A_58 = arith.constant 0 : i32
      %dma_wait3A_59 = tpu.memref_slice %arg10[%dma_wait3A_58] : memref<10000xf32, #tpu.memory_space<vmem_shared>> -> memref<10000xf32, #tpu.memory_space<vmem_shared>>
      tpu.wait_indirect_dma semaphore(%arg12 : memref<!tpu.dma_semaphore, #tpu.memory_space<semaphore_mem>>) src(%arg8 : memref<80xf32, #tpu.memory_space<vmem>>) dst(%dma_wait3A_59 : memref<10000xf32, #tpu.memory_space<vmem_shared>>)
    }
    %scan3A_41 = arith.constant 125 : i32
    %barrier3A_42 = arith.constant 0 : index
    tpu.barrier barrier_id(%barrier3A_42)
    %eq3A_43 = arith.constant 0 : i32
    %eq3A_44 = arith.cmpi eq, %arg1, %eq3A_43 : i32
    %convert_element_type3A_45 = arith.extui %eq3A_44 : i1 to i32
    %cond3A_46 = arith.constant 0 : i32
    %cond3A_47 = arith.cmpi ne, %convert_element_type3A_45, %cond3A_46 : i32
    scf.if %cond3A_47 {
      %run_scoped3A = arith.constant 0 : i32
      "tpu.region"() ({
        %run_scoped3A_49 = tpu.sem_alloc : memref<!tpu.dma_semaphore, #tpu.memory_space<semaphore_mem>>
        %dma_start3A = arith.constant 0 : i32
        %dma_start3A_50 = tpu.memref_slice %arg5[%arg0, %run_scoped3A, %dma_start3A] : memref<2x2x10000xf32, #tpu.memory_space<hbm>> -> memref<1x1x10000xf32, #tpu.memory_space<hbm>>
        %dma_start3A_51 = tpu.memref_squeeze %dma_start3A_50 : memref<1x1x10000xf32, #tpu.memory_space<hbm>> -> memref<10000xf32, #tpu.memory_space<hbm>>
        tpu.enqueue_dma source(%arg9 : memref<10000xf32, #tpu.memory_space<vmem_shared>>) target(%dma_start3A_51 : memref<10000xf32, #tpu.memory_space<hbm>>) target_semaphore(%run_scoped3A_49 : memref<!tpu.dma_semaphore, #tpu.memory_space<semaphore_mem>>)
        %dma_wait3A = arith.constant 0 : i32
        %dma_wait3A_52 = tpu.memref_slice %arg5[%arg0, %run_scoped3A, %dma_wait3A] : memref<2x2x10000xf32, #tpu.memory_space<hbm>> -> memref<1x1x10000xf32, #tpu.memory_space<hbm>>
        %dma_wait3A_53 = tpu.memref_squeeze %dma_wait3A_52 : memref<1x1x10000xf32, #tpu.memory_space<hbm>> -> memref<10000xf32, #tpu.memory_space<hbm>>
        tpu.wait_dma2 semaphore(%run_scoped3A_49 : memref<!tpu.dma_semaphore, #tpu.memory_space<semaphore_mem>>) src(%arg9 : memref<10000xf32, #tpu.memory_space<vmem_shared>>) dst(%dma_wait3A_53 : memref<10000xf32, #tpu.memory_space<hbm>>)
        tpu.yield
      }) : () -> ()
      %run_scoped3A_48 = arith.constant 1 : i32
      "tpu.region"() ({
        %run_scoped3A_49 = tpu.sem_alloc : memref<!tpu.dma_semaphore, #tpu.memory_space<semaphore_mem>>
        %dma_start3A = arith.constant 0 : i32
        %dma_start3A_50 = tpu.memref_slice %arg5[%arg0, %run_scoped3A_48, %dma_start3A] : memref<2x2x10000xf32, #tpu.memory_space<hbm>> -> memref<1x1x10000xf32, #tpu.memory_space<hbm>>
        %dma_start3A_51 = tpu.memref_squeeze %dma_start3A_50 : memref<1x1x10000xf32, #tpu.memory_space<hbm>> -> memref<10000xf32, #tpu.memory_space<hbm>>
        tpu.enqueue_dma source(%arg10 : memref<10000xf32, #tpu.memory_space<vmem_shared>>) target(%dma_start3A_51 : memref<10000xf32, #tpu.memory_space<hbm>>) target_semaphore(%run_scoped3A_49 : memref<!tpu.dma_semaphore, #tpu.memory_space<semaphore_mem>>)
        %dma_wait3A = arith.constant 0 : i32
        %dma_wait3A_52 = tpu.memref_slice %arg5[%arg0, %run_scoped3A_48, %dma_wait3A] : memref<2x2x10000xf32, #tpu.memory_space<hbm>> -> memref<1x1x10000xf32, #tpu.memory_space<hbm>>
        %dma_wait3A_53 = tpu.memref_squeeze %dma_wait3A_52 : memref<1x1x10000xf32, #tpu.memory_space<hbm>> -> memref<10000xf32, #tpu.memory_space<hbm>>
        tpu.wait_dma2 semaphore(%run_scoped3A_49 : memref<!tpu.dma_semaphore, #tpu.memory_space<semaphore_mem>>) src(%arg10 : memref<10000xf32, #tpu.memory_space<vmem_shared>>) dst(%dma_wait3A_53 : memref<10000xf32, #tpu.memory_space<hbm>>)
        tpu.yield
      }) : () -> ()
    } else {
    }
    return
  }
}

#map = affine_map<(d0, d1) -> (0, 0)>
#map1 = affine_map<(d0, d1) -> (0, 0, 0)>
module attributes {stable_mosaic.version = 14 : i64} {
  func.func @segsum(%arg0: i32, %arg1: i32, %arg2: memref<10000x128xf32, #tpu.memory_space<hbm>>, %arg3: memref<32x10000xi32, #tpu.memory_space<hbm>>, %arg4: memref<4000x1x80xi32, #tpu.memory_space<hbm>>, %arg5: memref<640x128xf32, #tpu.memory_space<hbm>>, %arg6: memref<2x10240x128xf32, #tpu.memory_space<hbm>>, %arg7: memref<10000xi32, #tpu.memory_space<vmem>>, %arg8: memref<80x128xf32, #tpu.memory_space<vmem>>, %arg9: memref<80x128xf32, #tpu.memory_space<vmem>>, %arg10: memref<80x128xf32, #tpu.memory_space<vmem>>, %arg11: memref<1x80xi32, #tpu.memory_space<vmem>>, %arg12: memref<1x80xi32, #tpu.memory_space<vmem>>, %arg13: memref<1x80xi32, #tpu.memory_space<vmem>>, %arg14: memref<10240x128xf32, #tpu.memory_space<vmem_shared>>, %arg15: memref<!tpu.dma_semaphore, #tpu.memory_space<semaphore_mem>>, %arg16: memref<!tpu.dma_semaphore, #tpu.memory_space<semaphore_mem>>, %arg17: memref<!tpu.dma_semaphore, #tpu.memory_space<semaphore_mem>>, %arg18: memref<!tpu.dma_semaphore, #tpu.memory_space<semaphore_mem>>, %arg19: memref<!tpu.dma_semaphore, #tpu.memory_space<semaphore_mem>>, %arg20: memref<!tpu.dma_semaphore, #tpu.memory_space<semaphore_mem>>) attributes {dimension_semantics = [#tpu.dimension_semantics<core_parallel>, #tpu.dimension_semantics<subcore_parallel>], iteration_bounds = array<i64: 2, 16>, scalar_prefetch = 0 : i64, scratch_operands = 14 : i64, tpu.core_type = #tpu.core_type<sc_vector_subcore>, window_params = [{transform_indices = #map}, {transform_indices = #map}, {transform_indices = #map1}, {transform_indices = #map}, {transform_indices = #map1}]} {
    %mul3A = arith.constant 2 : i32
    %mul3A_0 = arith.muli %arg1, %mul3A : i32
    %add3A = arith.addi %mul3A_0, %arg0 : i32
    %mul3A_1 = arith.constant 640 : i32
    %mul3A_2 = arith.muli %arg1, %mul3A_1 : i32
    "tpu.region"() ({
      %run_scoped3A_185 = tpu.sem_alloc : memref<!tpu.dma_semaphore, #tpu.memory_space<semaphore_mem>>
      %dma_start3A_186 = arith.constant 0 : i32
      %dma_start3A_187 = tpu.memref_slice %arg14[%mul3A_2, %dma_start3A_186] : memref<10240x128xf32, #tpu.memory_space<vmem_shared>> -> memref<640x128xf32, #tpu.memory_space<vmem_shared>>
      tpu.enqueue_dma source(%arg5 : memref<640x128xf32, #tpu.memory_space<hbm>>) target(%dma_start3A_187 : memref<640x128xf32, #tpu.memory_space<vmem_shared>>) target_semaphore(%run_scoped3A_185 : memref<!tpu.dma_semaphore, #tpu.memory_space<semaphore_mem>>)
      %dma_wait3A_188 = arith.constant 0 : i32
      %dma_wait3A_189 = tpu.memref_slice %arg14[%mul3A_2, %dma_wait3A_188] : memref<10240x128xf32, #tpu.memory_space<vmem_shared>> -> memref<640x128xf32, #tpu.memory_space<vmem_shared>>
      tpu.wait_dma2 semaphore(%run_scoped3A_185 : memref<!tpu.dma_semaphore, #tpu.memory_space<semaphore_mem>>) src(%arg5 : memref<640x128xf32, #tpu.memory_space<hbm>>) dst(%dma_wait3A_189 : memref<640x128xf32, #tpu.memory_space<vmem_shared>>)
      tpu.yield
    }) : () -> ()
    "tpu.region"() ({
      %run_scoped3A_185 = tpu.sem_alloc : memref<!tpu.dma_semaphore, #tpu.memory_space<semaphore_mem>>
      %dma_start3A_186 = arith.constant 0 : i32
      %dma_start3A_187 = tpu.memref_slice %arg3[%add3A, %dma_start3A_186] : memref<32x10000xi32, #tpu.memory_space<hbm>> -> memref<1x10000xi32, #tpu.memory_space<hbm>>
      %dma_start3A_188 = tpu.memref_squeeze %dma_start3A_187 : memref<1x10000xi32, #tpu.memory_space<hbm>> -> memref<10000xi32, #tpu.memory_space<hbm>>
      %dma_start3A_189 = arith.constant 0 : i32
      %dma_start3A_190 = tpu.memref_slice %arg3[%add3A, %dma_start3A_189] : memref<32x10000xi32, #tpu.memory_space<hbm>> -> memref<1x10000xi32, #tpu.memory_space<hbm>>
      %dma_start3A_191 = tpu.memref_squeeze %dma_start3A_190 : memref<1x10000xi32, #tpu.memory_space<hbm>> -> memref<10000xi32, #tpu.memory_space<hbm>>
      tpu.enqueue_dma source(%dma_start3A_191 : memref<10000xi32, #tpu.memory_space<hbm>>) target(%arg7 : memref<10000xi32, #tpu.memory_space<vmem>>) target_semaphore(%run_scoped3A_185 : memref<!tpu.dma_semaphore, #tpu.memory_space<semaphore_mem>>)
      %dma_wait3A_192 = arith.constant 0 : i32
      %dma_wait3A_193 = tpu.memref_slice %arg3[%add3A, %dma_wait3A_192] : memref<32x10000xi32, #tpu.memory_space<hbm>> -> memref<1x10000xi32, #tpu.memory_space<hbm>>
      %dma_wait3A_194 = tpu.memref_squeeze %dma_wait3A_193 : memref<1x10000xi32, #tpu.memory_space<hbm>> -> memref<10000xi32, #tpu.memory_space<hbm>>
      %dma_wait3A_195 = arith.constant 0 : i32
      %dma_wait3A_196 = tpu.memref_slice %arg3[%add3A, %dma_wait3A_195] : memref<32x10000xi32, #tpu.memory_space<hbm>> -> memref<1x10000xi32, #tpu.memory_space<hbm>>
      %dma_wait3A_197 = tpu.memref_squeeze %dma_wait3A_196 : memref<1x10000xi32, #tpu.memory_space<hbm>> -> memref<10000xi32, #tpu.memory_space<hbm>>
      tpu.wait_dma2 semaphore(%run_scoped3A_185 : memref<!tpu.dma_semaphore, #tpu.memory_space<semaphore_mem>>) src(%dma_wait3A_197 : memref<10000xi32, #tpu.memory_space<hbm>>) dst(%arg7 : memref<10000xi32, #tpu.memory_space<vmem>>)
      tpu.yield
    }) : () -> ()
    %barrier3A = arith.constant 0 : index
    tpu.barrier barrier_id(%barrier3A)
    %mul3A_3 = arith.constant 125 : i32
    %mul3A_4 = arith.muli %add3A, %mul3A_3 : i32
    %add3A_5 = arith.constant 0 : i32
    %add3A_6 = arith.addi %mul3A_4, %add3A_5 : i32
    %dma_start3A = arith.constant 0 : i32
    %dma_start3A_7 = arith.constant 0 : i32
    %dma_start3A_8 = tpu.memref_slice %arg4[%add3A_6, %dma_start3A, %dma_start3A_7] : memref<4000x1x80xi32, #tpu.memory_space<hbm>> -> memref<1x1x80xi32, #tpu.memory_space<hbm>>
    %dma_start3A_9 = tpu.memref_squeeze %dma_start3A_8 : memref<1x1x80xi32, #tpu.memory_space<hbm>> -> memref<1x80xi32, #tpu.memory_space<hbm>>
    %dma_start3A_10 = arith.constant 0 : i32
    %dma_start3A_11 = arith.constant 0 : i32
    %dma_start3A_12 = tpu.memref_slice %arg4[%add3A_6, %dma_start3A_10, %dma_start3A_11] : memref<4000x1x80xi32, #tpu.memory_space<hbm>> -> memref<1x1x80xi32, #tpu.memory_space<hbm>>
    %dma_start3A_13 = tpu.memref_squeeze %dma_start3A_12 : memref<1x1x80xi32, #tpu.memory_space<hbm>> -> memref<1x80xi32, #tpu.memory_space<hbm>>
    tpu.enqueue_dma source(%dma_start3A_13 : memref<1x80xi32, #tpu.memory_space<hbm>>) target(%arg11 : memref<1x80xi32, #tpu.memory_space<vmem>>) target_semaphore(%arg18 : memref<!tpu.dma_semaphore, #tpu.memory_space<semaphore_mem>>)
    %dma_start3A_14 = arith.constant 0 : i32
    %dma_start3A_15 = tpu.memref_slice %arg7[%dma_start3A_14] : memref<10000xi32, #tpu.memory_space<vmem>> -> memref<80xi32, #tpu.memory_space<vmem>>
    %dma_start3A_16 = arith.constant 0 : i32
    %dma_start3A_17 = arith.constant 0 : i32
    %dma_start3A_18 = tpu.memref_slice %arg2[%dma_start3A_16, %dma_start3A_17] : memref<10000x128xf32, #tpu.memory_space<hbm>> -> memref<10000x128xf32, #tpu.memory_space<hbm>>
    tpu.enqueue_indirect_dma source(%dma_start3A_18 : memref<10000x128xf32, #tpu.memory_space<hbm>>) target(%arg8 : memref<80x128xf32, #tpu.memory_space<vmem>>) offsets(%dma_start3A_15 : memref<80xi32, #tpu.memory_space<vmem>>) semaphore(%arg15 : memref<!tpu.dma_semaphore, #tpu.memory_space<semaphore_mem>>)
    %dma_wait3A = arith.constant 0 : i32
    %dma_wait3A_19 = tpu.memref_slice %arg7[%dma_wait3A] : memref<10000xi32, #tpu.memory_space<vmem>> -> memref<80xi32, #tpu.memory_space<vmem>>
    %dma_wait3A_20 = arith.constant 0 : i32
    %dma_wait3A_21 = arith.constant 0 : i32
    %dma_wait3A_22 = tpu.memref_slice %arg2[%dma_wait3A_20, %dma_wait3A_21] : memref<10000x128xf32, #tpu.memory_space<hbm>> -> memref<10000x128xf32, #tpu.memory_space<hbm>>
    tpu.wait_indirect_dma semaphore(%arg15 : memref<!tpu.dma_semaphore, #tpu.memory_space<semaphore_mem>>) src(%dma_wait3A_22 : memref<10000x128xf32, #tpu.memory_space<hbm>>) dst(%arg8 : memref<80x128xf32, #tpu.memory_space<vmem>>)
    %mul3A_23 = arith.constant 125 : i32
    %mul3A_24 = arith.muli %add3A, %mul3A_23 : i32
    %add3A_25 = arith.constant 0 : i32
    %add3A_26 = arith.addi %mul3A_24, %add3A_25 : i32
    %dma_wait3A_27 = arith.constant 0 : i32
    %dma_wait3A_28 = arith.constant 0 : i32
    %dma_wait3A_29 = tpu.memref_slice %arg4[%add3A_26, %dma_wait3A_27, %dma_wait3A_28] : memref<4000x1x80xi32, #tpu.memory_space<hbm>> -> memref<1x1x80xi32, #tpu.memory_space<hbm>>
    %dma_wait3A_30 = tpu.memref_squeeze %dma_wait3A_29 : memref<1x1x80xi32, #tpu.memory_space<hbm>> -> memref<1x80xi32, #tpu.memory_space<hbm>>
    %dma_wait3A_31 = arith.constant 0 : i32
    %dma_wait3A_32 = arith.constant 0 : i32
    %dma_wait3A_33 = tpu.memref_slice %arg4[%add3A_26, %dma_wait3A_31, %dma_wait3A_32] : memref<4000x1x80xi32, #tpu.memory_space<hbm>> -> memref<1x1x80xi32, #tpu.memory_space<hbm>>
    %dma_wait3A_34 = tpu.memref_squeeze %dma_wait3A_33 : memref<1x1x80xi32, #tpu.memory_space<hbm>> -> memref<1x80xi32, #tpu.memory_space<hbm>>
    tpu.wait_dma2 semaphore(%arg18 : memref<!tpu.dma_semaphore, #tpu.memory_space<semaphore_mem>>) src(%dma_wait3A_34 : memref<1x80xi32, #tpu.memory_space<hbm>>) dst(%arg11 : memref<1x80xi32, #tpu.memory_space<vmem>>)
    %run_scoped3A = arith.constant 0 : i32
    "tpu.region"() ({
      %run_scoped3A_185 = tpu.sem_alloc : memref<!tpu.dma_semaphore, #tpu.memory_space<semaphore_mem>>
      %dma_start3A_186 = arith.constant 0 : i32
      %dma_start3A_187 = tpu.memref_slice %arg11[%run_scoped3A, %dma_start3A_186] : memref<1x80xi32, #tpu.memory_space<vmem>> -> memref<1x80xi32, #tpu.memory_space<vmem>>
      %dma_start3A_188 = tpu.memref_squeeze %dma_start3A_187 : memref<1x80xi32, #tpu.memory_space<vmem>> -> memref<80xi32, #tpu.memory_space<vmem>>
      %dma_start3A_189 = arith.constant 0 : i32
      %dma_start3A_190 = arith.constant 0 : i32
      %dma_start3A_191 = tpu.memref_slice %arg14[%dma_start3A_189, %dma_start3A_190] : memref<10240x128xf32, #tpu.memory_space<vmem_shared>> -> memref<10240x128xf32, #tpu.memory_space<vmem_shared>>
      tpu.enqueue_indirect_dma source(%arg8 : memref<80x128xf32, #tpu.memory_space<vmem>>) target(%dma_start3A_191 : memref<10240x128xf32, #tpu.memory_space<vmem_shared>>) offsets(%dma_start3A_188 : memref<80xi32, #tpu.memory_space<vmem>>) semaphore(%run_scoped3A_185 : memref<!tpu.dma_semaphore, #tpu.memory_space<semaphore_mem>>) {add = true}
      %dma_wait3A_192 = arith.constant 0 : i32
      %dma_wait3A_193 = tpu.memref_slice %arg11[%run_scoped3A, %dma_wait3A_192] : memref<1x80xi32, #tpu.memory_space<vmem>> -> memref<1x80xi32, #tpu.memory_space<vmem>>
      %dma_wait3A_194 = tpu.memref_squeeze %dma_wait3A_193 : memref<1x80xi32, #tpu.memory_space<vmem>> -> memref<80xi32, #tpu.memory_space<vmem>>
      %dma_wait3A_195 = arith.constant 0 : i32
      %dma_wait3A_196 = arith.constant 0 : i32
      %dma_wait3A_197 = tpu.memref_slice %arg14[%dma_wait3A_195, %dma_wait3A_196] : memref<10240x128xf32, #tpu.memory_space<vmem_shared>> -> memref<10240x128xf32, #tpu.memory_space<vmem_shared>>
      tpu.wait_indirect_dma semaphore(%run_scoped3A_185 : memref<!tpu.dma_semaphore, #tpu.memory_space<semaphore_mem>>) src(%arg8 : memref<80x128xf32, #tpu.memory_space<vmem>>) dst(%dma_wait3A_197 : memref<10240x128xf32, #tpu.memory_space<vmem_shared>>)
      tpu.yield
    }) : () -> ()
    %mul3A_35 = arith.constant 125 : i32
    %mul3A_36 = arith.muli %add3A, %mul3A_35 : i32
    %add3A_37 = arith.constant 1 : i32
    %add3A_38 = arith.addi %mul3A_36, %add3A_37 : i32
    %dma_start3A_39 = arith.constant 0 : i32
    %dma_start3A_40 = arith.constant 0 : i32
    %dma_start3A_41 = tpu.memref_slice %arg4[%add3A_38, %dma_start3A_39, %dma_start3A_40] : memref<4000x1x80xi32, #tpu.memory_space<hbm>> -> memref<1x1x80xi32, #tpu.memory_space<hbm>>
    %dma_start3A_42 = tpu.memref_squeeze %dma_start3A_41 : memref<1x1x80xi32, #tpu.memory_space<hbm>> -> memref<1x80xi32, #tpu.memory_space<hbm>>
    %dma_start3A_43 = arith.constant 0 : i32
    %dma_start3A_44 = arith.constant 0 : i32
    %dma_start3A_45 = tpu.memref_slice %arg4[%add3A_38, %dma_start3A_43, %dma_start3A_44] : memref<4000x1x80xi32, #tpu.memory_space<hbm>> -> memref<1x1x80xi32, #tpu.memory_space<hbm>>
    %dma_start3A_46 = tpu.memref_squeeze %dma_start3A_45 : memref<1x1x80xi32, #tpu.memory_space<hbm>> -> memref<1x80xi32, #tpu.memory_space<hbm>>
    tpu.enqueue_dma source(%dma_start3A_46 : memref<1x80xi32, #tpu.memory_space<hbm>>) target(%arg11 : memref<1x80xi32, #tpu.memory_space<vmem>>) target_semaphore(%arg18 : memref<!tpu.dma_semaphore, #tpu.memory_space<semaphore_mem>>)
    %dma_start3A_47 = arith.constant 80 : i32
    %dma_start3A_48 = tpu.memref_slice %arg7[%dma_start3A_47] : memref<10000xi32, #tpu.memory_space<vmem>> -> memref<80xi32, #tpu.memory_space<vmem>>
    %dma_start3A_49 = arith.constant 0 : i32
    %dma_start3A_50 = arith.constant 0 : i32
    %dma_start3A_51 = tpu.memref_slice %arg2[%dma_start3A_49, %dma_start3A_50] : memref<10000x128xf32, #tpu.memory_space<hbm>> -> memref<10000x128xf32, #tpu.memory_space<hbm>>
    tpu.enqueue_indirect_dma source(%dma_start3A_51 : memref<10000x128xf32, #tpu.memory_space<hbm>>) target(%arg8 : memref<80x128xf32, #tpu.memory_space<vmem>>) offsets(%dma_start3A_48 : memref<80xi32, #tpu.memory_space<vmem>>) semaphore(%arg15 : memref<!tpu.dma_semaphore, #tpu.memory_space<semaphore_mem>>)
    %dma_wait3A_52 = arith.constant 80 : i32
    %dma_wait3A_53 = tpu.memref_slice %arg7[%dma_wait3A_52] : memref<10000xi32, #tpu.memory_space<vmem>> -> memref<80xi32, #tpu.memory_space<vmem>>
    %dma_wait3A_54 = arith.constant 0 : i32
    %dma_wait3A_55 = arith.constant 0 : i32
    %dma_wait3A_56 = tpu.memref_slice %arg2[%dma_wait3A_54, %dma_wait3A_55] : memref<10000x128xf32, #tpu.memory_space<hbm>> -> memref<10000x128xf32, #tpu.memory_space<hbm>>
    tpu.wait_indirect_dma semaphore(%arg15 : memref<!tpu.dma_semaphore, #tpu.memory_space<semaphore_mem>>) src(%dma_wait3A_56 : memref<10000x128xf32, #tpu.memory_space<hbm>>) dst(%arg8 : memref<80x128xf32, #tpu.memory_space<vmem>>)
    %mul3A_57 = arith.constant 125 : i32
    %mul3A_58 = arith.muli %add3A, %mul3A_57 : i32
    %add3A_59 = arith.constant 1 : i32
    %add3A_60 = arith.addi %mul3A_58, %add3A_59 : i32
    %dma_wait3A_61 = arith.constant 0 : i32
    %dma_wait3A_62 = arith.constant 0 : i32
    %dma_wait3A_63 = tpu.memref_slice %arg4[%add3A_60, %dma_wait3A_61, %dma_wait3A_62] : memref<4000x1x80xi32, #tpu.memory_space<hbm>> -> memref<1x1x80xi32, #tpu.memory_space<hbm>>
    %dma_wait3A_64 = tpu.memref_squeeze %dma_wait3A_63 : memref<1x1x80xi32, #tpu.memory_space<hbm>> -> memref<1x80xi32, #tpu.memory_space<hbm>>
    %dma_wait3A_65 = arith.constant 0 : i32
    %dma_wait3A_66 = arith.constant 0 : i32
    %dma_wait3A_67 = tpu.memref_slice %arg4[%add3A_60, %dma_wait3A_65, %dma_wait3A_66] : memref<4000x1x80xi32, #tpu.memory_space<hbm>> -> memref<1x1x80xi32, #tpu.memory_space<hbm>>
    %dma_wait3A_68 = tpu.memref_squeeze %dma_wait3A_67 : memref<1x1x80xi32, #tpu.memory_space<hbm>> -> memref<1x80xi32, #tpu.memory_space<hbm>>
    tpu.wait_dma2 semaphore(%arg18 : memref<!tpu.dma_semaphore, #tpu.memory_space<semaphore_mem>>) src(%dma_wait3A_68 : memref<1x80xi32, #tpu.memory_space<hbm>>) dst(%arg11 : memref<1x80xi32, #tpu.memory_space<vmem>>)
    %run_scoped3A_69 = arith.constant 0 : i32
    "tpu.region"() ({
      %run_scoped3A_185 = tpu.sem_alloc : memref<!tpu.dma_semaphore, #tpu.memory_space<semaphore_mem>>
      %dma_start3A_186 = arith.constant 0 : i32
      %dma_start3A_187 = tpu.memref_slice %arg11[%run_scoped3A_69, %dma_start3A_186] : memref<1x80xi32, #tpu.memory_space<vmem>> -> memref<1x80xi32, #tpu.memory_space<vmem>>
      %dma_start3A_188 = tpu.memref_squeeze %dma_start3A_187 : memref<1x80xi32, #tpu.memory_space<vmem>> -> memref<80xi32, #tpu.memory_space<vmem>>
      %dma_start3A_189 = arith.constant 0 : i32
      %dma_start3A_190 = arith.constant 0 : i32
      %dma_start3A_191 = tpu.memref_slice %arg14[%dma_start3A_189, %dma_start3A_190] : memref<10240x128xf32, #tpu.memory_space<vmem_shared>> -> memref<10240x128xf32, #tpu.memory_space<vmem_shared>>
      tpu.enqueue_indirect_dma source(%arg8 : memref<80x128xf32, #tpu.memory_space<vmem>>) target(%dma_start3A_191 : memref<10240x128xf32, #tpu.memory_space<vmem_shared>>) offsets(%dma_start3A_188 : memref<80xi32, #tpu.memory_space<vmem>>) semaphore(%run_scoped3A_185 : memref<!tpu.dma_semaphore, #tpu.memory_space<semaphore_mem>>) {add = true}
      %dma_wait3A_192 = arith.constant 0 : i32
      %dma_wait3A_193 = tpu.memref_slice %arg11[%run_scoped3A_69, %dma_wait3A_192] : memref<1x80xi32, #tpu.memory_space<vmem>> -> memref<1x80xi32, #tpu.memory_space<vmem>>
      %dma_wait3A_194 = tpu.memref_squeeze %dma_wait3A_193 : memref<1x80xi32, #tpu.memory_space<vmem>> -> memref<80xi32, #tpu.memory_space<vmem>>
      %dma_wait3A_195 = arith.constant 0 : i32
      %dma_wait3A_196 = arith.constant 0 : i32
      %dma_wait3A_197 = tpu.memref_slice %arg14[%dma_wait3A_195, %dma_wait3A_196] : memref<10240x128xf32, #tpu.memory_space<vmem_shared>> -> memref<10240x128xf32, #tpu.memory_space<vmem_shared>>
      tpu.wait_indirect_dma semaphore(%run_scoped3A_185 : memref<!tpu.dma_semaphore, #tpu.memory_space<semaphore_mem>>) src(%arg8 : memref<80x128xf32, #tpu.memory_space<vmem>>) dst(%dma_wait3A_197 : memref<10240x128xf32, #tpu.memory_space<vmem_shared>>)
      tpu.yield
    }) : () -> ()
    %mul3A_70 = arith.constant 125 : i32
    %mul3A_71 = arith.muli %add3A, %mul3A_70 : i32
    %add3A_72 = arith.constant 2 : i32
    %add3A_73 = arith.addi %mul3A_71, %add3A_72 : i32
    %dma_start3A_74 = arith.constant 0 : i32
    %dma_start3A_75 = arith.constant 0 : i32
    %dma_start3A_76 = tpu.memref_slice %arg4[%add3A_73, %dma_start3A_74, %dma_start3A_75] : memref<4000x1x80xi32, #tpu.memory_space<hbm>> -> memref<1x1x80xi32, #tpu.memory_space<hbm>>
    %dma_start3A_77 = tpu.memref_squeeze %dma_start3A_76 : memref<1x1x80xi32, #tpu.memory_space<hbm>> -> memref<1x80xi32, #tpu.memory_space<hbm>>
    %dma_start3A_78 = arith.constant 0 : i32
    %dma_start3A_79 = arith.constant 0 : i32
    %dma_start3A_80 = tpu.memref_slice %arg4[%add3A_73, %dma_start3A_78, %dma_start3A_79] : memref<4000x1x80xi32, #tpu.memory_space<hbm>> -> memref<1x1x80xi32, #tpu.memory_space<hbm>>
    %dma_start3A_81 = tpu.memref_squeeze %dma_start3A_80 : memref<1x1x80xi32, #tpu.memory_space<hbm>> -> memref<1x80xi32, #tpu.memory_space<hbm>>
    tpu.enqueue_dma source(%dma_start3A_81 : memref<1x80xi32, #tpu.memory_space<hbm>>) target(%arg11 : memref<1x80xi32, #tpu.memory_space<vmem>>) target_semaphore(%arg18 : memref<!tpu.dma_semaphore, #tpu.memory_space<semaphore_mem>>)
    %dma_start3A_82 = arith.constant 160 : i32
    %dma_start3A_83 = tpu.memref_slice %arg7[%dma_start3A_82] : memref<10000xi32, #tpu.memory_space<vmem>> -> memref<80xi32, #tpu.memory_space<vmem>>
    %dma_start3A_84 = arith.constant 0 : i32
    %dma_start3A_85 = arith.constant 0 : i32
    %dma_start3A_86 = tpu.memref_slice %arg2[%dma_start3A_84, %dma_start3A_85] : memref<10000x128xf32, #tpu.memory_space<hbm>> -> memref<10000x128xf32, #tpu.memory_space<hbm>>
    tpu.enqueue_indirect_dma source(%dma_start3A_86 : memref<10000x128xf32, #tpu.memory_space<hbm>>) target(%arg8 : memref<80x128xf32, #tpu.memory_space<vmem>>) offsets(%dma_start3A_83 : memref<80xi32, #tpu.memory_space<vmem>>) semaphore(%arg15 : memref<!tpu.dma_semaphore, #tpu.memory_space<semaphore_mem>>)
    %mul3A_87 = arith.constant 125 : i32
    %mul3A_88 = arith.muli %add3A, %mul3A_87 : i32
    %add3A_89 = arith.constant 3 : i32
    %add3A_90 = arith.addi %mul3A_88, %add3A_89 : i32
    %dma_start3A_91 = arith.constant 0 : i32
    %dma_start3A_92 = arith.constant 0 : i32
    %dma_start3A_93 = tpu.memref_slice %arg4[%add3A_90, %dma_start3A_91, %dma_start3A_92] : memref<4000x1x80xi32, #tpu.memory_space<hbm>> -> memref<1x1x80xi32, #tpu.memory_space<hbm>>
    %dma_start3A_94 = tpu.memref_squeeze %dma_start3A_93 : memref<1x1x80xi32, #tpu.memory_space<hbm>> -> memref<1x80xi32, #tpu.memory_space<hbm>>
    %dma_start3A_95 = arith.constant 0 : i32
    %dma_start3A_96 = arith.constant 0 : i32
    %dma_start3A_97 = tpu.memref_slice %arg4[%add3A_90, %dma_start3A_95, %dma_start3A_96] : memref<4000x1x80xi32, #tpu.memory_space<hbm>> -> memref<1x1x80xi32, #tpu.memory_space<hbm>>
    %dma_start3A_98 = tpu.memref_squeeze %dma_start3A_97 : memref<1x1x80xi32, #tpu.memory_space<hbm>> -> memref<1x80xi32, #tpu.memory_space<hbm>>
    tpu.enqueue_dma source(%dma_start3A_98 : memref<1x80xi32, #tpu.memory_space<hbm>>) target(%arg12 : memref<1x80xi32, #tpu.memory_space<vmem>>) target_semaphore(%arg19 : memref<!tpu.dma_semaphore, #tpu.memory_space<semaphore_mem>>)
    %dma_start3A_99 = arith.constant 240 : i32
    %dma_start3A_100 = tpu.memref_slice %arg7[%dma_start3A_99] : memref<10000xi32, #tpu.memory_space<vmem>> -> memref<80xi32, #tpu.memory_space<vmem>>
    %dma_start3A_101 = arith.constant 0 : i32
    %dma_start3A_102 = arith.constant 0 : i32
    %dma_start3A_103 = tpu.memref_slice %arg2[%dma_start3A_101, %dma_start3A_102] : memref<10000x128xf32, #tpu.memory_space<hbm>> -> memref<10000x128xf32, #tpu.memory_space<hbm>>
    tpu.enqueue_indirect_dma source(%dma_start3A_103 : memref<10000x128xf32, #tpu.memory_space<hbm>>) target(%arg9 : memref<80x128xf32, #tpu.memory_space<vmem>>) offsets(%dma_start3A_100 : memref<80xi32, #tpu.memory_space<vmem>>) semaphore(%arg16 : memref<!tpu.dma_semaphore, #tpu.memory_space<semaphore_mem>>)
    %mul3A_104 = arith.constant 125 : i32
    %mul3A_105 = arith.muli %add3A, %mul3A_104 : i32
    %add3A_106 = arith.constant 4 : i32
    %add3A_107 = arith.addi %mul3A_105, %add3A_106 : i32
    %dma_start3A_108 = arith.constant 0 : i32
    %dma_start3A_109 = arith.constant 0 : i32
    %dma_start3A_110 = tpu.memref_slice %arg4[%add3A_107, %dma_start3A_108, %dma_start3A_109] : memref<4000x1x80xi32, #tpu.memory_space<hbm>> -> memref<1x1x80xi32, #tpu.memory_space<hbm>>
    %dma_start3A_111 = tpu.memref_squeeze %dma_start3A_110 : memref<1x1x80xi32, #tpu.memory_space<hbm>> -> memref<1x80xi32, #tpu.memory_space<hbm>>
    %dma_start3A_112 = arith.constant 0 : i32
    %dma_start3A_113 = arith.constant 0 : i32
    %dma_start3A_114 = tpu.memref_slice %arg4[%add3A_107, %dma_start3A_112, %dma_start3A_113] : memref<4000x1x80xi32, #tpu.memory_space<hbm>> -> memref<1x1x80xi32, #tpu.memory_space<hbm>>
    %dma_start3A_115 = tpu.memref_squeeze %dma_start3A_114 : memref<1x1x80xi32, #tpu.memory_space<hbm>> -> memref<1x80xi32, #tpu.memory_space<hbm>>
    tpu.enqueue_dma source(%dma_start3A_115 : memref<1x80xi32, #tpu.memory_space<hbm>>) target(%arg13 : memref<1x80xi32, #tpu.memory_space<vmem>>) target_semaphore(%arg20 : memref<!tpu.dma_semaphore, #tpu.memory_space<semaphore_mem>>)
    %dma_start3A_116 = arith.constant 320 : i32
    %dma_start3A_117 = tpu.memref_slice %arg7[%dma_start3A_116] : memref<10000xi32, #tpu.memory_space<vmem>> -> memref<80xi32, #tpu.memory_space<vmem>>
    %dma_start3A_118 = arith.constant 0 : i32
    %dma_start3A_119 = arith.constant 0 : i32
    %dma_start3A_120 = tpu.memref_slice %arg2[%dma_start3A_118, %dma_start3A_119] : memref<10000x128xf32, #tpu.memory_space<hbm>> -> memref<10000x128xf32, #tpu.memory_space<hbm>>
    tpu.enqueue_indirect_dma source(%dma_start3A_120 : memref<10000x128xf32, #tpu.memory_space<hbm>>) target(%arg10 : memref<80x128xf32, #tpu.memory_space<vmem>>) offsets(%dma_start3A_117 : memref<80xi32, #tpu.memory_space<vmem>>) semaphore(%arg17 : memref<!tpu.dma_semaphore, #tpu.memory_space<semaphore_mem>>)
    %scan3A = arith.constant 0 : i32
    %scan3A_121 = arith.constant 0 : i32
    %scan3A_122 = arith.constant 40 : i32
    %scan3A_123 = arith.addi %scan3A_121, %scan3A_122 : i32
    %scan3A_124 = arith.constant 1 : i32
    scf.for %scan3A_185 = %scan3A_121 to %scan3A_123 step %scan3A_124  : i32 {
      %mul3A_186 = arith.constant 3 : i32
      %mul3A_187 = arith.muli %scan3A_185, %mul3A_186 : i32
      %add3A_188 = arith.constant 2 : i32
      %add3A_189 = arith.addi %add3A_188, %mul3A_187 : i32
      %add3A_190 = arith.constant 0 : i32
      %add3A_191 = arith.addi %add3A_189, %add3A_190 : i32
      %mul3A_192 = arith.constant 80 : i32
      %mul3A_193 = arith.muli %add3A_191, %mul3A_192 : i32
      %dma_wait3A_194 = tpu.memref_slice %arg7[%mul3A_193] : memref<10000xi32, #tpu.memory_space<vmem>> -> memref<80xi32, #tpu.memory_space<vmem>>
      %dma_wait3A_195 = arith.constant 0 : i32
      %dma_wait3A_196 = arith.constant 0 : i32
      %dma_wait3A_197 = tpu.memref_slice %arg2[%dma_wait3A_195, %dma_wait3A_196] : memref<10000x128xf32, #tpu.memory_space<hbm>> -> memref<10000x128xf32, #tpu.memory_space<hbm>>
      tpu.wait_indirect_dma semaphore(%arg15 : memref<!tpu.dma_semaphore, #tpu.memory_space<semaphore_mem>>) src(%dma_wait3A_197 : memref<10000x128xf32, #tpu.memory_space<hbm>>) dst(%arg8 : memref<80x128xf32, #tpu.memory_space<vmem>>)
      %mul3A_198 = arith.constant 125 : i32
      %mul3A_199 = arith.muli %add3A, %mul3A_198 : i32
      %add3A_200 = arith.addi %mul3A_199, %add3A_191 : i32
      %dma_wait3A_201 = arith.constant 0 : i32
      %dma_wait3A_202 = arith.constant 0 : i32
      %dma_wait3A_203 = tpu.memref_slice %arg4[%add3A_200, %dma_wait3A_201, %dma_wait3A_202] : memref<4000x1x80xi32, #tpu.memory_space<hbm>> -> memref<1x1x80xi32, #tpu.memory_space<hbm>>
      %dma_wait3A_204 = tpu.memref_squeeze %dma_wait3A_203 : memref<1x1x80xi32, #tpu.memory_space<hbm>> -> memref<1x80xi32, #tpu.memory_space<hbm>>
      %dma_wait3A_205 = arith.constant 0 : i32
      %dma_wait3A_206 = arith.constant 0 : i32
      %dma_wait3A_207 = tpu.memref_slice %arg4[%add3A_200, %dma_wait3A_205, %dma_wait3A_206] : memref<4000x1x80xi32, #tpu.memory_space<hbm>> -> memref<1x1x80xi32, #tpu.memory_space<hbm>>
      %dma_wait3A_208 = tpu.memref_squeeze %dma_wait3A_207 : memref<1x1x80xi32, #tpu.memory_space<hbm>> -> memref<1x80xi32, #tpu.memory_space<hbm>>
      tpu.wait_dma2 semaphore(%arg18 : memref<!tpu.dma_semaphore, #tpu.memory_space<semaphore_mem>>) src(%dma_wait3A_208 : memref<1x80xi32, #tpu.memory_space<hbm>>) dst(%arg11 : memref<1x80xi32, #tpu.memory_space<vmem>>)
      %run_scoped3A_209 = arith.constant 0 : i32
      "tpu.region"() ({
        %run_scoped3A_321 = tpu.sem_alloc : memref<!tpu.dma_semaphore, #tpu.memory_space<semaphore_mem>>
        %dma_start3A_322 = arith.constant 0 : i32
        %dma_start3A_323 = tpu.memref_slice %arg11[%run_scoped3A_209, %dma_start3A_322] : memref<1x80xi32, #tpu.memory_space<vmem>> -> memref<1x80xi32, #tpu.memory_space<vmem>>
        %dma_start3A_324 = tpu.memref_squeeze %dma_start3A_323 : memref<1x80xi32, #tpu.memory_space<vmem>> -> memref<80xi32, #tpu.memory_space<vmem>>
        %dma_start3A_325 = arith.constant 0 : i32
        %dma_start3A_326 = arith.constant 0 : i32
        %dma_start3A_327 = tpu.memref_slice %arg14[%dma_start3A_325, %dma_start3A_326] : memref<10240x128xf32, #tpu.memory_space<vmem_shared>> -> memref<10240x128xf32, #tpu.memory_space<vmem_shared>>
        tpu.enqueue_indirect_dma source(%arg8 : memref<80x128xf32, #tpu.memory_space<vmem>>) target(%dma_start3A_327 : memref<10240x128xf32, #tpu.memory_space<vmem_shared>>) offsets(%dma_start3A_324 : memref<80xi32, #tpu.memory_space<vmem>>) semaphore(%run_scoped3A_321 : memref<!tpu.dma_semaphore, #tpu.memory_space<semaphore_mem>>) {add = true}
        %dma_wait3A_328 = arith.constant 0 : i32
        %dma_wait3A_329 = tpu.memref_slice %arg11[%run_scoped3A_209, %dma_wait3A_328] : memref<1x80xi32, #tpu.memory_space<vmem>> -> memref<1x80xi32, #tpu.memory_space<vmem>>
        %dma_wait3A_330 = tpu.memref_squeeze %dma_wait3A_329 : memref<1x80xi32, #tpu.memory_space<vmem>> -> memref<80xi32, #tpu.memory_space<vmem>>
        %dma_wait3A_331 = arith.constant 0 : i32
        %dma_wait3A_332 = arith.constant 0 : i32
        %dma_wait3A_333 = tpu.memref_slice %arg14[%dma_wait3A_331, %dma_wait3A_332] : memref<10240x128xf32, #tpu.memory_space<vmem_shared>> -> memref<10240x128xf32, #tpu.memory_space<vmem_shared>>
        tpu.wait_indirect_dma semaphore(%run_scoped3A_321 : memref<!tpu.dma_semaphore, #tpu.memory_space<semaphore_mem>>) src(%arg8 : memref<80x128xf32, #tpu.memory_space<vmem>>) dst(%dma_wait3A_333 : memref<10240x128xf32, #tpu.memory_space<vmem_shared>>)
        tpu.yield
      }) : () -> ()
      %add3A_210 = arith.constant 3 : i32
      %add3A_211 = arith.addi %add3A_191, %add3A_210 : i32
      %mul3A_212 = arith.constant 125 : i32
      %mul3A_213 = arith.muli %add3A, %mul3A_212 : i32
      %add3A_214 = arith.addi %mul3A_213, %add3A_211 : i32
      %dma_start3A_215 = arith.constant 0 : i32
      %dma_start3A_216 = arith.constant 0 : i32
      %dma_start3A_217 = tpu.memref_slice %arg4[%add3A_214, %dma_start3A_215, %dma_start3A_216] : memref<4000x1x80xi32, #tpu.memory_space<hbm>> -> memref<1x1x80xi32, #tpu.memory_space<hbm>>
      %dma_start3A_218 = tpu.memref_squeeze %dma_start3A_217 : memref<1x1x80xi32, #tpu.memory_space<hbm>> -> memref<1x80xi32, #tpu.memory_space<hbm>>
      %dma_start3A_219 = arith.constant 0 : i32
      %dma_start3A_220 = arith.constant 0 : i32
      %dma_start3A_221 = tpu.memref_slice %arg4[%add3A_214, %dma_start3A_219, %dma_start3A_220] : memref<4000x1x80xi32, #tpu.memory_space<hbm>> -> memref<1x1x80xi32, #tpu.memory_space<hbm>>
      %dma_start3A_222 = tpu.memref_squeeze %dma_start3A_221 : memref<1x1x80xi32, #tpu.memory_space<hbm>> -> memref<1x80xi32, #tpu.memory_space<hbm>>
      tpu.enqueue_dma source(%dma_start3A_222 : memref<1x80xi32, #tpu.memory_space<hbm>>) target(%arg11 : memref<1x80xi32, #tpu.memory_space<vmem>>) target_semaphore(%arg18 : memref<!tpu.dma_semaphore, #tpu.memory_space<semaphore_mem>>)
      %add3A_223 = arith.constant 3 : i32
      %add3A_224 = arith.addi %add3A_191, %add3A_223 : i32
      %mul3A_225 = arith.constant 80 : i32
      %mul3A_226 = arith.muli %add3A_224, %mul3A_225 : i32
      %dma_start3A_227 = tpu.memref_slice %arg7[%mul3A_226] : memref<10000xi32, #tpu.memory_space<vmem>> -> memref<80xi32, #tpu.memory_space<vmem>>
      %dma_start3A_228 = arith.constant 0 : i32
      %dma_start3A_229 = arith.constant 0 : i32
      %dma_start3A_230 = tpu.memref_slice %arg2[%dma_start3A_228, %dma_start3A_229] : memref<10000x128xf32, #tpu.memory_space<hbm>> -> memref<10000x128xf32, #tpu.memory_space<hbm>>
      tpu.enqueue_indirect_dma source(%dma_start3A_230 : memref<10000x128xf32, #tpu.memory_space<hbm>>) target(%arg8 : memref<80x128xf32, #tpu.memory_space<vmem>>) offsets(%dma_start3A_227 : memref<80xi32, #tpu.memory_space<vmem>>) semaphore(%arg15 : memref<!tpu.dma_semaphore, #tpu.memory_space<semaphore_mem>>)
      %mul3A_231 = arith.constant 3 : i32
      %mul3A_232 = arith.muli %scan3A_185, %mul3A_231 : i32
      %add3A_233 = arith.constant 2 : i32
      %add3A_234 = arith.addi %add3A_233, %mul3A_232 : i32
      %add3A_235 = arith.constant 1 : i32
      %add3A_236 = arith.addi %add3A_234, %add3A_235 : i32
      %mul3A_237 = arith.constant 80 : i32
      %mul3A_238 = arith.muli %add3A_236, %mul3A_237 : i32
      %dma_wait3A_239 = tpu.memref_slice %arg7[%mul3A_238] : memref<10000xi32, #tpu.memory_space<vmem>> -> memref<80xi32, #tpu.memory_space<vmem>>
      %dma_wait3A_240 = arith.constant 0 : i32
      %dma_wait3A_241 = arith.constant 0 : i32
      %dma_wait3A_242 = tpu.memref_slice %arg2[%dma_wait3A_240, %dma_wait3A_241] : memref<10000x128xf32, #tpu.memory_space<hbm>> -> memref<10000x128xf32, #tpu.memory_space<hbm>>
      tpu.wait_indirect_dma semaphore(%arg16 : memref<!tpu.dma_semaphore, #tpu.memory_space<semaphore_mem>>) src(%dma_wait3A_242 : memref<10000x128xf32, #tpu.memory_space<hbm>>) dst(%arg9 : memref<80x128xf32, #tpu.memory_space<vmem>>)
      %mul3A_243 = arith.constant 125 : i32
      %mul3A_244 = arith.muli %add3A, %mul3A_243 : i32
      %add3A_245 = arith.addi %mul3A_244, %add3A_236 : i32
      %dma_wait3A_246 = arith.constant 0 : i32
      %dma_wait3A_247 = arith.constant 0 : i32
      %dma_wait3A_248 = tpu.memref_slice %arg4[%add3A_245, %dma_wait3A_246, %dma_wait3A_247] : memref<4000x1x80xi32, #tpu.memory_space<hbm>> -> memref<1x1x80xi32, #tpu.memory_space<hbm>>
      %dma_wait3A_249 = tpu.memref_squeeze %dma_wait3A_248 : memref<1x1x80xi32, #tpu.memory_space<hbm>> -> memref<1x80xi32, #tpu.memory_space<hbm>>
      %dma_wait3A_250 = arith.constant 0 : i32
      %dma_wait3A_251 = arith.constant 0 : i32
      %dma_wait3A_252 = tpu.memref_slice %arg4[%add3A_245, %dma_wait3A_250, %dma_wait3A_251] : memref<4000x1x80xi32, #tpu.memory_space<hbm>> -> memref<1x1x80xi32, #tpu.memory_space<hbm>>
      %dma_wait3A_253 = tpu.memref_squeeze %dma_wait3A_252 : memref<1x1x80xi32, #tpu.memory_space<hbm>> -> memref<1x80xi32, #tpu.memory_space<hbm>>
      tpu.wait_dma2 semaphore(%arg19 : memref<!tpu.dma_semaphore, #tpu.memory_space<semaphore_mem>>) src(%dma_wait3A_253 : memref<1x80xi32, #tpu.memory_space<hbm>>) dst(%arg12 : memref<1x80xi32, #tpu.memory_space<vmem>>)
      %run_scoped3A_254 = arith.constant 0 : i32
      "tpu.region"() ({
        %run_scoped3A_321 = tpu.sem_alloc : memref<!tpu.dma_semaphore, #tpu.memory_space<semaphore_mem>>
        %dma_start3A_322 = arith.constant 0 : i32
        %dma_start3A_323 = tpu.memref_slice %arg12[%run_scoped3A_254, %dma_start3A_322] : memref<1x80xi32, #tpu.memory_space<vmem>> -> memref<1x80xi32, #tpu.memory_space<vmem>>
        %dma_start3A_324 = tpu.memref_squeeze %dma_start3A_323 : memref<1x80xi32, #tpu.memory_space<vmem>> -> memref<80xi32, #tpu.memory_space<vmem>>
        %dma_start3A_325 = arith.constant 0 : i32
        %dma_start3A_326 = arith.constant 0 : i32
        %dma_start3A_327 = tpu.memref_slice %arg14[%dma_start3A_325, %dma_start3A_326] : memref<10240x128xf32, #tpu.memory_space<vmem_shared>> -> memref<10240x128xf32, #tpu.memory_space<vmem_shared>>
        tpu.enqueue_indirect_dma source(%arg9 : memref<80x128xf32, #tpu.memory_space<vmem>>) target(%dma_start3A_327 : memref<10240x128xf32, #tpu.memory_space<vmem_shared>>) offsets(%dma_start3A_324 : memref<80xi32, #tpu.memory_space<vmem>>) semaphore(%run_scoped3A_321 : memref<!tpu.dma_semaphore, #tpu.memory_space<semaphore_mem>>) {add = true}
        %dma_wait3A_328 = arith.constant 0 : i32
        %dma_wait3A_329 = tpu.memref_slice %arg12[%run_scoped3A_254, %dma_wait3A_328] : memref<1x80xi32, #tpu.memory_space<vmem>> -> memref<1x80xi32, #tpu.memory_space<vmem>>
        %dma_wait3A_330 = tpu.memref_squeeze %dma_wait3A_329 : memref<1x80xi32, #tpu.memory_space<vmem>> -> memref<80xi32, #tpu.memory_space<vmem>>
        %dma_wait3A_331 = arith.constant 0 : i32
        %dma_wait3A_332 = arith.constant 0 : i32
        %dma_wait3A_333 = tpu.memref_slice %arg14[%dma_wait3A_331, %dma_wait3A_332] : memref<10240x128xf32, #tpu.memory_space<vmem_shared>> -> memref<10240x128xf32, #tpu.memory_space<vmem_shared>>
        tpu.wait_indirect_dma semaphore(%run_scoped3A_321 : memref<!tpu.dma_semaphore, #tpu.memory_space<semaphore_mem>>) src(%arg9 : memref<80x128xf32, #tpu.memory_space<vmem>>) dst(%dma_wait3A_333 : memref<10240x128xf32, #tpu.memory_space<vmem_shared>>)
        tpu.yield
      }) : () -> ()
      %add3A_255 = arith.constant 3 : i32
      %add3A_256 = arith.addi %add3A_236, %add3A_255 : i32
      %mul3A_257 = arith.constant 125 : i32
      %mul3A_258 = arith.muli %add3A, %mul3A_257 : i32
      %add3A_259 = arith.addi %mul3A_258, %add3A_256 : i32
      %dma_start3A_260 = arith.constant 0 : i32
      %dma_start3A_261 = arith.constant 0 : i32
      %dma_start3A_262 = tpu.memref_slice %arg4[%add3A_259, %dma_start3A_260, %dma_start3A_261] : memref<4000x1x80xi32, #tpu.memory_space<hbm>> -> memref<1x1x80xi32, #tpu.memory_space<hbm>>
      %dma_start3A_263 = tpu.memref_squeeze %dma_start3A_262 : memref<1x1x80xi32, #tpu.memory_space<hbm>> -> memref<1x80xi32, #tpu.memory_space<hbm>>
      %dma_start3A_264 = arith.constant 0 : i32
      %dma_start3A_265 = arith.constant 0 : i32
      %dma_start3A_266 = tpu.memref_slice %arg4[%add3A_259, %dma_start3A_264, %dma_start3A_265] : memref<4000x1x80xi32, #tpu.memory_space<hbm>> -> memref<1x1x80xi32, #tpu.memory_space<hbm>>
      %dma_start3A_267 = tpu.memref_squeeze %dma_start3A_266 : memref<1x1x80xi32, #tpu.memory_space<hbm>> -> memref<1x80xi32, #tpu.memory_space<hbm>>
      tpu.enqueue_dma source(%dma_start3A_267 : memref<1x80xi32, #tpu.memory_space<hbm>>) target(%arg12 : memref<1x80xi32, #tpu.memory_space<vmem>>) target_semaphore(%arg19 : memref<!tpu.dma_semaphore, #tpu.memory_space<semaphore_mem>>)
      %add3A_268 = arith.constant 3 : i32
      %add3A_269 = arith.addi %add3A_236, %add3A_268 : i32
      %mul3A_270 = arith.constant 80 : i32
      %mul3A_271 = arith.muli %add3A_269, %mul3A_270 : i32
      %dma_start3A_272 = tpu.memref_slice %arg7[%mul3A_271] : memref<10000xi32, #tpu.memory_space<vmem>> -> memref<80xi32, #tpu.memory_space<vmem>>
      %dma_start3A_273 = arith.constant 0 : i32
      %dma_start3A_274 = arith.constant 0 : i32
      %dma_start3A_275 = tpu.memref_slice %arg2[%dma_start3A_273, %dma_start3A_274] : memref<10000x128xf32, #tpu.memory_space<hbm>> -> memref<10000x128xf32, #tpu.memory_space<hbm>>
      tpu.enqueue_indirect_dma source(%dma_start3A_275 : memref<10000x128xf32, #tpu.memory_space<hbm>>) target(%arg9 : memref<80x128xf32, #tpu.memory_space<vmem>>) offsets(%dma_start3A_272 : memref<80xi32, #tpu.memory_space<vmem>>) semaphore(%arg16 : memref<!tpu.dma_semaphore, #tpu.memory_space<semaphore_mem>>)
      %mul3A_276 = arith.constant 3 : i32
      %mul3A_277 = arith.muli %scan3A_185, %mul3A_276 : i32
      %add3A_278 = arith.constant 2 : i32
      %add3A_279 = arith.addi %add3A_278, %mul3A_277 : i32
      %add3A_280 = arith.constant 2 : i32
      %add3A_281 = arith.addi %add3A_279, %add3A_280 : i32
      %mul3A_282 = arith.constant 80 : i32
      %mul3A_283 = arith.muli %add3A_281, %mul3A_282 : i32
      %dma_wait3A_284 = tpu.memref_slice %arg7[%mul3A_283] : memref<10000xi32, #tpu.memory_space<vmem>> -> memref<80xi32, #tpu.memory_space<vmem>>
      %dma_wait3A_285 = arith.constant 0 : i32
      %dma_wait3A_286 = arith.constant 0 : i32
      %dma_wait3A_287 = tpu.memref_slice %arg2[%dma_wait3A_285, %dma_wait3A_286] : memref<10000x128xf32, #tpu.memory_space<hbm>> -> memref<10000x128xf32, #tpu.memory_space<hbm>>
      tpu.wait_indirect_dma semaphore(%arg17 : memref<!tpu.dma_semaphore, #tpu.memory_space<semaphore_mem>>) src(%dma_wait3A_287 : memref<10000x128xf32, #tpu.memory_space<hbm>>) dst(%arg10 : memref<80x128xf32, #tpu.memory_space<vmem>>)
      %mul3A_288 = arith.constant 125 : i32
      %mul3A_289 = arith.muli %add3A, %mul3A_288 : i32
      %add3A_290 = arith.addi %mul3A_289, %add3A_281 : i32
      %dma_wait3A_291 = arith.constant 0 : i32
      %dma_wait3A_292 = arith.constant 0 : i32
      %dma_wait3A_293 = tpu.memref_slice %arg4[%add3A_290, %dma_wait3A_291, %dma_wait3A_292] : memref<4000x1x80xi32, #tpu.memory_space<hbm>> -> memref<1x1x80xi32, #tpu.memory_space<hbm>>
      %dma_wait3A_294 = tpu.memref_squeeze %dma_wait3A_293 : memref<1x1x80xi32, #tpu.memory_space<hbm>> -> memref<1x80xi32, #tpu.memory_space<hbm>>
      %dma_wait3A_295 = arith.constant 0 : i32
      %dma_wait3A_296 = arith.constant 0 : i32
      %dma_wait3A_297 = tpu.memref_slice %arg4[%add3A_290, %dma_wait3A_295, %dma_wait3A_296] : memref<4000x1x80xi32, #tpu.memory_space<hbm>> -> memref<1x1x80xi32, #tpu.memory_space<hbm>>
      %dma_wait3A_298 = tpu.memref_squeeze %dma_wait3A_297 : memref<1x1x80xi32, #tpu.memory_space<hbm>> -> memref<1x80xi32, #tpu.memory_space<hbm>>
      tpu.wait_dma2 semaphore(%arg20 : memref<!tpu.dma_semaphore, #tpu.memory_space<semaphore_mem>>) src(%dma_wait3A_298 : memref<1x80xi32, #tpu.memory_space<hbm>>) dst(%arg13 : memref<1x80xi32, #tpu.memory_space<vmem>>)
      %run_scoped3A_299 = arith.constant 0 : i32
      "tpu.region"() ({
        %run_scoped3A_321 = tpu.sem_alloc : memref<!tpu.dma_semaphore, #tpu.memory_space<semaphore_mem>>
        %dma_start3A_322 = arith.constant 0 : i32
        %dma_start3A_323 = tpu.memref_slice %arg13[%run_scoped3A_299, %dma_start3A_322] : memref<1x80xi32, #tpu.memory_space<vmem>> -> memref<1x80xi32, #tpu.memory_space<vmem>>
        %dma_start3A_324 = tpu.memref_squeeze %dma_start3A_323 : memref<1x80xi32, #tpu.memory_space<vmem>> -> memref<80xi32, #tpu.memory_space<vmem>>
        %dma_start3A_325 = arith.constant 0 : i32
        %dma_start3A_326 = arith.constant 0 : i32
        %dma_start3A_327 = tpu.memref_slice %arg14[%dma_start3A_325, %dma_start3A_326] : memref<10240x128xf32, #tpu.memory_space<vmem_shared>> -> memref<10240x128xf32, #tpu.memory_space<vmem_shared>>
        tpu.enqueue_indirect_dma source(%arg10 : memref<80x128xf32, #tpu.memory_space<vmem>>) target(%dma_start3A_327 : memref<10240x128xf32, #tpu.memory_space<vmem_shared>>) offsets(%dma_start3A_324 : memref<80xi32, #tpu.memory_space<vmem>>) semaphore(%run_scoped3A_321 : memref<!tpu.dma_semaphore, #tpu.memory_space<semaphore_mem>>) {add = true}
        %dma_wait3A_328 = arith.constant 0 : i32
        %dma_wait3A_329 = tpu.memref_slice %arg13[%run_scoped3A_299, %dma_wait3A_328] : memref<1x80xi32, #tpu.memory_space<vmem>> -> memref<1x80xi32, #tpu.memory_space<vmem>>
        %dma_wait3A_330 = tpu.memref_squeeze %dma_wait3A_329 : memref<1x80xi32, #tpu.memory_space<vmem>> -> memref<80xi32, #tpu.memory_space<vmem>>
        %dma_wait3A_331 = arith.constant 0 : i32
        %dma_wait3A_332 = arith.constant 0 : i32
        %dma_wait3A_333 = tpu.memref_slice %arg14[%dma_wait3A_331, %dma_wait3A_332] : memref<10240x128xf32, #tpu.memory_space<vmem_shared>> -> memref<10240x128xf32, #tpu.memory_space<vmem_shared>>
        tpu.wait_indirect_dma semaphore(%run_scoped3A_321 : memref<!tpu.dma_semaphore, #tpu.memory_space<semaphore_mem>>) src(%arg10 : memref<80x128xf32, #tpu.memory_space<vmem>>) dst(%dma_wait3A_333 : memref<10240x128xf32, #tpu.memory_space<vmem_shared>>)
        tpu.yield
      }) : () -> ()
      %add3A_300 = arith.constant 3 : i32
      %add3A_301 = arith.addi %add3A_281, %add3A_300 : i32
      %mul3A_302 = arith.constant 125 : i32
      %mul3A_303 = arith.muli %add3A, %mul3A_302 : i32
      %add3A_304 = arith.addi %mul3A_303, %add3A_301 : i32
      %dma_start3A_305 = arith.constant 0 : i32
      %dma_start3A_306 = arith.constant 0 : i32
      %dma_start3A_307 = tpu.memref_slice %arg4[%add3A_304, %dma_start3A_305, %dma_start3A_306] : memref<4000x1x80xi32, #tpu.memory_space<hbm>> -> memref<1x1x80xi32, #tpu.memory_space<hbm>>
      %dma_start3A_308 = tpu.memref_squeeze %dma_start3A_307 : memref<1x1x80xi32, #tpu.memory_space<hbm>> -> memref<1x80xi32, #tpu.memory_space<hbm>>
      %dma_start3A_309 = arith.constant 0 : i32
      %dma_start3A_310 = arith.constant 0 : i32
      %dma_start3A_311 = tpu.memref_slice %arg4[%add3A_304, %dma_start3A_309, %dma_start3A_310] : memref<4000x1x80xi32, #tpu.memory_space<hbm>> -> memref<1x1x80xi32, #tpu.memory_space<hbm>>
      %dma_start3A_312 = tpu.memref_squeeze %dma_start3A_311 : memref<1x1x80xi32, #tpu.memory_space<hbm>> -> memref<1x80xi32, #tpu.memory_space<hbm>>
      tpu.enqueue_dma source(%dma_start3A_312 : memref<1x80xi32, #tpu.memory_space<hbm>>) target(%arg13 : memref<1x80xi32, #tpu.memory_space<vmem>>) target_semaphore(%arg20 : memref<!tpu.dma_semaphore, #tpu.memory_space<semaphore_mem>>)
      %add3A_313 = arith.constant 3 : i32
      %add3A_314 = arith.addi %add3A_281, %add3A_313 : i32
      %mul3A_315 = arith.constant 80 : i32
      %mul3A_316 = arith.muli %add3A_314, %mul3A_315 : i32
      %dma_start3A_317 = tpu.memref_slice %arg7[%mul3A_316] : memref<10000xi32, #tpu.memory_space<vmem>> -> memref<80xi32, #tpu.memory_space<vmem>>
      %dma_start3A_318 = arith.constant 0 : i32
      %dma_start3A_319 = arith.constant 0 : i32
      %dma_start3A_320 = tpu.memref_slice %arg2[%dma_start3A_318, %dma_start3A_319] : memref<10000x128xf32, #tpu.memory_space<hbm>> -> memref<10000x128xf32, #tpu.memory_space<hbm>>
      tpu.enqueue_indirect_dma source(%dma_start3A_320 : memref<10000x128xf32, #tpu.memory_space<hbm>>) target(%arg10 : memref<80x128xf32, #tpu.memory_space<vmem>>) offsets(%dma_start3A_317 : memref<80xi32, #tpu.memory_space<vmem>>) semaphore(%arg17 : memref<!tpu.dma_semaphore, #tpu.memory_space<semaphore_mem>>)
    }
    %scan3A_125 = arith.constant 40 : i32
    %dma_wait3A_126 = arith.constant 9760 : i32
    %dma_wait3A_127 = tpu.memref_slice %arg7[%dma_wait3A_126] : memref<10000xi32, #tpu.memory_space<vmem>> -> memref<80xi32, #tpu.memory_space<vmem>>
    %dma_wait3A_128 = arith.constant 0 : i32
    %dma_wait3A_129 = arith.constant 0 : i32
    %dma_wait3A_130 = tpu.memref_slice %arg2[%dma_wait3A_128, %dma_wait3A_129] : memref<10000x128xf32, #tpu.memory_space<hbm>> -> memref<10000x128xf32, #tpu.memory_space<hbm>>
    tpu.wait_indirect_dma semaphore(%arg15 : memref<!tpu.dma_semaphore, #tpu.memory_space<semaphore_mem>>) src(%dma_wait3A_130 : memref<10000x128xf32, #tpu.memory_space<hbm>>) dst(%arg8 : memref<80x128xf32, #tpu.memory_space<vmem>>)
    %mul3A_131 = arith.constant 125 : i32
    %mul3A_132 = arith.muli %add3A, %mul3A_131 : i32
    %add3A_133 = arith.constant 122 : i32
    %add3A_134 = arith.addi %mul3A_132, %add3A_133 : i32
    %dma_wait3A_135 = arith.constant 0 : i32
    %dma_wait3A_136 = arith.constant 0 : i32
    %dma_wait3A_137 = tpu.memref_slice %arg4[%add3A_134, %dma_wait3A_135, %dma_wait3A_136] : memref<4000x1x80xi32, #tpu.memory_space<hbm>> -> memref<1x1x80xi32, #tpu.memory_space<hbm>>
    %dma_wait3A_138 = tpu.memref_squeeze %dma_wait3A_137 : memref<1x1x80xi32, #tpu.memory_space<hbm>> -> memref<1x80xi32, #tpu.memory_space<hbm>>
    %dma_wait3A_139 = arith.constant 0 : i32
    %dma_wait3A_140 = arith.constant 0 : i32
    %dma_wait3A_141 = tpu.memref_slice %arg4[%add3A_134, %dma_wait3A_139, %dma_wait3A_140] : memref<4000x1x80xi32, #tpu.memory_space<hbm>> -> memref<1x1x80xi32, #tpu.memory_space<hbm>>
    %dma_wait3A_142 = tpu.memref_squeeze %dma_wait3A_141 : memref<1x1x80xi32, #tpu.memory_space<hbm>> -> memref<1x80xi32, #tpu.memory_space<hbm>>
    tpu.wait_dma2 semaphore(%arg18 : memref<!tpu.dma_semaphore, #tpu.memory_space<semaphore_mem>>) src(%dma_wait3A_142 : memref<1x80xi32, #tpu.memory_space<hbm>>) dst(%arg11 : memref<1x80xi32, #tpu.memory_space<vmem>>)
    %run_scoped3A_143 = arith.constant 0 : i32
    "tpu.region"() ({
      %run_scoped3A_185 = tpu.sem_alloc : memref<!tpu.dma_semaphore, #tpu.memory_space<semaphore_mem>>
      %dma_start3A_186 = arith.constant 0 : i32
      %dma_start3A_187 = tpu.memref_slice %arg11[%run_scoped3A_143, %dma_start3A_186] : memref<1x80xi32, #tpu.memory_space<vmem>> -> memref<1x80xi32, #tpu.memory_space<vmem>>
      %dma_start3A_188 = tpu.memref_squeeze %dma_start3A_187 : memref<1x80xi32, #tpu.memory_space<vmem>> -> memref<80xi32, #tpu.memory_space<vmem>>
      %dma_start3A_189 = arith.constant 0 : i32
      %dma_start3A_190 = arith.constant 0 : i32
      %dma_start3A_191 = tpu.memref_slice %arg14[%dma_start3A_189, %dma_start3A_190] : memref<10240x128xf32, #tpu.memory_space<vmem_shared>> -> memref<10240x128xf32, #tpu.memory_space<vmem_shared>>
      tpu.enqueue_indirect_dma source(%arg8 : memref<80x128xf32, #tpu.memory_space<vmem>>) target(%dma_start3A_191 : memref<10240x128xf32, #tpu.memory_space<vmem_shared>>) offsets(%dma_start3A_188 : memref<80xi32, #tpu.memory_space<vmem>>) semaphore(%run_scoped3A_185 : memref<!tpu.dma_semaphore, #tpu.memory_space<semaphore_mem>>) {add = true}
      %dma_wait3A_192 = arith.constant 0 : i32
      %dma_wait3A_193 = tpu.memref_slice %arg11[%run_scoped3A_143, %dma_wait3A_192] : memref<1x80xi32, #tpu.memory_space<vmem>> -> memref<1x80xi32, #tpu.memory_space<vmem>>
      %dma_wait3A_194 = tpu.memref_squeeze %dma_wait3A_193 : memref<1x80xi32, #tpu.memory_space<vmem>> -> memref<80xi32, #tpu.memory_space<vmem>>
      %dma_wait3A_195 = arith.constant 0 : i32
      %dma_wait3A_196 = arith.constant 0 : i32
      %dma_wait3A_197 = tpu.memref_slice %arg14[%dma_wait3A_195, %dma_wait3A_196] : memref<10240x128xf32, #tpu.memory_space<vmem_shared>> -> memref<10240x128xf32, #tpu.memory_space<vmem_shared>>
      tpu.wait_indirect_dma semaphore(%run_scoped3A_185 : memref<!tpu.dma_semaphore, #tpu.memory_space<semaphore_mem>>) src(%arg8 : memref<80x128xf32, #tpu.memory_space<vmem>>) dst(%dma_wait3A_197 : memref<10240x128xf32, #tpu.memory_space<vmem_shared>>)
      tpu.yield
    }) : () -> ()
    %dma_wait3A_144 = arith.constant 9840 : i32
    %dma_wait3A_145 = tpu.memref_slice %arg7[%dma_wait3A_144] : memref<10000xi32, #tpu.memory_space<vmem>> -> memref<80xi32, #tpu.memory_space<vmem>>
    %dma_wait3A_146 = arith.constant 0 : i32
    %dma_wait3A_147 = arith.constant 0 : i32
    %dma_wait3A_148 = tpu.memref_slice %arg2[%dma_wait3A_146, %dma_wait3A_147] : memref<10000x128xf32, #tpu.memory_space<hbm>> -> memref<10000x128xf32, #tpu.memory_space<hbm>>
    tpu.wait_indirect_dma semaphore(%arg16 : memref<!tpu.dma_semaphore, #tpu.memory_space<semaphore_mem>>) src(%dma_wait3A_148 : memref<10000x128xf32, #tpu.memory_space<hbm>>) dst(%arg9 : memref<80x128xf32, #tpu.memory_space<vmem>>)
    %mul3A_149 = arith.constant 125 : i32
    %mul3A_150 = arith.muli %add3A, %mul3A_149 : i32
    %add3A_151 = arith.constant 123 : i32
    %add3A_152 = arith.addi %mul3A_150, %add3A_151 : i32
    %dma_wait3A_153 = arith.constant 0 : i32
    %dma_wait3A_154 = arith.constant 0 : i32
    %dma_wait3A_155 = tpu.memref_slice %arg4[%add3A_152, %dma_wait3A_153, %dma_wait3A_154] : memref<4000x1x80xi32, #tpu.memory_space<hbm>> -> memref<1x1x80xi32, #tpu.memory_space<hbm>>
    %dma_wait3A_156 = tpu.memref_squeeze %dma_wait3A_155 : memref<1x1x80xi32, #tpu.memory_space<hbm>> -> memref<1x80xi32, #tpu.memory_space<hbm>>
    %dma_wait3A_157 = arith.constant 0 : i32
    %dma_wait3A_158 = arith.constant 0 : i32
    %dma_wait3A_159 = tpu.memref_slice %arg4[%add3A_152, %dma_wait3A_157, %dma_wait3A_158] : memref<4000x1x80xi32, #tpu.memory_space<hbm>> -> memref<1x1x80xi32, #tpu.memory_space<hbm>>
    %dma_wait3A_160 = tpu.memref_squeeze %dma_wait3A_159 : memref<1x1x80xi32, #tpu.memory_space<hbm>> -> memref<1x80xi32, #tpu.memory_space<hbm>>
    tpu.wait_dma2 semaphore(%arg19 : memref<!tpu.dma_semaphore, #tpu.memory_space<semaphore_mem>>) src(%dma_wait3A_160 : memref<1x80xi32, #tpu.memory_space<hbm>>) dst(%arg12 : memref<1x80xi32, #tpu.memory_space<vmem>>)
    %run_scoped3A_161 = arith.constant 0 : i32
    "tpu.region"() ({
      %run_scoped3A_185 = tpu.sem_alloc : memref<!tpu.dma_semaphore, #tpu.memory_space<semaphore_mem>>
      %dma_start3A_186 = arith.constant 0 : i32
      %dma_start3A_187 = tpu.memref_slice %arg12[%run_scoped3A_161, %dma_start3A_186] : memref<1x80xi32, #tpu.memory_space<vmem>> -> memref<1x80xi32, #tpu.memory_space<vmem>>
      %dma_start3A_188 = tpu.memref_squeeze %dma_start3A_187 : memref<1x80xi32, #tpu.memory_space<vmem>> -> memref<80xi32, #tpu.memory_space<vmem>>
      %dma_start3A_189 = arith.constant 0 : i32
      %dma_start3A_190 = arith.constant 0 : i32
      %dma_start3A_191 = tpu.memref_slice %arg14[%dma_start3A_189, %dma_start3A_190] : memref<10240x128xf32, #tpu.memory_space<vmem_shared>> -> memref<10240x128xf32, #tpu.memory_space<vmem_shared>>
      tpu.enqueue_indirect_dma source(%arg9 : memref<80x128xf32, #tpu.memory_space<vmem>>) target(%dma_start3A_191 : memref<10240x128xf32, #tpu.memory_space<vmem_shared>>) offsets(%dma_start3A_188 : memref<80xi32, #tpu.memory_space<vmem>>) semaphore(%run_scoped3A_185 : memref<!tpu.dma_semaphore, #tpu.memory_space<semaphore_mem>>) {add = true}
      %dma_wait3A_192 = arith.constant 0 : i32
      %dma_wait3A_193 = tpu.memref_slice %arg12[%run_scoped3A_161, %dma_wait3A_192] : memref<1x80xi32, #tpu.memory_space<vmem>> -> memref<1x80xi32, #tpu.memory_space<vmem>>
      %dma_wait3A_194 = tpu.memref_squeeze %dma_wait3A_193 : memref<1x80xi32, #tpu.memory_space<vmem>> -> memref<80xi32, #tpu.memory_space<vmem>>
      %dma_wait3A_195 = arith.constant 0 : i32
      %dma_wait3A_196 = arith.constant 0 : i32
      %dma_wait3A_197 = tpu.memref_slice %arg14[%dma_wait3A_195, %dma_wait3A_196] : memref<10240x128xf32, #tpu.memory_space<vmem_shared>> -> memref<10240x128xf32, #tpu.memory_space<vmem_shared>>
      tpu.wait_indirect_dma semaphore(%run_scoped3A_185 : memref<!tpu.dma_semaphore, #tpu.memory_space<semaphore_mem>>) src(%arg9 : memref<80x128xf32, #tpu.memory_space<vmem>>) dst(%dma_wait3A_197 : memref<10240x128xf32, #tpu.memory_space<vmem_shared>>)
      tpu.yield
    }) : () -> ()
    %dma_wait3A_162 = arith.constant 9920 : i32
    %dma_wait3A_163 = tpu.memref_slice %arg7[%dma_wait3A_162] : memref<10000xi32, #tpu.memory_space<vmem>> -> memref<80xi32, #tpu.memory_space<vmem>>
    %dma_wait3A_164 = arith.constant 0 : i32
    %dma_wait3A_165 = arith.constant 0 : i32
    %dma_wait3A_166 = tpu.memref_slice %arg2[%dma_wait3A_164, %dma_wait3A_165] : memref<10000x128xf32, #tpu.memory_space<hbm>> -> memref<10000x128xf32, #tpu.memory_space<hbm>>
    tpu.wait_indirect_dma semaphore(%arg17 : memref<!tpu.dma_semaphore, #tpu.memory_space<semaphore_mem>>) src(%dma_wait3A_166 : memref<10000x128xf32, #tpu.memory_space<hbm>>) dst(%arg10 : memref<80x128xf32, #tpu.memory_space<vmem>>)
    %mul3A_167 = arith.constant 125 : i32
    %mul3A_168 = arith.muli %add3A, %mul3A_167 : i32
    %add3A_169 = arith.constant 124 : i32
    %add3A_170 = arith.addi %mul3A_168, %add3A_169 : i32
    %dma_wait3A_171 = arith.constant 0 : i32
    %dma_wait3A_172 = arith.constant 0 : i32
    %dma_wait3A_173 = tpu.memref_slice %arg4[%add3A_170, %dma_wait3A_171, %dma_wait3A_172] : memref<4000x1x80xi32, #tpu.memory_space<hbm>> -> memref<1x1x80xi32, #tpu.memory_space<hbm>>
    %dma_wait3A_174 = tpu.memref_squeeze %dma_wait3A_173 : memref<1x1x80xi32, #tpu.memory_space<hbm>> -> memref<1x80xi32, #tpu.memory_space<hbm>>
    %dma_wait3A_175 = arith.constant 0 : i32
    %dma_wait3A_176 = arith.constant 0 : i32
    %dma_wait3A_177 = tpu.memref_slice %arg4[%add3A_170, %dma_wait3A_175, %dma_wait3A_176] : memref<4000x1x80xi32, #tpu.memory_space<hbm>> -> memref<1x1x80xi32, #tpu.memory_space<hbm>>
    %dma_wait3A_178 = tpu.memref_squeeze %dma_wait3A_177 : memref<1x1x80xi32, #tpu.memory_space<hbm>> -> memref<1x80xi32, #tpu.memory_space<hbm>>
    tpu.wait_dma2 semaphore(%arg20 : memref<!tpu.dma_semaphore, #tpu.memory_space<semaphore_mem>>) src(%dma_wait3A_178 : memref<1x80xi32, #tpu.memory_space<hbm>>) dst(%arg13 : memref<1x80xi32, #tpu.memory_space<vmem>>)
    %run_scoped3A_179 = arith.constant 0 : i32
    "tpu.region"() ({
      %run_scoped3A_185 = tpu.sem_alloc : memref<!tpu.dma_semaphore, #tpu.memory_space<semaphore_mem>>
      %dma_start3A_186 = arith.constant 0 : i32
      %dma_start3A_187 = tpu.memref_slice %arg13[%run_scoped3A_179, %dma_start3A_186] : memref<1x80xi32, #tpu.memory_space<vmem>> -> memref<1x80xi32, #tpu.memory_space<vmem>>
      %dma_start3A_188 = tpu.memref_squeeze %dma_start3A_187 : memref<1x80xi32, #tpu.memory_space<vmem>> -> memref<80xi32, #tpu.memory_space<vmem>>
      %dma_start3A_189 = arith.constant 0 : i32
      %dma_start3A_190 = arith.constant 0 : i32
      %dma_start3A_191 = tpu.memref_slice %arg14[%dma_start3A_189, %dma_start3A_190] : memref<10240x128xf32, #tpu.memory_space<vmem_shared>> -> memref<10240x128xf32, #tpu.memory_space<vmem_shared>>
      tpu.enqueue_indirect_dma source(%arg10 : memref<80x128xf32, #tpu.memory_space<vmem>>) target(%dma_start3A_191 : memref<10240x128xf32, #tpu.memory_space<vmem_shared>>) offsets(%dma_start3A_188 : memref<80xi32, #tpu.memory_space<vmem>>) semaphore(%run_scoped3A_185 : memref<!tpu.dma_semaphore, #tpu.memory_space<semaphore_mem>>) {add = true}
      %dma_wait3A_192 = arith.constant 0 : i32
      %dma_wait3A_193 = tpu.memref_slice %arg13[%run_scoped3A_179, %dma_wait3A_192] : memref<1x80xi32, #tpu.memory_space<vmem>> -> memref<1x80xi32, #tpu.memory_space<vmem>>
      %dma_wait3A_194 = tpu.memref_squeeze %dma_wait3A_193 : memref<1x80xi32, #tpu.memory_space<vmem>> -> memref<80xi32, #tpu.memory_space<vmem>>
      %dma_wait3A_195 = arith.constant 0 : i32
      %dma_wait3A_196 = arith.constant 0 : i32
      %dma_wait3A_197 = tpu.memref_slice %arg14[%dma_wait3A_195, %dma_wait3A_196] : memref<10240x128xf32, #tpu.memory_space<vmem_shared>> -> memref<10240x128xf32, #tpu.memory_space<vmem_shared>>
      tpu.wait_indirect_dma semaphore(%run_scoped3A_185 : memref<!tpu.dma_semaphore, #tpu.memory_space<semaphore_mem>>) src(%arg10 : memref<80x128xf32, #tpu.memory_space<vmem>>) dst(%dma_wait3A_197 : memref<10240x128xf32, #tpu.memory_space<vmem_shared>>)
      tpu.yield
    }) : () -> ()
    %barrier3A_180 = arith.constant 0 : index
    tpu.barrier barrier_id(%barrier3A_180)
    %mul3A_181 = arith.constant 640 : i32
    %mul3A_182 = arith.muli %arg1, %mul3A_181 : i32
    %mul3A_183 = arith.constant 640 : i32
    %mul3A_184 = arith.muli %arg1, %mul3A_183 : i32
    "tpu.region"() ({
      %run_scoped3A_185 = tpu.sem_alloc : memref<!tpu.dma_semaphore, #tpu.memory_space<semaphore_mem>>
      %dma_start3A_186 = arith.constant 0 : i32
      %dma_start3A_187 = tpu.memref_slice %arg6[%arg0, %mul3A_184, %dma_start3A_186] : memref<2x10240x128xf32, #tpu.memory_space<hbm>> -> memref<1x640x128xf32, #tpu.memory_space<hbm>>
      %dma_start3A_188 = tpu.memref_squeeze %dma_start3A_187 : memref<1x640x128xf32, #tpu.memory_space<hbm>> -> memref<640x128xf32, #tpu.memory_space<hbm>>
      %dma_start3A_189 = arith.constant 0 : i32
      %dma_start3A_190 = tpu.memref_slice %arg14[%mul3A_182, %dma_start3A_189] : memref<10240x128xf32, #tpu.memory_space<vmem_shared>> -> memref<640x128xf32, #tpu.memory_space<vmem_shared>>
      tpu.enqueue_dma source(%dma_start3A_190 : memref<640x128xf32, #tpu.memory_space<vmem_shared>>) target(%dma_start3A_188 : memref<640x128xf32, #tpu.memory_space<hbm>>) target_semaphore(%run_scoped3A_185 : memref<!tpu.dma_semaphore, #tpu.memory_space<semaphore_mem>>)
      %dma_wait3A_191 = arith.constant 0 : i32
      %dma_wait3A_192 = tpu.memref_slice %arg6[%arg0, %mul3A_184, %dma_wait3A_191] : memref<2x10240x128xf32, #tpu.memory_space<hbm>> -> memref<1x640x128xf32, #tpu.memory_space<hbm>>
      %dma_wait3A_193 = tpu.memref_squeeze %dma_wait3A_192 : memref<1x640x128xf32, #tpu.memory_space<hbm>> -> memref<640x128xf32, #tpu.memory_space<hbm>>
      %dma_wait3A_194 = arith.constant 0 : i32
      %dma_wait3A_195 = tpu.memref_slice %arg14[%mul3A_182, %dma_wait3A_194] : memref<10240x128xf32, #tpu.memory_space<vmem_shared>> -> memref<640x128xf32, #tpu.memory_space<vmem_shared>>
      tpu.wait_dma2 semaphore(%run_scoped3A_185 : memref<!tpu.dma_semaphore, #tpu.memory_space<semaphore_mem>>) src(%dma_wait3A_195 : memref<640x128xf32, #tpu.memory_space<vmem_shared>>) dst(%dma_wait3A_193 : memref<640x128xf32, #tpu.memory_space<hbm>>)
      tpu.yield
    }) : () -> ()
    return
  }
}

#map = affine_map<(d0, d1) -> (0, 0)>
#map1 = affine_map<(d0, d1) -> (0, 0, 0)>
module attributes {stable_mosaic.version = 14 : i64} {
  func.func @segsum(%arg0: i32, %arg1: i32, %arg2: memref<10000x128xf32, #tpu.memory_space<hbm>>, %arg3: memref<32x10000xi32, #tpu.memory_space<hbm>>, %arg4: memref<4000x1x80xi32, #tpu.memory_space<hbm>>, %arg5: memref<640x128xf32, #tpu.memory_space<hbm>>, %arg6: memref<2x10240x128xf32, #tpu.memory_space<hbm>>, %arg7: memref<10000xi32, #tpu.memory_space<vmem>>, %arg8: memref<80x128xf32, #tpu.memory_space<vmem>>, %arg9: memref<80x128xf32, #tpu.memory_space<vmem>>, %arg10: memref<80x128xf32, #tpu.memory_space<vmem>>, %arg11: memref<1x80xi32, #tpu.memory_space<vmem>>, %arg12: memref<1x80xi32, #tpu.memory_space<vmem>>, %arg13: memref<1x80xi32, #tpu.memory_space<vmem>>, %arg14: memref<10240x128xf32, #tpu.memory_space<vmem_shared>>, %arg15: memref<!tpu.dma_semaphore, #tpu.memory_space<semaphore_mem>>, %arg16: memref<!tpu.dma_semaphore, #tpu.memory_space<semaphore_mem>>, %arg17: memref<!tpu.dma_semaphore, #tpu.memory_space<semaphore_mem>>, %arg18: memref<!tpu.dma_semaphore, #tpu.memory_space<semaphore_mem>>, %arg19: memref<!tpu.dma_semaphore, #tpu.memory_space<semaphore_mem>>, %arg20: memref<!tpu.dma_semaphore, #tpu.memory_space<semaphore_mem>>) attributes {dimension_semantics = [#tpu.dimension_semantics<core_parallel>, #tpu.dimension_semantics<subcore_parallel>], iteration_bounds = array<i64: 2, 16>, scalar_prefetch = 0 : i64, scratch_operands = 14 : i64, tpu.core_type = #tpu.core_type<sc_vector_subcore>, window_params = [{transform_indices = #map}, {transform_indices = #map}, {transform_indices = #map1}, {transform_indices = #map}, {transform_indices = #map1}]} {
    %mul3A = arith.constant 2 : i32
    %mul3A_0 = arith.muli %arg1, %mul3A : i32
    %add3A = arith.addi %mul3A_0, %arg0 : i32
    %mul3A_1 = arith.constant 640 : i32
    %mul3A_2 = arith.muli %arg1, %mul3A_1 : i32
    "tpu.region"() ({
      %run_scoped3A_185 = tpu.sem_alloc : memref<!tpu.dma_semaphore, #tpu.memory_space<semaphore_mem>>
      %dma_start3A_186 = arith.constant 0 : i32
      %dma_start3A_187 = tpu.memref_slice %arg14[%mul3A_2, %dma_start3A_186] : memref<10240x128xf32, #tpu.memory_space<vmem_shared>> -> memref<640x128xf32, #tpu.memory_space<vmem_shared>>
      tpu.enqueue_dma source(%arg5 : memref<640x128xf32, #tpu.memory_space<hbm>>) target(%dma_start3A_187 : memref<640x128xf32, #tpu.memory_space<vmem_shared>>) target_semaphore(%run_scoped3A_185 : memref<!tpu.dma_semaphore, #tpu.memory_space<semaphore_mem>>)
      %dma_wait3A_188 = arith.constant 0 : i32
      %dma_wait3A_189 = tpu.memref_slice %arg14[%mul3A_2, %dma_wait3A_188] : memref<10240x128xf32, #tpu.memory_space<vmem_shared>> -> memref<640x128xf32, #tpu.memory_space<vmem_shared>>
      tpu.wait_dma2 semaphore(%run_scoped3A_185 : memref<!tpu.dma_semaphore, #tpu.memory_space<semaphore_mem>>) src(%arg5 : memref<640x128xf32, #tpu.memory_space<hbm>>) dst(%dma_wait3A_189 : memref<640x128xf32, #tpu.memory_space<vmem_shared>>)
      tpu.yield
    }) : () -> ()
    "tpu.region"() ({
      %run_scoped3A_185 = tpu.sem_alloc : memref<!tpu.dma_semaphore, #tpu.memory_space<semaphore_mem>>
      %dma_start3A_186 = arith.constant 0 : i32
      %dma_start3A_187 = tpu.memref_slice %arg3[%add3A, %dma_start3A_186] : memref<32x10000xi32, #tpu.memory_space<hbm>> -> memref<1x10000xi32, #tpu.memory_space<hbm>>
      %dma_start3A_188 = tpu.memref_squeeze %dma_start3A_187 : memref<1x10000xi32, #tpu.memory_space<hbm>> -> memref<10000xi32, #tpu.memory_space<hbm>>
      %dma_start3A_189 = arith.constant 0 : i32
      %dma_start3A_190 = tpu.memref_slice %arg3[%add3A, %dma_start3A_189] : memref<32x10000xi32, #tpu.memory_space<hbm>> -> memref<1x10000xi32, #tpu.memory_space<hbm>>
      %dma_start3A_191 = tpu.memref_squeeze %dma_start3A_190 : memref<1x10000xi32, #tpu.memory_space<hbm>> -> memref<10000xi32, #tpu.memory_space<hbm>>
      tpu.enqueue_dma source(%dma_start3A_191 : memref<10000xi32, #tpu.memory_space<hbm>>) target(%arg7 : memref<10000xi32, #tpu.memory_space<vmem>>) target_semaphore(%run_scoped3A_185 : memref<!tpu.dma_semaphore, #tpu.memory_space<semaphore_mem>>)
      %dma_wait3A_192 = arith.constant 0 : i32
      %dma_wait3A_193 = tpu.memref_slice %arg3[%add3A, %dma_wait3A_192] : memref<32x10000xi32, #tpu.memory_space<hbm>> -> memref<1x10000xi32, #tpu.memory_space<hbm>>
      %dma_wait3A_194 = tpu.memref_squeeze %dma_wait3A_193 : memref<1x10000xi32, #tpu.memory_space<hbm>> -> memref<10000xi32, #tpu.memory_space<hbm>>
      %dma_wait3A_195 = arith.constant 0 : i32
      %dma_wait3A_196 = tpu.memref_slice %arg3[%add3A, %dma_wait3A_195] : memref<32x10000xi32, #tpu.memory_space<hbm>> -> memref<1x10000xi32, #tpu.memory_space<hbm>>
      %dma_wait3A_197 = tpu.memref_squeeze %dma_wait3A_196 : memref<1x10000xi32, #tpu.memory_space<hbm>> -> memref<10000xi32, #tpu.memory_space<hbm>>
      tpu.wait_dma2 semaphore(%run_scoped3A_185 : memref<!tpu.dma_semaphore, #tpu.memory_space<semaphore_mem>>) src(%dma_wait3A_197 : memref<10000xi32, #tpu.memory_space<hbm>>) dst(%arg7 : memref<10000xi32, #tpu.memory_space<vmem>>)
      tpu.yield
    }) : () -> ()
    %barrier3A = arith.constant 0 : index
    tpu.barrier barrier_id(%barrier3A)
    %mul3A_3 = arith.constant 125 : i32
    %mul3A_4 = arith.muli %add3A, %mul3A_3 : i32
    %add3A_5 = arith.constant 0 : i32
    %add3A_6 = arith.addi %mul3A_4, %add3A_5 : i32
    %dma_start3A = arith.constant 0 : i32
    %dma_start3A_7 = arith.constant 0 : i32
    %dma_start3A_8 = tpu.memref_slice %arg4[%add3A_6, %dma_start3A, %dma_start3A_7] : memref<4000x1x80xi32, #tpu.memory_space<hbm>> -> memref<1x1x80xi32, #tpu.memory_space<hbm>>
    %dma_start3A_9 = tpu.memref_squeeze %dma_start3A_8 : memref<1x1x80xi32, #tpu.memory_space<hbm>> -> memref<1x80xi32, #tpu.memory_space<hbm>>
    %dma_start3A_10 = arith.constant 0 : i32
    %dma_start3A_11 = arith.constant 0 : i32
    %dma_start3A_12 = tpu.memref_slice %arg4[%add3A_6, %dma_start3A_10, %dma_start3A_11] : memref<4000x1x80xi32, #tpu.memory_space<hbm>> -> memref<1x1x80xi32, #tpu.memory_space<hbm>>
    %dma_start3A_13 = tpu.memref_squeeze %dma_start3A_12 : memref<1x1x80xi32, #tpu.memory_space<hbm>> -> memref<1x80xi32, #tpu.memory_space<hbm>>
    tpu.enqueue_dma source(%dma_start3A_13 : memref<1x80xi32, #tpu.memory_space<hbm>>) target(%arg11 : memref<1x80xi32, #tpu.memory_space<vmem>>) target_semaphore(%arg18 : memref<!tpu.dma_semaphore, #tpu.memory_space<semaphore_mem>>)
    %dma_start3A_14 = arith.constant 0 : i32
    %dma_start3A_15 = tpu.memref_slice %arg7[%dma_start3A_14] : memref<10000xi32, #tpu.memory_space<vmem>> -> memref<80xi32, #tpu.memory_space<vmem>>
    %dma_start3A_16 = arith.constant 0 : i32
    %dma_start3A_17 = arith.constant 0 : i32
    %dma_start3A_18 = tpu.memref_slice %arg2[%dma_start3A_16, %dma_start3A_17] : memref<10000x128xf32, #tpu.memory_space<hbm>> -> memref<10000x128xf32, #tpu.memory_space<hbm>>
    tpu.enqueue_indirect_dma source(%dma_start3A_18 : memref<10000x128xf32, #tpu.memory_space<hbm>>) target(%arg8 : memref<80x128xf32, #tpu.memory_space<vmem>>) offsets(%dma_start3A_15 : memref<80xi32, #tpu.memory_space<vmem>>) semaphore(%arg15 : memref<!tpu.dma_semaphore, #tpu.memory_space<semaphore_mem>>)
    %dma_wait3A = arith.constant 0 : i32
    %dma_wait3A_19 = tpu.memref_slice %arg7[%dma_wait3A] : memref<10000xi32, #tpu.memory_space<vmem>> -> memref<80xi32, #tpu.memory_space<vmem>>
    %dma_wait3A_20 = arith.constant 0 : i32
    %dma_wait3A_21 = arith.constant 0 : i32
    %dma_wait3A_22 = tpu.memref_slice %arg2[%dma_wait3A_20, %dma_wait3A_21] : memref<10000x128xf32, #tpu.memory_space<hbm>> -> memref<10000x128xf32, #tpu.memory_space<hbm>>
    tpu.wait_indirect_dma semaphore(%arg15 : memref<!tpu.dma_semaphore, #tpu.memory_space<semaphore_mem>>) src(%dma_wait3A_22 : memref<10000x128xf32, #tpu.memory_space<hbm>>) dst(%arg8 : memref<80x128xf32, #tpu.memory_space<vmem>>)
    %mul3A_23 = arith.constant 125 : i32
    %mul3A_24 = arith.muli %add3A, %mul3A_23 : i32
    %add3A_25 = arith.constant 0 : i32
    %add3A_26 = arith.addi %mul3A_24, %add3A_25 : i32
    %dma_wait3A_27 = arith.constant 0 : i32
    %dma_wait3A_28 = arith.constant 0 : i32
    %dma_wait3A_29 = tpu.memref_slice %arg4[%add3A_26, %dma_wait3A_27, %dma_wait3A_28] : memref<4000x1x80xi32, #tpu.memory_space<hbm>> -> memref<1x1x80xi32, #tpu.memory_space<hbm>>
    %dma_wait3A_30 = tpu.memref_squeeze %dma_wait3A_29 : memref<1x1x80xi32, #tpu.memory_space<hbm>> -> memref<1x80xi32, #tpu.memory_space<hbm>>
    %dma_wait3A_31 = arith.constant 0 : i32
    %dma_wait3A_32 = arith.constant 0 : i32
    %dma_wait3A_33 = tpu.memref_slice %arg4[%add3A_26, %dma_wait3A_31, %dma_wait3A_32] : memref<4000x1x80xi32, #tpu.memory_space<hbm>> -> memref<1x1x80xi32, #tpu.memory_space<hbm>>
    %dma_wait3A_34 = tpu.memref_squeeze %dma_wait3A_33 : memref<1x1x80xi32, #tpu.memory_space<hbm>> -> memref<1x80xi32, #tpu.memory_space<hbm>>
    tpu.wait_dma2 semaphore(%arg18 : memref<!tpu.dma_semaphore, #tpu.memory_space<semaphore_mem>>) src(%dma_wait3A_34 : memref<1x80xi32, #tpu.memory_space<hbm>>) dst(%arg11 : memref<1x80xi32, #tpu.memory_space<vmem>>)
    %run_scoped3A = arith.constant 0 : i32
    "tpu.region"() ({
      %run_scoped3A_185 = tpu.sem_alloc : memref<!tpu.dma_semaphore, #tpu.memory_space<semaphore_mem>>
      %dma_start3A_186 = arith.constant 0 : i32
      %dma_start3A_187 = tpu.memref_slice %arg11[%run_scoped3A, %dma_start3A_186] : memref<1x80xi32, #tpu.memory_space<vmem>> -> memref<1x80xi32, #tpu.memory_space<vmem>>
      %dma_start3A_188 = tpu.memref_squeeze %dma_start3A_187 : memref<1x80xi32, #tpu.memory_space<vmem>> -> memref<80xi32, #tpu.memory_space<vmem>>
      %dma_start3A_189 = arith.constant 0 : i32
      %dma_start3A_190 = arith.constant 0 : i32
      %dma_start3A_191 = tpu.memref_slice %arg14[%dma_start3A_189, %dma_start3A_190] : memref<10240x128xf32, #tpu.memory_space<vmem_shared>> -> memref<10240x128xf32, #tpu.memory_space<vmem_shared>>
      tpu.enqueue_indirect_dma source(%arg8 : memref<80x128xf32, #tpu.memory_space<vmem>>) target(%dma_start3A_191 : memref<10240x128xf32, #tpu.memory_space<vmem_shared>>) offsets(%dma_start3A_188 : memref<80xi32, #tpu.memory_space<vmem>>) semaphore(%run_scoped3A_185 : memref<!tpu.dma_semaphore, #tpu.memory_space<semaphore_mem>>) {add = true}
      %dma_wait3A_192 = arith.constant 0 : i32
      %dma_wait3A_193 = tpu.memref_slice %arg11[%run_scoped3A, %dma_wait3A_192] : memref<1x80xi32, #tpu.memory_space<vmem>> -> memref<1x80xi32, #tpu.memory_space<vmem>>
      %dma_wait3A_194 = tpu.memref_squeeze %dma_wait3A_193 : memref<1x80xi32, #tpu.memory_space<vmem>> -> memref<80xi32, #tpu.memory_space<vmem>>
      %dma_wait3A_195 = arith.constant 0 : i32
      %dma_wait3A_196 = arith.constant 0 : i32
      %dma_wait3A_197 = tpu.memref_slice %arg14[%dma_wait3A_195, %dma_wait3A_196] : memref<10240x128xf32, #tpu.memory_space<vmem_shared>> -> memref<10240x128xf32, #tpu.memory_space<vmem_shared>>
      tpu.wait_indirect_dma semaphore(%run_scoped3A_185 : memref<!tpu.dma_semaphore, #tpu.memory_space<semaphore_mem>>) src(%arg8 : memref<80x128xf32, #tpu.memory_space<vmem>>) dst(%dma_wait3A_197 : memref<10240x128xf32, #tpu.memory_space<vmem_shared>>)
      tpu.yield
    }) : () -> ()
    %mul3A_35 = arith.constant 125 : i32
    %mul3A_36 = arith.muli %add3A, %mul3A_35 : i32
    %add3A_37 = arith.constant 1 : i32
    %add3A_38 = arith.addi %mul3A_36, %add3A_37 : i32
    %dma_start3A_39 = arith.constant 0 : i32
    %dma_start3A_40 = arith.constant 0 : i32
    %dma_start3A_41 = tpu.memref_slice %arg4[%add3A_38, %dma_start3A_39, %dma_start3A_40] : memref<4000x1x80xi32, #tpu.memory_space<hbm>> -> memref<1x1x80xi32, #tpu.memory_space<hbm>>
    %dma_start3A_42 = tpu.memref_squeeze %dma_start3A_41 : memref<1x1x80xi32, #tpu.memory_space<hbm>> -> memref<1x80xi32, #tpu.memory_space<hbm>>
    %dma_start3A_43 = arith.constant 0 : i32
    %dma_start3A_44 = arith.constant 0 : i32
    %dma_start3A_45 = tpu.memref_slice %arg4[%add3A_38, %dma_start3A_43, %dma_start3A_44] : memref<4000x1x80xi32, #tpu.memory_space<hbm>> -> memref<1x1x80xi32, #tpu.memory_space<hbm>>
    %dma_start3A_46 = tpu.memref_squeeze %dma_start3A_45 : memref<1x1x80xi32, #tpu.memory_space<hbm>> -> memref<1x80xi32, #tpu.memory_space<hbm>>
    tpu.enqueue_dma source(%dma_start3A_46 : memref<1x80xi32, #tpu.memory_space<hbm>>) target(%arg11 : memref<1x80xi32, #tpu.memory_space<vmem>>) target_semaphore(%arg18 : memref<!tpu.dma_semaphore, #tpu.memory_space<semaphore_mem>>)
    %dma_start3A_47 = arith.constant 80 : i32
    %dma_start3A_48 = tpu.memref_slice %arg7[%dma_start3A_47] : memref<10000xi32, #tpu.memory_space<vmem>> -> memref<80xi32, #tpu.memory_space<vmem>>
    %dma_start3A_49 = arith.constant 0 : i32
    %dma_start3A_50 = arith.constant 0 : i32
    %dma_start3A_51 = tpu.memref_slice %arg2[%dma_start3A_49, %dma_start3A_50] : memref<10000x128xf32, #tpu.memory_space<hbm>> -> memref<10000x128xf32, #tpu.memory_space<hbm>>
    tpu.enqueue_indirect_dma source(%dma_start3A_51 : memref<10000x128xf32, #tpu.memory_space<hbm>>) target(%arg8 : memref<80x128xf32, #tpu.memory_space<vmem>>) offsets(%dma_start3A_48 : memref<80xi32, #tpu.memory_space<vmem>>) semaphore(%arg15 : memref<!tpu.dma_semaphore, #tpu.memory_space<semaphore_mem>>)
    %dma_wait3A_52 = arith.constant 80 : i32
    %dma_wait3A_53 = tpu.memref_slice %arg7[%dma_wait3A_52] : memref<10000xi32, #tpu.memory_space<vmem>> -> memref<80xi32, #tpu.memory_space<vmem>>
    %dma_wait3A_54 = arith.constant 0 : i32
    %dma_wait3A_55 = arith.constant 0 : i32
    %dma_wait3A_56 = tpu.memref_slice %arg2[%dma_wait3A_54, %dma_wait3A_55] : memref<10000x128xf32, #tpu.memory_space<hbm>> -> memref<10000x128xf32, #tpu.memory_space<hbm>>
    tpu.wait_indirect_dma semaphore(%arg15 : memref<!tpu.dma_semaphore, #tpu.memory_space<semaphore_mem>>) src(%dma_wait3A_56 : memref<10000x128xf32, #tpu.memory_space<hbm>>) dst(%arg8 : memref<80x128xf32, #tpu.memory_space<vmem>>)
    %mul3A_57 = arith.constant 125 : i32
    %mul3A_58 = arith.muli %add3A, %mul3A_57 : i32
    %add3A_59 = arith.constant 1 : i32
    %add3A_60 = arith.addi %mul3A_58, %add3A_59 : i32
    %dma_wait3A_61 = arith.constant 0 : i32
    %dma_wait3A_62 = arith.constant 0 : i32
    %dma_wait3A_63 = tpu.memref_slice %arg4[%add3A_60, %dma_wait3A_61, %dma_wait3A_62] : memref<4000x1x80xi32, #tpu.memory_space<hbm>> -> memref<1x1x80xi32, #tpu.memory_space<hbm>>
    %dma_wait3A_64 = tpu.memref_squeeze %dma_wait3A_63 : memref<1x1x80xi32, #tpu.memory_space<hbm>> -> memref<1x80xi32, #tpu.memory_space<hbm>>
    %dma_wait3A_65 = arith.constant 0 : i32
    %dma_wait3A_66 = arith.constant 0 : i32
    %dma_wait3A_67 = tpu.memref_slice %arg4[%add3A_60, %dma_wait3A_65, %dma_wait3A_66] : memref<4000x1x80xi32, #tpu.memory_space<hbm>> -> memref<1x1x80xi32, #tpu.memory_space<hbm>>
    %dma_wait3A_68 = tpu.memref_squeeze %dma_wait3A_67 : memref<1x1x80xi32, #tpu.memory_space<hbm>> -> memref<1x80xi32, #tpu.memory_space<hbm>>
    tpu.wait_dma2 semaphore(%arg18 : memref<!tpu.dma_semaphore, #tpu.memory_space<semaphore_mem>>) src(%dma_wait3A_68 : memref<1x80xi32, #tpu.memory_space<hbm>>) dst(%arg11 : memref<1x80xi32, #tpu.memory_space<vmem>>)
    %run_scoped3A_69 = arith.constant 0 : i32
    "tpu.region"() ({
      %run_scoped3A_185 = tpu.sem_alloc : memref<!tpu.dma_semaphore, #tpu.memory_space<semaphore_mem>>
      %dma_start3A_186 = arith.constant 0 : i32
      %dma_start3A_187 = tpu.memref_slice %arg11[%run_scoped3A_69, %dma_start3A_186] : memref<1x80xi32, #tpu.memory_space<vmem>> -> memref<1x80xi32, #tpu.memory_space<vmem>>
      %dma_start3A_188 = tpu.memref_squeeze %dma_start3A_187 : memref<1x80xi32, #tpu.memory_space<vmem>> -> memref<80xi32, #tpu.memory_space<vmem>>
      %dma_start3A_189 = arith.constant 0 : i32
      %dma_start3A_190 = arith.constant 0 : i32
      %dma_start3A_191 = tpu.memref_slice %arg14[%dma_start3A_189, %dma_start3A_190] : memref<10240x128xf32, #tpu.memory_space<vmem_shared>> -> memref<10240x128xf32, #tpu.memory_space<vmem_shared>>
      tpu.enqueue_indirect_dma source(%arg8 : memref<80x128xf32, #tpu.memory_space<vmem>>) target(%dma_start3A_191 : memref<10240x128xf32, #tpu.memory_space<vmem_shared>>) offsets(%dma_start3A_188 : memref<80xi32, #tpu.memory_space<vmem>>) semaphore(%run_scoped3A_185 : memref<!tpu.dma_semaphore, #tpu.memory_space<semaphore_mem>>) {add = true}
      %dma_wait3A_192 = arith.constant 0 : i32
      %dma_wait3A_193 = tpu.memref_slice %arg11[%run_scoped3A_69, %dma_wait3A_192] : memref<1x80xi32, #tpu.memory_space<vmem>> -> memref<1x80xi32, #tpu.memory_space<vmem>>
      %dma_wait3A_194 = tpu.memref_squeeze %dma_wait3A_193 : memref<1x80xi32, #tpu.memory_space<vmem>> -> memref<80xi32, #tpu.memory_space<vmem>>
      %dma_wait3A_195 = arith.constant 0 : i32
      %dma_wait3A_196 = arith.constant 0 : i32
      %dma_wait3A_197 = tpu.memref_slice %arg14[%dma_wait3A_195, %dma_wait3A_196] : memref<10240x128xf32, #tpu.memory_space<vmem_shared>> -> memref<10240x128xf32, #tpu.memory_space<vmem_shared>>
      tpu.wait_indirect_dma semaphore(%run_scoped3A_185 : memref<!tpu.dma_semaphore, #tpu.memory_space<semaphore_mem>>) src(%arg8 : memref<80x128xf32, #tpu.memory_space<vmem>>) dst(%dma_wait3A_197 : memref<10240x128xf32, #tpu.memory_space<vmem_shared>>)
      tpu.yield
    }) : () -> ()
    %mul3A_70 = arith.constant 125 : i32
    %mul3A_71 = arith.muli %add3A, %mul3A_70 : i32
    %add3A_72 = arith.constant 2 : i32
    %add3A_73 = arith.addi %mul3A_71, %add3A_72 : i32
    %dma_start3A_74 = arith.constant 0 : i32
    %dma_start3A_75 = arith.constant 0 : i32
    %dma_start3A_76 = tpu.memref_slice %arg4[%add3A_73, %dma_start3A_74, %dma_start3A_75] : memref<4000x1x80xi32, #tpu.memory_space<hbm>> -> memref<1x1x80xi32, #tpu.memory_space<hbm>>
    %dma_start3A_77 = tpu.memref_squeeze %dma_start3A_76 : memref<1x1x80xi32, #tpu.memory_space<hbm>> -> memref<1x80xi32, #tpu.memory_space<hbm>>
    %dma_start3A_78 = arith.constant 0 : i32
    %dma_start3A_79 = arith.constant 0 : i32
    %dma_start3A_80 = tpu.memref_slice %arg4[%add3A_73, %dma_start3A_78, %dma_start3A_79] : memref<4000x1x80xi32, #tpu.memory_space<hbm>> -> memref<1x1x80xi32, #tpu.memory_space<hbm>>
    %dma_start3A_81 = tpu.memref_squeeze %dma_start3A_80 : memref<1x1x80xi32, #tpu.memory_space<hbm>> -> memref<1x80xi32, #tpu.memory_space<hbm>>
    tpu.enqueue_dma source(%dma_start3A_81 : memref<1x80xi32, #tpu.memory_space<hbm>>) target(%arg11 : memref<1x80xi32, #tpu.memory_space<vmem>>) target_semaphore(%arg18 : memref<!tpu.dma_semaphore, #tpu.memory_space<semaphore_mem>>)
    %dma_start3A_82 = arith.constant 160 : i32
    %dma_start3A_83 = tpu.memref_slice %arg7[%dma_start3A_82] : memref<10000xi32, #tpu.memory_space<vmem>> -> memref<80xi32, #tpu.memory_space<vmem>>
    %dma_start3A_84 = arith.constant 0 : i32
    %dma_start3A_85 = arith.constant 0 : i32
    %dma_start3A_86 = tpu.memref_slice %arg2[%dma_start3A_84, %dma_start3A_85] : memref<10000x128xf32, #tpu.memory_space<hbm>> -> memref<10000x128xf32, #tpu.memory_space<hbm>>
    tpu.enqueue_indirect_dma source(%dma_start3A_86 : memref<10000x128xf32, #tpu.memory_space<hbm>>) target(%arg8 : memref<80x128xf32, #tpu.memory_space<vmem>>) offsets(%dma_start3A_83 : memref<80xi32, #tpu.memory_space<vmem>>) semaphore(%arg15 : memref<!tpu.dma_semaphore, #tpu.memory_space<semaphore_mem>>)
    %mul3A_87 = arith.constant 125 : i32
    %mul3A_88 = arith.muli %add3A, %mul3A_87 : i32
    %add3A_89 = arith.constant 3 : i32
    %add3A_90 = arith.addi %mul3A_88, %add3A_89 : i32
    %dma_start3A_91 = arith.constant 0 : i32
    %dma_start3A_92 = arith.constant 0 : i32
    %dma_start3A_93 = tpu.memref_slice %arg4[%add3A_90, %dma_start3A_91, %dma_start3A_92] : memref<4000x1x80xi32, #tpu.memory_space<hbm>> -> memref<1x1x80xi32, #tpu.memory_space<hbm>>
    %dma_start3A_94 = tpu.memref_squeeze %dma_start3A_93 : memref<1x1x80xi32, #tpu.memory_space<hbm>> -> memref<1x80xi32, #tpu.memory_space<hbm>>
    %dma_start3A_95 = arith.constant 0 : i32
    %dma_start3A_96 = arith.constant 0 : i32
    %dma_start3A_97 = tpu.memref_slice %arg4[%add3A_90, %dma_start3A_95, %dma_start3A_96] : memref<4000x1x80xi32, #tpu.memory_space<hbm>> -> memref<1x1x80xi32, #tpu.memory_space<hbm>>
    %dma_start3A_98 = tpu.memref_squeeze %dma_start3A_97 : memref<1x1x80xi32, #tpu.memory_space<hbm>> -> memref<1x80xi32, #tpu.memory_space<hbm>>
    tpu.enqueue_dma source(%dma_start3A_98 : memref<1x80xi32, #tpu.memory_space<hbm>>) target(%arg12 : memref<1x80xi32, #tpu.memory_space<vmem>>) target_semaphore(%arg19 : memref<!tpu.dma_semaphore, #tpu.memory_space<semaphore_mem>>)
    %dma_start3A_99 = arith.constant 240 : i32
    %dma_start3A_100 = tpu.memref_slice %arg7[%dma_start3A_99] : memref<10000xi32, #tpu.memory_space<vmem>> -> memref<80xi32, #tpu.memory_space<vmem>>
    %dma_start3A_101 = arith.constant 0 : i32
    %dma_start3A_102 = arith.constant 0 : i32
    %dma_start3A_103 = tpu.memref_slice %arg2[%dma_start3A_101, %dma_start3A_102] : memref<10000x128xf32, #tpu.memory_space<hbm>> -> memref<10000x128xf32, #tpu.memory_space<hbm>>
    tpu.enqueue_indirect_dma source(%dma_start3A_103 : memref<10000x128xf32, #tpu.memory_space<hbm>>) target(%arg9 : memref<80x128xf32, #tpu.memory_space<vmem>>) offsets(%dma_start3A_100 : memref<80xi32, #tpu.memory_space<vmem>>) semaphore(%arg16 : memref<!tpu.dma_semaphore, #tpu.memory_space<semaphore_mem>>)
    %mul3A_104 = arith.constant 125 : i32
    %mul3A_105 = arith.muli %add3A, %mul3A_104 : i32
    %add3A_106 = arith.constant 4 : i32
    %add3A_107 = arith.addi %mul3A_105, %add3A_106 : i32
    %dma_start3A_108 = arith.constant 0 : i32
    %dma_start3A_109 = arith.constant 0 : i32
    %dma_start3A_110 = tpu.memref_slice %arg4[%add3A_107, %dma_start3A_108, %dma_start3A_109] : memref<4000x1x80xi32, #tpu.memory_space<hbm>> -> memref<1x1x80xi32, #tpu.memory_space<hbm>>
    %dma_start3A_111 = tpu.memref_squeeze %dma_start3A_110 : memref<1x1x80xi32, #tpu.memory_space<hbm>> -> memref<1x80xi32, #tpu.memory_space<hbm>>
    %dma_start3A_112 = arith.constant 0 : i32
    %dma_start3A_113 = arith.constant 0 : i32
    %dma_start3A_114 = tpu.memref_slice %arg4[%add3A_107, %dma_start3A_112, %dma_start3A_113] : memref<4000x1x80xi32, #tpu.memory_space<hbm>> -> memref<1x1x80xi32, #tpu.memory_space<hbm>>
    %dma_start3A_115 = tpu.memref_squeeze %dma_start3A_114 : memref<1x1x80xi32, #tpu.memory_space<hbm>> -> memref<1x80xi32, #tpu.memory_space<hbm>>
    tpu.enqueue_dma source(%dma_start3A_115 : memref<1x80xi32, #tpu.memory_space<hbm>>) target(%arg13 : memref<1x80xi32, #tpu.memory_space<vmem>>) target_semaphore(%arg20 : memref<!tpu.dma_semaphore, #tpu.memory_space<semaphore_mem>>)
    %dma_start3A_116 = arith.constant 320 : i32
    %dma_start3A_117 = tpu.memref_slice %arg7[%dma_start3A_116] : memref<10000xi32, #tpu.memory_space<vmem>> -> memref<80xi32, #tpu.memory_space<vmem>>
    %dma_start3A_118 = arith.constant 0 : i32
    %dma_start3A_119 = arith.constant 0 : i32
    %dma_start3A_120 = tpu.memref_slice %arg2[%dma_start3A_118, %dma_start3A_119] : memref<10000x128xf32, #tpu.memory_space<hbm>> -> memref<10000x128xf32, #tpu.memory_space<hbm>>
    tpu.enqueue_indirect_dma source(%dma_start3A_120 : memref<10000x128xf32, #tpu.memory_space<hbm>>) target(%arg10 : memref<80x128xf32, #tpu.memory_space<vmem>>) offsets(%dma_start3A_117 : memref<80xi32, #tpu.memory_space<vmem>>) semaphore(%arg17 : memref<!tpu.dma_semaphore, #tpu.memory_space<semaphore_mem>>)
    %scan3A = arith.constant 0 : i32
    %scan3A_121 = arith.constant 0 : i32
    %scan3A_122 = arith.constant 40 : i32
    %scan3A_123 = arith.addi %scan3A_121, %scan3A_122 : i32
    %scan3A_124 = arith.constant 1 : i32
    scf.for %scan3A_185 = %scan3A_121 to %scan3A_123 step %scan3A_124  : i32 {
      %mul3A_186 = arith.constant 3 : i32
      %mul3A_187 = arith.muli %scan3A_185, %mul3A_186 : i32
      %add3A_188 = arith.constant 2 : i32
      %add3A_189 = arith.addi %add3A_188, %mul3A_187 : i32
      %add3A_190 = arith.constant 0 : i32
      %add3A_191 = arith.addi %add3A_189, %add3A_190 : i32
      %mul3A_192 = arith.constant 80 : i32
      %mul3A_193 = arith.muli %add3A_191, %mul3A_192 : i32
      %dma_wait3A_194 = tpu.memref_slice %arg7[%mul3A_193] : memref<10000xi32, #tpu.memory_space<vmem>> -> memref<80xi32, #tpu.memory_space<vmem>>
      %dma_wait3A_195 = arith.constant 0 : i32
      %dma_wait3A_196 = arith.constant 0 : i32
      %dma_wait3A_197 = tpu.memref_slice %arg2[%dma_wait3A_195, %dma_wait3A_196] : memref<10000x128xf32, #tpu.memory_space<hbm>> -> memref<10000x128xf32, #tpu.memory_space<hbm>>
      tpu.wait_indirect_dma semaphore(%arg15 : memref<!tpu.dma_semaphore, #tpu.memory_space<semaphore_mem>>) src(%dma_wait3A_197 : memref<10000x128xf32, #tpu.memory_space<hbm>>) dst(%arg8 : memref<80x128xf32, #tpu.memory_space<vmem>>)
      %mul3A_198 = arith.constant 125 : i32
      %mul3A_199 = arith.muli %add3A, %mul3A_198 : i32
      %add3A_200 = arith.addi %mul3A_199, %add3A_191 : i32
      %dma_wait3A_201 = arith.constant 0 : i32
      %dma_wait3A_202 = arith.constant 0 : i32
      %dma_wait3A_203 = tpu.memref_slice %arg4[%add3A_200, %dma_wait3A_201, %dma_wait3A_202] : memref<4000x1x80xi32, #tpu.memory_space<hbm>> -> memref<1x1x80xi32, #tpu.memory_space<hbm>>
      %dma_wait3A_204 = tpu.memref_squeeze %dma_wait3A_203 : memref<1x1x80xi32, #tpu.memory_space<hbm>> -> memref<1x80xi32, #tpu.memory_space<hbm>>
      %dma_wait3A_205 = arith.constant 0 : i32
      %dma_wait3A_206 = arith.constant 0 : i32
      %dma_wait3A_207 = tpu.memref_slice %arg4[%add3A_200, %dma_wait3A_205, %dma_wait3A_206] : memref<4000x1x80xi32, #tpu.memory_space<hbm>> -> memref<1x1x80xi32, #tpu.memory_space<hbm>>
      %dma_wait3A_208 = tpu.memref_squeeze %dma_wait3A_207 : memref<1x1x80xi32, #tpu.memory_space<hbm>> -> memref<1x80xi32, #tpu.memory_space<hbm>>
      tpu.wait_dma2 semaphore(%arg18 : memref<!tpu.dma_semaphore, #tpu.memory_space<semaphore_mem>>) src(%dma_wait3A_208 : memref<1x80xi32, #tpu.memory_space<hbm>>) dst(%arg11 : memref<1x80xi32, #tpu.memory_space<vmem>>)
      %run_scoped3A_209 = arith.constant 0 : i32
      "tpu.region"() ({
        %run_scoped3A_321 = tpu.sem_alloc : memref<!tpu.dma_semaphore, #tpu.memory_space<semaphore_mem>>
        %dma_start3A_322 = arith.constant 0 : i32
        %dma_start3A_323 = tpu.memref_slice %arg11[%run_scoped3A_209, %dma_start3A_322] : memref<1x80xi32, #tpu.memory_space<vmem>> -> memref<1x80xi32, #tpu.memory_space<vmem>>
        %dma_start3A_324 = tpu.memref_squeeze %dma_start3A_323 : memref<1x80xi32, #tpu.memory_space<vmem>> -> memref<80xi32, #tpu.memory_space<vmem>>
        %dma_start3A_325 = arith.constant 0 : i32
        %dma_start3A_326 = arith.constant 0 : i32
        %dma_start3A_327 = tpu.memref_slice %arg14[%dma_start3A_325, %dma_start3A_326] : memref<10240x128xf32, #tpu.memory_space<vmem_shared>> -> memref<10240x128xf32, #tpu.memory_space<vmem_shared>>
        tpu.enqueue_indirect_dma source(%arg8 : memref<80x128xf32, #tpu.memory_space<vmem>>) target(%dma_start3A_327 : memref<10240x128xf32, #tpu.memory_space<vmem_shared>>) offsets(%dma_start3A_324 : memref<80xi32, #tpu.memory_space<vmem>>) semaphore(%run_scoped3A_321 : memref<!tpu.dma_semaphore, #tpu.memory_space<semaphore_mem>>) {add = true}
        %dma_wait3A_328 = arith.constant 0 : i32
        %dma_wait3A_329 = tpu.memref_slice %arg11[%run_scoped3A_209, %dma_wait3A_328] : memref<1x80xi32, #tpu.memory_space<vmem>> -> memref<1x80xi32, #tpu.memory_space<vmem>>
        %dma_wait3A_330 = tpu.memref_squeeze %dma_wait3A_329 : memref<1x80xi32, #tpu.memory_space<vmem>> -> memref<80xi32, #tpu.memory_space<vmem>>
        %dma_wait3A_331 = arith.constant 0 : i32
        %dma_wait3A_332 = arith.constant 0 : i32
        %dma_wait3A_333 = tpu.memref_slice %arg14[%dma_wait3A_331, %dma_wait3A_332] : memref<10240x128xf32, #tpu.memory_space<vmem_shared>> -> memref<10240x128xf32, #tpu.memory_space<vmem_shared>>
        tpu.wait_indirect_dma semaphore(%run_scoped3A_321 : memref<!tpu.dma_semaphore, #tpu.memory_space<semaphore_mem>>) src(%arg8 : memref<80x128xf32, #tpu.memory_space<vmem>>) dst(%dma_wait3A_333 : memref<10240x128xf32, #tpu.memory_space<vmem_shared>>)
        tpu.yield
      }) : () -> ()
      %add3A_210 = arith.constant 3 : i32
      %add3A_211 = arith.addi %add3A_191, %add3A_210 : i32
      %mul3A_212 = arith.constant 125 : i32
      %mul3A_213 = arith.muli %add3A, %mul3A_212 : i32
      %add3A_214 = arith.addi %mul3A_213, %add3A_211 : i32
      %dma_start3A_215 = arith.constant 0 : i32
      %dma_start3A_216 = arith.constant 0 : i32
      %dma_start3A_217 = tpu.memref_slice %arg4[%add3A_214, %dma_start3A_215, %dma_start3A_216] : memref<4000x1x80xi32, #tpu.memory_space<hbm>> -> memref<1x1x80xi32, #tpu.memory_space<hbm>>
      %dma_start3A_218 = tpu.memref_squeeze %dma_start3A_217 : memref<1x1x80xi32, #tpu.memory_space<hbm>> -> memref<1x80xi32, #tpu.memory_space<hbm>>
      %dma_start3A_219 = arith.constant 0 : i32
      %dma_start3A_220 = arith.constant 0 : i32
      %dma_start3A_221 = tpu.memref_slice %arg4[%add3A_214, %dma_start3A_219, %dma_start3A_220] : memref<4000x1x80xi32, #tpu.memory_space<hbm>> -> memref<1x1x80xi32, #tpu.memory_space<hbm>>
      %dma_start3A_222 = tpu.memref_squeeze %dma_start3A_221 : memref<1x1x80xi32, #tpu.memory_space<hbm>> -> memref<1x80xi32, #tpu.memory_space<hbm>>
      tpu.enqueue_dma source(%dma_start3A_222 : memref<1x80xi32, #tpu.memory_space<hbm>>) target(%arg11 : memref<1x80xi32, #tpu.memory_space<vmem>>) target_semaphore(%arg18 : memref<!tpu.dma_semaphore, #tpu.memory_space<semaphore_mem>>)
      %add3A_223 = arith.constant 3 : i32
      %add3A_224 = arith.addi %add3A_191, %add3A_223 : i32
      %mul3A_225 = arith.constant 80 : i32
      %mul3A_226 = arith.muli %add3A_224, %mul3A_225 : i32
      %dma_start3A_227 = tpu.memref_slice %arg7[%mul3A_226] : memref<10000xi32, #tpu.memory_space<vmem>> -> memref<80xi32, #tpu.memory_space<vmem>>
      %dma_start3A_228 = arith.constant 0 : i32
      %dma_start3A_229 = arith.constant 0 : i32
      %dma_start3A_230 = tpu.memref_slice %arg2[%dma_start3A_228, %dma_start3A_229] : memref<10000x128xf32, #tpu.memory_space<hbm>> -> memref<10000x128xf32, #tpu.memory_space<hbm>>
      tpu.enqueue_indirect_dma source(%dma_start3A_230 : memref<10000x128xf32, #tpu.memory_space<hbm>>) target(%arg8 : memref<80x128xf32, #tpu.memory_space<vmem>>) offsets(%dma_start3A_227 : memref<80xi32, #tpu.memory_space<vmem>>) semaphore(%arg15 : memref<!tpu.dma_semaphore, #tpu.memory_space<semaphore_mem>>)
      %mul3A_231 = arith.constant 3 : i32
      %mul3A_232 = arith.muli %scan3A_185, %mul3A_231 : i32
      %add3A_233 = arith.constant 2 : i32
      %add3A_234 = arith.addi %add3A_233, %mul3A_232 : i32
      %add3A_235 = arith.constant 1 : i32
      %add3A_236 = arith.addi %add3A_234, %add3A_235 : i32
      %mul3A_237 = arith.constant 80 : i32
      %mul3A_238 = arith.muli %add3A_236, %mul3A_237 : i32
      %dma_wait3A_239 = tpu.memref_slice %arg7[%mul3A_238] : memref<10000xi32, #tpu.memory_space<vmem>> -> memref<80xi32, #tpu.memory_space<vmem>>
      %dma_wait3A_240 = arith.constant 0 : i32
      %dma_wait3A_241 = arith.constant 0 : i32
      %dma_wait3A_242 = tpu.memref_slice %arg2[%dma_wait3A_240, %dma_wait3A_241] : memref<10000x128xf32, #tpu.memory_space<hbm>> -> memref<10000x128xf32, #tpu.memory_space<hbm>>
      tpu.wait_indirect_dma semaphore(%arg16 : memref<!tpu.dma_semaphore, #tpu.memory_space<semaphore_mem>>) src(%dma_wait3A_242 : memref<10000x128xf32, #tpu.memory_space<hbm>>) dst(%arg9 : memref<80x128xf32, #tpu.memory_space<vmem>>)
      %mul3A_243 = arith.constant 125 : i32
      %mul3A_244 = arith.muli %add3A, %mul3A_243 : i32
      %add3A_245 = arith.addi %mul3A_244, %add3A_236 : i32
      %dma_wait3A_246 = arith.constant 0 : i32
      %dma_wait3A_247 = arith.constant 0 : i32
      %dma_wait3A_248 = tpu.memref_slice %arg4[%add3A_245, %dma_wait3A_246, %dma_wait3A_247] : memref<4000x1x80xi32, #tpu.memory_space<hbm>> -> memref<1x1x80xi32, #tpu.memory_space<hbm>>
      %dma_wait3A_249 = tpu.memref_squeeze %dma_wait3A_248 : memref<1x1x80xi32, #tpu.memory_space<hbm>> -> memref<1x80xi32, #tpu.memory_space<hbm>>
      %dma_wait3A_250 = arith.constant 0 : i32
      %dma_wait3A_251 = arith.constant 0 : i32
      %dma_wait3A_252 = tpu.memref_slice %arg4[%add3A_245, %dma_wait3A_250, %dma_wait3A_251] : memref<4000x1x80xi32, #tpu.memory_space<hbm>> -> memref<1x1x80xi32, #tpu.memory_space<hbm>>
      %dma_wait3A_253 = tpu.memref_squeeze %dma_wait3A_252 : memref<1x1x80xi32, #tpu.memory_space<hbm>> -> memref<1x80xi32, #tpu.memory_space<hbm>>
      tpu.wait_dma2 semaphore(%arg19 : memref<!tpu.dma_semaphore, #tpu.memory_space<semaphore_mem>>) src(%dma_wait3A_253 : memref<1x80xi32, #tpu.memory_space<hbm>>) dst(%arg12 : memref<1x80xi32, #tpu.memory_space<vmem>>)
      %run_scoped3A_254 = arith.constant 0 : i32
      "tpu.region"() ({
        %run_scoped3A_321 = tpu.sem_alloc : memref<!tpu.dma_semaphore, #tpu.memory_space<semaphore_mem>>
        %dma_start3A_322 = arith.constant 0 : i32
        %dma_start3A_323 = tpu.memref_slice %arg12[%run_scoped3A_254, %dma_start3A_322] : memref<1x80xi32, #tpu.memory_space<vmem>> -> memref<1x80xi32, #tpu.memory_space<vmem>>
        %dma_start3A_324 = tpu.memref_squeeze %dma_start3A_323 : memref<1x80xi32, #tpu.memory_space<vmem>> -> memref<80xi32, #tpu.memory_space<vmem>>
        %dma_start3A_325 = arith.constant 0 : i32
        %dma_start3A_326 = arith.constant 0 : i32
        %dma_start3A_327 = tpu.memref_slice %arg14[%dma_start3A_325, %dma_start3A_326] : memref<10240x128xf32, #tpu.memory_space<vmem_shared>> -> memref<10240x128xf32, #tpu.memory_space<vmem_shared>>
        tpu.enqueue_indirect_dma source(%arg9 : memref<80x128xf32, #tpu.memory_space<vmem>>) target(%dma_start3A_327 : memref<10240x128xf32, #tpu.memory_space<vmem_shared>>) offsets(%dma_start3A_324 : memref<80xi32, #tpu.memory_space<vmem>>) semaphore(%run_scoped3A_321 : memref<!tpu.dma_semaphore, #tpu.memory_space<semaphore_mem>>) {add = true}
        %dma_wait3A_328 = arith.constant 0 : i32
        %dma_wait3A_329 = tpu.memref_slice %arg12[%run_scoped3A_254, %dma_wait3A_328] : memref<1x80xi32, #tpu.memory_space<vmem>> -> memref<1x80xi32, #tpu.memory_space<vmem>>
        %dma_wait3A_330 = tpu.memref_squeeze %dma_wait3A_329 : memref<1x80xi32, #tpu.memory_space<vmem>> -> memref<80xi32, #tpu.memory_space<vmem>>
        %dma_wait3A_331 = arith.constant 0 : i32
        %dma_wait3A_332 = arith.constant 0 : i32
        %dma_wait3A_333 = tpu.memref_slice %arg14[%dma_wait3A_331, %dma_wait3A_332] : memref<10240x128xf32, #tpu.memory_space<vmem_shared>> -> memref<10240x128xf32, #tpu.memory_space<vmem_shared>>
        tpu.wait_indirect_dma semaphore(%run_scoped3A_321 : memref<!tpu.dma_semaphore, #tpu.memory_space<semaphore_mem>>) src(%arg9 : memref<80x128xf32, #tpu.memory_space<vmem>>) dst(%dma_wait3A_333 : memref<10240x128xf32, #tpu.memory_space<vmem_shared>>)
        tpu.yield
      }) : () -> ()
      %add3A_255 = arith.constant 3 : i32
      %add3A_256 = arith.addi %add3A_236, %add3A_255 : i32
      %mul3A_257 = arith.constant 125 : i32
      %mul3A_258 = arith.muli %add3A, %mul3A_257 : i32
      %add3A_259 = arith.addi %mul3A_258, %add3A_256 : i32
      %dma_start3A_260 = arith.constant 0 : i32
      %dma_start3A_261 = arith.constant 0 : i32
      %dma_start3A_262 = tpu.memref_slice %arg4[%add3A_259, %dma_start3A_260, %dma_start3A_261] : memref<4000x1x80xi32, #tpu.memory_space<hbm>> -> memref<1x1x80xi32, #tpu.memory_space<hbm>>
      %dma_start3A_263 = tpu.memref_squeeze %dma_start3A_262 : memref<1x1x80xi32, #tpu.memory_space<hbm>> -> memref<1x80xi32, #tpu.memory_space<hbm>>
      %dma_start3A_264 = arith.constant 0 : i32
      %dma_start3A_265 = arith.constant 0 : i32
      %dma_start3A_266 = tpu.memref_slice %arg4[%add3A_259, %dma_start3A_264, %dma_start3A_265] : memref<4000x1x80xi32, #tpu.memory_space<hbm>> -> memref<1x1x80xi32, #tpu.memory_space<hbm>>
      %dma_start3A_267 = tpu.memref_squeeze %dma_start3A_266 : memref<1x1x80xi32, #tpu.memory_space<hbm>> -> memref<1x80xi32, #tpu.memory_space<hbm>>
      tpu.enqueue_dma source(%dma_start3A_267 : memref<1x80xi32, #tpu.memory_space<hbm>>) target(%arg12 : memref<1x80xi32, #tpu.memory_space<vmem>>) target_semaphore(%arg19 : memref<!tpu.dma_semaphore, #tpu.memory_space<semaphore_mem>>)
      %add3A_268 = arith.constant 3 : i32
      %add3A_269 = arith.addi %add3A_236, %add3A_268 : i32
      %mul3A_270 = arith.constant 80 : i32
      %mul3A_271 = arith.muli %add3A_269, %mul3A_270 : i32
      %dma_start3A_272 = tpu.memref_slice %arg7[%mul3A_271] : memref<10000xi32, #tpu.memory_space<vmem>> -> memref<80xi32, #tpu.memory_space<vmem>>
      %dma_start3A_273 = arith.constant 0 : i32
      %dma_start3A_274 = arith.constant 0 : i32
      %dma_start3A_275 = tpu.memref_slice %arg2[%dma_start3A_273, %dma_start3A_274] : memref<10000x128xf32, #tpu.memory_space<hbm>> -> memref<10000x128xf32, #tpu.memory_space<hbm>>
      tpu.enqueue_indirect_dma source(%dma_start3A_275 : memref<10000x128xf32, #tpu.memory_space<hbm>>) target(%arg9 : memref<80x128xf32, #tpu.memory_space<vmem>>) offsets(%dma_start3A_272 : memref<80xi32, #tpu.memory_space<vmem>>) semaphore(%arg16 : memref<!tpu.dma_semaphore, #tpu.memory_space<semaphore_mem>>)
      %mul3A_276 = arith.constant 3 : i32
      %mul3A_277 = arith.muli %scan3A_185, %mul3A_276 : i32
      %add3A_278 = arith.constant 2 : i32
      %add3A_279 = arith.addi %add3A_278, %mul3A_277 : i32
      %add3A_280 = arith.constant 2 : i32
      %add3A_281 = arith.addi %add3A_279, %add3A_280 : i32
      %mul3A_282 = arith.constant 80 : i32
      %mul3A_283 = arith.muli %add3A_281, %mul3A_282 : i32
      %dma_wait3A_284 = tpu.memref_slice %arg7[%mul3A_283] : memref<10000xi32, #tpu.memory_space<vmem>> -> memref<80xi32, #tpu.memory_space<vmem>>
      %dma_wait3A_285 = arith.constant 0 : i32
      %dma_wait3A_286 = arith.constant 0 : i32
      %dma_wait3A_287 = tpu.memref_slice %arg2[%dma_wait3A_285, %dma_wait3A_286] : memref<10000x128xf32, #tpu.memory_space<hbm>> -> memref<10000x128xf32, #tpu.memory_space<hbm>>
      tpu.wait_indirect_dma semaphore(%arg17 : memref<!tpu.dma_semaphore, #tpu.memory_space<semaphore_mem>>) src(%dma_wait3A_287 : memref<10000x128xf32, #tpu.memory_space<hbm>>) dst(%arg10 : memref<80x128xf32, #tpu.memory_space<vmem>>)
      %mul3A_288 = arith.constant 125 : i32
      %mul3A_289 = arith.muli %add3A, %mul3A_288 : i32
      %add3A_290 = arith.addi %mul3A_289, %add3A_281 : i32
      %dma_wait3A_291 = arith.constant 0 : i32
      %dma_wait3A_292 = arith.constant 0 : i32
      %dma_wait3A_293 = tpu.memref_slice %arg4[%add3A_290, %dma_wait3A_291, %dma_wait3A_292] : memref<4000x1x80xi32, #tpu.memory_space<hbm>> -> memref<1x1x80xi32, #tpu.memory_space<hbm>>
      %dma_wait3A_294 = tpu.memref_squeeze %dma_wait3A_293 : memref<1x1x80xi32, #tpu.memory_space<hbm>> -> memref<1x80xi32, #tpu.memory_space<hbm>>
      %dma_wait3A_295 = arith.constant 0 : i32
      %dma_wait3A_296 = arith.constant 0 : i32
      %dma_wait3A_297 = tpu.memref_slice %arg4[%add3A_290, %dma_wait3A_295, %dma_wait3A_296] : memref<4000x1x80xi32, #tpu.memory_space<hbm>> -> memref<1x1x80xi32, #tpu.memory_space<hbm>>
      %dma_wait3A_298 = tpu.memref_squeeze %dma_wait3A_297 : memref<1x1x80xi32, #tpu.memory_space<hbm>> -> memref<1x80xi32, #tpu.memory_space<hbm>>
      tpu.wait_dma2 semaphore(%arg20 : memref<!tpu.dma_semaphore, #tpu.memory_space<semaphore_mem>>) src(%dma_wait3A_298 : memref<1x80xi32, #tpu.memory_space<hbm>>) dst(%arg13 : memref<1x80xi32, #tpu.memory_space<vmem>>)
      %run_scoped3A_299 = arith.constant 0 : i32
      "tpu.region"() ({
        %run_scoped3A_321 = tpu.sem_alloc : memref<!tpu.dma_semaphore, #tpu.memory_space<semaphore_mem>>
        %dma_start3A_322 = arith.constant 0 : i32
        %dma_start3A_323 = tpu.memref_slice %arg13[%run_scoped3A_299, %dma_start3A_322] : memref<1x80xi32, #tpu.memory_space<vmem>> -> memref<1x80xi32, #tpu.memory_space<vmem>>
        %dma_start3A_324 = tpu.memref_squeeze %dma_start3A_323 : memref<1x80xi32, #tpu.memory_space<vmem>> -> memref<80xi32, #tpu.memory_space<vmem>>
        %dma_start3A_325 = arith.constant 0 : i32
        %dma_start3A_326 = arith.constant 0 : i32
        %dma_start3A_327 = tpu.memref_slice %arg14[%dma_start3A_325, %dma_start3A_326] : memref<10240x128xf32, #tpu.memory_space<vmem_shared>> -> memref<10240x128xf32, #tpu.memory_space<vmem_shared>>
        tpu.enqueue_indirect_dma source(%arg10 : memref<80x128xf32, #tpu.memory_space<vmem>>) target(%dma_start3A_327 : memref<10240x128xf32, #tpu.memory_space<vmem_shared>>) offsets(%dma_start3A_324 : memref<80xi32, #tpu.memory_space<vmem>>) semaphore(%run_scoped3A_321 : memref<!tpu.dma_semaphore, #tpu.memory_space<semaphore_mem>>) {add = true}
        %dma_wait3A_328 = arith.constant 0 : i32
        %dma_wait3A_329 = tpu.memref_slice %arg13[%run_scoped3A_299, %dma_wait3A_328] : memref<1x80xi32, #tpu.memory_space<vmem>> -> memref<1x80xi32, #tpu.memory_space<vmem>>
        %dma_wait3A_330 = tpu.memref_squeeze %dma_wait3A_329 : memref<1x80xi32, #tpu.memory_space<vmem>> -> memref<80xi32, #tpu.memory_space<vmem>>
        %dma_wait3A_331 = arith.constant 0 : i32
        %dma_wait3A_332 = arith.constant 0 : i32
        %dma_wait3A_333 = tpu.memref_slice %arg14[%dma_wait3A_331, %dma_wait3A_332] : memref<10240x128xf32, #tpu.memory_space<vmem_shared>> -> memref<10240x128xf32, #tpu.memory_space<vmem_shared>>
        tpu.wait_indirect_dma semaphore(%run_scoped3A_321 : memref<!tpu.dma_semaphore, #tpu.memory_space<semaphore_mem>>) src(%arg10 : memref<80x128xf32, #tpu.memory_space<vmem>>) dst(%dma_wait3A_333 : memref<10240x128xf32, #tpu.memory_space<vmem_shared>>)
        tpu.yield
      }) : () -> ()
      %add3A_300 = arith.constant 3 : i32
      %add3A_301 = arith.addi %add3A_281, %add3A_300 : i32
      %mul3A_302 = arith.constant 125 : i32
      %mul3A_303 = arith.muli %add3A, %mul3A_302 : i32
      %add3A_304 = arith.addi %mul3A_303, %add3A_301 : i32
      %dma_start3A_305 = arith.constant 0 : i32
      %dma_start3A_306 = arith.constant 0 : i32
      %dma_start3A_307 = tpu.memref_slice %arg4[%add3A_304, %dma_start3A_305, %dma_start3A_306] : memref<4000x1x80xi32, #tpu.memory_space<hbm>> -> memref<1x1x80xi32, #tpu.memory_space<hbm>>
      %dma_start3A_308 = tpu.memref_squeeze %dma_start3A_307 : memref<1x1x80xi32, #tpu.memory_space<hbm>> -> memref<1x80xi32, #tpu.memory_space<hbm>>
      %dma_start3A_309 = arith.constant 0 : i32
      %dma_start3A_310 = arith.constant 0 : i32
      %dma_start3A_311 = tpu.memref_slice %arg4[%add3A_304, %dma_start3A_309, %dma_start3A_310] : memref<4000x1x80xi32, #tpu.memory_space<hbm>> -> memref<1x1x80xi32, #tpu.memory_space<hbm>>
      %dma_start3A_312 = tpu.memref_squeeze %dma_start3A_311 : memref<1x1x80xi32, #tpu.memory_space<hbm>> -> memref<1x80xi32, #tpu.memory_space<hbm>>
      tpu.enqueue_dma source(%dma_start3A_312 : memref<1x80xi32, #tpu.memory_space<hbm>>) target(%arg13 : memref<1x80xi32, #tpu.memory_space<vmem>>) target_semaphore(%arg20 : memref<!tpu.dma_semaphore, #tpu.memory_space<semaphore_mem>>)
      %add3A_313 = arith.constant 3 : i32
      %add3A_314 = arith.addi %add3A_281, %add3A_313 : i32
      %mul3A_315 = arith.constant 80 : i32
      %mul3A_316 = arith.muli %add3A_314, %mul3A_315 : i32
      %dma_start3A_317 = tpu.memref_slice %arg7[%mul3A_316] : memref<10000xi32, #tpu.memory_space<vmem>> -> memref<80xi32, #tpu.memory_space<vmem>>
      %dma_start3A_318 = arith.constant 0 : i32
      %dma_start3A_319 = arith.constant 0 : i32
      %dma_start3A_320 = tpu.memref_slice %arg2[%dma_start3A_318, %dma_start3A_319] : memref<10000x128xf32, #tpu.memory_space<hbm>> -> memref<10000x128xf32, #tpu.memory_space<hbm>>
      tpu.enqueue_indirect_dma source(%dma_start3A_320 : memref<10000x128xf32, #tpu.memory_space<hbm>>) target(%arg10 : memref<80x128xf32, #tpu.memory_space<vmem>>) offsets(%dma_start3A_317 : memref<80xi32, #tpu.memory_space<vmem>>) semaphore(%arg17 : memref<!tpu.dma_semaphore, #tpu.memory_space<semaphore_mem>>)
    }
    %scan3A_125 = arith.constant 40 : i32
    %dma_wait3A_126 = arith.constant 9760 : i32
    %dma_wait3A_127 = tpu.memref_slice %arg7[%dma_wait3A_126] : memref<10000xi32, #tpu.memory_space<vmem>> -> memref<80xi32, #tpu.memory_space<vmem>>
    %dma_wait3A_128 = arith.constant 0 : i32
    %dma_wait3A_129 = arith.constant 0 : i32
    %dma_wait3A_130 = tpu.memref_slice %arg2[%dma_wait3A_128, %dma_wait3A_129] : memref<10000x128xf32, #tpu.memory_space<hbm>> -> memref<10000x128xf32, #tpu.memory_space<hbm>>
    tpu.wait_indirect_dma semaphore(%arg15 : memref<!tpu.dma_semaphore, #tpu.memory_space<semaphore_mem>>) src(%dma_wait3A_130 : memref<10000x128xf32, #tpu.memory_space<hbm>>) dst(%arg8 : memref<80x128xf32, #tpu.memory_space<vmem>>)
    %mul3A_131 = arith.constant 125 : i32
    %mul3A_132 = arith.muli %add3A, %mul3A_131 : i32
    %add3A_133 = arith.constant 122 : i32
    %add3A_134 = arith.addi %mul3A_132, %add3A_133 : i32
    %dma_wait3A_135 = arith.constant 0 : i32
    %dma_wait3A_136 = arith.constant 0 : i32
    %dma_wait3A_137 = tpu.memref_slice %arg4[%add3A_134, %dma_wait3A_135, %dma_wait3A_136] : memref<4000x1x80xi32, #tpu.memory_space<hbm>> -> memref<1x1x80xi32, #tpu.memory_space<hbm>>
    %dma_wait3A_138 = tpu.memref_squeeze %dma_wait3A_137 : memref<1x1x80xi32, #tpu.memory_space<hbm>> -> memref<1x80xi32, #tpu.memory_space<hbm>>
    %dma_wait3A_139 = arith.constant 0 : i32
    %dma_wait3A_140 = arith.constant 0 : i32
    %dma_wait3A_141 = tpu.memref_slice %arg4[%add3A_134, %dma_wait3A_139, %dma_wait3A_140] : memref<4000x1x80xi32, #tpu.memory_space<hbm>> -> memref<1x1x80xi32, #tpu.memory_space<hbm>>
    %dma_wait3A_142 = tpu.memref_squeeze %dma_wait3A_141 : memref<1x1x80xi32, #tpu.memory_space<hbm>> -> memref<1x80xi32, #tpu.memory_space<hbm>>
    tpu.wait_dma2 semaphore(%arg18 : memref<!tpu.dma_semaphore, #tpu.memory_space<semaphore_mem>>) src(%dma_wait3A_142 : memref<1x80xi32, #tpu.memory_space<hbm>>) dst(%arg11 : memref<1x80xi32, #tpu.memory_space<vmem>>)
    %run_scoped3A_143 = arith.constant 0 : i32
    "tpu.region"() ({
      %run_scoped3A_185 = tpu.sem_alloc : memref<!tpu.dma_semaphore, #tpu.memory_space<semaphore_mem>>
      %dma_start3A_186 = arith.constant 0 : i32
      %dma_start3A_187 = tpu.memref_slice %arg11[%run_scoped3A_143, %dma_start3A_186] : memref<1x80xi32, #tpu.memory_space<vmem>> -> memref<1x80xi32, #tpu.memory_space<vmem>>
      %dma_start3A_188 = tpu.memref_squeeze %dma_start3A_187 : memref<1x80xi32, #tpu.memory_space<vmem>> -> memref<80xi32, #tpu.memory_space<vmem>>
      %dma_start3A_189 = arith.constant 0 : i32
      %dma_start3A_190 = arith.constant 0 : i32
      %dma_start3A_191 = tpu.memref_slice %arg14[%dma_start3A_189, %dma_start3A_190] : memref<10240x128xf32, #tpu.memory_space<vmem_shared>> -> memref<10240x128xf32, #tpu.memory_space<vmem_shared>>
      tpu.enqueue_indirect_dma source(%arg8 : memref<80x128xf32, #tpu.memory_space<vmem>>) target(%dma_start3A_191 : memref<10240x128xf32, #tpu.memory_space<vmem_shared>>) offsets(%dma_start3A_188 : memref<80xi32, #tpu.memory_space<vmem>>) semaphore(%run_scoped3A_185 : memref<!tpu.dma_semaphore, #tpu.memory_space<semaphore_mem>>) {add = true}
      %dma_wait3A_192 = arith.constant 0 : i32
      %dma_wait3A_193 = tpu.memref_slice %arg11[%run_scoped3A_143, %dma_wait3A_192] : memref<1x80xi32, #tpu.memory_space<vmem>> -> memref<1x80xi32, #tpu.memory_space<vmem>>
      %dma_wait3A_194 = tpu.memref_squeeze %dma_wait3A_193 : memref<1x80xi32, #tpu.memory_space<vmem>> -> memref<80xi32, #tpu.memory_space<vmem>>
      %dma_wait3A_195 = arith.constant 0 : i32
      %dma_wait3A_196 = arith.constant 0 : i32
      %dma_wait3A_197 = tpu.memref_slice %arg14[%dma_wait3A_195, %dma_wait3A_196] : memref<10240x128xf32, #tpu.memory_space<vmem_shared>> -> memref<10240x128xf32, #tpu.memory_space<vmem_shared>>
      tpu.wait_indirect_dma semaphore(%run_scoped3A_185 : memref<!tpu.dma_semaphore, #tpu.memory_space<semaphore_mem>>) src(%arg8 : memref<80x128xf32, #tpu.memory_space<vmem>>) dst(%dma_wait3A_197 : memref<10240x128xf32, #tpu.memory_space<vmem_shared>>)
      tpu.yield
    }) : () -> ()
    %dma_wait3A_144 = arith.constant 9840 : i32
    %dma_wait3A_145 = tpu.memref_slice %arg7[%dma_wait3A_144] : memref<10000xi32, #tpu.memory_space<vmem>> -> memref<80xi32, #tpu.memory_space<vmem>>
    %dma_wait3A_146 = arith.constant 0 : i32
    %dma_wait3A_147 = arith.constant 0 : i32
    %dma_wait3A_148 = tpu.memref_slice %arg2[%dma_wait3A_146, %dma_wait3A_147] : memref<10000x128xf32, #tpu.memory_space<hbm>> -> memref<10000x128xf32, #tpu.memory_space<hbm>>
    tpu.wait_indirect_dma semaphore(%arg16 : memref<!tpu.dma_semaphore, #tpu.memory_space<semaphore_mem>>) src(%dma_wait3A_148 : memref<10000x128xf32, #tpu.memory_space<hbm>>) dst(%arg9 : memref<80x128xf32, #tpu.memory_space<vmem>>)
    %mul3A_149 = arith.constant 125 : i32
    %mul3A_150 = arith.muli %add3A, %mul3A_149 : i32
    %add3A_151 = arith.constant 123 : i32
    %add3A_152 = arith.addi %mul3A_150, %add3A_151 : i32
    %dma_wait3A_153 = arith.constant 0 : i32
    %dma_wait3A_154 = arith.constant 0 : i32
    %dma_wait3A_155 = tpu.memref_slice %arg4[%add3A_152, %dma_wait3A_153, %dma_wait3A_154] : memref<4000x1x80xi32, #tpu.memory_space<hbm>> -> memref<1x1x80xi32, #tpu.memory_space<hbm>>
    %dma_wait3A_156 = tpu.memref_squeeze %dma_wait3A_155 : memref<1x1x80xi32, #tpu.memory_space<hbm>> -> memref<1x80xi32, #tpu.memory_space<hbm>>
    %dma_wait3A_157 = arith.constant 0 : i32
    %dma_wait3A_158 = arith.constant 0 : i32
    %dma_wait3A_159 = tpu.memref_slice %arg4[%add3A_152, %dma_wait3A_157, %dma_wait3A_158] : memref<4000x1x80xi32, #tpu.memory_space<hbm>> -> memref<1x1x80xi32, #tpu.memory_space<hbm>>
    %dma_wait3A_160 = tpu.memref_squeeze %dma_wait3A_159 : memref<1x1x80xi32, #tpu.memory_space<hbm>> -> memref<1x80xi32, #tpu.memory_space<hbm>>
    tpu.wait_dma2 semaphore(%arg19 : memref<!tpu.dma_semaphore, #tpu.memory_space<semaphore_mem>>) src(%dma_wait3A_160 : memref<1x80xi32, #tpu.memory_space<hbm>>) dst(%arg12 : memref<1x80xi32, #tpu.memory_space<vmem>>)
    %run_scoped3A_161 = arith.constant 0 : i32
    "tpu.region"() ({
      %run_scoped3A_185 = tpu.sem_alloc : memref<!tpu.dma_semaphore, #tpu.memory_space<semaphore_mem>>
      %dma_start3A_186 = arith.constant 0 : i32
      %dma_start3A_187 = tpu.memref_slice %arg12[%run_scoped3A_161, %dma_start3A_186] : memref<1x80xi32, #tpu.memory_space<vmem>> -> memref<1x80xi32, #tpu.memory_space<vmem>>
      %dma_start3A_188 = tpu.memref_squeeze %dma_start3A_187 : memref<1x80xi32, #tpu.memory_space<vmem>> -> memref<80xi32, #tpu.memory_space<vmem>>
      %dma_start3A_189 = arith.constant 0 : i32
      %dma_start3A_190 = arith.constant 0 : i32
      %dma_start3A_191 = tpu.memref_slice %arg14[%dma_start3A_189, %dma_start3A_190] : memref<10240x128xf32, #tpu.memory_space<vmem_shared>> -> memref<10240x128xf32, #tpu.memory_space<vmem_shared>>
      tpu.enqueue_indirect_dma source(%arg9 : memref<80x128xf32, #tpu.memory_space<vmem>>) target(%dma_start3A_191 : memref<10240x128xf32, #tpu.memory_space<vmem_shared>>) offsets(%dma_start3A_188 : memref<80xi32, #tpu.memory_space<vmem>>) semaphore(%run_scoped3A_185 : memref<!tpu.dma_semaphore, #tpu.memory_space<semaphore_mem>>) {add = true}
      %dma_wait3A_192 = arith.constant 0 : i32
      %dma_wait3A_193 = tpu.memref_slice %arg12[%run_scoped3A_161, %dma_wait3A_192] : memref<1x80xi32, #tpu.memory_space<vmem>> -> memref<1x80xi32, #tpu.memory_space<vmem>>
      %dma_wait3A_194 = tpu.memref_squeeze %dma_wait3A_193 : memref<1x80xi32, #tpu.memory_space<vmem>> -> memref<80xi32, #tpu.memory_space<vmem>>
      %dma_wait3A_195 = arith.constant 0 : i32
      %dma_wait3A_196 = arith.constant 0 : i32
      %dma_wait3A_197 = tpu.memref_slice %arg14[%dma_wait3A_195, %dma_wait3A_196] : memref<10240x128xf32, #tpu.memory_space<vmem_shared>> -> memref<10240x128xf32, #tpu.memory_space<vmem_shared>>
      tpu.wait_indirect_dma semaphore(%run_scoped3A_185 : memref<!tpu.dma_semaphore, #tpu.memory_space<semaphore_mem>>) src(%arg9 : memref<80x128xf32, #tpu.memory_space<vmem>>) dst(%dma_wait3A_197 : memref<10240x128xf32, #tpu.memory_space<vmem_shared>>)
      tpu.yield
    }) : () -> ()
    %dma_wait3A_162 = arith.constant 9920 : i32
    %dma_wait3A_163 = tpu.memref_slice %arg7[%dma_wait3A_162] : memref<10000xi32, #tpu.memory_space<vmem>> -> memref<80xi32, #tpu.memory_space<vmem>>
    %dma_wait3A_164 = arith.constant 0 : i32
    %dma_wait3A_165 = arith.constant 0 : i32
    %dma_wait3A_166 = tpu.memref_slice %arg2[%dma_wait3A_164, %dma_wait3A_165] : memref<10000x128xf32, #tpu.memory_space<hbm>> -> memref<10000x128xf32, #tpu.memory_space<hbm>>
    tpu.wait_indirect_dma semaphore(%arg17 : memref<!tpu.dma_semaphore, #tpu.memory_space<semaphore_mem>>) src(%dma_wait3A_166 : memref<10000x128xf32, #tpu.memory_space<hbm>>) dst(%arg10 : memref<80x128xf32, #tpu.memory_space<vmem>>)
    %mul3A_167 = arith.constant 125 : i32
    %mul3A_168 = arith.muli %add3A, %mul3A_167 : i32
    %add3A_169 = arith.constant 124 : i32
    %add3A_170 = arith.addi %mul3A_168, %add3A_169 : i32
    %dma_wait3A_171 = arith.constant 0 : i32
    %dma_wait3A_172 = arith.constant 0 : i32
    %dma_wait3A_173 = tpu.memref_slice %arg4[%add3A_170, %dma_wait3A_171, %dma_wait3A_172] : memref<4000x1x80xi32, #tpu.memory_space<hbm>> -> memref<1x1x80xi32, #tpu.memory_space<hbm>>
    %dma_wait3A_174 = tpu.memref_squeeze %dma_wait3A_173 : memref<1x1x80xi32, #tpu.memory_space<hbm>> -> memref<1x80xi32, #tpu.memory_space<hbm>>
    %dma_wait3A_175 = arith.constant 0 : i32
    %dma_wait3A_176 = arith.constant 0 : i32
    %dma_wait3A_177 = tpu.memref_slice %arg4[%add3A_170, %dma_wait3A_175, %dma_wait3A_176] : memref<4000x1x80xi32, #tpu.memory_space<hbm>> -> memref<1x1x80xi32, #tpu.memory_space<hbm>>
    %dma_wait3A_178 = tpu.memref_squeeze %dma_wait3A_177 : memref<1x1x80xi32, #tpu.memory_space<hbm>> -> memref<1x80xi32, #tpu.memory_space<hbm>>
    tpu.wait_dma2 semaphore(%arg20 : memref<!tpu.dma_semaphore, #tpu.memory_space<semaphore_mem>>) src(%dma_wait3A_178 : memref<1x80xi32, #tpu.memory_space<hbm>>) dst(%arg13 : memref<1x80xi32, #tpu.memory_space<vmem>>)
    %run_scoped3A_179 = arith.constant 0 : i32
    "tpu.region"() ({
      %run_scoped3A_185 = tpu.sem_alloc : memref<!tpu.dma_semaphore, #tpu.memory_space<semaphore_mem>>
      %dma_start3A_186 = arith.constant 0 : i32
      %dma_start3A_187 = tpu.memref_slice %arg13[%run_scoped3A_179, %dma_start3A_186] : memref<1x80xi32, #tpu.memory_space<vmem>> -> memref<1x80xi32, #tpu.memory_space<vmem>>
      %dma_start3A_188 = tpu.memref_squeeze %dma_start3A_187 : memref<1x80xi32, #tpu.memory_space<vmem>> -> memref<80xi32, #tpu.memory_space<vmem>>
      %dma_start3A_189 = arith.constant 0 : i32
      %dma_start3A_190 = arith.constant 0 : i32
      %dma_start3A_191 = tpu.memref_slice %arg14[%dma_start3A_189, %dma_start3A_190] : memref<10240x128xf32, #tpu.memory_space<vmem_shared>> -> memref<10240x128xf32, #tpu.memory_space<vmem_shared>>
      tpu.enqueue_indirect_dma source(%arg10 : memref<80x128xf32, #tpu.memory_space<vmem>>) target(%dma_start3A_191 : memref<10240x128xf32, #tpu.memory_space<vmem_shared>>) offsets(%dma_start3A_188 : memref<80xi32, #tpu.memory_space<vmem>>) semaphore(%run_scoped3A_185 : memref<!tpu.dma_semaphore, #tpu.memory_space<semaphore_mem>>) {add = true}
      %dma_wait3A_192 = arith.constant 0 : i32
      %dma_wait3A_193 = tpu.memref_slice %arg13[%run_scoped3A_179, %dma_wait3A_192] : memref<1x80xi32, #tpu.memory_space<vmem>> -> memref<1x80xi32, #tpu.memory_space<vmem>>
      %dma_wait3A_194 = tpu.memref_squeeze %dma_wait3A_193 : memref<1x80xi32, #tpu.memory_space<vmem>> -> memref<80xi32, #tpu.memory_space<vmem>>
      %dma_wait3A_195 = arith.constant 0 : i32
      %dma_wait3A_196 = arith.constant 0 : i32
      %dma_wait3A_197 = tpu.memref_slice %arg14[%dma_wait3A_195, %dma_wait3A_196] : memref<10240x128xf32, #tpu.memory_space<vmem_shared>> -> memref<10240x128xf32, #tpu.memory_space<vmem_shared>>
      tpu.wait_indirect_dma semaphore(%run_scoped3A_185 : memref<!tpu.dma_semaphore, #tpu.memory_space<semaphore_mem>>) src(%arg10 : memref<80x128xf32, #tpu.memory_space<vmem>>) dst(%dma_wait3A_197 : memref<10240x128xf32, #tpu.memory_space<vmem_shared>>)
      tpu.yield
    }) : () -> ()
    %barrier3A_180 = arith.constant 0 : index
    tpu.barrier barrier_id(%barrier3A_180)
    %mul3A_181 = arith.constant 640 : i32
    %mul3A_182 = arith.muli %arg1, %mul3A_181 : i32
    %mul3A_183 = arith.constant 640 : i32
    %mul3A_184 = arith.muli %arg1, %mul3A_183 : i32
    "tpu.region"() ({
      %run_scoped3A_185 = tpu.sem_alloc : memref<!tpu.dma_semaphore, #tpu.memory_space<semaphore_mem>>
      %dma_start3A_186 = arith.constant 0 : i32
      %dma_start3A_187 = tpu.memref_slice %arg6[%arg0, %mul3A_184, %dma_start3A_186] : memref<2x10240x128xf32, #tpu.memory_space<hbm>> -> memref<1x640x128xf32, #tpu.memory_space<hbm>>
      %dma_start3A_188 = tpu.memref_squeeze %dma_start3A_187 : memref<1x640x128xf32, #tpu.memory_space<hbm>> -> memref<640x128xf32, #tpu.memory_space<hbm>>
      %dma_start3A_189 = arith.constant 0 : i32
      %dma_start3A_190 = tpu.memref_slice %arg14[%mul3A_182, %dma_start3A_189] : memref<10240x128xf32, #tpu.memory_space<vmem_shared>> -> memref<640x128xf32, #tpu.memory_space<vmem_shared>>
      tpu.enqueue_dma source(%dma_start3A_190 : memref<640x128xf32, #tpu.memory_space<vmem_shared>>) target(%dma_start3A_188 : memref<640x128xf32, #tpu.memory_space<hbm>>) target_semaphore(%run_scoped3A_185 : memref<!tpu.dma_semaphore, #tpu.memory_space<semaphore_mem>>)
      %dma_wait3A_191 = arith.constant 0 : i32
      %dma_wait3A_192 = tpu.memref_slice %arg6[%arg0, %mul3A_184, %dma_wait3A_191] : memref<2x10240x128xf32, #tpu.memory_space<hbm>> -> memref<1x640x128xf32, #tpu.memory_space<hbm>>
      %dma_wait3A_193 = tpu.memref_squeeze %dma_wait3A_192 : memref<1x640x128xf32, #tpu.memory_space<hbm>> -> memref<640x128xf32, #tpu.memory_space<hbm>>
      %dma_wait3A_194 = arith.constant 0 : i32
      %dma_wait3A_195 = tpu.memref_slice %arg14[%mul3A_182, %dma_wait3A_194] : memref<10240x128xf32, #tpu.memory_space<vmem_shared>> -> memref<640x128xf32, #tpu.memory_space<vmem_shared>>
      tpu.wait_dma2 semaphore(%run_scoped3A_185 : memref<!tpu.dma_semaphore, #tpu.memory_space<semaphore_mem>>) src(%dma_wait3A_195 : memref<640x128xf32, #tpu.memory_space<vmem_shared>>) dst(%dma_wait3A_193 : memref<640x128xf32, #tpu.memory_space<hbm>>)
      tpu.yield
    }) : () -> ()
    return
  }
}

module attributes {stable_mosaic.version = 14 : i64} {
  func.func @body(%arg0: memref<2x2x10000xf32, #tpu.memory_space<vmem>>, %arg1: memref<2x10000xf32, #tpu.memory_space<vmem>>) attributes {dimension_semantics = [], scalar_prefetch = 0 : i64, scratch_operands = 0 : i64, tpu.core_type = #tpu.core_type<tc>} {
    %get3A = arith.constant 0 : index
    %get3A_0 = arith.constant 0 : index
    %get3A_1 = arith.constant 0 : index
    %get3A_2 = vector.load %arg0[%get3A, %get3A_0, %get3A_1] : memref<2x2x10000xf32, #tpu.memory_space<vmem>>, vector<1x2x10000xf32>
    %get3A_3 = vector.shape_cast %get3A_2 : vector<1x2x10000xf32> to vector<2x10000xf32>
    %get3A_4 = arith.constant 1 : index
    %get3A_5 = arith.constant 0 : index
    %get3A_6 = arith.constant 0 : index
    %get3A_7 = vector.load %arg0[%get3A_4, %get3A_5, %get3A_6] : memref<2x2x10000xf32, #tpu.memory_space<vmem>>, vector<1x2x10000xf32>
    %get3A_8 = vector.shape_cast %get3A_7 : vector<1x2x10000xf32> to vector<2x10000xf32>
    %add3A = arith.addf %get3A_3, %get3A_8 : vector<2x10000xf32>
    %max3A = arith.constant 1.000000e+00 : f32
    %max3A_9 = vector.broadcast %max3A : f32 to vector<2x10000xf32>
    %max3A_10 = arith.maximumf %add3A, %max3A_9 : vector<2x10000xf32>
    %rsqrt3A = math.rsqrt %max3A_10 : vector<2x10000xf32>
    %swap3A = arith.constant 0 : index
    %swap3A_11 = arith.constant 0 : index
    %swap3A_12 = vector.load %arg1[%swap3A, %swap3A_11] : memref<2x10000xf32, #tpu.memory_space<vmem>>, vector<2x10000xf32>
    tpu.vector_store %arg1[%swap3A, %swap3A_11], %rsqrt3A {strides = array<i32>} : memref<2x10000xf32, #tpu.memory_space<vmem>>, vector<2x10000xf32>,
    return
  }
}

module attributes {stable_mosaic.version = 14 : i64} {
  func.func @body(%arg0: i32, %arg1: memref<1000x128xf32, #tpu.memory_space<vmem>>, %arg2: memref<128x128xf32, #tpu.memory_space<vmem>>, %arg3: memref<1000x1xf32, #tpu.memory_space<vmem>>, %arg4: memref<1000x128xf32, #tpu.memory_space<vmem>>) attributes {dimension_semantics = [#tpu.dimension_semantics<arbitrary>], iteration_bounds = array<i64: 10>, scalar_prefetch = 0 : i64, scratch_operands = 0 : i64, tpu.core_type = #tpu.core_type<tc>, window_params = [{transform_indices = @transform_0, window_bounds = array<i64: 1000, 128>}, {pipeline_mode = #tpu.pipeline_mode<synchronous>, transform_indices = @transform_1, window_bounds = array<i64: 128, 128>}, {transform_indices = @transform_2, window_bounds = array<i64: 1000, 1>}, {transform_indices = @transform_3, window_bounds = array<i64: 1000, 128>}]} {
    %get3A = arith.constant 0 : index
    %get3A_0 = arith.constant 0 : index
    %get3A_1 = vector.load %arg1[%get3A, %get3A_0] : memref<1000x128xf32, #tpu.memory_space<vmem>>, vector<1000x128xf32>
    %get3A_2 = arith.constant 0 : index
    %get3A_3 = arith.constant 0 : index
    %get3A_4 = vector.load %arg2[%get3A_2, %get3A_3] : memref<128x128xf32, #tpu.memory_space<vmem>>, vector<128x128xf32>
    %dot_general3A = arith.constant dense<0.000000e+00> : vector<1000x128xf32>
    %dot_general3A_5 = tpu.matmul %get3A_1, %get3A_4, %dot_general3A {dimension_numbers = #tpu.dot_dimension_numbers<[1], [0], [0], [1], [0, 0, 1, 1], [], []>, transpose_lhs_hint = false} : vector<1000x128xf32>, vector<128x128xf32>, vector<1000x128xf32> -> vector<1000x128xf32>
    %get3A_6 = arith.constant 0 : index
    %get3A_7 = arith.constant 0 : index
    %get3A_8 = vector.load %arg3[%get3A_6, %get3A_7] : memref<1000x1xf32, #tpu.memory_space<vmem>>, vector<1000x1xf32>
    %mul3A = vector.broadcast %get3A_8 : vector<1000x1xf32> to vector<1000x128xf32>
    %mul3A_9 = arith.mulf %dot_general3A_5, %mul3A : vector<1000x128xf32>
    %swap3A = arith.constant 0 : index
    %swap3A_10 = arith.constant 0 : index
    %swap3A_11 = vector.load %arg4[%swap3A, %swap3A_10] : memref<1000x128xf32, #tpu.memory_space<vmem>>, vector<1000x128xf32>
    tpu.vector_store %arg4[%swap3A, %swap3A_10], %mul3A_9 {strides = array<i32>} : memref<1000x128xf32, #tpu.memory_space<vmem>>, vector<1000x128xf32>,
    return
  }
  func.func @transform_0(%arg0: i32) -> (i32, i32) {
    %c0_i32 = arith.constant 0 : i32
    %c0_i32_0 = arith.constant 0 : i32
    return %arg0, %c0_i32 : i32, i32
  }
  func.func @transform_1(%arg0: i32) -> (i32, i32) {
    %c0_i32 = arith.constant 0 : i32
    %c0_i32_0 = arith.constant 0 : i32
    %c0_i32_1 = arith.constant 0 : i32
    return %c0_i32, %c0_i32_0 : i32, i32
  }
  func.func @transform_2(%arg0: i32) -> (i32, i32) {
    %c0_i32 = arith.constant 0 : i32
    %c0_i32_0 = arith.constant 0 : i32
    return %arg0, %c0_i32 : i32, i32
  }
  func.func @transform_3(%arg0: i32) -> (i32, i32) {
    %c0_i32 = arith.constant 0 : i32
    %c0_i32_0 = arith.constant 0 : i32
    return %arg0, %c0_i32 : i32, i32
  }
}

module attributes {stable_mosaic.version = 14 : i64} {
  func.func @body(%arg0: i32, %arg1: memref<1x1000x128xf32, #tpu.memory_space<vmem>>, %arg2: memref<1x1000x128xf32, #tpu.memory_space<vmem>>, %arg3: memref<1000x1xf32, #tpu.memory_space<vmem>>, %arg4: memref<1x128xf32, #tpu.memory_space<vmem>>, %arg5: memref<128x128xf32, #tpu.memory_space<vmem>>, %arg6: memref<1000x1xf32, #tpu.memory_space<vmem>>, %arg7: memref<1000x128xf32, #tpu.memory_space<vmem>>) attributes {dimension_semantics = [#tpu.dimension_semantics<arbitrary>], iteration_bounds = array<i64: 10>, scalar_prefetch = 0 : i64, scratch_operands = 0 : i64, tpu.core_type = #tpu.core_type<tc>, window_params = [{transform_indices = @transform_0, window_bounds = array<i64: 1, 1000, 128>}, {transform_indices = @transform_1, window_bounds = array<i64: 1, 1000, 128>}, {transform_indices = @transform_2, window_bounds = array<i64: 1000, 1>}, {pipeline_mode = #tpu.pipeline_mode<synchronous>, transform_indices = @transform_3, window_bounds = array<i64: 1, 128>}, {pipeline_mode = #tpu.pipeline_mode<synchronous>, transform_indices = @transform_4, window_bounds = array<i64: 128, 128>}, {transform_indices = @transform_5, window_bounds = array<i64: 1000, 1>}, {transform_indices = @transform_6, window_bounds = array<i64: 1000, 128>}]} {
    %get3A = arith.constant 0 : index
    %get3A_0 = arith.constant 0 : index
    %get3A_1 = arith.constant 0 : index
    %get3A_2 = vector.load %arg1[%get3A, %get3A_0, %get3A_1] : memref<1x1000x128xf32, #tpu.memory_space<vmem>>, vector<1x1000x128xf32>
    %get3A_3 = vector.shape_cast %get3A_2 : vector<1x1000x128xf32> to vector<1000x128xf32>
    %get3A_4 = arith.constant 0 : index
    %get3A_5 = arith.constant 0 : index
    %get3A_6 = arith.constant 0 : index
    %get3A_7 = vector.load %arg2[%get3A_4, %get3A_5, %get3A_6] : memref<1x1000x128xf32, #tpu.memory_space<vmem>>, vector<1x1000x128xf32>
    %get3A_8 = vector.shape_cast %get3A_7 : vector<1x1000x128xf32> to vector<1000x128xf32>
    %add3A = arith.addf %get3A_3, %get3A_8 : vector<1000x128xf32>
    %get3A_9 = arith.constant 0 : index
    %get3A_10 = arith.constant 0 : index
    %get3A_11 = vector.load %arg3[%get3A_9, %get3A_10] : memref<1000x1xf32, #tpu.memory_space<vmem>>, vector<1000x1xf32>
    %mul3A = vector.broadcast %get3A_11 : vector<1000x1xf32> to vector<1000x128xf32>
    %mul3A_12 = arith.mulf %add3A, %mul3A : vector<1000x128xf32>
    %get3A_13 = arith.constant 0 : index
    %get3A_14 = arith.constant 0 : index
    %get3A_15 = vector.load %arg4[%get3A_13, %get3A_14] : memref<1x128xf32, #tpu.memory_space<vmem>>, vector<1x128xf32>
    %add3A_16 = vector.broadcast %get3A_15 : vector<1x128xf32> to vector<1000x128xf32>
    %add3A_17 = arith.addf %mul3A_12, %add3A_16 : vector<1000x128xf32>
    %get3A_18 = arith.constant 0 : index
    %get3A_19 = arith.constant 0 : index
    %get3A_20 = vector.load %arg5[%get3A_18, %get3A_19] : memref<128x128xf32, #tpu.memory_space<vmem>>, vector<128x128xf32>
    %dot_general3A = arith.constant dense<0.000000e+00> : vector<1000x128xf32>
    %dot_general3A_21 = tpu.matmul %add3A_17, %get3A_20, %dot_general3A {dimension_numbers = #tpu.dot_dimension_numbers<[1], [0], [0], [1], [0, 0, 1, 1], [], []>, transpose_lhs_hint = false} : vector<1000x128xf32>, vector<128x128xf32>, vector<1000x128xf32> -> vector<1000x128xf32>
    %get3A_22 = arith.constant 0 : index
    %get3A_23 = arith.constant 0 : index
    %get3A_24 = vector.load %arg6[%get3A_22, %get3A_23] : memref<1000x1xf32, #tpu.memory_space<vmem>>, vector<1000x1xf32>
    %mul3A_25 = vector.broadcast %get3A_24 : vector<1000x1xf32> to vector<1000x128xf32>
    %mul3A_26 = arith.mulf %dot_general3A_21, %mul3A_25 : vector<1000x128xf32>
    %swap3A = arith.constant 0 : index
    %swap3A_27 = arith.constant 0 : index
    %swap3A_28 = vector.load %arg7[%swap3A, %swap3A_27] : memref<1000x128xf32, #tpu.memory_space<vmem>>, vector<1000x128xf32>
    tpu.vector_store %arg7[%swap3A, %swap3A_27], %mul3A_26 {strides = array<i32>} : memref<1000x128xf32, #tpu.memory_space<vmem>>, vector<1000x128xf32>,
    return
  }
  func.func @transform_0(%arg0: i32) -> (i32, i32, i32) {
    %c0_i32 = arith.constant 0 : i32
    %c0_i32_0 = arith.constant 0 : i32
    %c0_i32_1 = arith.constant 0 : i32
    return %c0_i32, %arg0, %c0_i32_0 : i32, i32, i32
  }
  func.func @transform_1(%arg0: i32) -> (i32, i32, i32) {
    %c1_i32 = arith.constant 1 : i32
    %c0_i32 = arith.constant 0 : i32
    %c0_i32_0 = arith.constant 0 : i32
    return %c1_i32, %arg0, %c0_i32 : i32, i32, i32
  }
  func.func @transform_2(%arg0: i32) -> (i32, i32) {
    %c0_i32 = arith.constant 0 : i32
    %c0_i32_0 = arith.constant 0 : i32
    return %arg0, %c0_i32 : i32, i32
  }
  func.func @transform_3(%arg0: i32) -> (i32, i32) {
    %c0_i32 = arith.constant 0 : i32
    %c0_i32_0 = arith.constant 0 : i32
    %c0_i32_1 = arith.constant 0 : i32
    return %c0_i32, %c0_i32_0 : i32, i32
  }
  func.func @transform_4(%arg0: i32) -> (i32, i32) {
    %c0_i32 = arith.constant 0 : i32
    %c0_i32_0 = arith.constant 0 : i32
    %c0_i32_1 = arith.constant 0 : i32
    return %c0_i32, %c0_i32_0 : i32, i32
  }
  func.func @transform_5(%arg0: i32) -> (i32, i32) {
    %c0_i32 = arith.constant 0 : i32
    %c0_i32_0 = arith.constant 0 : i32
    return %arg0, %c0_i32 : i32, i32
  }
  func.func @transform_6(%arg0: i32) -> (i32, i32) {
    %c0_i32 = arith.constant 0 : i32
    %c0_i32_0 = arith.constant 0 : i32
    return %arg0, %c0_i32 : i32, i32
  }
}

module attributes {stable_mosaic.version = 14 : i64} {
  func.func @body(%arg0: i32, %arg1: memref<1x1000x128xf32, #tpu.memory_space<vmem>>, %arg2: memref<1x1000x128xf32, #tpu.memory_space<vmem>>, %arg3: memref<1000x1xf32, #tpu.memory_space<vmem>>, %arg4: memref<1x64xf32, #tpu.memory_space<vmem>>, %arg5: memref<1000x64xf32, #tpu.memory_space<vmem>>) attributes {dimension_semantics = [#tpu.dimension_semantics<arbitrary>], iteration_bounds = array<i64: 10>, scalar_prefetch = 0 : i64, scratch_operands = 0 : i64, tpu.core_type = #tpu.core_type<tc>, window_params = [{transform_indices = @transform_0, window_bounds = array<i64: 1, 1000, 128>}, {transform_indices = @transform_1, window_bounds = array<i64: 1, 1000, 128>}, {transform_indices = @transform_2, window_bounds = array<i64: 1000, 1>}, {pipeline_mode = #tpu.pipeline_mode<synchronous>, transform_indices = @transform_3, window_bounds = array<i64: 1, 64>}, {transform_indices = @transform_4, window_bounds = array<i64: 1000, 64>}]} {
    %get3A = arith.constant 0 : index
    %get3A_0 = arith.constant 0 : index
    %get3A_1 = arith.constant 0 : index
    %get3A_2 = vector.load %arg1[%get3A, %get3A_0, %get3A_1] : memref<1x1000x128xf32, #tpu.memory_space<vmem>>, vector<1x1000x64xf32>
    %get3A_3 = vector.shape_cast %get3A_2 : vector<1x1000x64xf32> to vector<1000x64xf32>
    %get3A_4 = arith.constant 0 : index
    %get3A_5 = arith.constant 0 : index
    %get3A_6 = arith.constant 0 : index
    %get3A_7 = vector.load %arg2[%get3A_4, %get3A_5, %get3A_6] : memref<1x1000x128xf32, #tpu.memory_space<vmem>>, vector<1x1000x64xf32>
    %get3A_8 = vector.shape_cast %get3A_7 : vector<1x1000x64xf32> to vector<1000x64xf32>
    %add3A = arith.addf %get3A_3, %get3A_8 : vector<1000x64xf32>
    %get3A_9 = arith.constant 0 : index
    %get3A_10 = arith.constant 0 : index
    %get3A_11 = vector.load %arg3[%get3A_9, %get3A_10] : memref<1000x1xf32, #tpu.memory_space<vmem>>, vector<1000x1xf32>
    %mul3A = vector.broadcast %get3A_11 : vector<1000x1xf32> to vector<1000x64xf32>
    %mul3A_12 = arith.mulf %add3A, %mul3A : vector<1000x64xf32>
    %get3A_13 = arith.constant 0 : index
    %get3A_14 = arith.constant 0 : index
    %get3A_15 = vector.load %arg4[%get3A_13, %get3A_14] : memref<1x64xf32, #tpu.memory_space<vmem>>, vector<1x64xf32>
    %add3A_16 = vector.broadcast %get3A_15 : vector<1x64xf32> to vector<1000x64xf32>
    %add3A_17 = arith.addf %mul3A_12, %add3A_16 : vector<1000x64xf32>
    %reduce_max3A = arith.constant dense<0xFF800000> : vector<1000xf32>
    %reduce_max3A_18 = vector.multi_reduction <maximumf>, %add3A_17, %reduce_max3A [1] : vector<1000x64xf32> to vector<1000xf32>
    %broadcast_in_dim3A = vector.shape_cast %reduce_max3A_18 : vector<1000xf32> to vector<1000x1xf32>
    %sub3A = vector.broadcast %broadcast_in_dim3A : vector<1000x1xf32> to vector<1000x64xf32>
    %sub3A_19 = arith.subf %add3A_17, %sub3A : vector<1000x64xf32>
    %exp3A = math.exp %sub3A_19 : vector<1000x64xf32>
    %reduce_sum3A = arith.constant dense<0.000000e+00> : vector<1000xf32>
    %reduce_sum3A_20 = vector.multi_reduction <add>, %exp3A, %reduce_sum3A [1] : vector<1000x64xf32> to vector<1000xf32>
    %broadcast_in_dim3A_21 = vector.shape_cast %reduce_sum3A_20 : vector<1000xf32> to vector<1000x1xf32>
    %div3A = vector.broadcast %broadcast_in_dim3A_21 : vector<1000x1xf32> to vector<1000x64xf32>
    %div3A_22 = arith.divf %exp3A, %div3A : vector<1000x64xf32>
    %swap3A = arith.constant 0 : index
    %swap3A_23 = arith.constant 0 : index
    %swap3A_24 = vector.load %arg5[%swap3A, %swap3A_23] : memref<1000x64xf32, #tpu.memory_space<vmem>>, vector<1000x64xf32>
    tpu.vector_store %arg5[%swap3A, %swap3A_23], %div3A_22 {strides = array<i32>} : memref<1000x64xf32, #tpu.memory_space<vmem>>, vector<1000x64xf32>,
    return
  }
  func.func @transform_0(%arg0: i32) -> (i32, i32, i32) {
    %c0_i32 = arith.constant 0 : i32
    %c0_i32_0 = arith.constant 0 : i32
    %c0_i32_1 = arith.constant 0 : i32
    return %c0_i32, %arg0, %c0_i32_0 : i32, i32, i32
  }
  func.func @transform_1(%arg0: i32) -> (i32, i32, i32) {
    %c1_i32 = arith.constant 1 : i32
    %c0_i32 = arith.constant 0 : i32
    %c0_i32_0 = arith.constant 0 : i32
    return %c1_i32, %arg0, %c0_i32 : i32, i32, i32
  }
  func.func @transform_2(%arg0: i32) -> (i32, i32) {
    %c0_i32 = arith.constant 0 : i32
    %c0_i32_0 = arith.constant 0 : i32
    return %arg0, %c0_i32 : i32, i32
  }
  func.func @transform_3(%arg0: i32) -> (i32, i32) {
    %c0_i32 = arith.constant 0 : i32
    %c0_i32_0 = arith.constant 0 : i32
    %c0_i32_1 = arith.constant 0 : i32
    return %c0_i32, %c0_i32_0 : i32, i32
  }
  func.func @transform_4(%arg0: i32) -> (i32, i32) {
    %c0_i32 = arith.constant 0 : i32
    %c0_i32_0 = arith.constant 0 : i32
    return %arg0, %c0_i32 : i32, i32
  }
}

</mosaic_0001>

<sc_bundles>
// kernel: kernel.11.cloned.1.call-start
scs
__scs_entry_jumppad:
0x0: {  	(pc) =	sbr.rel $0x88, $3  }
0x1: {  	(tag) =	ssettag $0x0;
	lr =	simm.s32 $0x1  }
0x2: {  	[smem:$0x3F99] =	sst lr;
	_ =	strace $0xD0000000  }
0x3: {  	_ = 	snop  }
0x4: {  	_ = 	snop  }
0x5: {  	_ = 	snop  }
0x6: {  	_ = 	snop  }
0x7: {  	_ = 	snop  }
__scs_overlays_trampoline_lowered:
0x8: {  	[smem:$0x3FA8] =	sst s0  }
0x9: {  	[smem:$0x3FA9] =	sst s1  }
0xa: {  	[smem:$0x3FAA] =	sst s2  }
0xb: {  	[smem:$0x3FAB] =	sst s3  }
0xc: {  	[smem:$0x3FAC] =	sst s4  }
0xd: {  	[smem:$0x3FAD] =	sst s5  }
0xe: {  	[smem:$0x3FAE] =	sst s6  }
0xf: {  	[smem:$0x3FAF] =	sst s7  }
0x10: {  	[smem:$0x3FB0] =	sst s8  }
0x11: {  	[smem:$0x3FB1] =	sst s9;
	s0 =	simm.s32 @!p0 $0x0  }
0x12: {  	s1 =	sld [smem:$0x3F97];
	s0 =	simm.s32 @p0 $0x1  }
0x13: {  	[smem:$0x3FB2] =	sst s0;
	s0 =	simm.s32 @!p1 $0x0  }
0x14: {  	s2 =	sld [smem:$0x3F96];
	s0 =	simm.s32 @p1 $0x1  }
0x15: {  	[smem:$0x3FB3] =	sst s0;
	s0 =	simm.s32 @!p2 $0x0  }
0x16: {  	s3 =	sld [smem:$0x3FDB];
	s0 =	simm.s32 @p2 $0x1  }
0x17: {  	s4 =	simm.s32 $0x1BF5;
	[smem:$0x3FB5] =	sst s0  }
0x18: {  	s0 =	sld [smem:$0x3F98];
	_ =	swait.ge [sflag:s4], $0x0  }
0x19: {  	s7 =	sld [smem:$0x3F99]  }
0x1a: {  	s8 =	sadd.s32 $0xFFFFE003, lr  }
0x1b: {  	s9 =	sadd.s32 $0xFFFFFEF7, lr;
	s5 =	simm.s32 $0xFFFFFFFF;
	p2 =	slt.u32 s8, $0xFFFFF086  }
0x1c: {  	p1 =	slt.u32 s9, $0xF7A;
	s5 =	simm.s32 @!p2 $0x0  }
0x1d: {  	s5 =	simm.s32 @p1 $0x1;
	p0 =	seq.s32 s7, s2  }
0x1e: {  	s7 =	smul.u32 @!p0 $0xF7A, s2;
	p2 =	seq.s32 @!p0 s5, $0x0  }
0x1f: {  	s9 =	smul.u32 $0xF7A, s1;
	s8 =	simm.s32 @!p0 $0x1BF5;
	p2 =	por !p2, p0  }
0x20: {  	[sflag:s8] =	ssyncset.s32 @!p0 $0xFFFFF086;
	s6 =	sadd.s32 @!p0 s3, s7;
	s7 =	simm.s32 @!p0 $0x108  }
0x21: {  	s3 =	sadd.s32 s3, s9;
	s6 =	sadd.s32 @!p0 $0x88, s6;
	s7 =	simm.s32 @p2 $0x1082  }
0x22: {  	[simem:s7], [sflag:s8] =	dma.local @!p0 [hbm:s6], $0xF7A  }
0x23: {  	s9 =	sor.u32 $0xD0000000, s2;
	s6 =	simm.s32 $0x108;
	_ =	swait.ge @!p0 [sflag:s8], $0x0  }
0x24: {  	s3 =	sadd.s32 $0x88, s3;
	s6 =	simm.s32 @!p1 $0x1082;
	[sflag:s4] =	ssyncset.s32 $0xFFFFF086  }
0x25: {  	[simem:s6], [sflag:s4] =	dma.local [hbm:s3], $0xF7A  }
0x26: {  	[smem:$0x3F99] =	sst s1;
	(tag) =	ssettag s2;
	_ =	strace s9  }
0x27: {  	s1 =	sld [smem:$0x3FA9]  }
0x28: {  	s2 =	sld [smem:$0x3FAA]  }
0x29: {  	s4 =	sld [smem:$0x3FAC]  }
0x2a: {  	p0 =	seq.s32 s5, $0x0;
	s5 =	sld [smem:$0x3FAD]  }
0x2b: {  	s6 =	sld [smem:$0x3FAE]  }
0x2c: {  	s7 =	sld [smem:$0x3FAF]  }
0x2d: {  	s3 =	simm.s32 $0x108;
	s8 =	sld [smem:$0x3FB0]  }
0x2e: {  	s3 =	simm.s32 @!p0 $0x1082;
	s9 =	sld [smem:$0x3FB1]  }
0x2f: {  	lr =	sadd.s32 s0, s3;
	s0 =	sld [smem:$0x3FA8]  }
0x30: {  	s3 =	sld [smem:$0x3FAB]  }
0x31: {  	[smem:$0x3FB4] =	sst s10  }
0x32: {  	s10 =	sld [smem:$0x3FB2];
	_ =	sdelay $0x3  }
0x33: {  	p0 =	seq.s32 s10, $0x1;
	s10 =	sld [smem:$0x3FB4];
	_ =	sdelay $0x3  }
0x34: {  	[smem:$0x3FB4] =	sst s10  }
0x35: {  	s10 =	sld [smem:$0x3FB3];
	_ =	sdelay $0x3  }
0x36: {  	p1 =	seq.s32 s10, $0x1;
	s10 =	sld [smem:$0x3FB4];
	_ =	sdelay $0x3  }
0x37: {  	[smem:$0x3FB4] =	sst s10  }
0x38: {  	s10 =	sld [smem:$0x3FB5]  }
0x39: {  	_ = 	snop;
	(pc) =	sbr.ind lr, $3  }
0x3a: {  	_ = 	snop  }
0x3b: {  	_ = 	snop  }
0x3c: {  	p2 =	seq.s32 s10, $0x1;
	s10 =	sld [smem:$0x3FB4]  }
0x3d: {  	_ =	shalt  }
0x3e: {  	_ =	shalt  }
0x3f: {  	_ =	shalt  }
0x40: {  	_ =	shalt  }
0x41: {  	_ =	shalt  }
0x42: {  	_ =	shalt  }
0x43: {  	_ =	shalt  }
0x44: {  	_ =	shalt  }
0x45: {  	_ =	shalt  }
0x46: {  	_ =	shalt  }
0x47: {  	_ =	shalt  }
0x48: {  	_ =	shalt  }
0x49: {  	_ =	shalt  }
0x4a: {  	_ =	shalt  }
0x4b: {  	_ =	shalt  }
0x4c: {  	_ =	shalt  }
0x4d: {  	_ =	shalt  }
0x4e: {  	_ =	shalt  }
0x4f: {  	_ =	shalt  }
0x50: {  	_ =	shalt  }
0x51: {  	_ =	shalt  }
0x52: {  	_ =	shalt  }
0x53: {  	_ =	shalt  }
0x54: {  	_ =	shalt  }
0x55: {  	_ =	shalt  }
0x56: {  	_ =	shalt  }
0x57: {  	_ =	shalt  }
0x58: {  	_ =	shalt  }
0x59: {  	_ =	shalt  }
0x5a: {  	_ =	shalt  }
0x5b: {  	_ =	shalt  }
0x5c: {  	_ =	shalt  }
0x5d: {  	_ =	shalt  }
0x5e: {  	_ =	shalt  }
0x5f: {  	_ =	shalt  }
0x60: {  	_ =	shalt  }
0x61: {  	_ =	shalt  }
0x62: {  	_ =	shalt  }
0x63: {  	_ =	shalt  }
0x64: {  	_ =	shalt  }
0x65: {  	_ =	shalt  }
0x66: {  	_ =	shalt  }
0x67: {  	_ =	shalt  }
0x68: {  	_ =	shalt  }
0x69: {  	_ =	shalt  }
0x6a: {  	_ =	shalt  }
0x6b: {  	_ =	shalt  }
0x6c: {  	_ =	shalt  }
0x6d: {  	_ =	shalt  }
0x6e: {  	_ =	shalt  }
0x6f: {  	_ =	shalt  }
0x70: {  	_ =	shalt  }
0x71: {  	_ =	shalt  }
0x72: {  	_ =	shalt  }
0x73: {  	_ =	shalt  }
0x74: {  	_ =	shalt  }
0x75: {  	_ =	shalt  }
0x76: {  	_ =	shalt  }
0x77: {  	_ =	shalt  }
0x78: {  	_ =	shalt  }
0x79: {  	_ =	shalt  }
0x7a: {  	_ =	shalt  }
0x7b: {  	_ =	shalt  }
0x7c: {  	_ =	shalt  }
0x7d: {  	_ =	shalt  }
0x7e: {  	_ =	shalt  }
0x7f: {  	_ =	shalt  }
0x80: {  	_ =	shalt  }
0x81: {  	_ =	shalt  }
0x82: {  	_ =	shalt  }
0x83: {  	_ =	shalt  }
0x84: {  	_ =	shalt  }
0x85: {  	_ =	shalt  }
0x86: {  	_ =	shalt  }
0x87: {  	_ =	shalt  }
.Lfunc_end0:
.L_simem_size_0:
called_computation_lowered:
.L_overlay_start_0:
0x88: {  	s2 =	sld [smem:$0x3FD9]  }
0x89: {  	s3 =	sld [smem:$0x3FFE];
	_ =	sdelay $0x1  }
0x8a: {  	s1 =	srdreg.scid  }
0x8b: {  	s0 =	sand.u32 $0x1, s1  }
0x8c: {  	s17 =	sshll.u32 s0, $0xA;
	s2 =	sadd.s32 s3, s2  }
0x8d: {  	s2 =	sadd.s32 s2, s17  }
0x8e: {  	[smem:$0x3FC0] =	sst s2  }
0x8f: {  	_ = 	snop  }
0x90: {  	s2 =	sld [smem:$0x3FD0];
	(tm) =	ssettm $0x1  }
0x91: {  	s18 =	sld [smem:$0x3FFB];
	_ =	sdelay $0x3  }
0x92: {  	_ =	strace s18  }
0x93: {  	s3 =	sld [smem:$0x3FFC];
	_ =	sdelay $0x3  }
0x94: {  	_ =	strace s3  }
0x95: {  	s3 =	sld [smem:$0x3FFD];
	_ =	sdelay $0x3  }
0x96: {  	_ =	strace s3  }
0x97: {  	_ =	strace $0x8FFFFFFF  }
0x98: {  	s19 =	sld [smem:$0x3FDB];
	_ =	sdelay $0x1  }
0x99: {  	s4 =	simm.s32 $_scs_section_size  }
0x9a: {  	s5 =	simm.s32 $_size__tile_overlayer_lowered;
	s6 =	simm.s32 $_tile_overlayer_lowered  }
0x9b: {  	s22 =	simm.s32 $0x1BFF;
	s21 =	sshll.u32 s6, $0x1;
	s3 =	sadd.s32 s4, s19  }
0x9c: {  	s7 =	simm.s32 $0x0;
	s20 =	sshll.u32 s5, $0x1;
	s5 =	sadd.s32 s21, s3  }
0x9d: {  	[timem:s7], [sflag:s22] =	dma.local [hbm:s5], s20  }
0x9e: {  	_ =	swait.ge [sflag:s22], s20  }
0x9f: {  	s4 =	ssub.s32 $0x0, s20;
	[sflag:s22] =	ssyncset.done $0x0  }
0xa0: {  	[sflag:s22] =	ssyncadd.s32 s4;
	_ =	sdelay $0x1  }
0xa1: {  	s23 =	simm.s32 $0x1B8B  }
0xa2: {  	_ =	swait.ge [sflag:s23], $0x1  }
0xa3: {  	[sflag:s23] =	ssyncset.done $0x0  }
0xa4: {  	s25 =	simm.s32 $0x1B8E;
	s24 =	sld [smem:$0x3FFE];
	[sflag:s23] =	ssyncadd.s32 $0xFFFFFFFF  }
0xa5: {  	s26 =	simm.s32 $execute0_lowered;
	[smem:$0x3FD2] =	sst s25  }
0xa6: {  	s5 =	sshll.u32 s26, $0x1;
	_ =	strace $0x80000046;
	[dreg:$0x1] =	wrdreg $0xFFFFFFFF  }
0xa7: {  	s28 =	simm.s32 $_size_execute0_lowered;
	s3 =	sadd.s32 s3, s5;
	[dreg:$0x0] =	wrdreg $0x0  }
0xa8: {  	s5 =	sshll.u32 s28, $0x1;
	[dreg:$0x2] =	wrdreg s3  }
0xa9: {  	[dreg:$0x3] =	wrdreg s5  }
0xaa: {  	[dreg:$0x4] =	wrdreg $0xC0  }
0xab: {  	_ =	task [dreg:s7], $0x5FFFF  }
0xac: {  	[dreg:$0x1] =	wrdreg $0xFFFFFFFF  }
0xad: {  	[dreg:$0x0] =	wrdreg $0x60  }
0xae: {  	[dreg:$0x2] =	wrdreg s2  }
0xaf: {  	[dreg:$0x3] =	wrdreg s24  }
0xb0: {  	[dreg:$0x4] =	wrdreg $0x80800  }
0xb1: {  	[dreg:$0x5] =	wrdreg $0x82F80  }
0xb2: {  	[dreg:$0x6] =	wrdreg $0x9  }
0xb3: {  	_ =	task.clear_ibuf [dreg:s7], $0x7FFFF;
	_ =	strace $0x90000046  }
0xb4: {  	s29 =	simm.s32 $0x9;
	_ =	strace $0x80000048  }
0xb5: {  	_ =	swait.ge [sflag:s29], $0x1  }
0xb6: {  	[sflag:s29] =	ssyncadd.s32 $0xFFFFFFFF  }
0xb7: {  	_ =	strace $0x90000048  }
0xb8: {  	_ =	sfence  }
0xb9: {  	s30 =	sld [smem:$0x0];
	_ =	sdelay $0x2  }
0xba: {  	s31 =	sshll.u32 s1, $0xD;
	s1 =	sshrl.u32 s1, $0x2  }
0xbb: {  	s3 =	sand.u32 $0x4000, s31;
	s1 =	sadd.s32 s1, s30  }
0xbc: {  	s0 =	sor.u32 s3, s0;
	s1 =	sshll.u32 s1, $0x11  }
0xbd: {  	s0 =	sor.u32 s1, s0  }
0xbe: {  	s0 =	sadd.s32 $0x8F2B, s0  }
0xbf: {  	[sflag:s0] =	ssyncadd.remote.s32 $0x1  }
0xc0: {  	_ =	sfence.sel $0xFFFF  }
0xc1: {  	[dreg:$0x0] =	wrdreg $0xFFFFFFFF;
	(pc) =	sbr.abs _section_cstart, $3  }
0xc2: {  	[dreg:$0x1] =	wrdreg $0xFFFFFFFF  }
0xc3: {  	_ =	task.clear_ibuf [dreg:s7], $0x2FFFF;
	_ =	strace $0x9FFFFFFF  }
0xc4: {  	(tm) =	ssettm $0x7FFFFFFF  }
0xc5: {  	_ =	shalt  }
tec
execute0_lowered:
.L_overlay_start_1:
0x0: {  	(tag) =	ssettag $0x1  }
0x1: {  	s5 =	rddreg [dreg:$0x0]  }
0x2: {  	s6 =	rddreg [dreg:$0x1]  }
0x3: {  	s1 =	rddreg [dreg:$0x2]  }
0x4: {  	s2 =	rddreg [dreg:$0x3]  }
0x5: {  	s0 =	rddreg [dreg:$0x4];
	s4 =	srdreg.scid  }
0x6: {  	s3 =	simm.s32 $0x0;
	s10 =	stileid.u32;
	s13 =	simm.s32 $0x4000  }
0x7: {  	s14 =	simm.s32 $0x50;
	s15 =	simm.s32 $0x8000;
	s16 =	simm.s32 $0x1  }
0x8: {  	s17 =	simm.s32 $0x2;
	s18 =	simm.s32 $0x0;
	s4 =	sand.u32 $0x1, s4  }
0x9: {  	[smem:$0x7FF] =	sst s3;
	s7 =	sshll.u32 s10, $0xC;
	p0 =	sne.s32 s10, $0x0  }
0xa: {  	s8 =	sshll.u32 s4, $0xB;
	s31 =	smul.u32 $0x9E0, s4;
	s9 =	ssub.s32 $0x2, s4  }
0xb: {  	_ =	strace $0x80000047;
	s4 =	sadd.s32 $0x12800, s6;
	s7 =	sor.u32 s8, s7  }
0xc: {  	s10 =	sshrl.u32 @!p0 s1, $0x3;
	s12 =	sshrl.u32 s9, $0x1;
	s11 =	sadd.s32 s7, s6  }
0xd: {  	s8 =	sadd.s32 s31, s6;
	s9 =	ssub.s32 s9, s12;
	s5 =	sadd.s32 s5, s7  }
0xe: {  	s12 =	simm.s32 $0x3;
	s6 =	sadd.s32 $0x2800, s11;
	s7 =	sadd.s32 $0x12E00, s8  }
0xf: {  	v0 =	vimm.f32 $1.000000000e+00;
	s8 =	sadd.s32 $0x12E10, s8;
	s9 =	smax.u32 s9, $0x1;
	s11 =	sshrl.u32 @!p0 s2, $0x3  }
.LBB2_1:
0x10: {  	s19 =	simm.s32 @!p0 $0x1C03;
	s20 =	simm.s32 @!p0 $0x3  }
0x11: {  	[spmem:s10], [sflag:s19] =	dma.local @!p0 [hbm:s4], $0x4F0  }
0x12: {  	_ =	swait.ge @!p0 [sflag:s20], $0x4F0  }
0x13: {  	[sflag:s20] =	ssyncset.done @!p0 $0x0  }
0x14: {  	[sflag:s20] =	ssyncadd.s32 @!p0 $0xFFFFFB10  }
0x15: {  	[spmem:s11], [sflag:s19] =	dma.local @!p0 [hbm:s4], $0x4F0  }
0x16: {  	_ =	swait.ge @!p0 [sflag:s20], $0x4F0  }
0x17: {  	[sflag:s20] =	ssyncset.done @!p0 $0x0  }
0x18: {  	[sflag:s20] =	ssyncadd.s32 @!p0 $0xFFFFFB10  }
0x19: {  	[tilespmem:$0x8000] =	vst v0  }
0x1a: {  	[tilespmem:$0x8010] =	vst v0  }
0x1b: {  	[tilespmem:$0x8020] =	vst v0  }
0x1c: {  	[tilespmem:$0x8030] =	vst v0  }
0x1d: {  	[tilespmem:$0x8040] =	vst v0  }
0x1e: {  	[tilespmem:s3], [sflag:$0x3] =	stream.linear.gather [hbm4b:s5+s3], $0x3E80, $0x38;
	[tilespmem:$0x8570] =	vst v63  }
0x1f: {  	_ =	swait.ge [sflag:s12], $0x3E80  }
0x20: {  	[sflag:s12] =	ssyncset.done $0x0  }
0x21: {  	[sflag:s12] =	ssyncadd.s32 $0xFFFFC180  }
0x22: {  	[tilespmem:s13], [sflag:$0x3] =	stream.linear.gather [hbm4b:s6+s3], $0x3E80, $0x38;
	[tilespmem:$0x8570] =	vst v63  }
0x23: {  	_ =	swait.ge [sflag:s12], $0x3E80  }
0x24: {  	[sflag:s12] =	ssyncset.done $0x0  }
0x25: {  	s31 =	simm.s32 $0x0;
	[sflag:s12] =	ssyncadd.s32 $0xFFFFC180  }
0x26: {  	s19 =	simm.s32 $0x200;
	s20 =	simm.s32 $0x4000;
	[bflag:$0x0] =	sbarrier.arrive $0xFFFF  }
0x27: {  	[spmem:s1] =	stream.indirect.scatter.add.f32 [tilespmem:s15], [sflag:$0x1], $0x1, s31, s14, $0xb8;
	[tilespmem:$0x8570] =	vst v63  }
.LBB2_2:
0x28: {  	[spmem:s2] =	stream.indirect.scatter.add.f32 [tilespmem:s15], [sflag:$0x2], $0x1, s20, s14, $0xb8;
	[tilespmem:$0x8570] =	vst v63  }
0x29: {  	s20 =	smov.u32 s19;
	p1 =	sne.s32 s19, $0xF800  }
.Ltmp0:
0x2a: {  	s19 =	sadd.s32 $0x200, s19;
	(pc) =	sbr.rel @p1 .LBB2_2-.Ltmp0, $4  }
0x2b: {  	_ = 	snop  }
0x2c: {  	s20 =	sshra.s32 s20, $0x2  }
0x2d: {  	[spmem:s1] =	stream.indirect.scatter.add.f32 [tilespmem:s15], [sflag:$0x1], $0x1, s20, s14, $0xb8;
	[tilespmem:$0x8570] =	vst v63  }
0x2e: {  	s20 =	sadd.s32 $0x4000, s20  }
0x2f: {  	[spmem:s2] =	stream.indirect.scatter.add.f32 [tilespmem:s15], [sflag:$0x2], $0x1, s20, s14, $0xb8;
	[tilespmem:$0x8570] =	vst v63  }
0x30: {  	_ =	swait.ge [sflag:s16], $0x50  }
0x31: {  	[sflag:s16] =	ssyncset.done $0x0  }
0x32: {  	[sflag:s16] =	ssyncadd.s32 $0xFFFFFFB0  }
0x33: {  	_ =	swait.ge [sflag:s17], $0x50  }
0x34: {  	s19 =	simm.s32 $0x7C;
	[sflag:s17] =	ssyncset.done $0x0  }
.LBB2_4:
0x35: {  	p1 =	sne.s32 s19, $0x1;
	s19 =	sadd.s32 $0xFFFFFFFF, s19;
	[sflag:s17] =	ssyncadd.s32 $0xFFFFFFB0  }
.Ltmp1:
0x36: {  	_ =	swait.ge [sflag:s16], $0x50;
	(pc) =	sbr.rel @p1 .LBB2_4-.Ltmp1, $4  }
0x37: {  	[sflag:s16] =	ssyncset.done $0x0  }
0x38: {  	[sflag:s16] =	ssyncadd.s32 $0xFFFFFFB0  }
0x39: {  	_ =	swait.ge [sflag:s17], $0x50  }
0x3a: {  	[sflag:s17] =	ssyncset.done $0x0  }
0x3b: {  	[sflag:s17] =	ssyncadd.s32 $0xFFFFFFB0  }
0x3c: {  	s19 =	simm.s32 @!p0 $0x1;
	s20 =	simm.s32 @!p0 $0x20;
	s21 =	simm.s32 @!p0 $0x10  }
0x3d: {  	s22 =	simm.s32 @!p0 $0x1C03;
	s23 =	simm.s32 @!p0 $0x3;
	[bflag:$0x0] =	sbarrier.arrive $0xFFFF  }
0x3e: {  	[hbm:s7@s20], [sflag:s22] =	dma.strided @!p0 [spmem:s10@s21], $0x4F0, s19, $0x10   }
0x3f: {  	s18 =	sadd.s32 $0x1, s18;
	_ =	swait.ge @!p0 [sflag:s23], $0x4F0  }
0x40: {  	p1 =	sne.s32 s18, s9;
	[sflag:s23] =	ssyncset.done @!p0 $0x0  }
.Ltmp2:
0x41: {  	[sflag:s23] =	ssyncadd.s32 @!p0 $0xFFFFFB10;
	(pc) =	sbr.rel @p1 .LBB2_1-.Ltmp2, $4  }
0x42: {  	[hbm:s8@s20], [sflag:s22] =	dma.strided @!p0 [spmem:s11@s21], $0x4F0, s19, $0x10   }
0x43: {  	_ =	swait.ge @!p0 [sflag:s23], $0x4F0  }
0x44: {  	[sflag:s23] =	ssyncset.done @!p0 $0x0  }
0x45: {  	[sflag:s23] =	ssyncadd.s32 @!p0 $0xFFFFFB10  }
0x46: {  	_ =	sfence.sel $0x180000  }
0x47: {  	[bflag:$0x0] =	sbarrier.arrive $0xFFFF  }
0x48: {  	_ =	strace $0x90000047  }
0x49: {  	s0 =	sadd.s32 @!p0 $0x100000, s0;
	[bflag:$0x2] =	sbarrier.arrive $0xFFFF  }
0x4a: {  	[sflag:s0] =	ssyncadd.tile.s32 @!p0 $0x1;
	_ =	shalt  }
.Lfunc_end2:
_tile_overlayer_lowered:
.L_overlay_start_2:
0x4b: {  	(tag) =	ssettag $0x2  }
0x4c: {  	s0 =	rddreg [dreg:$0x0];
	s2 =	stileid.u32  }
0x4d: {  	s1 =	rddreg [dreg:$0x1];
	p0 =	sne.s32 s2, $0x0  }
0x4e: {  	s3 =	rddreg [dreg:$0x2];
	[bflag:$0x3] =	sbarrier.arrive $0xFFFF;
	s2 =	simm.s32 @!p0 $0x1C03  }
0x4f: {  	[timem:s3], [sflag:s2] =	dma.local @!p0 [hbm:s0], s1  }
0x50: {  	s0 =	simm.s32 @!p0 $0x3  }
0x51: {  	_ =	swait.ge @!p0 [sflag:s0], s1  }
0x52: {  	s1 =	ssub.s32 @!p0 $0x0, s1;
	[sflag:s0] =	ssyncset.done @!p0 $0x0  }
0x53: {  	[sflag:s0] =	ssyncadd.s32 @!p0 s1  }
0x54: {  	[bflag:$0x3] =	sbarrier.arrive $0xFFFF  }
0x55: {  	_ =	shalt  }

// kernel: kernel.14.cloned.1.call-start
scs
__scs_entry_jumppad:
0x0: {  	(pc) =	sbr.rel $0x88, $3  }
0x1: {  	(tag) =	ssettag $0x0;
	lr =	simm.s32 $0x1  }
0x2: {  	[smem:$0x3F99] =	sst lr;
	_ =	strace $0xD0000000  }
0x3: {  	_ = 	snop  }
0x4: {  	_ = 	snop  }
0x5: {  	_ = 	snop  }
0x6: {  	_ = 	snop  }
0x7: {  	_ = 	snop  }
__scs_overlays_trampoline_lowered:
0x8: {  	[smem:$0x3FA8] =	sst s0  }
0x9: {  	[smem:$0x3FA9] =	sst s1  }
0xa: {  	[smem:$0x3FAA] =	sst s2  }
0xb: {  	[smem:$0x3FAB] =	sst s3  }
0xc: {  	[smem:$0x3FAC] =	sst s4  }
0xd: {  	[smem:$0x3FAD] =	sst s5  }
0xe: {  	[smem:$0x3FAE] =	sst s6  }
0xf: {  	[smem:$0x3FAF] =	sst s7  }
0x10: {  	[smem:$0x3FB0] =	sst s8  }
0x11: {  	[smem:$0x3FB1] =	sst s9;
	s0 =	simm.s32 @!p0 $0x0  }
0x12: {  	s1 =	sld [smem:$0x3F97];
	s0 =	simm.s32 @p0 $0x1  }
0x13: {  	[smem:$0x3FB2] =	sst s0;
	s0 =	simm.s32 @!p1 $0x0  }
0x14: {  	s2 =	sld [smem:$0x3F96];
	s0 =	simm.s32 @p1 $0x1  }
0x15: {  	[smem:$0x3FB3] =	sst s0;
	s0 =	simm.s32 @!p2 $0x0  }
0x16: {  	s3 =	sld [smem:$0x3FDB];
	s0 =	simm.s32 @p2 $0x1  }
0x17: {  	s4 =	simm.s32 $0x1BF5;
	[smem:$0x3FB5] =	sst s0  }
0x18: {  	s0 =	sld [smem:$0x3F98];
	_ =	swait.ge [sflag:s4], $0x0  }
0x19: {  	s7 =	sld [smem:$0x3F99]  }
0x1a: {  	s8 =	sadd.s32 $0xFFFFE003, lr  }
0x1b: {  	s9 =	sadd.s32 $0xFFFFFEF7, lr;
	s5 =	simm.s32 $0xFFFFFFFF;
	p2 =	slt.u32 s8, $0xFFFFF086  }
0x1c: {  	p1 =	slt.u32 s9, $0xF7A;
	s5 =	simm.s32 @!p2 $0x0  }
0x1d: {  	s5 =	simm.s32 @p1 $0x1;
	p0 =	seq.s32 s7, s2  }
0x1e: {  	s7 =	smul.u32 @!p0 $0xF7A, s2;
	p2 =	seq.s32 @!p0 s5, $0x0  }
0x1f: {  	s9 =	smul.u32 $0xF7A, s1;
	s8 =	simm.s32 @!p0 $0x1BF5;
	p2 =	por !p2, p0  }
0x20: {  	[sflag:s8] =	ssyncset.s32 @!p0 $0xFFFFF086;
	s6 =	sadd.s32 @!p0 s3, s7;
	s7 =	simm.s32 @!p0 $0x108  }
0x21: {  	s3 =	sadd.s32 s3, s9;
	s6 =	sadd.s32 @!p0 $0x88, s6;
	s7 =	simm.s32 @p2 $0x1082  }
0x22: {  	[simem:s7], [sflag:s8] =	dma.local @!p0 [hbm:s6], $0xF7A  }
0x23: {  	s9 =	sor.u32 $0xD0000000, s2;
	s6 =	simm.s32 $0x108;
	_ =	swait.ge @!p0 [sflag:s8], $0x0  }
0x24: {  	s3 =	sadd.s32 $0x88, s3;
	s6 =	simm.s32 @!p1 $0x1082;
	[sflag:s4] =	ssyncset.s32 $0xFFFFF086  }
0x25: {  	[simem:s6], [sflag:s4] =	dma.local [hbm:s3], $0xF7A  }
0x26: {  	[smem:$0x3F99] =	sst s1;
	(tag) =	ssettag s2;
	_ =	strace s9  }
0x27: {  	s1 =	sld [smem:$0x3FA9]  }
0x28: {  	s2 =	sld [smem:$0x3FAA]  }
0x29: {  	s4 =	sld [smem:$0x3FAC]  }
0x2a: {  	p0 =	seq.s32 s5, $0x0;
	s5 =	sld [smem:$0x3FAD]  }
0x2b: {  	s6 =	sld [smem:$0x3FAE]  }
0x2c: {  	s7 =	sld [smem:$0x3FAF]  }
0x2d: {  	s3 =	simm.s32 $0x108;
	s8 =	sld [smem:$0x3FB0]  }
0x2e: {  	s3 =	simm.s32 @!p0 $0x1082;
	s9 =	sld [smem:$0x3FB1]  }
0x2f: {  	lr =	sadd.s32 s0, s3;
	s0 =	sld [smem:$0x3FA8]  }
0x30: {  	s3 =	sld [smem:$0x3FAB]  }
0x31: {  	[smem:$0x3FB4] =	sst s10  }
0x32: {  	s10 =	sld [smem:$0x3FB2];
	_ =	sdelay $0x3  }
0x33: {  	p0 =	seq.s32 s10, $0x1;
	s10 =	sld [smem:$0x3FB4];
	_ =	sdelay $0x3  }
0x34: {  	[smem:$0x3FB4] =	sst s10  }
0x35: {  	s10 =	sld [smem:$0x3FB3];
	_ =	sdelay $0x3  }
0x36: {  	p1 =	seq.s32 s10, $0x1;
	s10 =	sld [smem:$0x3FB4];
	_ =	sdelay $0x3  }
0x37: {  	[smem:$0x3FB4] =	sst s10  }
0x38: {  	s10 =	sld [smem:$0x3FB5]  }
0x39: {  	_ = 	snop;
	(pc) =	sbr.ind lr, $3  }
0x3a: {  	_ = 	snop  }
0x3b: {  	_ = 	snop  }
0x3c: {  	p2 =	seq.s32 s10, $0x1;
	s10 =	sld [smem:$0x3FB4]  }
0x3d: {  	_ =	shalt  }
0x3e: {  	_ =	shalt  }
0x3f: {  	_ =	shalt  }
0x40: {  	_ =	shalt  }
0x41: {  	_ =	shalt  }
0x42: {  	_ =	shalt  }
0x43: {  	_ =	shalt  }
0x44: {  	_ =	shalt  }
0x45: {  	_ =	shalt  }
0x46: {  	_ =	shalt  }
0x47: {  	_ =	shalt  }
0x48: {  	_ =	shalt  }
0x49: {  	_ =	shalt  }
0x4a: {  	_ =	shalt  }
0x4b: {  	_ =	shalt  }
0x4c: {  	_ =	shalt  }
0x4d: {  	_ =	shalt  }
0x4e: {  	_ =	shalt  }
0x4f: {  	_ =	shalt  }
0x50: {  	_ =	shalt  }
0x51: {  	_ =	shalt  }
0x52: {  	_ =	shalt  }
0x53: {  	_ =	shalt  }
0x54: {  	_ =	shalt  }
0x55: {  	_ =	shalt  }
0x56: {  	_ =	shalt  }
0x57: {  	_ =	shalt  }
0x58: {  	_ =	shalt  }
0x59: {  	_ =	shalt  }
0x5a: {  	_ =	shalt  }
0x5b: {  	_ =	shalt  }
0x5c: {  	_ =	shalt  }
0x5d: {  	_ =	shalt  }
0x5e: {  	_ =	shalt  }
0x5f: {  	_ =	shalt  }
0x60: {  	_ =	shalt  }
0x61: {  	_ =	shalt  }
0x62: {  	_ =	shalt  }
0x63: {  	_ =	shalt  }
0x64: {  	_ =	shalt  }
0x65: {  	_ =	shalt  }
0x66: {  	_ =	shalt  }
0x67: {  	_ =	shalt  }
0x68: {  	_ =	shalt  }
0x69: {  	_ =	shalt  }
0x6a: {  	_ =	shalt  }
0x6b: {  	_ =	shalt  }
0x6c: {  	_ =	shalt  }
0x6d: {  	_ =	shalt  }
0x6e: {  	_ =	shalt  }
0x6f: {  	_ =	shalt  }
0x70: {  	_ =	shalt  }
0x71: {  	_ =	shalt  }
0x72: {  	_ =	shalt  }
0x73: {  	_ =	shalt  }
0x74: {  	_ =	shalt  }
0x75: {  	_ =	shalt  }
0x76: {  	_ =	shalt  }
0x77: {  	_ =	shalt  }
0x78: {  	_ =	shalt  }
0x79: {  	_ =	shalt  }
0x7a: {  	_ =	shalt  }
0x7b: {  	_ =	shalt  }
0x7c: {  	_ =	shalt  }
0x7d: {  	_ =	shalt  }
0x7e: {  	_ =	shalt  }
0x7f: {  	_ =	shalt  }
0x80: {  	_ =	shalt  }
0x81: {  	_ =	shalt  }
0x82: {  	_ =	shalt  }
0x83: {  	_ =	shalt  }
0x84: {  	_ =	shalt  }
0x85: {  	_ =	shalt  }
0x86: {  	_ =	shalt  }
0x87: {  	_ =	shalt  }
.Lfunc_end0:
.L_simem_size_0:
called_computation.1_lowered:
.L_overlay_start_0:
0x88: {  	s2 =	sld [smem:$0x3FD9]  }
0x89: {  	s3 =	sld [smem:$0x3FFE];
	_ =	sdelay $0x1  }
0x8a: {  	s1 =	srdreg.scid  }
0x8b: {  	s0 =	sand.u32 $0x1, s1  }
0x8c: {  	s17 =	sshll.u32 s0, $0xA;
	s2 =	sadd.s32 s3, s2  }
0x8d: {  	s2 =	sadd.s32 s2, s17  }
0x8e: {  	[smem:$0x3FC0] =	sst s2  }
0x8f: {  	_ = 	snop  }
0x90: {  	s2 =	sld [smem:$0x3FD0];
	(tm) =	ssettm $0x1  }
0x91: {  	s18 =	sld [smem:$0x3FFB];
	_ =	sdelay $0x3  }
0x92: {  	_ =	strace s18  }
0x93: {  	s3 =	sld [smem:$0x3FFC];
	_ =	sdelay $0x3  }
0x94: {  	_ =	strace s3  }
0x95: {  	s3 =	sld [smem:$0x3FFD];
	_ =	sdelay $0x3  }
0x96: {  	_ =	strace s3  }
0x97: {  	_ =	strace $0x8FFFFFFF  }
0x98: {  	s19 =	sld [smem:$0x3FDB];
	_ =	sdelay $0x1  }
0x99: {  	s4 =	simm.s32 $_scs_section_size  }
0x9a: {  	s5 =	simm.s32 $_size__tile_overlayer_lowered;
	s6 =	simm.s32 $_tile_overlayer_lowered  }
0x9b: {  	s22 =	simm.s32 $0x1BFF;
	s21 =	sshll.u32 s6, $0x1;
	s3 =	sadd.s32 s4, s19  }
0x9c: {  	s7 =	simm.s32 $0x0;
	s20 =	sshll.u32 s5, $0x1;
	s5 =	sadd.s32 s21, s3  }
0x9d: {  	[timem:s7], [sflag:s22] =	dma.local [hbm:s5], s20  }
0x9e: {  	_ =	swait.ge [sflag:s22], s20  }
0x9f: {  	s4 =	ssub.s32 $0x0, s20;
	[sflag:s22] =	ssyncset.done $0x0  }
0xa0: {  	[sflag:s22] =	ssyncadd.s32 s4;
	_ =	sdelay $0x1  }
0xa1: {  	s23 =	simm.s32 $0x1B8B  }
0xa2: {  	_ =	swait.ge [sflag:s23], $0x1  }
0xa3: {  	[sflag:s23] =	ssyncset.done $0x0  }
0xa4: {  	s25 =	simm.s32 $0x1B8E;
	s24 =	sld [smem:$0x3FFE];
	[sflag:s23] =	ssyncadd.s32 $0xFFFFFFFF  }
0xa5: {  	s26 =	simm.s32 $execute0_lowered;
	[smem:$0x3FD2] =	sst s25  }
0xa6: {  	s5 =	sshll.u32 s26, $0x1;
	_ =	strace $0x80000049;
	[dreg:$0x1] =	wrdreg $0xFFFFFFFF  }
0xa7: {  	s28 =	simm.s32 $_size_execute0_lowered;
	s3 =	sadd.s32 s3, s5;
	[dreg:$0x0] =	wrdreg $0x0  }
0xa8: {  	s5 =	sshll.u32 s28, $0x1;
	[dreg:$0x2] =	wrdreg s3  }
0xa9: {  	[dreg:$0x3] =	wrdreg s5  }
0xaa: {  	[dreg:$0x4] =	wrdreg $0xC0  }
0xab: {  	_ =	task [dreg:s7], $0x5FFFF  }
0xac: {  	[dreg:$0x1] =	wrdreg $0xFFFFFFFF  }
0xad: {  	[dreg:$0x0] =	wrdreg $0x60  }
0xae: {  	[dreg:$0x2] =	wrdreg s24  }
0xaf: {  	[dreg:$0x3] =	wrdreg s2  }
0xb0: {  	[dreg:$0x4] =	wrdreg $0xA1000  }
0xb1: {  	[dreg:$0x5] =	wrdreg $0x9  }
0xb2: {  	_ =	task.clear_ibuf [dreg:s7], $0x6FFFF;
	_ =	strace $0x90000049  }
0xb3: {  	s29 =	simm.s32 $0x9;
	_ =	strace $0x8000004B  }
0xb4: {  	_ =	swait.ge [sflag:s29], $0x1  }
0xb5: {  	[sflag:s29] =	ssyncadd.s32 $0xFFFFFFFF  }
0xb6: {  	_ =	strace $0x9000004B  }
0xb7: {  	_ =	sfence  }
0xb8: {  	s30 =	sld [smem:$0x0];
	_ =	sdelay $0x2  }
0xb9: {  	s31 =	sshll.u32 s1, $0xD;
	s1 =	sshrl.u32 s1, $0x2  }
0xba: {  	s3 =	sand.u32 $0x4000, s31;
	s1 =	sadd.s32 s1, s30  }
0xbb: {  	s0 =	sor.u32 s3, s0;
	s1 =	sshll.u32 s1, $0x11  }
0xbc: {  	s0 =	sor.u32 s1, s0  }
0xbd: {  	s0 =	sadd.s32 $0x8F2B, s0  }
0xbe: {  	[sflag:s0] =	ssyncadd.remote.s32 $0x1  }
0xbf: {  	_ =	sfence.sel $0xFFFF  }
0xc0: {  	[dreg:$0x0] =	wrdreg $0xFFFFFFFF;
	(pc) =	sbr.abs _section_cstart, $3  }
0xc1: {  	[dreg:$0x1] =	wrdreg $0xFFFFFFFF  }
0xc2: {  	_ =	task.clear_ibuf [dreg:s7], $0x2FFFF;
	_ =	strace $0x9FFFFFFF  }
0xc3: {  	(tm) =	ssettm $0x7FFFFFFF  }
tec
execute0_lowered:
.L_overlay_start_1:
0x0: {  	(tag) =	ssettag $0x1  }
0x1: {  	s0 =	rddreg [dreg:$0x0];
	s1 =	srdreg.scid  }
0x2: {  	s12 =	stileid.u32;
	s3 =	rddreg [dreg:$0x2];
	s29 =	simm.s32 $0xA000  }
0x3: {  	s31 =	simm.s32 $0x4F80;
	s28 =	simm.s32 $0x3;
	s8 =	smul.u32 $0x14000, s12  }
0x4: {  	s30 =	simm.s32 $0x6;
	s2 =	sshll.u32 s12, $0x1;
	s18 =	smul.u32 $0x50000, s12  }
0x5: {  	s4 =	sshrl.u32 s12, $0x2;
	s21 =	sshll.u32 s12, $0x6;
	s12 =	smul.u32 $0xFA, s12  }
0x6: {  	s1 =	sand.u32 $0x1, s1;
	s10 =	sadd.s32 $0x14200, s0;
	s5 =	smul.u32 $0x13C00, s4  }
0x7: {  	s2 =	sor.u32 s1, s2;
	s4 =	simm.s32 $0x0;
	s7 =	smul.u32 $0x140000, s1  }
0x8: {  	s17 =	ssub.s32 $0x2, s1;
	s1 =	smul.u32 $0x7D, s1;
	s6 =	sshll.u32 s2, $0x7  }
0x9: {  	[smem:$0x7FF] =	sst s4;
	s19 =	sshrl.u32 s17, $0x1;
	s11 =	smul.u32 $0x7D0, s2  }
0xa: {  	s20 =	sshrl.u32 s18, $0x2;
	s2 =	smul.u32 $0x3E80, s2;
	s6 =	sand.u32 $0x380, s6  }
0xb: {  	_ =	strace $0x8000004A;
	s16 =	sadd.s32 s8, s7;
	s7 =	ssub.s32 s17, s19  }
0xc: {  	s8 =	sadd.s32 s20, s3;
	s1 =	sadd.s32 s1, s12;
	s19 =	simm.s32 $0x7  }
0xd: {  	s20 =	simm.s32 $0x2;
	s6 =	sor.u32 s5, s6;
	s5 =	sadd.s32 $0x2DA00, s0  }
0xe: {  	s2 =	sshrl.u32 s2, $0x3;
	s22 =	sadd.s32 s10, s11;
	s1 =	sshll.u32 s1, $0x4  }
0xf: {  	s14 =	smax.u32 s7, $0x1;
	s18 =	sshrl.u32 s8, $0x3;
	s6 =	sshrl.u32 s6, $0x3  }
0x10: {  	[dreg:$0x5] =	wrdreg s22;
	s2 =	sadd.s32 s10, s2;
	s26 =	sadd.s32 s10, s1  }
0x11: {  	s22 =	simm.s32 $0x9F80;
	s1 =	simm.s32 $0xA080;
	s9 =	sadd.s32 s6, s0  }
0x12: {  	s6 =	sshrl.u32 s16, $0x3;
	s23 =	sadd.s32 $0x10, s2;
	s24 =	sadd.s32 $0x20, s2  }
0x13: {  	s25 =	sadd.s32 $0x30, s2;
	s2 =	sadd.s32 $0x40, s2;
	s15 =	sadd.s32 $0x70, s26  }
0x14: {  	s16 =	sadd.s32 $0x60, s26;
	s17 =	sadd.s32 $0x50, s26;
	[dreg:$0x6] =	wrdreg s23  }
0x15: {  	s26 =	simm.s32 $0x4;
	s0 =	sadd.s32 s6, s0;
	[dreg:$0x7] =	wrdreg s24  }
0x16: {  	s6 =	sor.u32 $0x1C07, s21;
	s9 =	sadd.s32 $0x23C00, s9;
	[dreg:$0x8] =	wrdreg s25  }
0x17: {  	[dreg:$0x9] =	wrdreg s2;
	s23 =	simm.s32 $0x50;
	s24 =	simm.s32 $0x2780  }
0x18: {  	s25 =	simm.s32 $0x1;
	s2 =	simm.s32 $0x7780;
	s21 =	simm.s32 $0x5  }
0x19: {  	[dreg:$0x4] =	wrdreg s9;
	s13 =	sadd.s32 $0x54C00, s0;
	s0 =	simm.s32 $0x0  }
.LBB2_1:
0x1a: {  	s7 =	rddreg [dreg:$0x1]  }
0x1b: {  	[spmem:s18], [sflag:s6] =	dma.local [hbm:s7], $0x2800  }
0x1c: {  	_ =	swait.ge [sflag:s19], $0x2800  }
0x1d: {  	s8 =	simm.s32 $0x80;
	[sflag:s19] =	ssyncset.done $0x0  }
0x1e: {  	s9 =	simm.s32 $0x400;
	s12 =	rddreg [dreg:$0x4];
	[sflag:s19] =	ssyncadd.s32 $0xFFFFD800  }
0x1f: {  	[tilespmem:s4], [sflag:$0x7] =	stream.strided.gather [hbm4b:s12+s8], $0x2780, s9, s8, $0x38;
	[tilespmem:$0x1E100] =	vst v63  }
0x20: {  	_ =	swait.ge [sflag:s19], $0x2780  }
0x21: {  	[sflag:s19] =	ssyncset.done $0x0  }
0x22: {  	[sflag:s19] =	ssyncadd.s32 $0xFFFFD880  }
0x23: {  	[bflag:$0x0] =	sbarrier.arrive $0xFFFF  }
0x24: {  	s8 =	rddreg [dreg:$0x5]  }
0x25: {  	[tilespmem:s22], [sflag:$0x4] =	stream.linear.gather [hbm4b:s8+s4], $0x80, $0x38;
	[tilespmem:$0x1E100] =	vst v63  }
0x26: {  	_ = 	snop  }
0x27: {  	[tilespmem:s24], [sflag:$0x1] =	stream.indirect.gather [hbm4b:s5+s23], $0x80, s4, s23, $0xb8;
	[tilespmem:$0x1E100] =	vst v63  }
0x28: {  	_ =	swait.ge [sflag:s25], $0x2800  }
0x29: {  	[sflag:s25] =	ssyncset.done $0x0  }
0x2a: {  	[sflag:s25] =	ssyncadd.s32 $0xFFFFD800  }
0x2b: {  	_ =	swait.ge [sflag:s26], $0x80  }
0x2c: {  	[sflag:s26] =	ssyncset.done $0x0  }
0x2d: {  	[sflag:s26] =	ssyncadd.s32 $0xFFFFFF80  }
0x2e: {  	[spmem:s3] =	stream.indirect.scatter.add.f32 [tilespmem:s24], [sflag:$0x7], $0x80, s22, s23, $0xb8;
	[tilespmem:$0x1E100] =	vst v63  }
0x2f: {  	_ =	swait.ge [sflag:s19], $0x2800  }
0x30: {  	[sflag:s19] =	ssyncset.done $0x0  }
0x31: {  	s9 =	rddreg [dreg:$0x6];
	[sflag:s19] =	ssyncadd.s32 $0xFFFFD800  }
0x32: {  	[tilespmem:s22], [sflag:$0x4] =	stream.linear.gather [hbm4b:s9+s4], $0x80, $0x38;
	[tilespmem:$0x1E100] =	vst v63  }
0x33: {  	_ = 	snop  }
0x34: {  	[tilespmem:s24], [sflag:$0x1] =	stream.indirect.gather [hbm4b:s5+s23], $0x80, s23, s23, $0xb8;
	[tilespmem:$0x1E100] =	vst v63  }
0x35: {  	_ =	swait.ge [sflag:s25], $0x2800  }
0x36: {  	[sflag:s25] =	ssyncset.done $0x0  }
0x37: {  	[sflag:s25] =	ssyncadd.s32 $0xFFFFD800  }
0x38: {  	_ =	swait.ge [sflag:s26], $0x80  }
0x39: {  	[sflag:s26] =	ssyncset.done $0x0  }
0x3a: {  	[sflag:s26] =	ssyncadd.s32 $0xFFFFFF80  }
0x3b: {  	[spmem:s3] =	stream.indirect.scatter.add.f32 [tilespmem:s24], [sflag:$0x7], $0x80, s22, s23, $0xb8;
	[tilespmem:$0x1E100] =	vst v63  }
0x3c: {  	_ =	swait.ge [sflag:s19], $0x2800  }
0x3d: {  	[sflag:s19] =	ssyncset.done $0x0  }
0x3e: {  	s10 =	rddreg [dreg:$0x7];
	[sflag:s19] =	ssyncadd.s32 $0xFFFFD800  }
0x3f: {  	[tilespmem:s22], [sflag:$0x4] =	stream.linear.gather [hbm4b:s10+s4], $0x80, $0x38;
	[tilespmem:$0x1E100] =	vst v63  }
0x40: {  	s11 =	simm.s32 $0xA0  }
0x41: {  	[tilespmem:s24], [sflag:$0x1] =	stream.indirect.gather [hbm4b:s5+s23], $0x80, s11, s23, $0xb8;
	[tilespmem:$0x1E100] =	vst v63  }
0x42: {  	s12 =	rddreg [dreg:$0x8]  }
0x43: {  	[tilespmem:s29], [sflag:$0x5] =	stream.linear.gather [hbm4b:s12+s4], $0x80, $0x38;
	[tilespmem:$0x1E100] =	vst v63  }
0x44: {  	s8 =	simm.s32 $0xF0  }
0x45: {  	[tilespmem:s31], [sflag:$0x2] =	stream.indirect.gather [hbm4b:s5+s23], $0x80, s8, s23, $0xb8;
	[tilespmem:$0x1E100] =	vst v63  }
0x46: {  	s9 =	rddreg [dreg:$0x9]  }
0x47: {  	[tilespmem:s1], [sflag:$0x6] =	stream.linear.gather [hbm4b:s9+s4], $0x80, $0x38;
	[tilespmem:$0x1E100] =	vst v63  }
0x48: {  	s10 =	simm.s32 $0x140  }
0x49: {  	[tilespmem:s2], [sflag:$0x3] =	stream.indirect.gather [hbm4b:s5+s23], $0x80, s10, s23, $0xb8;
	[tilespmem:$0x1E100] =	vst v63  }
0x4a: {  	_ =	swait.ge [sflag:s25], $0x2800  }
0x4b: {  	[sflag:s25] =	ssyncset.done $0x0  }
0x4c: {  	[sflag:s25] =	ssyncadd.s32 $0xFFFFD800  }
0x4d: {  	_ =	swait.ge [sflag:s26], $0x80  }
0x4e: {  	[sflag:s26] =	ssyncset.done $0x0  }
0x4f: {  	[sflag:s26] =	ssyncadd.s32 $0xFFFFFF80  }
0x50: {  	[spmem:s3] =	stream.indirect.scatter.add.f32 [tilespmem:s24], [sflag:$0x7], $0x80, s22, s23, $0xb8;
	[tilespmem:$0x1E100] =	vst v63  }
0x51: {  	_ =	swait.ge [sflag:s19], $0x2800  }
0x52: {  	[sflag:s19] =	ssyncset.done $0x0  }
0x53: {  	[sflag:s19] =	ssyncadd.s32 $0xFFFFD800  }
0x54: {  	[tilespmem:s22], [sflag:$0x4] =	stream.linear.gather [hbm4b:s17+s4], $0x80, $0x38;
	[tilespmem:$0x1E100] =	vst v63  }
0x55: {  	s11 =	simm.s32 $0x190  }
0x56: {  	[tilespmem:s24], [sflag:$0x1] =	stream.indirect.gather [hbm4b:s5+s23], $0x80, s11, s23, $0xb8;
	[tilespmem:$0x1E100] =	vst v63  }
0x57: {  	_ =	swait.ge [sflag:s20], $0x2800  }
0x58: {  	[sflag:s20] =	ssyncset.done $0x0  }
0x59: {  	[sflag:s20] =	ssyncadd.s32 $0xFFFFD800  }
0x5a: {  	_ =	swait.ge [sflag:s21], $0x80  }
0x5b: {  	[sflag:s21] =	ssyncset.done $0x0  }
0x5c: {  	[sflag:s21] =	ssyncadd.s32 $0xFFFFFF80  }
0x5d: {  	[spmem:s3] =	stream.indirect.scatter.add.f32 [tilespmem:s31], [sflag:$0x7], $0x80, s29, s23, $0xb8;
	[tilespmem:$0x1E100] =	vst v63  }
0x5e: {  	_ =	swait.ge [sflag:s19], $0x2800  }
0x5f: {  	[sflag:s19] =	ssyncset.done $0x0  }
0x60: {  	[sflag:s19] =	ssyncadd.s32 $0xFFFFD800  }
0x61: {  	[tilespmem:s29], [sflag:$0x5] =	stream.linear.gather [hbm4b:s16+s4], $0x80, $0x38;
	[tilespmem:$0x1E100] =	vst v63  }
0x62: {  	s12 =	simm.s32 $0x1E0  }
0x63: {  	[tilespmem:s31], [sflag:$0x2] =	stream.indirect.gather [hbm4b:s5+s23], $0x80, s12, s23, $0xb8;
	[tilespmem:$0x1E100] =	vst v63  }
0x64: {  	_ =	swait.ge [sflag:s28], $0x2800  }
0x65: {  	[sflag:s28] =	ssyncset.done $0x0  }
0x66: {  	[sflag:s28] =	ssyncadd.s32 $0xFFFFD800  }
0x67: {  	_ =	swait.ge [sflag:s30], $0x80  }
0x68: {  	[sflag:s30] =	ssyncset.done $0x0  }
0x69: {  	[sflag:s30] =	ssyncadd.s32 $0xFFFFFF80  }
0x6a: {  	[spmem:s3] =	stream.indirect.scatter.add.f32 [tilespmem:s2], [sflag:$0x7], $0x80, s1, s23, $0xb8;
	[tilespmem:$0x1E100] =	vst v63  }
0x6b: {  	s7 =	simm.s32 $0x3C0;
	_ =	swait.ge [sflag:s19], $0x2800  }
0x6c: {  	s8 =	sadd.s32 $0x30, s17;
	s9 =	sadd.s32 $0x30, s15;
	[sflag:s19] =	ssyncset.done $0x0  }
0x6d: {  	s10 =	sadd.s32 $0x30, s16;
	s11 =	simm.s32 $0x230;
	[sflag:s19] =	ssyncadd.s32 $0xFFFFD800  }
0x6e: {  	[tilespmem:s1], [sflag:$0x6] =	stream.linear.gather [hbm4b:s15+s4], $0x80, $0x38;
	[tilespmem:$0x1E100] =	vst v63  }
.LBB2_2:
0x6f: {  	[tilespmem:s2], [sflag:$0x3] =	stream.indirect.gather [hbm4b:s5+s23], $0x80, s11, s23, $0xb8;
	[tilespmem:$0x1E100] =	vst v63  }
0x70: {  	s11 =	smov.u32 s7  }
0x71: {  	p0 =	sne.s32 s7, $0x9240;
	s7 =	sadd.s32 $0x3C0, s7;
	_ =	swait.ge [sflag:s25], $0x2800  }
0x72: {  	[sflag:s25] =	ssyncset.done $0x0  }
0x73: {  	[sflag:s25] =	ssyncadd.s32 $0xFFFFD800  }
0x74: {  	_ =	swait.ge [sflag:s26], $0x80  }
0x75: {  	[sflag:s26] =	ssyncset.done $0x0  }
0x76: {  	[sflag:s26] =	ssyncadd.s32 $0xFFFFFF80  }
0x77: {  	[spmem:s3] =	stream.indirect.scatter.add.f32 [tilespmem:s24], [sflag:$0x7], $0x80, s22, s23, $0xb8;
	[tilespmem:$0x1E100] =	vst v63  }
0x78: {  	_ =	swait.ge [sflag:s19], $0x2800  }
0x79: {  	[sflag:s19] =	ssyncset.done $0x0  }
0x7a: {  	s11 =	sshra.s32 s11, $0x2;
	[sflag:s19] =	ssyncadd.s32 $0xFFFFD800  }
0x7b: {  	[tilespmem:s22], [sflag:$0x4] =	stream.linear.gather [hbm4b:s8+s4], $0x80, $0x38;
	[tilespmem:$0x1E100] =	vst v63  }
0x7c: {  	s12 =	sadd.s32 $0x190, s11  }
0x7d: {  	[tilespmem:s24], [sflag:$0x1] =	stream.indirect.gather [hbm4b:s5+s23], $0x80, s12, s23, $0xb8;
	[tilespmem:$0x1E100] =	vst v63  }
0x7e: {  	_ =	swait.ge [sflag:s20], $0x2800  }
0x7f: {  	[sflag:s20] =	ssyncset.done $0x0  }
0x80: {  	[sflag:s20] =	ssyncadd.s32 $0xFFFFD800  }
0x81: {  	_ =	swait.ge [sflag:s21], $0x80  }
0x82: {  	[sflag:s21] =	ssyncset.done $0x0  }
0x83: {  	[sflag:s21] =	ssyncadd.s32 $0xFFFFFF80  }
0x84: {  	[spmem:s3] =	stream.indirect.scatter.add.f32 [tilespmem:s31], [sflag:$0x7], $0x80, s29, s23, $0xb8;
	[tilespmem:$0x1E100] =	vst v63  }
0x85: {  	_ =	swait.ge [sflag:s19], $0x2800  }
0x86: {  	[sflag:s19] =	ssyncset.done $0x0  }
0x87: {  	[sflag:s19] =	ssyncadd.s32 $0xFFFFD800  }
0x88: {  	[tilespmem:s29], [sflag:$0x5] =	stream.linear.gather [hbm4b:s10+s4], $0x80, $0x38;
	[tilespmem:$0x1E100] =	vst v63  }
0x89: {  	s12 =	sadd.s32 $0x1E0, s11  }
0x8a: {  	[tilespmem:s31], [sflag:$0x2] =	stream.indirect.gather [hbm4b:s5+s23], $0x80, s12, s23, $0xb8;
	[tilespmem:$0x1E100] =	vst v63  }
0x8b: {  	_ =	swait.ge [sflag:s28], $0x2800  }
0x8c: {  	[sflag:s28] =	ssyncset.done $0x0  }
0x8d: {  	[sflag:s28] =	ssyncadd.s32 $0xFFFFD800  }
0x8e: {  	_ =	swait.ge [sflag:s30], $0x80  }
0x8f: {  	[sflag:s30] =	ssyncset.done $0x0  }
0x90: {  	[sflag:s30] =	ssyncadd.s32 $0xFFFFFF80  }
0x91: {  	[spmem:s3] =	stream.indirect.scatter.add.f32 [tilespmem:s2], [sflag:$0x7], $0x80, s1, s23, $0xb8;
	[tilespmem:$0x1E100] =	vst v63  }
.Ltmp0:
0x92: {  	_ =	swait.ge [sflag:s19], $0x2800;
	(pc) =	sbr.rel @p0 .LBB2_2-.Ltmp0, $4  }
0x93: {  	[sflag:s19] =	ssyncset.done $0x0  }
0x94: {  	s8 =	sadd.s32 $0x30, s8;
	[sflag:s19] =	ssyncadd.s32 $0xFFFFD800  }
0x95: {  	[tilespmem:s1], [sflag:$0x6] =	stream.linear.gather [hbm4b:s9+s4], $0x80, $0x38;
	[tilespmem:$0x1E100] =	vst v63  }
0x96: {  	s11 =	sadd.s32 $0x230, s11;
	s10 =	sadd.s32 $0x30, s10;
	s9 =	sadd.s32 $0x30, s9  }
0x97: {  	[tilespmem:s2], [sflag:$0x3] =	stream.indirect.gather [hbm4b:s5+s23], $0x80, s11, s23, $0xb8;
	[tilespmem:$0x1E100] =	vst v63  }
0x98: {  	_ =	swait.ge [sflag:s25], $0x2800  }
0x99: {  	[sflag:s25] =	ssyncset.done $0x0  }
0x9a: {  	[sflag:s25] =	ssyncadd.s32 $0xFFFFD800  }
0x9b: {  	_ =	swait.ge [sflag:s26], $0x80  }
0x9c: {  	[sflag:s26] =	ssyncset.done $0x0  }
0x9d: {  	[sflag:s26] =	ssyncadd.s32 $0xFFFFFF80  }
0x9e: {  	[spmem:s3] =	stream.indirect.scatter.add.f32 [tilespmem:s24], [sflag:$0x7], $0x80, s22, s23, $0xb8;
	[tilespmem:$0x1E100] =	vst v63  }
0x9f: {  	_ =	swait.ge [sflag:s19], $0x2800  }
0xa0: {  	[sflag:s19] =	ssyncset.done $0x0  }
0xa1: {  	[sflag:s19] =	ssyncadd.s32 $0xFFFFD800  }
0xa2: {  	_ =	swait.ge [sflag:s20], $0x2800  }
0xa3: {  	[sflag:s20] =	ssyncset.done $0x0  }
0xa4: {  	[sflag:s20] =	ssyncadd.s32 $0xFFFFD800  }
0xa5: {  	_ =	swait.ge [sflag:s21], $0x80  }
0xa6: {  	[sflag:s21] =	ssyncset.done $0x0  }
0xa7: {  	[sflag:s21] =	ssyncadd.s32 $0xFFFFFF80  }
0xa8: {  	[spmem:s3] =	stream.indirect.scatter.add.f32 [tilespmem:s31], [sflag:$0x7], $0x80, s29, s23, $0xb8;
	[tilespmem:$0x1E100] =	vst v63  }
0xa9: {  	_ =	swait.ge [sflag:s19], $0x2800  }
0xaa: {  	[sflag:s19] =	ssyncset.done $0x0  }
0xab: {  	[sflag:s19] =	ssyncadd.s32 $0xFFFFD800  }
0xac: {  	_ =	swait.ge [sflag:s28], $0x2800  }
0xad: {  	[sflag:s28] =	ssyncset.done $0x0  }
0xae: {  	[sflag:s28] =	ssyncadd.s32 $0xFFFFD800  }
0xaf: {  	_ =	swait.ge [sflag:s30], $0x80  }
0xb0: {  	[sflag:s30] =	ssyncset.done $0x0  }
0xb1: {  	[sflag:s30] =	ssyncadd.s32 $0xFFFFFF80  }
0xb2: {  	[spmem:s3] =	stream.indirect.scatter.add.f32 [tilespmem:s2], [sflag:$0x7], $0x80, s1, s23, $0xb8;
	[tilespmem:$0x1E100] =	vst v63  }
0xb3: {  	_ =	swait.ge [sflag:s19], $0x2800  }
0xb4: {  	s0 =	sadd.s32 $0x1, s0;
	[sflag:s19] =	ssyncset.done $0x0  }
0xb5: {  	p0 =	sne.s32 s0, s14;
	[sflag:s19] =	ssyncadd.s32 $0xFFFFD800  }
.Ltmp1:
0xb6: {  	[bflag:$0x0] =	sbarrier.arrive $0xFFFF;
	(pc) =	sbr.rel @p0 .LBB2_1-.Ltmp1, $4  }
0xb7: {  	[hbm:s13], [sflag:s6] =	dma.local [spmem:s18], $0x2800  }
0xb8: {  	_ =	swait.ge [sflag:s19], $0x2800  }
0xb9: {  	[sflag:s19] =	ssyncset.done $0x0  }
0xba: {  	[sflag:s19] =	ssyncadd.s32 $0xFFFFD800  }
0xbb: {  	_ =	sfence.sel $0x180000  }
0xbc: {  	[bflag:$0x0] =	sbarrier.arrive $0xFFFF  }
0xbd: {  	_ =	strace $0x9000004A  }
0xbe: {  	s0 =	stileid.u32;
	[bflag:$0x2] =	sbarrier.arrive $0xFFFF  }
0xbf: {  	p0 =	sne.s32 s0, $0x0;
	s0 =	rddreg [dreg:$0x3]  }
0xc0: {  	s0 =	sadd.s32 @!p0 $0x100000, s0  }
0xc1: {  	[sflag:s0] =	ssyncadd.tile.s32 @!p0 $0x1;
	_ =	shalt  }
.Lfunc_end2:
_tile_overlayer_lowered:
.L_overlay_start_2:
0xc2: {  	(tag) =	ssettag $0x2  }
0xc3: {  	s0 =	rddreg [dreg:$0x0];
	s2 =	stileid.u32  }
0xc4: {  	s1 =	rddreg [dreg:$0x1];
	p0 =	sne.s32 s2, $0x0  }
0xc5: {  	s3 =	rddreg [dreg:$0x2];
	[bflag:$0x3] =	sbarrier.arrive $0xFFFF;
	s2 =	simm.s32 @!p0 $0x1C07  }
0xc6: {  	[timem:s3], [sflag:s2] =	dma.local @!p0 [hbm:s0], s1  }
0xc7: {  	s0 =	simm.s32 @!p0 $0x7  }
0xc8: {  	_ =	swait.ge @!p0 [sflag:s0], s1  }
0xc9: {  	s1 =	ssub.s32 @!p0 $0x0, s1;
	[sflag:s0] =	ssyncset.done @!p0 $0x0  }
0xca: {  	[sflag:s0] =	ssyncadd.s32 @!p0 s1  }
0xcb: {  	[bflag:$0x3] =	sbarrier.arrive $0xFFFF  }
0xcc: {  	_ =	shalt  }

// kernel: kernel.17.cloned.1.call-start
scs
__scs_entry_jumppad:
0x0: {  	(pc) =	sbr.rel $0x88, $3  }
0x1: {  	(tag) =	ssettag $0x0;
	lr =	simm.s32 $0x1  }
0x2: {  	[smem:$0x3F99] =	sst lr;
	_ =	strace $0xD0000000  }
0x3: {  	_ = 	snop  }
0x4: {  	_ = 	snop  }
0x5: {  	_ = 	snop  }
0x6: {  	_ = 	snop  }
0x7: {  	_ = 	snop  }
__scs_overlays_trampoline_lowered:
0x8: {  	[smem:$0x3FA8] =	sst s0  }
0x9: {  	[smem:$0x3FA9] =	sst s1  }
0xa: {  	[smem:$0x3FAA] =	sst s2  }
0xb: {  	[smem:$0x3FAB] =	sst s3  }
0xc: {  	[smem:$0x3FAC] =	sst s4  }
0xd: {  	[smem:$0x3FAD] =	sst s5  }
0xe: {  	[smem:$0x3FAE] =	sst s6  }
0xf: {  	[smem:$0x3FAF] =	sst s7  }
0x10: {  	[smem:$0x3FB0] =	sst s8  }
0x11: {  	[smem:$0x3FB1] =	sst s9;
	s0 =	simm.s32 @!p0 $0x0  }
0x12: {  	s1 =	sld [smem:$0x3F97];
	s0 =	simm.s32 @p0 $0x1  }
0x13: {  	[smem:$0x3FB2] =	sst s0;
	s0 =	simm.s32 @!p1 $0x0  }
0x14: {  	s2 =	sld [smem:$0x3F96];
	s0 =	simm.s32 @p1 $0x1  }
0x15: {  	[smem:$0x3FB3] =	sst s0;
	s0 =	simm.s32 @!p2 $0x0  }
0x16: {  	s3 =	sld [smem:$0x3FDB];
	s0 =	simm.s32 @p2 $0x1  }
0x17: {  	s4 =	simm.s32 $0x1BF5;
	[smem:$0x3FB5] =	sst s0  }
0x18: {  	s0 =	sld [smem:$0x3F98];
	_ =	swait.ge [sflag:s4], $0x0  }
0x19: {  	s7 =	sld [smem:$0x3F99]  }
0x1a: {  	s8 =	sadd.s32 $0xFFFFE003, lr  }
0x1b: {  	s9 =	sadd.s32 $0xFFFFFEF7, lr;
	s5 =	simm.s32 $0xFFFFFFFF;
	p2 =	slt.u32 s8, $0xFFFFF086  }
0x1c: {  	p1 =	slt.u32 s9, $0xF7A;
	s5 =	simm.s32 @!p2 $0x0  }
0x1d: {  	s5 =	simm.s32 @p1 $0x1;
	p0 =	seq.s32 s7, s2  }
0x1e: {  	s7 =	smul.u32 @!p0 $0xF7A, s2;
	p2 =	seq.s32 @!p0 s5, $0x0  }
0x1f: {  	s9 =	smul.u32 $0xF7A, s1;
	s8 =	simm.s32 @!p0 $0x1BF5;
	p2 =	por !p2, p0  }
0x20: {  	[sflag:s8] =	ssyncset.s32 @!p0 $0xFFFFF086;
	s6 =	sadd.s32 @!p0 s3, s7;
	s7 =	simm.s32 @!p0 $0x108  }
0x21: {  	s3 =	sadd.s32 s3, s9;
	s6 =	sadd.s32 @!p0 $0x88, s6;
	s7 =	simm.s32 @p2 $0x1082  }
0x22: {  	[simem:s7], [sflag:s8] =	dma.local @!p0 [hbm:s6], $0xF7A  }
0x23: {  	s9 =	sor.u32 $0xD0000000, s2;
	s6 =	simm.s32 $0x108;
	_ =	swait.ge @!p0 [sflag:s8], $0x0  }
0x24: {  	s3 =	sadd.s32 $0x88, s3;
	s6 =	simm.s32 @!p1 $0x1082;
	[sflag:s4] =	ssyncset.s32 $0xFFFFF086  }
0x25: {  	[simem:s6], [sflag:s4] =	dma.local [hbm:s3], $0xF7A  }
0x26: {  	[smem:$0x3F99] =	sst s1;
	(tag) =	ssettag s2;
	_ =	strace s9  }
0x27: {  	s1 =	sld [smem:$0x3FA9]  }
0x28: {  	s2 =	sld [smem:$0x3FAA]  }
0x29: {  	s4 =	sld [smem:$0x3FAC]  }
0x2a: {  	p0 =	seq.s32 s5, $0x0;
	s5 =	sld [smem:$0x3FAD]  }
0x2b: {  	s6 =	sld [smem:$0x3FAE]  }
0x2c: {  	s7 =	sld [smem:$0x3FAF]  }
0x2d: {  	s3 =	simm.s32 $0x108;
	s8 =	sld [smem:$0x3FB0]  }
0x2e: {  	s3 =	simm.s32 @!p0 $0x1082;
	s9 =	sld [smem:$0x3FB1]  }
0x2f: {  	lr =	sadd.s32 s0, s3;
	s0 =	sld [smem:$0x3FA8]  }
0x30: {  	s3 =	sld [smem:$0x3FAB]  }
0x31: {  	[smem:$0x3FB4] =	sst s10  }
0x32: {  	s10 =	sld [smem:$0x3FB2];
	_ =	sdelay $0x3  }
0x33: {  	p0 =	seq.s32 s10, $0x1;
	s10 =	sld [smem:$0x3FB4];
	_ =	sdelay $0x3  }
0x34: {  	[smem:$0x3FB4] =	sst s10  }
0x35: {  	s10 =	sld [smem:$0x3FB3];
	_ =	sdelay $0x3  }
0x36: {  	p1 =	seq.s32 s10, $0x1;
	s10 =	sld [smem:$0x3FB4];
	_ =	sdelay $0x3  }
0x37: {  	[smem:$0x3FB4] =	sst s10  }
0x38: {  	s10 =	sld [smem:$0x3FB5]  }
0x39: {  	_ = 	snop;
	(pc) =	sbr.ind lr, $3  }
0x3a: {  	_ = 	snop  }
0x3b: {  	_ = 	snop  }
0x3c: {  	p2 =	seq.s32 s10, $0x1;
	s10 =	sld [smem:$0x3FB4]  }
0x3d: {  	_ =	shalt  }
0x3e: {  	_ =	shalt  }
0x3f: {  	_ =	shalt  }
0x40: {  	_ =	shalt  }
0x41: {  	_ =	shalt  }
0x42: {  	_ =	shalt  }
0x43: {  	_ =	shalt  }
0x44: {  	_ =	shalt  }
0x45: {  	_ =	shalt  }
0x46: {  	_ =	shalt  }
0x47: {  	_ =	shalt  }
0x48: {  	_ =	shalt  }
0x49: {  	_ =	shalt  }
0x4a: {  	_ =	shalt  }
0x4b: {  	_ =	shalt  }
0x4c: {  	_ =	shalt  }
0x4d: {  	_ =	shalt  }
0x4e: {  	_ =	shalt  }
0x4f: {  	_ =	shalt  }
0x50: {  	_ =	shalt  }
0x51: {  	_ =	shalt  }
0x52: {  	_ =	shalt  }
0x53: {  	_ =	shalt  }
0x54: {  	_ =	shalt  }
0x55: {  	_ =	shalt  }
0x56: {  	_ =	shalt  }
0x57: {  	_ =	shalt  }
0x58: {  	_ =	shalt  }
0x59: {  	_ =	shalt  }
0x5a: {  	_ =	shalt  }
0x5b: {  	_ =	shalt  }
0x5c: {  	_ =	shalt  }
0x5d: {  	_ =	shalt  }
0x5e: {  	_ =	shalt  }
0x5f: {  	_ =	shalt  }
0x60: {  	_ =	shalt  }
0x61: {  	_ =	shalt  }
0x62: {  	_ =	shalt  }
0x63: {  	_ =	shalt  }
0x64: {  	_ =	shalt  }
0x65: {  	_ =	shalt  }
0x66: {  	_ =	shalt  }
0x67: {  	_ =	shalt  }
0x68: {  	_ =	shalt  }
0x69: {  	_ =	shalt  }
0x6a: {  	_ =	shalt  }
0x6b: {  	_ =	shalt  }
0x6c: {  	_ =	shalt  }
0x6d: {  	_ =	shalt  }
0x6e: {  	_ =	shalt  }
0x6f: {  	_ =	shalt  }
0x70: {  	_ =	shalt  }
0x71: {  	_ =	shalt  }
0x72: {  	_ =	shalt  }
0x73: {  	_ =	shalt  }
0x74: {  	_ =	shalt  }
0x75: {  	_ =	shalt  }
0x76: {  	_ =	shalt  }
0x77: {  	_ =	shalt  }
0x78: {  	_ =	shalt  }
0x79: {  	_ =	shalt  }
0x7a: {  	_ =	shalt  }
0x7b: {  	_ =	shalt  }
0x7c: {  	_ =	shalt  }
0x7d: {  	_ =	shalt  }
0x7e: {  	_ =	shalt  }
0x7f: {  	_ =	shalt  }
0x80: {  	_ =	shalt  }
0x81: {  	_ =	shalt  }
0x82: {  	_ =	shalt  }
0x83: {  	_ =	shalt  }
0x84: {  	_ =	shalt  }
0x85: {  	_ =	shalt  }
0x86: {  	_ =	shalt  }
0x87: {  	_ =	shalt  }
.Lfunc_end0:
.L_simem_size_0:
called_computation.2_lowered:
.L_overlay_start_0:
0x88: {  	s2 =	sld [smem:$0x3FD9]  }
0x89: {  	s3 =	sld [smem:$0x3FFE];
	_ =	sdelay $0x1  }
0x8a: {  	s1 =	srdreg.scid  }
0x8b: {  	s0 =	sand.u32 $0x1, s1  }
0x8c: {  	s17 =	sshll.u32 s0, $0xA;
	s2 =	sadd.s32 s3, s2  }
0x8d: {  	s2 =	sadd.s32 s2, s17  }
0x8e: {  	[smem:$0x3FC0] =	sst s2  }
0x8f: {  	_ = 	snop  }
0x90: {  	s2 =	sld [smem:$0x3FD0];
	(tm) =	ssettm $0x1  }
0x91: {  	s18 =	sld [smem:$0x3FFB];
	_ =	sdelay $0x3  }
0x92: {  	_ =	strace s18  }
0x93: {  	s3 =	sld [smem:$0x3FFC];
	_ =	sdelay $0x3  }
0x94: {  	_ =	strace s3  }
0x95: {  	s3 =	sld [smem:$0x3FFD];
	_ =	sdelay $0x3  }
0x96: {  	_ =	strace s3  }
0x97: {  	_ =	strace $0x8FFFFFFF  }
0x98: {  	s19 =	sld [smem:$0x3FDB];
	_ =	sdelay $0x1  }
0x99: {  	s4 =	simm.s32 $_scs_section_size  }
0x9a: {  	s5 =	simm.s32 $_size__tile_overlayer_lowered;
	s6 =	simm.s32 $_tile_overlayer_lowered  }
0x9b: {  	s22 =	simm.s32 $0x1BFF;
	s21 =	sshll.u32 s6, $0x1;
	s3 =	sadd.s32 s4, s19  }
0x9c: {  	s7 =	simm.s32 $0x0;
	s20 =	sshll.u32 s5, $0x1;
	s5 =	sadd.s32 s21, s3  }
0x9d: {  	[timem:s7], [sflag:s22] =	dma.local [hbm:s5], s20  }
0x9e: {  	_ =	swait.ge [sflag:s22], s20  }
0x9f: {  	s4 =	ssub.s32 $0x0, s20;
	[sflag:s22] =	ssyncset.done $0x0  }
0xa0: {  	[sflag:s22] =	ssyncadd.s32 s4;
	_ =	sdelay $0x1  }
0xa1: {  	s23 =	simm.s32 $0x1B8B  }
0xa2: {  	_ =	swait.ge [sflag:s23], $0x1  }
0xa3: {  	[sflag:s23] =	ssyncset.done $0x0  }
0xa4: {  	s25 =	simm.s32 $0x1B8E;
	s24 =	sld [smem:$0x3FFE];
	[sflag:s23] =	ssyncadd.s32 $0xFFFFFFFF  }
0xa5: {  	s26 =	simm.s32 $execute0_lowered;
	[smem:$0x3FD2] =	sst s25  }
0xa6: {  	s5 =	sshll.u32 s26, $0x1;
	_ =	strace $0x8000004C;
	[dreg:$0x1] =	wrdreg $0xFFFFFFFF  }
0xa7: {  	s28 =	simm.s32 $_size_execute0_lowered;
	s3 =	sadd.s32 s3, s5;
	[dreg:$0x0] =	wrdreg $0x0  }
0xa8: {  	s5 =	sshll.u32 s28, $0x1;
	[dreg:$0x2] =	wrdreg s3  }
0xa9: {  	[dreg:$0x3] =	wrdreg s5  }
0xaa: {  	[dreg:$0x4] =	wrdreg $0xC0  }
0xab: {  	_ =	task [dreg:s7], $0x5FFFF  }
0xac: {  	[dreg:$0x1] =	wrdreg $0xFFFFFFFF  }
0xad: {  	[dreg:$0x0] =	wrdreg $0x60  }
0xae: {  	[dreg:$0x2] =	wrdreg s24  }
0xaf: {  	[dreg:$0x3] =	wrdreg s2  }
0xb0: {  	[dreg:$0x4] =	wrdreg $0xA1000  }
0xb1: {  	[dreg:$0x5] =	wrdreg $0x9  }
0xb2: {  	_ =	task.clear_ibuf [dreg:s7], $0x6FFFF;
	_ =	strace $0x9000004C  }
0xb3: {  	s29 =	simm.s32 $0x9;
	_ =	strace $0x8000004E  }
0xb4: {  	_ =	swait.ge [sflag:s29], $0x1  }
0xb5: {  	[sflag:s29] =	ssyncadd.s32 $0xFFFFFFFF  }
0xb6: {  	_ =	strace $0x9000004E  }
0xb7: {  	_ =	sfence  }
0xb8: {  	s30 =	sld [smem:$0x0];
	_ =	sdelay $0x2  }
0xb9: {  	s31 =	sshll.u32 s1, $0xD;
	s1 =	sshrl.u32 s1, $0x2  }
0xba: {  	s3 =	sand.u32 $0x4000, s31;
	s1 =	sadd.s32 s1, s30  }
0xbb: {  	s0 =	sor.u32 s3, s0;
	s1 =	sshll.u32 s1, $0x11  }
0xbc: {  	s0 =	sor.u32 s1, s0  }
0xbd: {  	s0 =	sadd.s32 $0x8F2B, s0  }
0xbe: {  	[sflag:s0] =	ssyncadd.remote.s32 $0x1  }
0xbf: {  	_ =	sfence.sel $0xFFFF  }
0xc0: {  	[dreg:$0x0] =	wrdreg $0xFFFFFFFF;
	(pc) =	sbr.abs _section_cstart, $3  }
0xc1: {  	[dreg:$0x1] =	wrdreg $0xFFFFFFFF  }
0xc2: {  	_ =	task.clear_ibuf [dreg:s7], $0x2FFFF;
	_ =	strace $0x9FFFFFFF  }
0xc3: {  	(tm) =	ssettm $0x7FFFFFFF  }
tec
execute0_lowered:
.L_overlay_start_1:
0x0: {  	(tag) =	ssettag $0x1  }
0x1: {  	s0 =	rddreg [dreg:$0x0];
	s1 =	srdreg.scid  }
0x2: {  	s12 =	stileid.u32;
	s3 =	rddreg [dreg:$0x2];
	s29 =	simm.s32 $0xA000  }
0x3: {  	s31 =	simm.s32 $0x4F80;
	s28 =	simm.s32 $0x3;
	s8 =	smul.u32 $0x14000, s12  }
0x4: {  	s30 =	simm.s32 $0x6;
	s2 =	sshll.u32 s12, $0x1;
	s18 =	smul.u32 $0x50000, s12  }
0x5: {  	s4 =	sshrl.u32 s12, $0x2;
	s21 =	sshll.u32 s12, $0x6;
	s12 =	smul.u32 $0xFA, s12  }
0x6: {  	s1 =	sand.u32 $0x1, s1;
	s10 =	sadd.s32 $0x14200, s0;
	s5 =	smul.u32 $0x13C00, s4  }
0x7: {  	s2 =	sor.u32 s1, s2;
	s4 =	simm.s32 $0x0;
	s7 =	smul.u32 $0x140000, s1  }
0x8: {  	s17 =	ssub.s32 $0x2, s1;
	s1 =	smul.u32 $0x7D, s1;
	s6 =	sshll.u32 s2, $0x7  }
0x9: {  	[smem:$0x7FF] =	sst s4;
	s19 =	sshrl.u32 s17, $0x1;
	s11 =	smul.u32 $0x7D0, s2  }
0xa: {  	s20 =	sshrl.u32 s18, $0x2;
	s2 =	smul.u32 $0x3E80, s2;
	s6 =	sand.u32 $0x380, s6  }
0xb: {  	_ =	strace $0x8000004D;
	s16 =	sadd.s32 s8, s7;
	s7 =	ssub.s32 s17, s19  }
0xc: {  	s8 =	sadd.s32 s20, s3;
	s1 =	sadd.s32 s1, s12;
	s19 =	simm.s32 $0x7  }
0xd: {  	s20 =	simm.s32 $0x2;
	s6 =	sor.u32 s5, s6;
	s5 =	sadd.s32 $0x2DA00, s0  }
0xe: {  	s2 =	sshrl.u32 s2, $0x3;
	s22 =	sadd.s32 s10, s11;
	s1 =	sshll.u32 s1, $0x4  }
0xf: {  	s14 =	smax.u32 s7, $0x1;
	s18 =	sshrl.u32 s8, $0x3;
	s6 =	sshrl.u32 s6, $0x3  }
0x10: {  	[dreg:$0x5] =	wrdreg s22;
	s2 =	sadd.s32 s10, s2;
	s26 =	sadd.s32 s10, s1  }
0x11: {  	s22 =	simm.s32 $0x9F80;
	s1 =	simm.s32 $0xA080;
	s9 =	sadd.s32 s6, s0  }
0x12: {  	s6 =	sshrl.u32 s16, $0x3;
	s23 =	sadd.s32 $0x10, s2;
	s24 =	sadd.s32 $0x20, s2  }
0x13: {  	s25 =	sadd.s32 $0x30, s2;
	s2 =	sadd.s32 $0x40, s2;
	s15 =	sadd.s32 $0x70, s26  }
0x14: {  	s16 =	sadd.s32 $0x60, s26;
	s17 =	sadd.s32 $0x50, s26;
	[dreg:$0x6] =	wrdreg s23  }
0x15: {  	s26 =	simm.s32 $0x4;
	s0 =	sadd.s32 s6, s0;
	[dreg:$0x7] =	wrdreg s24  }
0x16: {  	s6 =	sor.u32 $0x1C07, s21;
	s9 =	sadd.s32 $0x23C00, s9;
	[dreg:$0x8] =	wrdreg s25  }
0x17: {  	[dreg:$0x9] =	wrdreg s2;
	s23 =	simm.s32 $0x50;
	s24 =	simm.s32 $0x2780  }
0x18: {  	s25 =	simm.s32 $0x1;
	s2 =	simm.s32 $0x7780;
	s21 =	simm.s32 $0x5  }
0x19: {  	[dreg:$0x4] =	wrdreg s9;
	s13 =	sadd.s32 $0x54C00, s0;
	s0 =	simm.s32 $0x0  }
.LBB2_1:
0x1a: {  	s7 =	rddreg [dreg:$0x1]  }
0x1b: {  	[spmem:s18], [sflag:s6] =	dma.local [hbm:s7], $0x2800  }
0x1c: {  	_ =	swait.ge [sflag:s19], $0x2800  }
0x1d: {  	s8 =	simm.s32 $0x80;
	[sflag:s19] =	ssyncset.done $0x0  }
0x1e: {  	s9 =	simm.s32 $0x400;
	s12 =	rddreg [dreg:$0x4];
	[sflag:s19] =	ssyncadd.s32 $0xFFFFD800  }
0x1f: {  	[tilespmem:s4], [sflag:$0x7] =	stream.strided.gather [hbm4b:s12+s8], $0x2780, s9, s8, $0x38;
	[tilespmem:$0x1E100] =	vst v63  }
0x20: {  	_ =	swait.ge [sflag:s19], $0x2780  }
0x21: {  	[sflag:s19] =	ssyncset.done $0x0  }
0x22: {  	[sflag:s19] =	ssyncadd.s32 $0xFFFFD880  }
0x23: {  	[bflag:$0x0] =	sbarrier.arrive $0xFFFF  }
0x24: {  	s8 =	rddreg [dreg:$0x5]  }
0x25: {  	[tilespmem:s22], [sflag:$0x4] =	stream.linear.gather [hbm4b:s8+s4], $0x80, $0x38;
	[tilespmem:$0x1E100] =	vst v63  }
0x26: {  	_ = 	snop  }
0x27: {  	[tilespmem:s24], [sflag:$0x1] =	stream.indirect.gather [hbm4b:s5+s23], $0x80, s4, s23, $0xb8;
	[tilespmem:$0x1E100] =	vst v63  }
0x28: {  	_ =	swait.ge [sflag:s25], $0x2800  }
0x29: {  	[sflag:s25] =	ssyncset.done $0x0  }
0x2a: {  	[sflag:s25] =	ssyncadd.s32 $0xFFFFD800  }
0x2b: {  	_ =	swait.ge [sflag:s26], $0x80  }
0x2c: {  	[sflag:s26] =	ssyncset.done $0x0  }
0x2d: {  	[sflag:s26] =	ssyncadd.s32 $0xFFFFFF80  }
0x2e: {  	[spmem:s3] =	stream.indirect.scatter.add.f32 [tilespmem:s24], [sflag:$0x7], $0x80, s22, s23, $0xb8;
	[tilespmem:$0x1E100] =	vst v63  }
0x2f: {  	_ =	swait.ge [sflag:s19], $0x2800  }
0x30: {  	[sflag:s19] =	ssyncset.done $0x0  }
0x31: {  	s9 =	rddreg [dreg:$0x6];
	[sflag:s19] =	ssyncadd.s32 $0xFFFFD800  }
0x32: {  	[tilespmem:s22], [sflag:$0x4] =	stream.linear.gather [hbm4b:s9+s4], $0x80, $0x38;
	[tilespmem:$0x1E100] =	vst v63  }
0x33: {  	_ = 	snop  }
0x34: {  	[tilespmem:s24], [sflag:$0x1] =	stream.indirect.gather [hbm4b:s5+s23], $0x80, s23, s23, $0xb8;
	[tilespmem:$0x1E100] =	vst v63  }
0x35: {  	_ =	swait.ge [sflag:s25], $0x2800  }
0x36: {  	[sflag:s25] =	ssyncset.done $0x0  }
0x37: {  	[sflag:s25] =	ssyncadd.s32 $0xFFFFD800  }
0x38: {  	_ =	swait.ge [sflag:s26], $0x80  }
0x39: {  	[sflag:s26] =	ssyncset.done $0x0  }
0x3a: {  	[sflag:s26] =	ssyncadd.s32 $0xFFFFFF80  }
0x3b: {  	[spmem:s3] =	stream.indirect.scatter.add.f32 [tilespmem:s24], [sflag:$0x7], $0x80, s22, s23, $0xb8;
	[tilespmem:$0x1E100] =	vst v63  }
0x3c: {  	_ =	swait.ge [sflag:s19], $0x2800  }
0x3d: {  	[sflag:s19] =	ssyncset.done $0x0  }
0x3e: {  	s10 =	rddreg [dreg:$0x7];
	[sflag:s19] =	ssyncadd.s32 $0xFFFFD800  }
0x3f: {  	[tilespmem:s22], [sflag:$0x4] =	stream.linear.gather [hbm4b:s10+s4], $0x80, $0x38;
	[tilespmem:$0x1E100] =	vst v63  }
0x40: {  	s11 =	simm.s32 $0xA0  }
0x41: {  	[tilespmem:s24], [sflag:$0x1] =	stream.indirect.gather [hbm4b:s5+s23], $0x80, s11, s23, $0xb8;
	[tilespmem:$0x1E100] =	vst v63  }
0x42: {  	s12 =	rddreg [dreg:$0x8]  }
0x43: {  	[tilespmem:s29], [sflag:$0x5] =	stream.linear.gather [hbm4b:s12+s4], $0x80, $0x38;
	[tilespmem:$0x1E100] =	vst v63  }
0x44: {  	s8 =	simm.s32 $0xF0  }
0x45: {  	[tilespmem:s31], [sflag:$0x2] =	stream.indirect.gather [hbm4b:s5+s23], $0x80, s8, s23, $0xb8;
	[tilespmem:$0x1E100] =	vst v63  }
0x46: {  	s9 =	rddreg [dreg:$0x9]  }
0x47: {  	[tilespmem:s1], [sflag:$0x6] =	stream.linear.gather [hbm4b:s9+s4], $0x80, $0x38;
	[tilespmem:$0x1E100] =	vst v63  }
0x48: {  	s10 =	simm.s32 $0x140  }
0x49: {  	[tilespmem:s2], [sflag:$0x3] =	stream.indirect.gather [hbm4b:s5+s23], $0x80, s10, s23, $0xb8;
	[tilespmem:$0x1E100] =	vst v63  }
0x4a: {  	_ =	swait.ge [sflag:s25], $0x2800  }
0x4b: {  	[sflag:s25] =	ssyncset.done $0x0  }
0x4c: {  	[sflag:s25] =	ssyncadd.s32 $0xFFFFD800  }
0x4d: {  	_ =	swait.ge [sflag:s26], $0x80  }
0x4e: {  	[sflag:s26] =	ssyncset.done $0x0  }
0x4f: {  	[sflag:s26] =	ssyncadd.s32 $0xFFFFFF80  }
0x50: {  	[spmem:s3] =	stream.indirect.scatter.add.f32 [tilespmem:s24], [sflag:$0x7], $0x80, s22, s23, $0xb8;
	[tilespmem:$0x1E100] =	vst v63  }
0x51: {  	_ =	swait.ge [sflag:s19], $0x2800  }
0x52: {  	[sflag:s19] =	ssyncset.done $0x0  }
0x53: {  	[sflag:s19] =	ssyncadd.s32 $0xFFFFD800  }
0x54: {  	[tilespmem:s22], [sflag:$0x4] =	stream.linear.gather [hbm4b:s17+s4], $0x80, $0x38;
	[tilespmem:$0x1E100] =	vst v63  }
0x55: {  	s11 =	simm.s32 $0x190  }
0x56: {  	[tilespmem:s24], [sflag:$0x1] =	stream.indirect.gather [hbm4b:s5+s23], $0x80, s11, s23, $0xb8;
	[tilespmem:$0x1E100] =	vst v63  }
0x57: {  	_ =	swait.ge [sflag:s20], $0x2800  }
0x58: {  	[sflag:s20] =	ssyncset.done $0x0  }
0x59: {  	[sflag:s20] =	ssyncadd.s32 $0xFFFFD800  }
0x5a: {  	_ =	swait.ge [sflag:s21], $0x80  }
0x5b: {  	[sflag:s21] =	ssyncset.done $0x0  }
0x5c: {  	[sflag:s21] =	ssyncadd.s32 $0xFFFFFF80  }
0x5d: {  	[spmem:s3] =	stream.indirect.scatter.add.f32 [tilespmem:s31], [sflag:$0x7], $0x80, s29, s23, $0xb8;
	[tilespmem:$0x1E100] =	vst v63  }
0x5e: {  	_ =	swait.ge [sflag:s19], $0x2800  }
0x5f: {  	[sflag:s19] =	ssyncset.done $0x0  }
0x60: {  	[sflag:s19] =	ssyncadd.s32 $0xFFFFD800  }
0x61: {  	[tilespmem:s29], [sflag:$0x5] =	stream.linear.gather [hbm4b:s16+s4], $0x80, $0x38;
	[tilespmem:$0x1E100] =	vst v63  }
0x62: {  	s12 =	simm.s32 $0x1E0  }
0x63: {  	[tilespmem:s31], [sflag:$0x2] =	stream.indirect.gather [hbm4b:s5+s23], $0x80, s12, s23, $0xb8;
	[tilespmem:$0x1E100] =	vst v63  }
0x64: {  	_ =	swait.ge [sflag:s28], $0x2800  }
0x65: {  	[sflag:s28] =	ssyncset.done $0x0  }
0x66: {  	[sflag:s28] =	ssyncadd.s32 $0xFFFFD800  }
0x67: {  	_ =	swait.ge [sflag:s30], $0x80  }
0x68: {  	[sflag:s30] =	ssyncset.done $0x0  }
0x69: {  	[sflag:s30] =	ssyncadd.s32 $0xFFFFFF80  }
0x6a: {  	[spmem:s3] =	stream.indirect.scatter.add.f32 [tilespmem:s2], [sflag:$0x7], $0x80, s1, s23, $0xb8;
	[tilespmem:$0x1E100] =	vst v63  }
0x6b: {  	s7 =	simm.s32 $0x3C0;
	_ =	swait.ge [sflag:s19], $0x2800  }
0x6c: {  	s8 =	sadd.s32 $0x30, s17;
	s9 =	sadd.s32 $0x30, s15;
	[sflag:s19] =	ssyncset.done $0x0  }
0x6d: {  	s10 =	sadd.s32 $0x30, s16;
	s11 =	simm.s32 $0x230;
	[sflag:s19] =	ssyncadd.s32 $0xFFFFD800  }
0x6e: {  	[tilespmem:s1], [sflag:$0x6] =	stream.linear.gather [hbm4b:s15+s4], $0x80, $0x38;
	[tilespmem:$0x1E100] =	vst v63  }
.LBB2_2:
0x6f: {  	[tilespmem:s2], [sflag:$0x3] =	stream.indirect.gather [hbm4b:s5+s23], $0x80, s11, s23, $0xb8;
	[tilespmem:$0x1E100] =	vst v63  }
0x70: {  	s11 =	smov.u32 s7  }
0x71: {  	p0 =	sne.s32 s7, $0x9240;
	s7 =	sadd.s32 $0x3C0, s7;
	_ =	swait.ge [sflag:s25], $0x2800  }
0x72: {  	[sflag:s25] =	ssyncset.done $0x0  }
0x73: {  	[sflag:s25] =	ssyncadd.s32 $0xFFFFD800  }
0x74: {  	_ =	swait.ge [sflag:s26], $0x80  }
0x75: {  	[sflag:s26] =	ssyncset.done $0x0  }
0x76: {  	[sflag:s26] =	ssyncadd.s32 $0xFFFFFF80  }
0x77: {  	[spmem:s3] =	stream.indirect.scatter.add.f32 [tilespmem:s24], [sflag:$0x7], $0x80, s22, s23, $0xb8;
	[tilespmem:$0x1E100] =	vst v63  }
0x78: {  	_ =	swait.ge [sflag:s19], $0x2800  }
0x79: {  	[sflag:s19] =	ssyncset.done $0x0  }
0x7a: {  	s11 =	sshra.s32 s11, $0x2;
	[sflag:s19] =	ssyncadd.s32 $0xFFFFD800  }
0x7b: {  	[tilespmem:s22], [sflag:$0x4] =	stream.linear.gather [hbm4b:s8+s4], $0x80, $0x38;
	[tilespmem:$0x1E100] =	vst v63  }
0x7c: {  	s12 =	sadd.s32 $0x190, s11  }
0x7d: {  	[tilespmem:s24], [sflag:$0x1] =	stream.indirect.gather [hbm4b:s5+s23], $0x80, s12, s23, $0xb8;
	[tilespmem:$0x1E100] =	vst v63  }
0x7e: {  	_ =	swait.ge [sflag:s20], $0x2800  }
0x7f: {  	[sflag:s20] =	ssyncset.done $0x0  }
0x80: {  	[sflag:s20] =	ssyncadd.s32 $0xFFFFD800  }
0x81: {  	_ =	swait.ge [sflag:s21], $0x80  }
0x82: {  	[sflag:s21] =	ssyncset.done $0x0  }
0x83: {  	[sflag:s21] =	ssyncadd.s32 $0xFFFFFF80  }
0x84: {  	[spmem:s3] =	stream.indirect.scatter.add.f32 [tilespmem:s31], [sflag:$0x7], $0x80, s29, s23, $0xb8;
	[tilespmem:$0x1E100] =	vst v63  }
0x85: {  	_ =	swait.ge [sflag:s19], $0x2800  }
0x86: {  	[sflag:s19] =	ssyncset.done $0x0  }
0x87: {  	[sflag:s19] =	ssyncadd.s32 $0xFFFFD800  }
0x88: {  	[tilespmem:s29], [sflag:$0x5] =	stream.linear.gather [hbm4b:s10+s4], $0x80, $0x38;
	[tilespmem:$0x1E100] =	vst v63  }
0x89: {  	s12 =	sadd.s32 $0x1E0, s11  }
0x8a: {  	[tilespmem:s31], [sflag:$0x2] =	stream.indirect.gather [hbm4b:s5+s23], $0x80, s12, s23, $0xb8;
	[tilespmem:$0x1E100] =	vst v63  }
0x8b: {  	_ =	swait.ge [sflag:s28], $0x2800  }
0x8c: {  	[sflag:s28] =	ssyncset.done $0x0  }
0x8d: {  	[sflag:s28] =	ssyncadd.s32 $0xFFFFD800  }
0x8e: {  	_ =	swait.ge [sflag:s30], $0x80  }
0x8f: {  	[sflag:s30] =	ssyncset.done $0x0  }
0x90: {  	[sflag:s30] =	ssyncadd.s32 $0xFFFFFF80  }
0x91: {  	[spmem:s3] =	stream.indirect.scatter.add.f32 [tilespmem:s2], [sflag:$0x7], $0x80, s1, s23, $0xb8;
	[tilespmem:$0x1E100] =	vst v63  }
.Ltmp0:
0x92: {  	_ =	swait.ge [sflag:s19], $0x2800;
	(pc) =	sbr.rel @p0 .LBB2_2-.Ltmp0, $4  }
0x93: {  	[sflag:s19] =	ssyncset.done $0x0  }
0x94: {  	s8 =	sadd.s32 $0x30, s8;
	[sflag:s19] =	ssyncadd.s32 $0xFFFFD800  }
0x95: {  	[tilespmem:s1], [sflag:$0x6] =	stream.linear.gather [hbm4b:s9+s4], $0x80, $0x38;
	[tilespmem:$0x1E100] =	vst v63  }
0x96: {  	s11 =	sadd.s32 $0x230, s11;
	s10 =	sadd.s32 $0x30, s10;
	s9 =	sadd.s32 $0x30, s9  }
0x97: {  	[tilespmem:s2], [sflag:$0x3] =	stream.indirect.gather [hbm4b:s5+s23], $0x80, s11, s23, $0xb8;
	[tilespmem:$0x1E100] =	vst v63  }
0x98: {  	_ =	swait.ge [sflag:s25], $0x2800  }
0x99: {  	[sflag:s25] =	ssyncset.done $0x0  }
0x9a: {  	[sflag:s25] =	ssyncadd.s32 $0xFFFFD800  }
0x9b: {  	_ =	swait.ge [sflag:s26], $0x80  }
0x9c: {  	[sflag:s26] =	ssyncset.done $0x0  }
0x9d: {  	[sflag:s26] =	ssyncadd.s32 $0xFFFFFF80  }
0x9e: {  	[spmem:s3] =	stream.indirect.scatter.add.f32 [tilespmem:s24], [sflag:$0x7], $0x80, s22, s23, $0xb8;
	[tilespmem:$0x1E100] =	vst v63  }
0x9f: {  	_ =	swait.ge [sflag:s19], $0x2800  }
0xa0: {  	[sflag:s19] =	ssyncset.done $0x0  }
0xa1: {  	[sflag:s19] =	ssyncadd.s32 $0xFFFFD800  }
0xa2: {  	_ =	swait.ge [sflag:s20], $0x2800  }
0xa3: {  	[sflag:s20] =	ssyncset.done $0x0  }
0xa4: {  	[sflag:s20] =	ssyncadd.s32 $0xFFFFD800  }
0xa5: {  	_ =	swait.ge [sflag:s21], $0x80  }
0xa6: {  	[sflag:s21] =	ssyncset.done $0x0  }
0xa7: {  	[sflag:s21] =	ssyncadd.s32 $0xFFFFFF80  }
0xa8: {  	[spmem:s3] =	stream.indirect.scatter.add.f32 [tilespmem:s31], [sflag:$0x7], $0x80, s29, s23, $0xb8;
	[tilespmem:$0x1E100] =	vst v63  }
0xa9: {  	_ =	swait.ge [sflag:s19], $0x2800  }
0xaa: {  	[sflag:s19] =	ssyncset.done $0x0  }
0xab: {  	[sflag:s19] =	ssyncadd.s32 $0xFFFFD800  }
0xac: {  	_ =	swait.ge [sflag:s28], $0x2800  }
0xad: {  	[sflag:s28] =	ssyncset.done $0x0  }
0xae: {  	[sflag:s28] =	ssyncadd.s32 $0xFFFFD800  }
0xaf: {  	_ =	swait.ge [sflag:s30], $0x80  }
0xb0: {  	[sflag:s30] =	ssyncset.done $0x0  }
0xb1: {  	[sflag:s30] =	ssyncadd.s32 $0xFFFFFF80  }
0xb2: {  	[spmem:s3] =	stream.indirect.scatter.add.f32 [tilespmem:s2], [sflag:$0x7], $0x80, s1, s23, $0xb8;
	[tilespmem:$0x1E100] =	vst v63  }
0xb3: {  	_ =	swait.ge [sflag:s19], $0x2800  }
0xb4: {  	s0 =	sadd.s32 $0x1, s0;
	[sflag:s19] =	ssyncset.done $0x0  }
0xb5: {  	p0 =	sne.s32 s0, s14;
	[sflag:s19] =	ssyncadd.s32 $0xFFFFD800  }
.Ltmp1:
0xb6: {  	[bflag:$0x0] =	sbarrier.arrive $0xFFFF;
	(pc) =	sbr.rel @p0 .LBB2_1-.Ltmp1, $4  }
0xb7: {  	[hbm:s13], [sflag:s6] =	dma.local [spmem:s18], $0x2800  }
0xb8: {  	_ =	swait.ge [sflag:s19], $0x2800  }
0xb9: {  	[sflag:s19] =	ssyncset.done $0x0  }
0xba: {  	[sflag:s19] =	ssyncadd.s32 $0xFFFFD800  }
0xbb: {  	_ =	sfence.sel $0x180000  }
0xbc: {  	[bflag:$0x0] =	sbarrier.arrive $0xFFFF  }
0xbd: {  	_ =	strace $0x9000004D  }
0xbe: {  	s0 =	stileid.u32;
	[bflag:$0x2] =	sbarrier.arrive $0xFFFF  }
0xbf: {  	p0 =	sne.s32 s0, $0x0;
	s0 =	rddreg [dreg:$0x3]  }
0xc0: {  	s0 =	sadd.s32 @!p0 $0x100000, s0  }
0xc1: {  	[sflag:s0] =	ssyncadd.tile.s32 @!p0 $0x1;
	_ =	shalt  }
.Lfunc_end2:
_tile_overlayer_lowered:
.L_overlay_start_2:
0xc2: {  	(tag) =	ssettag $0x2  }
0xc3: {  	s0 =	rddreg [dreg:$0x0];
	s2 =	stileid.u32  }
0xc4: {  	s1 =	rddreg [dreg:$0x1];
	p0 =	sne.s32 s2, $0x0  }
0xc5: {  	s3 =	rddreg [dreg:$0x2];
	[bflag:$0x3] =	sbarrier.arrive $0xFFFF;
	s2 =	simm.s32 @!p0 $0x1C07  }
0xc6: {  	[timem:s3], [sflag:s2] =	dma.local @!p0 [hbm:s0], s1  }
0xc7: {  	s0 =	simm.s32 @!p0 $0x7  }
0xc8: {  	_ =	swait.ge @!p0 [sflag:s0], s1  }
0xc9: {  	s1 =	ssub.s32 @!p0 $0x0, s1;
	[sflag:s0] =	ssyncset.done @!p0 $0x0  }
0xca: {  	[sflag:s0] =	ssyncadd.s32 @!p0 s1  }
0xcb: {  	[bflag:$0x3] =	sbarrier.arrive $0xFFFF  }
0xcc: {  	_ =	shalt  }

// kernel: kernel.20.cloned.1.call-start
scs
__scs_entry_jumppad:
0x0: {  	(pc) =	sbr.rel $0x88, $3  }
0x1: {  	(tag) =	ssettag $0x0;
	lr =	simm.s32 $0x1  }
0x2: {  	[smem:$0x3F99] =	sst lr;
	_ =	strace $0xD0000000  }
0x3: {  	_ = 	snop  }
0x4: {  	_ = 	snop  }
0x5: {  	_ = 	snop  }
0x6: {  	_ = 	snop  }
0x7: {  	_ = 	snop  }
__scs_overlays_trampoline_lowered:
0x8: {  	[smem:$0x3FA8] =	sst s0  }
0x9: {  	[smem:$0x3FA9] =	sst s1  }
0xa: {  	[smem:$0x3FAA] =	sst s2  }
0xb: {  	[smem:$0x3FAB] =	sst s3  }
0xc: {  	[smem:$0x3FAC] =	sst s4  }
0xd: {  	[smem:$0x3FAD] =	sst s5  }
0xe: {  	[smem:$0x3FAE] =	sst s6  }
0xf: {  	[smem:$0x3FAF] =	sst s7  }
0x10: {  	[smem:$0x3FB0] =	sst s8  }
0x11: {  	[smem:$0x3FB1] =	sst s9;
	s0 =	simm.s32 @!p0 $0x0  }
0x12: {  	s1 =	sld [smem:$0x3F97];
	s0 =	simm.s32 @p0 $0x1  }
0x13: {  	[smem:$0x3FB2] =	sst s0;
	s0 =	simm.s32 @!p1 $0x0  }
0x14: {  	s2 =	sld [smem:$0x3F96];
	s0 =	simm.s32 @p1 $0x1  }
0x15: {  	[smem:$0x3FB3] =	sst s0;
	s0 =	simm.s32 @!p2 $0x0  }
0x16: {  	s3 =	sld [smem:$0x3FDB];
	s0 =	simm.s32 @p2 $0x1  }
0x17: {  	s4 =	simm.s32 $0x1BF5;
	[smem:$0x3FB5] =	sst s0  }
0x18: {  	s0 =	sld [smem:$0x3F98];
	_ =	swait.ge [sflag:s4], $0x0  }
0x19: {  	s7 =	sld [smem:$0x3F99]  }
0x1a: {  	s8 =	sadd.s32 $0xFFFFE003, lr  }
0x1b: {  	s9 =	sadd.s32 $0xFFFFFEF7, lr;
	s5 =	simm.s32 $0xFFFFFFFF;
	p2 =	slt.u32 s8, $0xFFFFF086  }
0x1c: {  	p1 =	slt.u32 s9, $0xF7A;
	s5 =	simm.s32 @!p2 $0x0  }
0x1d: {  	s5 =	simm.s32 @p1 $0x1;
	p0 =	seq.s32 s7, s2  }
0x1e: {  	s7 =	smul.u32 @!p0 $0xF7A, s2;
	p2 =	seq.s32 @!p0 s5, $0x0  }
0x1f: {  	s9 =	smul.u32 $0xF7A, s1;
	s8 =	simm.s32 @!p0 $0x1BF5;
	p2 =	por !p2, p0  }
0x20: {  	[sflag:s8] =	ssyncset.s32 @!p0 $0xFFFFF086;
	s6 =	sadd.s32 @!p0 s3, s7;
	s7 =	simm.s32 @!p0 $0x108  }
0x21: {  	s3 =	sadd.s32 s3, s9;
	s6 =	sadd.s32 @!p0 $0x88, s6;
	s7 =	simm.s32 @p2 $0x1082  }
0x22: {  	[simem:s7], [sflag:s8] =	dma.local @!p0 [hbm:s6], $0xF7A  }
0x23: {  	s9 =	sor.u32 $0xD0000000, s2;
	s6 =	simm.s32 $0x108;
	_ =	swait.ge @!p0 [sflag:s8], $0x0  }
0x24: {  	s3 =	sadd.s32 $0x88, s3;
	s6 =	simm.s32 @!p1 $0x1082;
	[sflag:s4] =	ssyncset.s32 $0xFFFFF086  }
0x25: {  	[simem:s6], [sflag:s4] =	dma.local [hbm:s3], $0xF7A  }
0x26: {  	[smem:$0x3F99] =	sst s1;
	(tag) =	ssettag s2;
	_ =	strace s9  }
0x27: {  	s1 =	sld [smem:$0x3FA9]  }
0x28: {  	s2 =	sld [smem:$0x3FAA]  }
0x29: {  	s4 =	sld [smem:$0x3FAC]  }
0x2a: {  	p0 =	seq.s32 s5, $0x0;
	s5 =	sld [smem:$0x3FAD]  }
0x2b: {  	s6 =	sld [smem:$0x3FAE]  }
0x2c: {  	s7 =	sld [smem:$0x3FAF]  }
0x2d: {  	s3 =	simm.s32 $0x108;
	s8 =	sld [smem:$0x3FB0]  }
0x2e: {  	s3 =	simm.s32 @!p0 $0x1082;
	s9 =	sld [smem:$0x3FB1]  }
0x2f: {  	lr =	sadd.s32 s0, s3;
	s0 =	sld [smem:$0x3FA8]  }
0x30: {  	s3 =	sld [smem:$0x3FAB]  }
0x31: {  	[smem:$0x3FB4] =	sst s10  }
0x32: {  	s10 =	sld [smem:$0x3FB2];
	_ =	sdelay $0x3  }
0x33: {  	p0 =	seq.s32 s10, $0x1;
	s10 =	sld [smem:$0x3FB4];
	_ =	sdelay $0x3  }
0x34: {  	[smem:$0x3FB4] =	sst s10  }
0x35: {  	s10 =	sld [smem:$0x3FB3];
	_ =	sdelay $0x3  }
0x36: {  	p1 =	seq.s32 s10, $0x1;
	s10 =	sld [smem:$0x3FB4];
	_ =	sdelay $0x3  }
0x37: {  	[smem:$0x3FB4] =	sst s10  }
0x38: {  	s10 =	sld [smem:$0x3FB5]  }
0x39: {  	_ = 	snop;
	(pc) =	sbr.ind lr, $3  }
0x3a: {  	_ = 	snop  }
0x3b: {  	_ = 	snop  }
0x3c: {  	p2 =	seq.s32 s10, $0x1;
	s10 =	sld [smem:$0x3FB4]  }
0x3d: {  	_ =	shalt  }
0x3e: {  	_ =	shalt  }
0x3f: {  	_ =	shalt  }
0x40: {  	_ =	shalt  }
0x41: {  	_ =	shalt  }
0x42: {  	_ =	shalt  }
0x43: {  	_ =	shalt  }
0x44: {  	_ =	shalt  }
0x45: {  	_ =	shalt  }
0x46: {  	_ =	shalt  }
0x47: {  	_ =	shalt  }
0x48: {  	_ =	shalt  }
0x49: {  	_ =	shalt  }
0x4a: {  	_ =	shalt  }
0x4b: {  	_ =	shalt  }
0x4c: {  	_ =	shalt  }
0x4d: {  	_ =	shalt  }
0x4e: {  	_ =	shalt  }
0x4f: {  	_ =	shalt  }
0x50: {  	_ =	shalt  }
0x51: {  	_ =	shalt  }
0x52: {  	_ =	shalt  }
0x53: {  	_ =	shalt  }
0x54: {  	_ =	shalt  }
0x55: {  	_ =	shalt  }
0x56: {  	_ =	shalt  }
0x57: {  	_ =	shalt  }
0x58: {  	_ =	shalt  }
0x59: {  	_ =	shalt  }
0x5a: {  	_ =	shalt  }
0x5b: {  	_ =	shalt  }
0x5c: {  	_ =	shalt  }
0x5d: {  	_ =	shalt  }
0x5e: {  	_ =	shalt  }
0x5f: {  	_ =	shalt  }
0x60: {  	_ =	shalt  }
0x61: {  	_ =	shalt  }
0x62: {  	_ =	shalt  }
0x63: {  	_ =	shalt  }
0x64: {  	_ =	shalt  }
0x65: {  	_ =	shalt  }
0x66: {  	_ =	shalt  }
0x67: {  	_ =	shalt  }
0x68: {  	_ =	shalt  }
0x69: {  	_ =	shalt  }
0x6a: {  	_ =	shalt  }
0x6b: {  	_ =	shalt  }
0x6c: {  	_ =	shalt  }
0x6d: {  	_ =	shalt  }
0x6e: {  	_ =	shalt  }
0x6f: {  	_ =	shalt  }
0x70: {  	_ =	shalt  }
0x71: {  	_ =	shalt  }
0x72: {  	_ =	shalt  }
0x73: {  	_ =	shalt  }
0x74: {  	_ =	shalt  }
0x75: {  	_ =	shalt  }
0x76: {  	_ =	shalt  }
0x77: {  	_ =	shalt  }
0x78: {  	_ =	shalt  }
0x79: {  	_ =	shalt  }
0x7a: {  	_ =	shalt  }
0x7b: {  	_ =	shalt  }
0x7c: {  	_ =	shalt  }
0x7d: {  	_ =	shalt  }
0x7e: {  	_ =	shalt  }
0x7f: {  	_ =	shalt  }
0x80: {  	_ =	shalt  }
0x81: {  	_ =	shalt  }
0x82: {  	_ =	shalt  }
0x83: {  	_ =	shalt  }
0x84: {  	_ =	shalt  }
0x85: {  	_ =	shalt  }
0x86: {  	_ =	shalt  }
0x87: {  	_ =	shalt  }
.Lfunc_end0:
.L_simem_size_0:
called_computation.3_lowered:
.L_overlay_start_0:
0x88: {  	s2 =	sld [smem:$0x3FD9]  }
0x89: {  	s3 =	sld [smem:$0x3FFE];
	_ =	sdelay $0x1  }
0x8a: {  	s1 =	srdreg.scid  }
0x8b: {  	s0 =	sand.u32 $0x1, s1  }
0x8c: {  	s17 =	sshll.u32 s0, $0xA;
	s2 =	sadd.s32 s3, s2  }
0x8d: {  	s2 =	sadd.s32 s2, s17  }
0x8e: {  	[smem:$0x3FC0] =	sst s2  }
0x8f: {  	_ = 	snop  }
0x90: {  	s2 =	sld [smem:$0x3FD0];
	(tm) =	ssettm $0x1  }
0x91: {  	s18 =	sld [smem:$0x3FFB];
	_ =	sdelay $0x3  }
0x92: {  	_ =	strace s18  }
0x93: {  	s3 =	sld [smem:$0x3FFC];
	_ =	sdelay $0x3  }
0x94: {  	_ =	strace s3  }
0x95: {  	s3 =	sld [smem:$0x3FFD];
	_ =	sdelay $0x3  }
0x96: {  	_ =	strace s3  }
0x97: {  	_ =	strace $0x8FFFFFFF  }
0x98: {  	s19 =	sld [smem:$0x3FDB];
	_ =	sdelay $0x1  }
0x99: {  	s4 =	simm.s32 $_scs_section_size  }
0x9a: {  	s5 =	simm.s32 $_size__tile_overlayer_lowered;
	s6 =	simm.s32 $_tile_overlayer_lowered  }
0x9b: {  	s22 =	simm.s32 $0x1BFF;
	s21 =	sshll.u32 s6, $0x1;
	s3 =	sadd.s32 s4, s19  }
0x9c: {  	s7 =	simm.s32 $0x0;
	s20 =	sshll.u32 s5, $0x1;
	s5 =	sadd.s32 s21, s3  }
0x9d: {  	[timem:s7], [sflag:s22] =	dma.local [hbm:s5], s20  }
0x9e: {  	_ =	swait.ge [sflag:s22], s20  }
0x9f: {  	s4 =	ssub.s32 $0x0, s20;
	[sflag:s22] =	ssyncset.done $0x0  }
0xa0: {  	[sflag:s22] =	ssyncadd.s32 s4;
	_ =	sdelay $0x1  }
0xa1: {  	s23 =	simm.s32 $0x1B8B  }
0xa2: {  	_ =	swait.ge [sflag:s23], $0x1  }
0xa3: {  	[sflag:s23] =	ssyncset.done $0x0  }
0xa4: {  	s25 =	simm.s32 $0x1B8E;
	s24 =	sld [smem:$0x3FFE];
	[sflag:s23] =	ssyncadd.s32 $0xFFFFFFFF  }
0xa5: {  	s26 =	simm.s32 $execute0_lowered;
	[smem:$0x3FD2] =	sst s25  }
0xa6: {  	s5 =	sshll.u32 s26, $0x1;
	_ =	strace $0x8000004F;
	[dreg:$0x1] =	wrdreg $0xFFFFFFFF  }
0xa7: {  	s28 =	simm.s32 $_size_execute0_lowered;
	s3 =	sadd.s32 s3, s5;
	[dreg:$0x0] =	wrdreg $0x0  }
0xa8: {  	s5 =	sshll.u32 s28, $0x1;
	[dreg:$0x2] =	wrdreg s3  }
0xa9: {  	[dreg:$0x3] =	wrdreg s5  }
0xaa: {  	[dreg:$0x4] =	wrdreg $0xC0  }
0xab: {  	_ =	task [dreg:s7], $0x5FFFF  }
0xac: {  	[dreg:$0x1] =	wrdreg $0xFFFFFFFF  }
0xad: {  	[dreg:$0x0] =	wrdreg $0x60  }
0xae: {  	[dreg:$0x2] =	wrdreg s24  }
0xaf: {  	[dreg:$0x3] =	wrdreg s2  }
0xb0: {  	[dreg:$0x4] =	wrdreg $0xA1000  }
0xb1: {  	[dreg:$0x5] =	wrdreg $0x9  }
0xb2: {  	_ =	task.clear_ibuf [dreg:s7], $0x6FFFF;
	_ =	strace $0x9000004F  }
0xb3: {  	s29 =	simm.s32 $0x9;
	_ =	strace $0x80000051  }
0xb4: {  	_ =	swait.ge [sflag:s29], $0x1  }
0xb5: {  	[sflag:s29] =	ssyncadd.s32 $0xFFFFFFFF  }
0xb6: {  	_ =	strace $0x90000051  }
0xb7: {  	_ =	sfence  }
0xb8: {  	s30 =	sld [smem:$0x0];
	_ =	sdelay $0x2  }
0xb9: {  	s31 =	sshll.u32 s1, $0xD;
	s1 =	sshrl.u32 s1, $0x2  }
0xba: {  	s3 =	sand.u32 $0x4000, s31;
	s1 =	sadd.s32 s1, s30  }
0xbb: {  	s0 =	sor.u32 s3, s0;
	s1 =	sshll.u32 s1, $0x11  }
0xbc: {  	s0 =	sor.u32 s1, s0  }
0xbd: {  	s0 =	sadd.s32 $0x8F2B, s0  }
0xbe: {  	[sflag:s0] =	ssyncadd.remote.s32 $0x1  }
0xbf: {  	_ =	sfence.sel $0xFFFF  }
0xc0: {  	[dreg:$0x0] =	wrdreg $0xFFFFFFFF;
	(pc) =	sbr.abs _section_cstart, $3  }
0xc1: {  	[dreg:$0x1] =	wrdreg $0xFFFFFFFF  }
0xc2: {  	_ =	task.clear_ibuf [dreg:s7], $0x2FFFF;
	_ =	strace $0x9FFFFFFF  }
0xc3: {  	(tm) =	ssettm $0x7FFFFFFF  }
tec
execute0_lowered:
.L_overlay_start_1:
0x0: {  	(tag) =	ssettag $0x1  }
0x1: {  	s0 =	rddreg [dreg:$0x0];
	s1 =	srdreg.scid  }
0x2: {  	s12 =	stileid.u32;
	s3 =	rddreg [dreg:$0x2];
	s29 =	simm.s32 $0xA000  }
0x3: {  	s31 =	simm.s32 $0x4F80;
	s28 =	simm.s32 $0x3;
	s8 =	smul.u32 $0x14000, s12  }
0x4: {  	s30 =	simm.s32 $0x6;
	s2 =	sshll.u32 s12, $0x1;
	s18 =	smul.u32 $0x50000, s12  }
0x5: {  	s4 =	sshrl.u32 s12, $0x2;
	s21 =	sshll.u32 s12, $0x6;
	s12 =	smul.u32 $0xFA, s12  }
0x6: {  	s1 =	sand.u32 $0x1, s1;
	s10 =	sadd.s32 $0x14200, s0;
	s5 =	smul.u32 $0x13C00, s4  }
0x7: {  	s2 =	sor.u32 s1, s2;
	s4 =	simm.s32 $0x0;
	s7 =	smul.u32 $0x140000, s1  }
0x8: {  	s17 =	ssub.s32 $0x2, s1;
	s1 =	smul.u32 $0x7D, s1;
	s6 =	sshll.u32 s2, $0x7  }
0x9: {  	[smem:$0x7FF] =	sst s4;
	s19 =	sshrl.u32 s17, $0x1;
	s11 =	smul.u32 $0x7D0, s2  }
0xa: {  	s20 =	sshrl.u32 s18, $0x2;
	s2 =	smul.u32 $0x3E80, s2;
	s6 =	sand.u32 $0x380, s6  }
0xb: {  	_ =	strace $0x80000050;
	s16 =	sadd.s32 s8, s7;
	s7 =	ssub.s32 s17, s19  }
0xc: {  	s8 =	sadd.s32 s20, s3;
	s1 =	sadd.s32 s1, s12;
	s19 =	simm.s32 $0x7  }
0xd: {  	s20 =	simm.s32 $0x2;
	s6 =	sor.u32 s5, s6;
	s5 =	sadd.s32 $0x2DA00, s0  }
0xe: {  	s2 =	sshrl.u32 s2, $0x3;
	s22 =	sadd.s32 s10, s11;
	s1 =	sshll.u32 s1, $0x4  }
0xf: {  	s14 =	smax.u32 s7, $0x1;
	s18 =	sshrl.u32 s8, $0x3;
	s6 =	sshrl.u32 s6, $0x3  }
0x10: {  	[dreg:$0x5] =	wrdreg s22;
	s2 =	sadd.s32 s10, s2;
	s26 =	sadd.s32 s10, s1  }
0x11: {  	s22 =	simm.s32 $0x9F80;
	s1 =	simm.s32 $0xA080;
	s9 =	sadd.s32 s6, s0  }
0x12: {  	s6 =	sshrl.u32 s16, $0x3;
	s23 =	sadd.s32 $0x10, s2;
	s24 =	sadd.s32 $0x20, s2  }
0x13: {  	s25 =	sadd.s32 $0x30, s2;
	s2 =	sadd.s32 $0x40, s2;
	s15 =	sadd.s32 $0x70, s26  }
0x14: {  	s16 =	sadd.s32 $0x60, s26;
	s17 =	sadd.s32 $0x50, s26;
	[dreg:$0x6] =	wrdreg s23  }
0x15: {  	s26 =	simm.s32 $0x4;
	s0 =	sadd.s32 s6, s0;
	[dreg:$0x7] =	wrdreg s24  }
0x16: {  	s6 =	sor.u32 $0x1C07, s21;
	s9 =	sadd.s32 $0x23C00, s9;
	[dreg:$0x8] =	wrdreg s25  }
0x17: {  	[dreg:$0x9] =	wrdreg s2;
	s23 =	simm.s32 $0x50;
	s24 =	simm.s32 $0x2780  }
0x18: {  	s25 =	simm.s32 $0x1;
	s2 =	simm.s32 $0x7780;
	s21 =	simm.s32 $0x5  }
0x19: {  	[dreg:$0x4] =	wrdreg s9;
	s13 =	sadd.s32 $0x54C00, s0;
	s0 =	simm.s32 $0x0  }
.LBB2_1:
0x1a: {  	s7 =	rddreg [dreg:$0x1]  }
0x1b: {  	[spmem:s18], [sflag:s6] =	dma.local [hbm:s7], $0x2800  }
0x1c: {  	_ =	swait.ge [sflag:s19], $0x2800  }
0x1d: {  	s8 =	simm.s32 $0x80;
	[sflag:s19] =	ssyncset.done $0x0  }
0x1e: {  	s9 =	simm.s32 $0x400;
	s12 =	rddreg [dreg:$0x4];
	[sflag:s19] =	ssyncadd.s32 $0xFFFFD800  }
0x1f: {  	[tilespmem:s4], [sflag:$0x7] =	stream.strided.gather [hbm4b:s12+s8], $0x2780, s9, s8, $0x38;
	[tilespmem:$0x1E100] =	vst v63  }
0x20: {  	_ =	swait.ge [sflag:s19], $0x2780  }
0x21: {  	[sflag:s19] =	ssyncset.done $0x0  }
0x22: {  	[sflag:s19] =	ssyncadd.s32 $0xFFFFD880  }
0x23: {  	[bflag:$0x0] =	sbarrier.arrive $0xFFFF  }
0x24: {  	s8 =	rddreg [dreg:$0x5]  }
0x25: {  	[tilespmem:s22], [sflag:$0x4] =	stream.linear.gather [hbm4b:s8+s4], $0x80, $0x38;
	[tilespmem:$0x1E100] =	vst v63  }
0x26: {  	_ = 	snop  }
0x27: {  	[tilespmem:s24], [sflag:$0x1] =	stream.indirect.gather [hbm4b:s5+s23], $0x80, s4, s23, $0xb8;
	[tilespmem:$0x1E100] =	vst v63  }
0x28: {  	_ =	swait.ge [sflag:s25], $0x2800  }
0x29: {  	[sflag:s25] =	ssyncset.done $0x0  }
0x2a: {  	[sflag:s25] =	ssyncadd.s32 $0xFFFFD800  }
0x2b: {  	_ =	swait.ge [sflag:s26], $0x80  }
0x2c: {  	[sflag:s26] =	ssyncset.done $0x0  }
0x2d: {  	[sflag:s26] =	ssyncadd.s32 $0xFFFFFF80  }
0x2e: {  	[spmem:s3] =	stream.indirect.scatter.add.f32 [tilespmem:s24], [sflag:$0x7], $0x80, s22, s23, $0xb8;
	[tilespmem:$0x1E100] =	vst v63  }
0x2f: {  	_ =	swait.ge [sflag:s19], $0x2800  }
0x30: {  	[sflag:s19] =	ssyncset.done $0x0  }
0x31: {  	s9 =	rddreg [dreg:$0x6];
	[sflag:s19] =	ssyncadd.s32 $0xFFFFD800  }
0x32: {  	[tilespmem:s22], [sflag:$0x4] =	stream.linear.gather [hbm4b:s9+s4], $0x80, $0x38;
	[tilespmem:$0x1E100] =	vst v63  }
0x33: {  	_ = 	snop  }
0x34: {  	[tilespmem:s24], [sflag:$0x1] =	stream.indirect.gather [hbm4b:s5+s23], $0x80, s23, s23, $0xb8;
	[tilespmem:$0x1E100] =	vst v63  }
0x35: {  	_ =	swait.ge [sflag:s25], $0x2800  }
0x36: {  	[sflag:s25] =	ssyncset.done $0x0  }
0x37: {  	[sflag:s25] =	ssyncadd.s32 $0xFFFFD800  }
0x38: {  	_ =	swait.ge [sflag:s26], $0x80  }
0x39: {  	[sflag:s26] =	ssyncset.done $0x0  }
0x3a: {  	[sflag:s26] =	ssyncadd.s32 $0xFFFFFF80  }
0x3b: {  	[spmem:s3] =	stream.indirect.scatter.add.f32 [tilespmem:s24], [sflag:$0x7], $0x80, s22, s23, $0xb8;
	[tilespmem:$0x1E100] =	vst v63  }
0x3c: {  	_ =	swait.ge [sflag:s19], $0x2800  }
0x3d: {  	[sflag:s19] =	ssyncset.done $0x0  }
0x3e: {  	s10 =	rddreg [dreg:$0x7];
	[sflag:s19] =	ssyncadd.s32 $0xFFFFD800  }
0x3f: {  	[tilespmem:s22], [sflag:$0x4] =	stream.linear.gather [hbm4b:s10+s4], $0x80, $0x38;
	[tilespmem:$0x1E100] =	vst v63  }
0x40: {  	s11 =	simm.s32 $0xA0  }
0x41: {  	[tilespmem:s24], [sflag:$0x1] =	stream.indirect.gather [hbm4b:s5+s23], $0x80, s11, s23, $0xb8;
	[tilespmem:$0x1E100] =	vst v63  }
0x42: {  	s12 =	rddreg [dreg:$0x8]  }
0x43: {  	[tilespmem:s29], [sflag:$0x5] =	stream.linear.gather [hbm4b:s12+s4], $0x80, $0x38;
	[tilespmem:$0x1E100] =	vst v63  }
0x44: {  	s8 =	simm.s32 $0xF0  }
0x45: {  	[tilespmem:s31], [sflag:$0x2] =	stream.indirect.gather [hbm4b:s5+s23], $0x80, s8, s23, $0xb8;
	[tilespmem:$0x1E100] =	vst v63  }
0x46: {  	s9 =	rddreg [dreg:$0x9]  }
0x47: {  	[tilespmem:s1], [sflag:$0x6] =	stream.linear.gather [hbm4b:s9+s4], $0x80, $0x38;
	[tilespmem:$0x1E100] =	vst v63  }
0x48: {  	s10 =	simm.s32 $0x140  }
0x49: {  	[tilespmem:s2], [sflag:$0x3] =	stream.indirect.gather [hbm4b:s5+s23], $0x80, s10, s23, $0xb8;
	[tilespmem:$0x1E100] =	vst v63  }
0x4a: {  	_ =	swait.ge [sflag:s25], $0x2800  }
0x4b: {  	[sflag:s25] =	ssyncset.done $0x0  }
0x4c: {  	[sflag:s25] =	ssyncadd.s32 $0xFFFFD800  }
0x4d: {  	_ =	swait.ge [sflag:s26], $0x80  }
0x4e: {  	[sflag:s26] =	ssyncset.done $0x0  }
0x4f: {  	[sflag:s26] =	ssyncadd.s32 $0xFFFFFF80  }
0x50: {  	[spmem:s3] =	stream.indirect.scatter.add.f32 [tilespmem:s24], [sflag:$0x7], $0x80, s22, s23, $0xb8;
	[tilespmem:$0x1E100] =	vst v63  }
0x51: {  	_ =	swait.ge [sflag:s19], $0x2800  }
0x52: {  	[sflag:s19] =	ssyncset.done $0x0  }
0x53: {  	[sflag:s19] =	ssyncadd.s32 $0xFFFFD800  }
0x54: {  	[tilespmem:s22], [sflag:$0x4] =	stream.linear.gather [hbm4b:s17+s4], $0x80, $0x38;
	[tilespmem:$0x1E100] =	vst v63  }
0x55: {  	s11 =	simm.s32 $0x190  }
0x56: {  	[tilespmem:s24], [sflag:$0x1] =	stream.indirect.gather [hbm4b:s5+s23], $0x80, s11, s23, $0xb8;
	[tilespmem:$0x1E100] =	vst v63  }
0x57: {  	_ =	swait.ge [sflag:s20], $0x2800  }
0x58: {  	[sflag:s20] =	ssyncset.done $0x0  }
0x59: {  	[sflag:s20] =	ssyncadd.s32 $0xFFFFD800  }
0x5a: {  	_ =	swait.ge [sflag:s21], $0x80  }
0x5b: {  	[sflag:s21] =	ssyncset.done $0x0  }
0x5c: {  	[sflag:s21] =	ssyncadd.s32 $0xFFFFFF80  }
0x5d: {  	[spmem:s3] =	stream.indirect.scatter.add.f32 [tilespmem:s31], [sflag:$0x7], $0x80, s29, s23, $0xb8;
	[tilespmem:$0x1E100] =	vst v63  }
0x5e: {  	_ =	swait.ge [sflag:s19], $0x2800  }
0x5f: {  	[sflag:s19] =	ssyncset.done $0x0  }
0x60: {  	[sflag:s19] =	ssyncadd.s32 $0xFFFFD800  }
0x61: {  	[tilespmem:s29], [sflag:$0x5] =	stream.linear.gather [hbm4b:s16+s4], $0x80, $0x38;
	[tilespmem:$0x1E100] =	vst v63  }
0x62: {  	s12 =	simm.s32 $0x1E0  }
0x63: {  	[tilespmem:s31], [sflag:$0x2] =	stream.indirect.gather [hbm4b:s5+s23], $0x80, s12, s23, $0xb8;
	[tilespmem:$0x1E100] =	vst v63  }
0x64: {  	_ =	swait.ge [sflag:s28], $0x2800  }
0x65: {  	[sflag:s28] =	ssyncset.done $0x0  }
0x66: {  	[sflag:s28] =	ssyncadd.s32 $0xFFFFD800  }
0x67: {  	_ =	swait.ge [sflag:s30], $0x80  }
0x68: {  	[sflag:s30] =	ssyncset.done $0x0  }
0x69: {  	[sflag:s30] =	ssyncadd.s32 $0xFFFFFF80  }
0x6a: {  	[spmem:s3] =	stream.indirect.scatter.add.f32 [tilespmem:s2], [sflag:$0x7], $0x80, s1, s23, $0xb8;
	[tilespmem:$0x1E100] =	vst v63  }
0x6b: {  	s7 =	simm.s32 $0x3C0;
	_ =	swait.ge [sflag:s19], $0x2800  }
0x6c: {  	s8 =	sadd.s32 $0x30, s17;
	s9 =	sadd.s32 $0x30, s15;
	[sflag:s19] =	ssyncset.done $0x0  }
0x6d: {  	s10 =	sadd.s32 $0x30, s16;
	s11 =	simm.s32 $0x230;
	[sflag:s19] =	ssyncadd.s32 $0xFFFFD800  }
0x6e: {  	[tilespmem:s1], [sflag:$0x6] =	stream.linear.gather [hbm4b:s15+s4], $0x80, $0x38;
	[tilespmem:$0x1E100] =	vst v63  }
.LBB2_2:
0x6f: {  	[tilespmem:s2], [sflag:$0x3] =	stream.indirect.gather [hbm4b:s5+s23], $0x80, s11, s23, $0xb8;
	[tilespmem:$0x1E100] =	vst v63  }
0x70: {  	s11 =	smov.u32 s7  }
0x71: {  	p0 =	sne.s32 s7, $0x9240;
	s7 =	sadd.s32 $0x3C0, s7;
	_ =	swait.ge [sflag:s25], $0x2800  }
0x72: {  	[sflag:s25] =	ssyncset.done $0x0  }
0x73: {  	[sflag:s25] =	ssyncadd.s32 $0xFFFFD800  }
0x74: {  	_ =	swait.ge [sflag:s26], $0x80  }
0x75: {  	[sflag:s26] =	ssyncset.done $0x0  }
0x76: {  	[sflag:s26] =	ssyncadd.s32 $0xFFFFFF80  }
0x77: {  	[spmem:s3] =	stream.indirect.scatter.add.f32 [tilespmem:s24], [sflag:$0x7], $0x80, s22, s23, $0xb8;
	[tilespmem:$0x1E100] =	vst v63  }
0x78: {  	_ =	swait.ge [sflag:s19], $0x2800  }
0x79: {  	[sflag:s19] =	ssyncset.done $0x0  }
0x7a: {  	s11 =	sshra.s32 s11, $0x2;
	[sflag:s19] =	ssyncadd.s32 $0xFFFFD800  }
0x7b: {  	[tilespmem:s22], [sflag:$0x4] =	stream.linear.gather [hbm4b:s8+s4], $0x80, $0x38;
	[tilespmem:$0x1E100] =	vst v63  }
0x7c: {  	s12 =	sadd.s32 $0x190, s11  }
0x7d: {  	[tilespmem:s24], [sflag:$0x1] =	stream.indirect.gather [hbm4b:s5+s23], $0x80, s12, s23, $0xb8;
	[tilespmem:$0x1E100] =	vst v63  }
0x7e: {  	_ =	swait.ge [sflag:s20], $0x2800  }
0x7f: {  	[sflag:s20] =	ssyncset.done $0x0  }
0x80: {  	[sflag:s20] =	ssyncadd.s32 $0xFFFFD800  }
0x81: {  	_ =	swait.ge [sflag:s21], $0x80  }
0x82: {  	[sflag:s21] =	ssyncset.done $0x0  }
0x83: {  	[sflag:s21] =	ssyncadd.s32 $0xFFFFFF80  }
0x84: {  	[spmem:s3] =	stream.indirect.scatter.add.f32 [tilespmem:s31], [sflag:$0x7], $0x80, s29, s23, $0xb8;
	[tilespmem:$0x1E100] =	vst v63  }
0x85: {  	_ =	swait.ge [sflag:s19], $0x2800  }
0x86: {  	[sflag:s19] =	ssyncset.done $0x0  }
0x87: {  	[sflag:s19] =	ssyncadd.s32 $0xFFFFD800  }
0x88: {  	[tilespmem:s29], [sflag:$0x5] =	stream.linear.gather [hbm4b:s10+s4], $0x80, $0x38;
	[tilespmem:$0x1E100] =	vst v63  }
0x89: {  	s12 =	sadd.s32 $0x1E0, s11  }
0x8a: {  	[tilespmem:s31], [sflag:$0x2] =	stream.indirect.gather [hbm4b:s5+s23], $0x80, s12, s23, $0xb8;
	[tilespmem:$0x1E100] =	vst v63  }
0x8b: {  	_ =	swait.ge [sflag:s28], $0x2800  }
0x8c: {  	[sflag:s28] =	ssyncset.done $0x0  }
0x8d: {  	[sflag:s28] =	ssyncadd.s32 $0xFFFFD800  }
0x8e: {  	_ =	swait.ge [sflag:s30], $0x80  }
0x8f: {  	[sflag:s30] =	ssyncset.done $0x0  }
0x90: {  	[sflag:s30] =	ssyncadd.s32 $0xFFFFFF80  }
0x91: {  	[spmem:s3] =	stream.indirect.scatter.add.f32 [tilespmem:s2], [sflag:$0x7], $0x80, s1, s23, $0xb8;
	[tilespmem:$0x1E100] =	vst v63  }
.Ltmp0:
0x92: {  	_ =	swait.ge [sflag:s19], $0x2800;
	(pc) =	sbr.rel @p0 .LBB2_2-.Ltmp0, $4  }
0x93: {  	[sflag:s19] =	ssyncset.done $0x0  }
0x94: {  	s8 =	sadd.s32 $0x30, s8;
	[sflag:s19] =	ssyncadd.s32 $0xFFFFD800  }
0x95: {  	[tilespmem:s1], [sflag:$0x6] =	stream.linear.gather [hbm4b:s9+s4], $0x80, $0x38;
	[tilespmem:$0x1E100] =	vst v63  }
0x96: {  	s11 =	sadd.s32 $0x230, s11;
	s10 =	sadd.s32 $0x30, s10;
	s9 =	sadd.s32 $0x30, s9  }
0x97: {  	[tilespmem:s2], [sflag:$0x3] =	stream.indirect.gather [hbm4b:s5+s23], $0x80, s11, s23, $0xb8;
	[tilespmem:$0x1E100] =	vst v63  }
0x98: {  	_ =	swait.ge [sflag:s25], $0x2800  }
0x99: {  	[sflag:s25] =	ssyncset.done $0x0  }
0x9a: {  	[sflag:s25] =	ssyncadd.s32 $0xFFFFD800  }
0x9b: {  	_ =	swait.ge [sflag:s26], $0x80  }
0x9c: {  	[sflag:s26] =	ssyncset.done $0x0  }
0x9d: {  	[sflag:s26] =	ssyncadd.s32 $0xFFFFFF80  }
0x9e: {  	[spmem:s3] =	stream.indirect.scatter.add.f32 [tilespmem:s24], [sflag:$0x7], $0x80, s22, s23, $0xb8;
	[tilespmem:$0x1E100] =	vst v63  }
0x9f: {  	_ =	swait.ge [sflag:s19], $0x2800  }
0xa0: {  	[sflag:s19] =	ssyncset.done $0x0  }
0xa1: {  	[sflag:s19] =	ssyncadd.s32 $0xFFFFD800  }
0xa2: {  	_ =	swait.ge [sflag:s20], $0x2800  }
0xa3: {  	[sflag:s20] =	ssyncset.done $0x0  }
0xa4: {  	[sflag:s20] =	ssyncadd.s32 $0xFFFFD800  }
0xa5: {  	_ =	swait.ge [sflag:s21], $0x80  }
0xa6: {  	[sflag:s21] =	ssyncset.done $0x0  }
0xa7: {  	[sflag:s21] =	ssyncadd.s32 $0xFFFFFF80  }
0xa8: {  	[spmem:s3] =	stream.indirect.scatter.add.f32 [tilespmem:s31], [sflag:$0x7], $0x80, s29, s23, $0xb8;
	[tilespmem:$0x1E100] =	vst v63  }
0xa9: {  	_ =	swait.ge [sflag:s19], $0x2800  }
0xaa: {  	[sflag:s19] =	ssyncset.done $0x0  }
0xab: {  	[sflag:s19] =	ssyncadd.s32 $0xFFFFD800  }
0xac: {  	_ =	swait.ge [sflag:s28], $0x2800  }
0xad: {  	[sflag:s28] =	ssyncset.done $0x0  }
0xae: {  	[sflag:s28] =	ssyncadd.s32 $0xFFFFD800  }
0xaf: {  	_ =	swait.ge [sflag:s30], $0x80  }
0xb0: {  	[sflag:s30] =	ssyncset.done $0x0  }
0xb1: {  	[sflag:s30] =	ssyncadd.s32 $0xFFFFFF80  }
0xb2: {  	[spmem:s3] =	stream.indirect.scatter.add.f32 [tilespmem:s2], [sflag:$0x7], $0x80, s1, s23, $0xb8;
	[tilespmem:$0x1E100] =	vst v63  }
0xb3: {  	_ =	swait.ge [sflag:s19], $0x2800  }
0xb4: {  	s0 =	sadd.s32 $0x1, s0;
	[sflag:s19] =	ssyncset.done $0x0  }
0xb5: {  	p0 =	sne.s32 s0, s14;
	[sflag:s19] =	ssyncadd.s32 $0xFFFFD800  }
.Ltmp1:
0xb6: {  	[bflag:$0x0] =	sbarrier.arrive $0xFFFF;
	(pc) =	sbr.rel @p0 .LBB2_1-.Ltmp1, $4  }
0xb7: {  	[hbm:s13], [sflag:s6] =	dma.local [spmem:s18], $0x2800  }
0xb8: {  	_ =	swait.ge [sflag:s19], $0x2800  }
0xb9: {  	[sflag:s19] =	ssyncset.done $0x0  }
0xba: {  	[sflag:s19] =	ssyncadd.s32 $0xFFFFD800  }
0xbb: {  	_ =	sfence.sel $0x180000  }
0xbc: {  	[bflag:$0x0] =	sbarrier.arrive $0xFFFF  }
0xbd: {  	_ =	strace $0x90000050  }
0xbe: {  	s0 =	stileid.u32;
	[bflag:$0x2] =	sbarrier.arrive $0xFFFF  }
0xbf: {  	p0 =	sne.s32 s0, $0x0;
	s0 =	rddreg [dreg:$0x3]  }
0xc0: {  	s0 =	sadd.s32 @!p0 $0x100000, s0  }
0xc1: {  	[sflag:s0] =	ssyncadd.tile.s32 @!p0 $0x1;
	_ =	shalt  }
.Lfunc_end2:
_tile_overlayer_lowered:
.L_overlay_start_2:
0xc2: {  	(tag) =	ssettag $0x2  }
0xc3: {  	s0 =	rddreg [dreg:$0x0];
	s2 =	stileid.u32  }
0xc4: {  	s1 =	rddreg [dreg:$0x1];
	p0 =	sne.s32 s2, $0x0  }
0xc5: {  	s3 =	rddreg [dreg:$0x2];
	[bflag:$0x3] =	sbarrier.arrive $0xFFFF;
	s2 =	simm.s32 @!p0 $0x1C07  }
0xc6: {  	[timem:s3], [sflag:s2] =	dma.local @!p0 [hbm:s0], s1  }
0xc7: {  	s0 =	simm.s32 @!p0 $0x7  }
0xc8: {  	_ =	swait.ge @!p0 [sflag:s0], s1  }
0xc9: {  	s1 =	ssub.s32 @!p0 $0x0, s1;
	[sflag:s0] =	ssyncset.done @!p0 $0x0  }
0xca: {  	[sflag:s0] =	ssyncadd.s32 @!p0 s1  }
0xcb: {  	[bflag:$0x3] =	sbarrier.arrive $0xFFFF  }
0xcc: {  	_ =	shalt  }

</sc_bundles>
